<compile_context>
chip_gen: v7x
topology: tpu7x:2x2x1
jax: 0.10.2.dev20260603
libtpu: 0.0.44.dev20260713+nightly
codegen_flags: <defaults>
</compile_context>

<pallas_src>
import functools

import jax
import jax.numpy as jnp
from jax import lax
from jax.experimental import pallas as pl
from jax.experimental.pallas import tpu as pltpu
from jax.experimental.pallas import tpu_sc as plsc

_NC = 2
_NS = 16
_NW = _NC * _NS

_G = 8
_NBUF = 4


def _embed_gather(table, idx2d):
    R, S = idx2d.shape
    V, D = table.shape
    assert R % _NW == 0
    r_per_w = R // _NW
    assert r_per_w % _G == 0
    n_grp = r_per_w // _G
    assert n_grp >= 2 * _NBUF and n_grp % _NBUF == 0
    mesh = plsc.VectorSubcoreMesh(core_axis_name="c", subcore_axis_name="s")

    @functools.partial(
        pl.kernel,
        mesh=mesh,
        out_type=jax.ShapeDtypeStruct((R, 56, 128), jnp.float32),
        scratch_types=[
            pltpu.VMEM((r_per_w, S), jnp.int32),
            pltpu.VMEM((_NBUF, _G, S, D), jnp.float32),
            pltpu.SemaphoreType.DMA((_NBUF,)),
            pltpu.SemaphoreType.DMA((_NBUF,)),
        ],
        compiler_params=pltpu.CompilerParams(use_tc_tiling_on_sc=False),
    )
    def k(table_hbm, idx_hbm, out_hbm, idx_v, rows_v, gsem, osem):
        wid = lax.axis_index("s") * _NC + lax.axis_index("c")
        base = wid * r_per_w
        pltpu.sync_copy(idx_hbm.at[pl.ds(base, r_per_w)], idx_v)

        def gather(grp, b):
            for t in range(_G):
                pltpu.async_copy(
                    table_hbm.at[idx_v.at[grp * _G + t]],
                    rows_v.at[b, t],
                    gsem.at[b],
                )

        def gather_wait(b):
            for t in range(_G):
                pltpu.make_async_copy(
                    table_hbm.at[idx_v.at[0]],
                    rows_v.at[b, t],
                    gsem.at[b],
                ).wait()

        def write(grp, b):
            pltpu.async_copy(
                rows_v.at[b],
                out_hbm.at[pl.ds(base + grp * _G, _G), pl.ds(0, S), pl.ds(0, D)],
                osem.at[b],
            )

        def write_wait(b):
            pltpu.make_async_copy(
                rows_v.at[b],
                out_hbm.at[pl.ds(base, _G), pl.ds(0, S), pl.ds(0, D)],
                osem.at[b],
            ).wait()

        for b in range(_NBUF):
            gather(b, b)

        def group(gi, carry):
            g = gi * _NBUF
            for b in range(_NBUF):
                gather_wait(b)
                write(g + b, b)
            for b in range(_NBUF):
                write_wait(b)
                gather(g + _NBUF + b, b)
            return carry

        lax.fori_loop(0, n_grp // _NBUF - 1, group, 0)

        g = n_grp - _NBUF
        for b in range(_NBUF):
            gather_wait(b)
            write(g + b, b)
        for b in range(_NBUF):
            write_wait(b)

    return k(table, idx2d)


def kernel(inputs, embedding):
    V, D = embedding.shape
    R, S = inputs.shape
    out = _embed_gather(embedding, inputs.astype(jnp.int32))
    return out[:, :S, :D]

# --- scband reference (transcript-rebuilt; emitter-appended) ---
"""Pipeline reference for scband-embed-8108898255530 (READ-ONLY COPY).

The authoritative reference and input builder live on the scoring server;
editing this copy changes nothing except your own understanding.
"""

import jax, jax.numpy as jnp
import numpy as np


def setup_inputs(seed: int = 0) -> dict:
    key = jax.random.key(seed)
    k_idx, k_emb = jax.random.split(key)
    inputs = jax.random.randint(k_idx, (4096, 50), 0, 100000, dtype=jnp.int64 if jax.config.jax_enable_x64 else jnp.int32)
    # xavier_uniform init for embedding table (vocab_size=100000, embed_dim=64)
    fan_in, fan_out = 100000, 64
    limit = float(np.sqrt(6.0 / (fan_in + fan_out)))
    embedding = jax.random.uniform(k_emb, (100000, 64), minval=-limit, maxval=limit, dtype=jnp.float32)
    return {"inputs": inputs, "embedding": embedding}


def reference(inputs, embedding):
    # Faithful translation of Embed.__call__: embedded = embedding[inputs]
    embedded = jnp.take(embedding, inputs, axis=0)
    return embedded

if __name__ == "__main__":
    import jax
    _d = setup_inputs()
    print(jax.jit(kernel)(*tuple(_d.values())))

</pallas_src>

<mosaic_0001>
#map = affine_map<(d0, d1) -> (0, 0)>
#map1 = affine_map<(d0, d1) -> (0, 0, 0)>
module attributes {stable_mosaic.version = 14 : i64} {
  func.func @k(%arg0: i32, %arg1: i32, %arg2: memref<100000x64xf32, #tpu.memory_space<hbm>>, %arg3: memref<4096x50xi32, #tpu.memory_space<hbm>>, %arg4: memref<4096x56x128xf32, #tpu.memory_space<hbm>>, %arg5: memref<128x50xi32, #tpu.memory_space<vmem>>, %arg6: memref<4x8x50x64xf32, #tpu.memory_space<vmem>>, %arg7: memref<4x!tpu.dma_semaphore, #tpu.memory_space<semaphore_mem>>, %arg8: memref<4x!tpu.dma_semaphore, #tpu.memory_space<semaphore_mem>>) attributes {dimension_semantics = [#tpu.dimension_semantics<core_parallel>, #tpu.dimension_semantics<subcore_parallel>], iteration_bounds = array<i64: 2, 16>, scalar_prefetch = 0 : i64, scratch_operands = 4 : i64, tpu.core_type = #tpu.core_type<sc_vector_subcore>, window_params = [{transform_indices = #map}, {transform_indices = #map}, {transform_indices = #map1}]} {
    %mul3A = arith.constant 2 : i32
    %mul3A_0 = arith.muli %arg1, %mul3A : i32
    %add3A = arith.addi %mul3A_0, %arg0 : i32
    %mul3A_1 = arith.constant 128 : i32
    %mul3A_2 = arith.muli %add3A, %mul3A_1 : i32
    "tpu.region"() ({
      %run_scoped3A = tpu.sem_alloc : memref<!tpu.dma_semaphore, #tpu.memory_space<semaphore_mem>>
      %dma_start3A_1198 = arith.constant 0 : i32
      %dma_start3A_1199 = tpu.memref_slice %arg3[%mul3A_2, %dma_start3A_1198] : memref<4096x50xi32, #tpu.memory_space<hbm>> -> memref<128x50xi32, #tpu.memory_space<hbm>>
      %dma_start3A_1200 = arith.constant 0 : i32
      %dma_start3A_1201 = tpu.memref_slice %arg3[%mul3A_2, %dma_start3A_1200] : memref<4096x50xi32, #tpu.memory_space<hbm>> -> memref<128x50xi32, #tpu.memory_space<hbm>>
      tpu.enqueue_dma source(%dma_start3A_1201 : memref<128x50xi32, #tpu.memory_space<hbm>>) target(%arg5 : memref<128x50xi32, #tpu.memory_space<vmem>>) target_semaphore(%run_scoped3A : memref<!tpu.dma_semaphore, #tpu.memory_space<semaphore_mem>>)
      %dma_wait3A_1202 = arith.constant 0 : i32
      %dma_wait3A_1203 = tpu.memref_slice %arg3[%mul3A_2, %dma_wait3A_1202] : memref<4096x50xi32, #tpu.memory_space<hbm>> -> memref<128x50xi32, #tpu.memory_space<hbm>>
      %dma_wait3A_1204 = arith.constant 0 : i32
      %dma_wait3A_1205 = tpu.memref_slice %arg3[%mul3A_2, %dma_wait3A_1204] : memref<4096x50xi32, #tpu.memory_space<hbm>> -> memref<128x50xi32, #tpu.memory_space<hbm>>
      tpu.wait_dma2 semaphore(%run_scoped3A : memref<!tpu.dma_semaphore, #tpu.memory_space<semaphore_mem>>) src(%dma_wait3A_1205 : memref<128x50xi32, #tpu.memory_space<hbm>>) dst(%arg5 : memref<128x50xi32, #tpu.memory_space<vmem>>)
      tpu.yield
    }) : () -> ()
    %dma_start3A = arith.constant 0 : i32
    %dma_start3A_3 = arith.constant 0 : i32
    %dma_start3A_4 = arith.constant 0 : i32
    %dma_start3A_5 = arith.constant 0 : i32
    %dma_start3A_6 = arith.constant 0 : i32
    %dma_start3A_7 = arith.constant 0 : i32
    %dma_start3A_8 = tpu.memref_slice %arg6[%dma_start3A_3, %dma_start3A_4, %dma_start3A_6, %dma_start3A_7] : memref<4x8x50x64xf32, #tpu.memory_space<vmem>> -> memref<1x1x50x64xf32, #tpu.memory_space<vmem>>
    %dma_start3A_9 = tpu.memref_squeeze %dma_start3A_8 : memref<1x1x50x64xf32, #tpu.memory_space<vmem>> -> memref<50x64xf32, #tpu.memory_space<vmem>>
    %dma_start3A_10 = arith.constant 0 : i32
    %dma_start3A_11 = tpu.memref_slice %arg5[%dma_start3A, %dma_start3A_10] : memref<128x50xi32, #tpu.memory_space<vmem>> -> memref<1x50xi32, #tpu.memory_space<vmem>>
    %dma_start3A_12 = tpu.memref_squeeze %dma_start3A_11 : memref<1x50xi32, #tpu.memory_space<vmem>> -> memref<50xi32, #tpu.memory_space<vmem>>
    %dma_start3A_13 = arith.constant 0 : i32
    %dma_start3A_14 = arith.constant 0 : i32
    %dma_start3A_15 = tpu.memref_slice %arg2[%dma_start3A_13, %dma_start3A_14] : memref<100000x64xf32, #tpu.memory_space<hbm>> -> memref<100000x64xf32, #tpu.memory_space<hbm>>
    %dma_start3A_16 = tpu.memref_slice %arg7[%dma_start3A_5] : memref<4x!tpu.dma_semaphore, #tpu.memory_space<semaphore_mem>> -> memref<1x!tpu.dma_semaphore, #tpu.memory_space<semaphore_mem>>
    %dma_start3A_17 = tpu.memref_squeeze %dma_start3A_16 : memref<1x!tpu.dma_semaphore, #tpu.memory_space<semaphore_mem>> -> memref<!tpu.dma_semaphore, #tpu.memory_space<semaphore_mem>>
    tpu.enqueue_indirect_dma source(%dma_start3A_15 : memref<100000x64xf32, #tpu.memory_space<hbm>>) target(%dma_start3A_9 : memref<50x64xf32, #tpu.memory_space<vmem>>) offsets(%dma_start3A_12 : memref<50xi32, #tpu.memory_space<vmem>>) semaphore(%dma_start3A_17 : memref<!tpu.dma_semaphore, #tpu.memory_space<semaphore_mem>>)
    %dma_start3A_18 = arith.constant 1 : i32
    %dma_start3A_19 = arith.constant 0 : i32
    %dma_start3A_20 = arith.constant 1 : i32
    %dma_start3A_21 = arith.constant 0 : i32
    %dma_start3A_22 = arith.constant 0 : i32
    %dma_start3A_23 = arith.constant 0 : i32
    %dma_start3A_24 = tpu.memref_slice %arg6[%dma_start3A_19, %dma_start3A_20, %dma_start3A_22, %dma_start3A_23] : memref<4x8x50x64xf32, #tpu.memory_space<vmem>> -> memref<1x1x50x64xf32, #tpu.memory_space<vmem>>
    %dma_start3A_25 = tpu.memref_squeeze %dma_start3A_24 : memref<1x1x50x64xf32, #tpu.memory_space<vmem>> -> memref<50x64xf32, #tpu.memory_space<vmem>>
    %dma_start3A_26 = arith.constant 0 : i32
    %dma_start3A_27 = tpu.memref_slice %arg5[%dma_start3A_18, %dma_start3A_26] : memref<128x50xi32, #tpu.memory_space<vmem>> -> memref<1x50xi32, #tpu.memory_space<vmem>>
    %dma_start3A_28 = tpu.memref_squeeze %dma_start3A_27 : memref<1x50xi32, #tpu.memory_space<vmem>> -> memref<50xi32, #tpu.memory_space<vmem>>
    %dma_start3A_29 = arith.constant 0 : i32
    %dma_start3A_30 = arith.constant 0 : i32
    %dma_start3A_31 = tpu.memref_slice %arg2[%dma_start3A_29, %dma_start3A_30] : memref<100000x64xf32, #tpu.memory_space<hbm>> -> memref<100000x64xf32, #tpu.memory_space<hbm>>
    %dma_start3A_32 = tpu.memref_slice %arg7[%dma_start3A_21] : memref<4x!tpu.dma_semaphore, #tpu.memory_space<semaphore_mem>> -> memref<1x!tpu.dma_semaphore, #tpu.memory_space<semaphore_mem>>
    %dma_start3A_33 = tpu.memref_squeeze %dma_start3A_32 : memref<1x!tpu.dma_semaphore, #tpu.memory_space<semaphore_mem>> -> memref<!tpu.dma_semaphore, #tpu.memory_space<semaphore_mem>>
    tpu.enqueue_indirect_dma source(%dma_start3A_31 : memref<100000x64xf32, #tpu.memory_space<hbm>>) target(%dma_start3A_25 : memref<50x64xf32, #tpu.memory_space<vmem>>) offsets(%dma_start3A_28 : memref<50xi32, #tpu.memory_space<vmem>>) semaphore(%dma_start3A_33 : memref<!tpu.dma_semaphore, #tpu.memory_space<semaphore_mem>>)
    %dma_start3A_34 = arith.constant 2 : i32
    %dma_start3A_35 = arith.constant 0 : i32
    %dma_start3A_36 = arith.constant 2 : i32
    %dma_start3A_37 = arith.constant 0 : i32
    %dma_start3A_38 = arith.constant 0 : i32
    %dma_start3A_39 = arith.constant 0 : i32
    %dma_start3A_40 = tpu.memref_slice %arg6[%dma_start3A_35, %dma_start3A_36, %dma_start3A_38, %dma_start3A_39] : memref<4x8x50x64xf32, #tpu.memory_space<vmem>> -> memref<1x1x50x64xf32, #tpu.memory_space<vmem>>
    %dma_start3A_41 = tpu.memref_squeeze %dma_start3A_40 : memref<1x1x50x64xf32, #tpu.memory_space<vmem>> -> memref<50x64xf32, #tpu.memory_space<vmem>>
    %dma_start3A_42 = arith.constant 0 : i32
    %dma_start3A_43 = tpu.memref_slice %arg5[%dma_start3A_34, %dma_start3A_42] : memref<128x50xi32, #tpu.memory_space<vmem>> -> memref<1x50xi32, #tpu.memory_space<vmem>>
    %dma_start3A_44 = tpu.memref_squeeze %dma_start3A_43 : memref<1x50xi32, #tpu.memory_space<vmem>> -> memref<50xi32, #tpu.memory_space<vmem>>
    %dma_start3A_45 = arith.constant 0 : i32
    %dma_start3A_46 = arith.constant 0 : i32
    %dma_start3A_47 = tpu.memref_slice %arg2[%dma_start3A_45, %dma_start3A_46] : memref<100000x64xf32, #tpu.memory_space<hbm>> -> memref<100000x64xf32, #tpu.memory_space<hbm>>
    %dma_start3A_48 = tpu.memref_slice %arg7[%dma_start3A_37] : memref<4x!tpu.dma_semaphore, #tpu.memory_space<semaphore_mem>> -> memref<1x!tpu.dma_semaphore, #tpu.memory_space<semaphore_mem>>
    %dma_start3A_49 = tpu.memref_squeeze %dma_start3A_48 : memref<1x!tpu.dma_semaphore, #tpu.memory_space<semaphore_mem>> -> memref<!tpu.dma_semaphore, #tpu.memory_space<semaphore_mem>>
    tpu.enqueue_indirect_dma source(%dma_start3A_47 : memref<100000x64xf32, #tpu.memory_space<hbm>>) target(%dma_start3A_41 : memref<50x64xf32, #tpu.memory_space<vmem>>) offsets(%dma_start3A_44 : memref<50xi32, #tpu.memory_space<vmem>>) semaphore(%dma_start3A_49 : memref<!tpu.dma_semaphore, #tpu.memory_space<semaphore_mem>>)
    %dma_start3A_50 = arith.constant 3 : i32
    %dma_start3A_51 = arith.constant 0 : i32
    %dma_start3A_52 = arith.constant 3 : i32
    %dma_start3A_53 = arith.constant 0 : i32
    %dma_start3A_54 = arith.constant 0 : i32
    %dma_start3A_55 = arith.constant 0 : i32
    %dma_start3A_56 = tpu.memref_slice %arg6[%dma_start3A_51, %dma_start3A_52, %dma_start3A_54, %dma_start3A_55] : memref<4x8x50x64xf32, #tpu.memory_space<vmem>> -> memref<1x1x50x64xf32, #tpu.memory_space<vmem>>
    %dma_start3A_57 = tpu.memref_squeeze %dma_start3A_56 : memref<1x1x50x64xf32, #tpu.memory_space<vmem>> -> memref<50x64xf32, #tpu.memory_space<vmem>>
    %dma_start3A_58 = arith.constant 0 : i32
    %dma_start3A_59 = tpu.memref_slice %arg5[%dma_start3A_50, %dma_start3A_58] : memref<128x50xi32, #tpu.memory_space<vmem>> -> memref<1x50xi32, #tpu.memory_space<vmem>>
    %dma_start3A_60 = tpu.memref_squeeze %dma_start3A_59 : memref<1x50xi32, #tpu.memory_space<vmem>> -> memref<50xi32, #tpu.memory_space<vmem>>
    %dma_start3A_61 = arith.constant 0 : i32
    %dma_start3A_62 = arith.constant 0 : i32
    %dma_start3A_63 = tpu.memref_slice %arg2[%dma_start3A_61, %dma_start3A_62] : memref<100000x64xf32, #tpu.memory_space<hbm>> -> memref<100000x64xf32, #tpu.memory_space<hbm>>
    %dma_start3A_64 = tpu.memref_slice %arg7[%dma_start3A_53] : memref<4x!tpu.dma_semaphore, #tpu.memory_space<semaphore_mem>> -> memref<1x!tpu.dma_semaphore, #tpu.memory_space<semaphore_mem>>
    %dma_start3A_65 = tpu.memref_squeeze %dma_start3A_64 : memref<1x!tpu.dma_semaphore, #tpu.memory_space<semaphore_mem>> -> memref<!tpu.dma_semaphore, #tpu.memory_space<semaphore_mem>>
    tpu.enqueue_indirect_dma source(%dma_start3A_63 : memref<100000x64xf32, #tpu.memory_space<hbm>>) target(%dma_start3A_57 : memref<50x64xf32, #tpu.memory_space<vmem>>) offsets(%dma_start3A_60 : memref<50xi32, #tpu.memory_space<vmem>>) semaphore(%dma_start3A_65 : memref<!tpu.dma_semaphore, #tpu.memory_space<semaphore_mem>>)
    %dma_start3A_66 = arith.constant 4 : i32
    %dma_start3A_67 = arith.constant 0 : i32
    %dma_start3A_68 = arith.constant 4 : i32
    %dma_start3A_69 = arith.constant 0 : i32
    %dma_start3A_70 = arith.constant 0 : i32
    %dma_start3A_71 = arith.constant 0 : i32
    %dma_start3A_72 = tpu.memref_slice %arg6[%dma_start3A_67, %dma_start3A_68, %dma_start3A_70, %dma_start3A_71] : memref<4x8x50x64xf32, #tpu.memory_space<vmem>> -> memref<1x1x50x64xf32, #tpu.memory_space<vmem>>
    %dma_start3A_73 = tpu.memref_squeeze %dma_start3A_72 : memref<1x1x50x64xf32, #tpu.memory_space<vmem>> -> memref<50x64xf32, #tpu.memory_space<vmem>>
    %dma_start3A_74 = arith.constant 0 : i32
    %dma_start3A_75 = tpu.memref_slice %arg5[%dma_start3A_66, %dma_start3A_74] : memref<128x50xi32, #tpu.memory_space<vmem>> -> memref<1x50xi32, #tpu.memory_space<vmem>>
    %dma_start3A_76 = tpu.memref_squeeze %dma_start3A_75 : memref<1x50xi32, #tpu.memory_space<vmem>> -> memref<50xi32, #tpu.memory_space<vmem>>
    %dma_start3A_77 = arith.constant 0 : i32
    %dma_start3A_78 = arith.constant 0 : i32
    %dma_start3A_79 = tpu.memref_slice %arg2[%dma_start3A_77, %dma_start3A_78] : memref<100000x64xf32, #tpu.memory_space<hbm>> -> memref<100000x64xf32, #tpu.memory_space<hbm>>
    %dma_start3A_80 = tpu.memref_slice %arg7[%dma_start3A_69] : memref<4x!tpu.dma_semaphore, #tpu.memory_space<semaphore_mem>> -> memref<1x!tpu.dma_semaphore, #tpu.memory_space<semaphore_mem>>
    %dma_start3A_81 = tpu.memref_squeeze %dma_start3A_80 : memref<1x!tpu.dma_semaphore, #tpu.memory_space<semaphore_mem>> -> memref<!tpu.dma_semaphore, #tpu.memory_space<semaphore_mem>>
    tpu.enqueue_indirect_dma source(%dma_start3A_79 : memref<100000x64xf32, #tpu.memory_space<hbm>>) target(%dma_start3A_73 : memref<50x64xf32, #tpu.memory_space<vmem>>) offsets(%dma_start3A_76 : memref<50xi32, #tpu.memory_space<vmem>>) semaphore(%dma_start3A_81 : memref<!tpu.dma_semaphore, #tpu.memory_space<semaphore_mem>>)
    %dma_start3A_82 = arith.constant 5 : i32
    %dma_start3A_83 = arith.constant 0 : i32
    %dma_start3A_84 = arith.constant 5 : i32
    %dma_start3A_85 = arith.constant 0 : i32
    %dma_start3A_86 = arith.constant 0 : i32
    %dma_start3A_87 = arith.constant 0 : i32
    %dma_start3A_88 = tpu.memref_slice %arg6[%dma_start3A_83, %dma_start3A_84, %dma_start3A_86, %dma_start3A_87] : memref<4x8x50x64xf32, #tpu.memory_space<vmem>> -> memref<1x1x50x64xf32, #tpu.memory_space<vmem>>
    %dma_start3A_89 = tpu.memref_squeeze %dma_start3A_88 : memref<1x1x50x64xf32, #tpu.memory_space<vmem>> -> memref<50x64xf32, #tpu.memory_space<vmem>>
    %dma_start3A_90 = arith.constant 0 : i32
    %dma_start3A_91 = tpu.memref_slice %arg5[%dma_start3A_82, %dma_start3A_90] : memref<128x50xi32, #tpu.memory_space<vmem>> -> memref<1x50xi32, #tpu.memory_space<vmem>>
    %dma_start3A_92 = tpu.memref_squeeze %dma_start3A_91 : memref<1x50xi32, #tpu.memory_space<vmem>> -> memref<50xi32, #tpu.memory_space<vmem>>
    %dma_start3A_93 = arith.constant 0 : i32
    %dma_start3A_94 = arith.constant 0 : i32
    %dma_start3A_95 = tpu.memref_slice %arg2[%dma_start3A_93, %dma_start3A_94] : memref<100000x64xf32, #tpu.memory_space<hbm>> -> memref<100000x64xf32, #tpu.memory_space<hbm>>
    %dma_start3A_96 = tpu.memref_slice %arg7[%dma_start3A_85] : memref<4x!tpu.dma_semaphore, #tpu.memory_space<semaphore_mem>> -> memref<1x!tpu.dma_semaphore, #tpu.memory_space<semaphore_mem>>
    %dma_start3A_97 = tpu.memref_squeeze %dma_start3A_96 : memref<1x!tpu.dma_semaphore, #tpu.memory_space<semaphore_mem>> -> memref<!tpu.dma_semaphore, #tpu.memory_space<semaphore_mem>>
    tpu.enqueue_indirect_dma source(%dma_start3A_95 : memref<100000x64xf32, #tpu.memory_space<hbm>>) target(%dma_start3A_89 : memref<50x64xf32, #tpu.memory_space<vmem>>) offsets(%dma_start3A_92 : memref<50xi32, #tpu.memory_space<vmem>>) semaphore(%dma_start3A_97 : memref<!tpu.dma_semaphore, #tpu.memory_space<semaphore_mem>>)
    %dma_start3A_98 = arith.constant 6 : i32
    %dma_start3A_99 = arith.constant 0 : i32
    %dma_start3A_100 = arith.constant 6 : i32
    %dma_start3A_101 = arith.constant 0 : i32
    %dma_start3A_102 = arith.constant 0 : i32
    %dma_start3A_103 = arith.constant 0 : i32
    %dma_start3A_104 = tpu.memref_slice %arg6[%dma_start3A_99, %dma_start3A_100, %dma_start3A_102, %dma_start3A_103] : memref<4x8x50x64xf32, #tpu.memory_space<vmem>> -> memref<1x1x50x64xf32, #tpu.memory_space<vmem>>
    %dma_start3A_105 = tpu.memref_squeeze %dma_start3A_104 : memref<1x1x50x64xf32, #tpu.memory_space<vmem>> -> memref<50x64xf32, #tpu.memory_space<vmem>>
    %dma_start3A_106 = arith.constant 0 : i32
    %dma_start3A_107 = tpu.memref_slice %arg5[%dma_start3A_98, %dma_start3A_106] : memref<128x50xi32, #tpu.memory_space<vmem>> -> memref<1x50xi32, #tpu.memory_space<vmem>>
    %dma_start3A_108 = tpu.memref_squeeze %dma_start3A_107 : memref<1x50xi32, #tpu.memory_space<vmem>> -> memref<50xi32, #tpu.memory_space<vmem>>
    %dma_start3A_109 = arith.constant 0 : i32
    %dma_start3A_110 = arith.constant 0 : i32
    %dma_start3A_111 = tpu.memref_slice %arg2[%dma_start3A_109, %dma_start3A_110] : memref<100000x64xf32, #tpu.memory_space<hbm>> -> memref<100000x64xf32, #tpu.memory_space<hbm>>
    %dma_start3A_112 = tpu.memref_slice %arg7[%dma_start3A_101] : memref<4x!tpu.dma_semaphore, #tpu.memory_space<semaphore_mem>> -> memref<1x!tpu.dma_semaphore, #tpu.memory_space<semaphore_mem>>
    %dma_start3A_113 = tpu.memref_squeeze %dma_start3A_112 : memref<1x!tpu.dma_semaphore, #tpu.memory_space<semaphore_mem>> -> memref<!tpu.dma_semaphore, #tpu.memory_space<semaphore_mem>>
    tpu.enqueue_indirect_dma source(%dma_start3A_111 : memref<100000x64xf32, #tpu.memory_space<hbm>>) target(%dma_start3A_105 : memref<50x64xf32, #tpu.memory_space<vmem>>) offsets(%dma_start3A_108 : memref<50xi32, #tpu.memory_space<vmem>>) semaphore(%dma_start3A_113 : memref<!tpu.dma_semaphore, #tpu.memory_space<semaphore_mem>>)
    %dma_start3A_114 = arith.constant 7 : i32
    %dma_start3A_115 = arith.constant 0 : i32
    %dma_start3A_116 = arith.constant 7 : i32
    %dma_start3A_117 = arith.constant 0 : i32
    %dma_start3A_118 = arith.constant 0 : i32
    %dma_start3A_119 = arith.constant 0 : i32
    %dma_start3A_120 = tpu.memref_slice %arg6[%dma_start3A_115, %dma_start3A_116, %dma_start3A_118, %dma_start3A_119] : memref<4x8x50x64xf32, #tpu.memory_space<vmem>> -> memref<1x1x50x64xf32, #tpu.memory_space<vmem>>
    %dma_start3A_121 = tpu.memref_squeeze %dma_start3A_120 : memref<1x1x50x64xf32, #tpu.memory_space<vmem>> -> memref<50x64xf32, #tpu.memory_space<vmem>>
    %dma_start3A_122 = arith.constant 0 : i32
    %dma_start3A_123 = tpu.memref_slice %arg5[%dma_start3A_114, %dma_start3A_122] : memref<128x50xi32, #tpu.memory_space<vmem>> -> memref<1x50xi32, #tpu.memory_space<vmem>>
    %dma_start3A_124 = tpu.memref_squeeze %dma_start3A_123 : memref<1x50xi32, #tpu.memory_space<vmem>> -> memref<50xi32, #tpu.memory_space<vmem>>
    %dma_start3A_125 = arith.constant 0 : i32
    %dma_start3A_126 = arith.constant 0 : i32
    %dma_start3A_127 = tpu.memref_slice %arg2[%dma_start3A_125, %dma_start3A_126] : memref<100000x64xf32, #tpu.memory_space<hbm>> -> memref<100000x64xf32, #tpu.memory_space<hbm>>
    %dma_start3A_128 = tpu.memref_slice %arg7[%dma_start3A_117] : memref<4x!tpu.dma_semaphore, #tpu.memory_space<semaphore_mem>> -> memref<1x!tpu.dma_semaphore, #tpu.memory_space<semaphore_mem>>
    %dma_start3A_129 = tpu.memref_squeeze %dma_start3A_128 : memref<1x!tpu.dma_semaphore, #tpu.memory_space<semaphore_mem>> -> memref<!tpu.dma_semaphore, #tpu.memory_space<semaphore_mem>>
    tpu.enqueue_indirect_dma source(%dma_start3A_127 : memref<100000x64xf32, #tpu.memory_space<hbm>>) target(%dma_start3A_121 : memref<50x64xf32, #tpu.memory_space<vmem>>) offsets(%dma_start3A_124 : memref<50xi32, #tpu.memory_space<vmem>>) semaphore(%dma_start3A_129 : memref<!tpu.dma_semaphore, #tpu.memory_space<semaphore_mem>>)
    %dma_start3A_130 = arith.constant 8 : i32
    %dma_start3A_131 = arith.constant 1 : i32
    %dma_start3A_132 = arith.constant 0 : i32
    %dma_start3A_133 = arith.constant 1 : i32
    %dma_start3A_134 = arith.constant 0 : i32
    %dma_start3A_135 = arith.constant 0 : i32
    %dma_start3A_136 = tpu.memref_slice %arg6[%dma_start3A_131, %dma_start3A_132, %dma_start3A_134, %dma_start3A_135] : memref<4x8x50x64xf32, #tpu.memory_space<vmem>> -> memref<1x1x50x64xf32, #tpu.memory_space<vmem>>
    %dma_start3A_137 = tpu.memref_squeeze %dma_start3A_136 : memref<1x1x50x64xf32, #tpu.memory_space<vmem>> -> memref<50x64xf32, #tpu.memory_space<vmem>>
    %dma_start3A_138 = arith.constant 0 : i32
    %dma_start3A_139 = tpu.memref_slice %arg5[%dma_start3A_130, %dma_start3A_138] : memref<128x50xi32, #tpu.memory_space<vmem>> -> memref<1x50xi32, #tpu.memory_space<vmem>>
    %dma_start3A_140 = tpu.memref_squeeze %dma_start3A_139 : memref<1x50xi32, #tpu.memory_space<vmem>> -> memref<50xi32, #tpu.memory_space<vmem>>
    %dma_start3A_141 = arith.constant 0 : i32
    %dma_start3A_142 = arith.constant 0 : i32
    %dma_start3A_143 = tpu.memref_slice %arg2[%dma_start3A_141, %dma_start3A_142] : memref<100000x64xf32, #tpu.memory_space<hbm>> -> memref<100000x64xf32, #tpu.memory_space<hbm>>
    %dma_start3A_144 = tpu.memref_slice %arg7[%dma_start3A_133] : memref<4x!tpu.dma_semaphore, #tpu.memory_space<semaphore_mem>> -> memref<1x!tpu.dma_semaphore, #tpu.memory_space<semaphore_mem>>
    %dma_start3A_145 = tpu.memref_squeeze %dma_start3A_144 : memref<1x!tpu.dma_semaphore, #tpu.memory_space<semaphore_mem>> -> memref<!tpu.dma_semaphore, #tpu.memory_space<semaphore_mem>>
    tpu.enqueue_indirect_dma source(%dma_start3A_143 : memref<100000x64xf32, #tpu.memory_space<hbm>>) target(%dma_start3A_137 : memref<50x64xf32, #tpu.memory_space<vmem>>) offsets(%dma_start3A_140 : memref<50xi32, #tpu.memory_space<vmem>>) semaphore(%dma_start3A_145 : memref<!tpu.dma_semaphore, #tpu.memory_space<semaphore_mem>>)
    %dma_start3A_146 = arith.constant 9 : i32
    %dma_start3A_147 = arith.constant 1 : i32
    %dma_start3A_148 = arith.constant 1 : i32
    %dma_start3A_149 = arith.constant 1 : i32
    %dma_start3A_150 = arith.constant 0 : i32
    %dma_start3A_151 = arith.constant 0 : i32
    %dma_start3A_152 = tpu.memref_slice %arg6[%dma_start3A_147, %dma_start3A_148, %dma_start3A_150, %dma_start3A_151] : memref<4x8x50x64xf32, #tpu.memory_space<vmem>> -> memref<1x1x50x64xf32, #tpu.memory_space<vmem>>
    %dma_start3A_153 = tpu.memref_squeeze %dma_start3A_152 : memref<1x1x50x64xf32, #tpu.memory_space<vmem>> -> memref<50x64xf32, #tpu.memory_space<vmem>>
    %dma_start3A_154 = arith.constant 0 : i32
    %dma_start3A_155 = tpu.memref_slice %arg5[%dma_start3A_146, %dma_start3A_154] : memref<128x50xi32, #tpu.memory_space<vmem>> -> memref<1x50xi32, #tpu.memory_space<vmem>>
    %dma_start3A_156 = tpu.memref_squeeze %dma_start3A_155 : memref<1x50xi32, #tpu.memory_space<vmem>> -> memref<50xi32, #tpu.memory_space<vmem>>
    %dma_start3A_157 = arith.constant 0 : i32
    %dma_start3A_158 = arith.constant 0 : i32
    %dma_start3A_159 = tpu.memref_slice %arg2[%dma_start3A_157, %dma_start3A_158] : memref<100000x64xf32, #tpu.memory_space<hbm>> -> memref<100000x64xf32, #tpu.memory_space<hbm>>
    %dma_start3A_160 = tpu.memref_slice %arg7[%dma_start3A_149] : memref<4x!tpu.dma_semaphore, #tpu.memory_space<semaphore_mem>> -> memref<1x!tpu.dma_semaphore, #tpu.memory_space<semaphore_mem>>
    %dma_start3A_161 = tpu.memref_squeeze %dma_start3A_160 : memref<1x!tpu.dma_semaphore, #tpu.memory_space<semaphore_mem>> -> memref<!tpu.dma_semaphore, #tpu.memory_space<semaphore_mem>>
    tpu.enqueue_indirect_dma source(%dma_start3A_159 : memref<100000x64xf32, #tpu.memory_space<hbm>>) target(%dma_start3A_153 : memref<50x64xf32, #tpu.memory_space<vmem>>) offsets(%dma_start3A_156 : memref<50xi32, #tpu.memory_space<vmem>>) semaphore(%dma_start3A_161 : memref<!tpu.dma_semaphore, #tpu.memory_space<semaphore_mem>>)
    %dma_start3A_162 = arith.constant 10 : i32
    %dma_start3A_163 = arith.constant 1 : i32
    %dma_start3A_164 = arith.constant 2 : i32
    %dma_start3A_165 = arith.constant 1 : i32
    %dma_start3A_166 = arith.constant 0 : i32
    %dma_start3A_167 = arith.constant 0 : i32
    %dma_start3A_168 = tpu.memref_slice %arg6[%dma_start3A_163, %dma_start3A_164, %dma_start3A_166, %dma_start3A_167] : memref<4x8x50x64xf32, #tpu.memory_space<vmem>> -> memref<1x1x50x64xf32, #tpu.memory_space<vmem>>
    %dma_start3A_169 = tpu.memref_squeeze %dma_start3A_168 : memref<1x1x50x64xf32, #tpu.memory_space<vmem>> -> memref<50x64xf32, #tpu.memory_space<vmem>>
    %dma_start3A_170 = arith.constant 0 : i32
    %dma_start3A_171 = tpu.memref_slice %arg5[%dma_start3A_162, %dma_start3A_170] : memref<128x50xi32, #tpu.memory_space<vmem>> -> memref<1x50xi32, #tpu.memory_space<vmem>>
    %dma_start3A_172 = tpu.memref_squeeze %dma_start3A_171 : memref<1x50xi32, #tpu.memory_space<vmem>> -> memref<50xi32, #tpu.memory_space<vmem>>
    %dma_start3A_173 = arith.constant 0 : i32
    %dma_start3A_174 = arith.constant 0 : i32
    %dma_start3A_175 = tpu.memref_slice %arg2[%dma_start3A_173, %dma_start3A_174] : memref<100000x64xf32, #tpu.memory_space<hbm>> -> memref<100000x64xf32, #tpu.memory_space<hbm>>
    %dma_start3A_176 = tpu.memref_slice %arg7[%dma_start3A_165] : memref<4x!tpu.dma_semaphore, #tpu.memory_space<semaphore_mem>> -> memref<1x!tpu.dma_semaphore, #tpu.memory_space<semaphore_mem>>
    %dma_start3A_177 = tpu.memref_squeeze %dma_start3A_176 : memref<1x!tpu.dma_semaphore, #tpu.memory_space<semaphore_mem>> -> memref<!tpu.dma_semaphore, #tpu.memory_space<semaphore_mem>>
    tpu.enqueue_indirect_dma source(%dma_start3A_175 : memref<100000x64xf32, #tpu.memory_space<hbm>>) target(%dma_start3A_169 : memref<50x64xf32, #tpu.memory_space<vmem>>) offsets(%dma_start3A_172 : memref<50xi32, #tpu.memory_space<vmem>>) semaphore(%dma_start3A_177 : memref<!tpu.dma_semaphore, #tpu.memory_space<semaphore_mem>>)
    %dma_start3A_178 = arith.constant 11 : i32
    %dma_start3A_179 = arith.constant 1 : i32
    %dma_start3A_180 = arith.constant 3 : i32
    %dma_start3A_181 = arith.constant 1 : i32
    %dma_start3A_182 = arith.constant 0 : i32
    %dma_start3A_183 = arith.constant 0 : i32
    %dma_start3A_184 = tpu.memref_slice %arg6[%dma_start3A_179, %dma_start3A_180, %dma_start3A_182, %dma_start3A_183] : memref<4x8x50x64xf32, #tpu.memory_space<vmem>> -> memref<1x1x50x64xf32, #tpu.memory_space<vmem>>
    %dma_start3A_185 = tpu.memref_squeeze %dma_start3A_184 : memref<1x1x50x64xf32, #tpu.memory_space<vmem>> -> memref<50x64xf32, #tpu.memory_space<vmem>>
    %dma_start3A_186 = arith.constant 0 : i32
    %dma_start3A_187 = tpu.memref_slice %arg5[%dma_start3A_178, %dma_start3A_186] : memref<128x50xi32, #tpu.memory_space<vmem>> -> memref<1x50xi32, #tpu.memory_space<vmem>>
    %dma_start3A_188 = tpu.memref_squeeze %dma_start3A_187 : memref<1x50xi32, #tpu.memory_space<vmem>> -> memref<50xi32, #tpu.memory_space<vmem>>
    %dma_start3A_189 = arith.constant 0 : i32
    %dma_start3A_190 = arith.constant 0 : i32
    %dma_start3A_191 = tpu.memref_slice %arg2[%dma_start3A_189, %dma_start3A_190] : memref<100000x64xf32, #tpu.memory_space<hbm>> -> memref<100000x64xf32, #tpu.memory_space<hbm>>
    %dma_start3A_192 = tpu.memref_slice %arg7[%dma_start3A_181] : memref<4x!tpu.dma_semaphore, #tpu.memory_space<semaphore_mem>> -> memref<1x!tpu.dma_semaphore, #tpu.memory_space<semaphore_mem>>
    %dma_start3A_193 = tpu.memref_squeeze %dma_start3A_192 : memref<1x!tpu.dma_semaphore, #tpu.memory_space<semaphore_mem>> -> memref<!tpu.dma_semaphore, #tpu.memory_space<semaphore_mem>>
    tpu.enqueue_indirect_dma source(%dma_start3A_191 : memref<100000x64xf32, #tpu.memory_space<hbm>>) target(%dma_start3A_185 : memref<50x64xf32, #tpu.memory_space<vmem>>) offsets(%dma_start3A_188 : memref<50xi32, #tpu.memory_space<vmem>>) semaphore(%dma_start3A_193 : memref<!tpu.dma_semaphore, #tpu.memory_space<semaphore_mem>>)
    %dma_start3A_194 = arith.constant 12 : i32
    %dma_start3A_195 = arith.constant 1 : i32
    %dma_start3A_196 = arith.constant 4 : i32
    %dma_start3A_197 = arith.constant 1 : i32
    %dma_start3A_198 = arith.constant 0 : i32
    %dma_start3A_199 = arith.constant 0 : i32
    %dma_start3A_200 = tpu.memref_slice %arg6[%dma_start3A_195, %dma_start3A_196, %dma_start3A_198, %dma_start3A_199] : memref<4x8x50x64xf32, #tpu.memory_space<vmem>> -> memref<1x1x50x64xf32, #tpu.memory_space<vmem>>
    %dma_start3A_201 = tpu.memref_squeeze %dma_start3A_200 : memref<1x1x50x64xf32, #tpu.memory_space<vmem>> -> memref<50x64xf32, #tpu.memory_space<vmem>>
    %dma_start3A_202 = arith.constant 0 : i32
    %dma_start3A_203 = tpu.memref_slice %arg5[%dma_start3A_194, %dma_start3A_202] : memref<128x50xi32, #tpu.memory_space<vmem>> -> memref<1x50xi32, #tpu.memory_space<vmem>>
    %dma_start3A_204 = tpu.memref_squeeze %dma_start3A_203 : memref<1x50xi32, #tpu.memory_space<vmem>> -> memref<50xi32, #tpu.memory_space<vmem>>
    %dma_start3A_205 = arith.constant 0 : i32
    %dma_start3A_206 = arith.constant 0 : i32
    %dma_start3A_207 = tpu.memref_slice %arg2[%dma_start3A_205, %dma_start3A_206] : memref<100000x64xf32, #tpu.memory_space<hbm>> -> memref<100000x64xf32, #tpu.memory_space<hbm>>
    %dma_start3A_208 = tpu.memref_slice %arg7[%dma_start3A_197] : memref<4x!tpu.dma_semaphore, #tpu.memory_space<semaphore_mem>> -> memref<1x!tpu.dma_semaphore, #tpu.memory_space<semaphore_mem>>
    %dma_start3A_209 = tpu.memref_squeeze %dma_start3A_208 : memref<1x!tpu.dma_semaphore, #tpu.memory_space<semaphore_mem>> -> memref<!tpu.dma_semaphore, #tpu.memory_space<semaphore_mem>>
    tpu.enqueue_indirect_dma source(%dma_start3A_207 : memref<100000x64xf32, #tpu.memory_space<hbm>>) target(%dma_start3A_201 : memref<50x64xf32, #tpu.memory_space<vmem>>) offsets(%dma_start3A_204 : memref<50xi32, #tpu.memory_space<vmem>>) semaphore(%dma_start3A_209 : memref<!tpu.dma_semaphore, #tpu.memory_space<semaphore_mem>>)
    %dma_start3A_210 = arith.constant 13 : i32
    %dma_start3A_211 = arith.constant 1 : i32
    %dma_start3A_212 = arith.constant 5 : i32
    %dma_start3A_213 = arith.constant 1 : i32
    %dma_start3A_214 = arith.constant 0 : i32
    %dma_start3A_215 = arith.constant 0 : i32
    %dma_start3A_216 = tpu.memref_slice %arg6[%dma_start3A_211, %dma_start3A_212, %dma_start3A_214, %dma_start3A_215] : memref<4x8x50x64xf32, #tpu.memory_space<vmem>> -> memref<1x1x50x64xf32, #tpu.memory_space<vmem>>
    %dma_start3A_217 = tpu.memref_squeeze %dma_start3A_216 : memref<1x1x50x64xf32, #tpu.memory_space<vmem>> -> memref<50x64xf32, #tpu.memory_space<vmem>>
    %dma_start3A_218 = arith.constant 0 : i32
    %dma_start3A_219 = tpu.memref_slice %arg5[%dma_start3A_210, %dma_start3A_218] : memref<128x50xi32, #tpu.memory_space<vmem>> -> memref<1x50xi32, #tpu.memory_space<vmem>>
    %dma_start3A_220 = tpu.memref_squeeze %dma_start3A_219 : memref<1x50xi32, #tpu.memory_space<vmem>> -> memref<50xi32, #tpu.memory_space<vmem>>
    %dma_start3A_221 = arith.constant 0 : i32
    %dma_start3A_222 = arith.constant 0 : i32
    %dma_start3A_223 = tpu.memref_slice %arg2[%dma_start3A_221, %dma_start3A_222] : memref<100000x64xf32, #tpu.memory_space<hbm>> -> memref<100000x64xf32, #tpu.memory_space<hbm>>
    %dma_start3A_224 = tpu.memref_slice %arg7[%dma_start3A_213] : memref<4x!tpu.dma_semaphore, #tpu.memory_space<semaphore_mem>> -> memref<1x!tpu.dma_semaphore, #tpu.memory_space<semaphore_mem>>
    %dma_start3A_225 = tpu.memref_squeeze %dma_start3A_224 : memref<1x!tpu.dma_semaphore, #tpu.memory_space<semaphore_mem>> -> memref<!tpu.dma_semaphore, #tpu.memory_space<semaphore_mem>>
    tpu.enqueue_indirect_dma source(%dma_start3A_223 : memref<100000x64xf32, #tpu.memory_space<hbm>>) target(%dma_start3A_217 : memref<50x64xf32, #tpu.memory_space<vmem>>) offsets(%dma_start3A_220 : memref<50xi32, #tpu.memory_space<vmem>>) semaphore(%dma_start3A_225 : memref<!tpu.dma_semaphore, #tpu.memory_space<semaphore_mem>>)
    %dma_start3A_226 = arith.constant 14 : i32
    %dma_start3A_227 = arith.constant 1 : i32
    %dma_start3A_228 = arith.constant 6 : i32
    %dma_start3A_229 = arith.constant 1 : i32
    %dma_start3A_230 = arith.constant 0 : i32
    %dma_start3A_231 = arith.constant 0 : i32
    %dma_start3A_232 = tpu.memref_slice %arg6[%dma_start3A_227, %dma_start3A_228, %dma_start3A_230, %dma_start3A_231] : memref<4x8x50x64xf32, #tpu.memory_space<vmem>> -> memref<1x1x50x64xf32, #tpu.memory_space<vmem>>
    %dma_start3A_233 = tpu.memref_squeeze %dma_start3A_232 : memref<1x1x50x64xf32, #tpu.memory_space<vmem>> -> memref<50x64xf32, #tpu.memory_space<vmem>>
    %dma_start3A_234 = arith.constant 0 : i32
    %dma_start3A_235 = tpu.memref_slice %arg5[%dma_start3A_226, %dma_start3A_234] : memref<128x50xi32, #tpu.memory_space<vmem>> -> memref<1x50xi32, #tpu.memory_space<vmem>>
    %dma_start3A_236 = tpu.memref_squeeze %dma_start3A_235 : memref<1x50xi32, #tpu.memory_space<vmem>> -> memref<50xi32, #tpu.memory_space<vmem>>
    %dma_start3A_237 = arith.constant 0 : i32
    %dma_start3A_238 = arith.constant 0 : i32
    %dma_start3A_239 = tpu.memref_slice %arg2[%dma_start3A_237, %dma_start3A_238] : memref<100000x64xf32, #tpu.memory_space<hbm>> -> memref<100000x64xf32, #tpu.memory_space<hbm>>
    %dma_start3A_240 = tpu.memref_slice %arg7[%dma_start3A_229] : memref<4x!tpu.dma_semaphore, #tpu.memory_space<semaphore_mem>> -> memref<1x!tpu.dma_semaphore, #tpu.memory_space<semaphore_mem>>
    %dma_start3A_241 = tpu.memref_squeeze %dma_start3A_240 : memref<1x!tpu.dma_semaphore, #tpu.memory_space<semaphore_mem>> -> memref<!tpu.dma_semaphore, #tpu.memory_space<semaphore_mem>>
    tpu.enqueue_indirect_dma source(%dma_start3A_239 : memref<100000x64xf32, #tpu.memory_space<hbm>>) target(%dma_start3A_233 : memref<50x64xf32, #tpu.memory_space<vmem>>) offsets(%dma_start3A_236 : memref<50xi32, #tpu.memory_space<vmem>>) semaphore(%dma_start3A_241 : memref<!tpu.dma_semaphore, #tpu.memory_space<semaphore_mem>>)
    %dma_start3A_242 = arith.constant 15 : i32
    %dma_start3A_243 = arith.constant 1 : i32
    %dma_start3A_244 = arith.constant 7 : i32
    %dma_start3A_245 = arith.constant 1 : i32
    %dma_start3A_246 = arith.constant 0 : i32
    %dma_start3A_247 = arith.constant 0 : i32
    %dma_start3A_248 = tpu.memref_slice %arg6[%dma_start3A_243, %dma_start3A_244, %dma_start3A_246, %dma_start3A_247] : memref<4x8x50x64xf32, #tpu.memory_space<vmem>> -> memref<1x1x50x64xf32, #tpu.memory_space<vmem>>
    %dma_start3A_249 = tpu.memref_squeeze %dma_start3A_248 : memref<1x1x50x64xf32, #tpu.memory_space<vmem>> -> memref<50x64xf32, #tpu.memory_space<vmem>>
    %dma_start3A_250 = arith.constant 0 : i32
    %dma_start3A_251 = tpu.memref_slice %arg5[%dma_start3A_242, %dma_start3A_250] : memref<128x50xi32, #tpu.memory_space<vmem>> -> memref<1x50xi32, #tpu.memory_space<vmem>>
    %dma_start3A_252 = tpu.memref_squeeze %dma_start3A_251 : memref<1x50xi32, #tpu.memory_space<vmem>> -> memref<50xi32, #tpu.memory_space<vmem>>
    %dma_start3A_253 = arith.constant 0 : i32
    %dma_start3A_254 = arith.constant 0 : i32
    %dma_start3A_255 = tpu.memref_slice %arg2[%dma_start3A_253, %dma_start3A_254] : memref<100000x64xf32, #tpu.memory_space<hbm>> -> memref<100000x64xf32, #tpu.memory_space<hbm>>
    %dma_start3A_256 = tpu.memref_slice %arg7[%dma_start3A_245] : memref<4x!tpu.dma_semaphore, #tpu.memory_space<semaphore_mem>> -> memref<1x!tpu.dma_semaphore, #tpu.memory_space<semaphore_mem>>
    %dma_start3A_257 = tpu.memref_squeeze %dma_start3A_256 : memref<1x!tpu.dma_semaphore, #tpu.memory_space<semaphore_mem>> -> memref<!tpu.dma_semaphore, #tpu.memory_space<semaphore_mem>>
    tpu.enqueue_indirect_dma source(%dma_start3A_255 : memref<100000x64xf32, #tpu.memory_space<hbm>>) target(%dma_start3A_249 : memref<50x64xf32, #tpu.memory_space<vmem>>) offsets(%dma_start3A_252 : memref<50xi32, #tpu.memory_space<vmem>>) semaphore(%dma_start3A_257 : memref<!tpu.dma_semaphore, #tpu.memory_space<semaphore_mem>>)
    %dma_start3A_258 = arith.constant 16 : i32
    %dma_start3A_259 = arith.constant 2 : i32
    %dma_start3A_260 = arith.constant 0 : i32
    %dma_start3A_261 = arith.constant 2 : i32
    %dma_start3A_262 = arith.constant 0 : i32
    %dma_start3A_263 = arith.constant 0 : i32
    %dma_start3A_264 = tpu.memref_slice %arg6[%dma_start3A_259, %dma_start3A_260, %dma_start3A_262, %dma_start3A_263] : memref<4x8x50x64xf32, #tpu.memory_space<vmem>> -> memref<1x1x50x64xf32, #tpu.memory_space<vmem>>
    %dma_start3A_265 = tpu.memref_squeeze %dma_start3A_264 : memref<1x1x50x64xf32, #tpu.memory_space<vmem>> -> memref<50x64xf32, #tpu.memory_space<vmem>>
    %dma_start3A_266 = arith.constant 0 : i32
    %dma_start3A_267 = tpu.memref_slice %arg5[%dma_start3A_258, %dma_start3A_266] : memref<128x50xi32, #tpu.memory_space<vmem>> -> memref<1x50xi32, #tpu.memory_space<vmem>>
    %dma_start3A_268 = tpu.memref_squeeze %dma_start3A_267 : memref<1x50xi32, #tpu.memory_space<vmem>> -> memref<50xi32, #tpu.memory_space<vmem>>
    %dma_start3A_269 = arith.constant 0 : i32
    %dma_start3A_270 = arith.constant 0 : i32
    %dma_start3A_271 = tpu.memref_slice %arg2[%dma_start3A_269, %dma_start3A_270] : memref<100000x64xf32, #tpu.memory_space<hbm>> -> memref<100000x64xf32, #tpu.memory_space<hbm>>
    %dma_start3A_272 = tpu.memref_slice %arg7[%dma_start3A_261] : memref<4x!tpu.dma_semaphore, #tpu.memory_space<semaphore_mem>> -> memref<1x!tpu.dma_semaphore, #tpu.memory_space<semaphore_mem>>
    %dma_start3A_273 = tpu.memref_squeeze %dma_start3A_272 : memref<1x!tpu.dma_semaphore, #tpu.memory_space<semaphore_mem>> -> memref<!tpu.dma_semaphore, #tpu.memory_space<semaphore_mem>>
    tpu.enqueue_indirect_dma source(%dma_start3A_271 : memref<100000x64xf32, #tpu.memory_space<hbm>>) target(%dma_start3A_265 : memref<50x64xf32, #tpu.memory_space<vmem>>) offsets(%dma_start3A_268 : memref<50xi32, #tpu.memory_space<vmem>>) semaphore(%dma_start3A_273 : memref<!tpu.dma_semaphore, #tpu.memory_space<semaphore_mem>>)
    %dma_start3A_274 = arith.constant 17 : i32
    %dma_start3A_275 = arith.constant 2 : i32
    %dma_start3A_276 = arith.constant 1 : i32
    %dma_start3A_277 = arith.constant 2 : i32
    %dma_start3A_278 = arith.constant 0 : i32
    %dma_start3A_279 = arith.constant 0 : i32
    %dma_start3A_280 = tpu.memref_slice %arg6[%dma_start3A_275, %dma_start3A_276, %dma_start3A_278, %dma_start3A_279] : memref<4x8x50x64xf32, #tpu.memory_space<vmem>> -> memref<1x1x50x64xf32, #tpu.memory_space<vmem>>
    %dma_start3A_281 = tpu.memref_squeeze %dma_start3A_280 : memref<1x1x50x64xf32, #tpu.memory_space<vmem>> -> memref<50x64xf32, #tpu.memory_space<vmem>>
    %dma_start3A_282 = arith.constant 0 : i32
    %dma_start3A_283 = tpu.memref_slice %arg5[%dma_start3A_274, %dma_start3A_282] : memref<128x50xi32, #tpu.memory_space<vmem>> -> memref<1x50xi32, #tpu.memory_space<vmem>>
    %dma_start3A_284 = tpu.memref_squeeze %dma_start3A_283 : memref<1x50xi32, #tpu.memory_space<vmem>> -> memref<50xi32, #tpu.memory_space<vmem>>
    %dma_start3A_285 = arith.constant 0 : i32
    %dma_start3A_286 = arith.constant 0 : i32
    %dma_start3A_287 = tpu.memref_slice %arg2[%dma_start3A_285, %dma_start3A_286] : memref<100000x64xf32, #tpu.memory_space<hbm>> -> memref<100000x64xf32, #tpu.memory_space<hbm>>
    %dma_start3A_288 = tpu.memref_slice %arg7[%dma_start3A_277] : memref<4x!tpu.dma_semaphore, #tpu.memory_space<semaphore_mem>> -> memref<1x!tpu.dma_semaphore, #tpu.memory_space<semaphore_mem>>
    %dma_start3A_289 = tpu.memref_squeeze %dma_start3A_288 : memref<1x!tpu.dma_semaphore, #tpu.memory_space<semaphore_mem>> -> memref<!tpu.dma_semaphore, #tpu.memory_space<semaphore_mem>>
    tpu.enqueue_indirect_dma source(%dma_start3A_287 : memref<100000x64xf32, #tpu.memory_space<hbm>>) target(%dma_start3A_281 : memref<50x64xf32, #tpu.memory_space<vmem>>) offsets(%dma_start3A_284 : memref<50xi32, #tpu.memory_space<vmem>>) semaphore(%dma_start3A_289 : memref<!tpu.dma_semaphore, #tpu.memory_space<semaphore_mem>>)
    %dma_start3A_290 = arith.constant 18 : i32
    %dma_start3A_291 = arith.constant 2 : i32
    %dma_start3A_292 = arith.constant 2 : i32
    %dma_start3A_293 = arith.constant 2 : i32
    %dma_start3A_294 = arith.constant 0 : i32
    %dma_start3A_295 = arith.constant 0 : i32
    %dma_start3A_296 = tpu.memref_slice %arg6[%dma_start3A_291, %dma_start3A_292, %dma_start3A_294, %dma_start3A_295] : memref<4x8x50x64xf32, #tpu.memory_space<vmem>> -> memref<1x1x50x64xf32, #tpu.memory_space<vmem>>
    %dma_start3A_297 = tpu.memref_squeeze %dma_start3A_296 : memref<1x1x50x64xf32, #tpu.memory_space<vmem>> -> memref<50x64xf32, #tpu.memory_space<vmem>>
    %dma_start3A_298 = arith.constant 0 : i32
    %dma_start3A_299 = tpu.memref_slice %arg5[%dma_start3A_290, %dma_start3A_298] : memref<128x50xi32, #tpu.memory_space<vmem>> -> memref<1x50xi32, #tpu.memory_space<vmem>>
    %dma_start3A_300 = tpu.memref_squeeze %dma_start3A_299 : memref<1x50xi32, #tpu.memory_space<vmem>> -> memref<50xi32, #tpu.memory_space<vmem>>
    %dma_start3A_301 = arith.constant 0 : i32
    %dma_start3A_302 = arith.constant 0 : i32
    %dma_start3A_303 = tpu.memref_slice %arg2[%dma_start3A_301, %dma_start3A_302] : memref<100000x64xf32, #tpu.memory_space<hbm>> -> memref<100000x64xf32, #tpu.memory_space<hbm>>
    %dma_start3A_304 = tpu.memref_slice %arg7[%dma_start3A_293] : memref<4x!tpu.dma_semaphore, #tpu.memory_space<semaphore_mem>> -> memref<1x!tpu.dma_semaphore, #tpu.memory_space<semaphore_mem>>
    %dma_start3A_305 = tpu.memref_squeeze %dma_start3A_304 : memref<1x!tpu.dma_semaphore, #tpu.memory_space<semaphore_mem>> -> memref<!tpu.dma_semaphore, #tpu.memory_space<semaphore_mem>>
    tpu.enqueue_indirect_dma source(%dma_start3A_303 : memref<100000x64xf32, #tpu.memory_space<hbm>>) target(%dma_start3A_297 : memref<50x64xf32, #tpu.memory_space<vmem>>) offsets(%dma_start3A_300 : memref<50xi32, #tpu.memory_space<vmem>>) semaphore(%dma_start3A_305 : memref<!tpu.dma_semaphore, #tpu.memory_space<semaphore_mem>>)
    %dma_start3A_306 = arith.constant 19 : i32
    %dma_start3A_307 = arith.constant 2 : i32
    %dma_start3A_308 = arith.constant 3 : i32
    %dma_start3A_309 = arith.constant 2 : i32
    %dma_start3A_310 = arith.constant 0 : i32
    %dma_start3A_311 = arith.constant 0 : i32
    %dma_start3A_312 = tpu.memref_slice %arg6[%dma_start3A_307, %dma_start3A_308, %dma_start3A_310, %dma_start3A_311] : memref<4x8x50x64xf32, #tpu.memory_space<vmem>> -> memref<1x1x50x64xf32, #tpu.memory_space<vmem>>
    %dma_start3A_313 = tpu.memref_squeeze %dma_start3A_312 : memref<1x1x50x64xf32, #tpu.memory_space<vmem>> -> memref<50x64xf32, #tpu.memory_space<vmem>>
    %dma_start3A_314 = arith.constant 0 : i32
    %dma_start3A_315 = tpu.memref_slice %arg5[%dma_start3A_306, %dma_start3A_314] : memref<128x50xi32, #tpu.memory_space<vmem>> -> memref<1x50xi32, #tpu.memory_space<vmem>>
    %dma_start3A_316 = tpu.memref_squeeze %dma_start3A_315 : memref<1x50xi32, #tpu.memory_space<vmem>> -> memref<50xi32, #tpu.memory_space<vmem>>
    %dma_start3A_317 = arith.constant 0 : i32
    %dma_start3A_318 = arith.constant 0 : i32
    %dma_start3A_319 = tpu.memref_slice %arg2[%dma_start3A_317, %dma_start3A_318] : memref<100000x64xf32, #tpu.memory_space<hbm>> -> memref<100000x64xf32, #tpu.memory_space<hbm>>
    %dma_start3A_320 = tpu.memref_slice %arg7[%dma_start3A_309] : memref<4x!tpu.dma_semaphore, #tpu.memory_space<semaphore_mem>> -> memref<1x!tpu.dma_semaphore, #tpu.memory_space<semaphore_mem>>
    %dma_start3A_321 = tpu.memref_squeeze %dma_start3A_320 : memref<1x!tpu.dma_semaphore, #tpu.memory_space<semaphore_mem>> -> memref<!tpu.dma_semaphore, #tpu.memory_space<semaphore_mem>>
    tpu.enqueue_indirect_dma source(%dma_start3A_319 : memref<100000x64xf32, #tpu.memory_space<hbm>>) target(%dma_start3A_313 : memref<50x64xf32, #tpu.memory_space<vmem>>) offsets(%dma_start3A_316 : memref<50xi32, #tpu.memory_space<vmem>>) semaphore(%dma_start3A_321 : memref<!tpu.dma_semaphore, #tpu.memory_space<semaphore_mem>>)
    %dma_start3A_322 = arith.constant 20 : i32
    %dma_start3A_323 = arith.constant 2 : i32
    %dma_start3A_324 = arith.constant 4 : i32
    %dma_start3A_325 = arith.constant 2 : i32
    %dma_start3A_326 = arith.constant 0 : i32
    %dma_start3A_327 = arith.constant 0 : i32
    %dma_start3A_328 = tpu.memref_slice %arg6[%dma_start3A_323, %dma_start3A_324, %dma_start3A_326, %dma_start3A_327] : memref<4x8x50x64xf32, #tpu.memory_space<vmem>> -> memref<1x1x50x64xf32, #tpu.memory_space<vmem>>
    %dma_start3A_329 = tpu.memref_squeeze %dma_start3A_328 : memref<1x1x50x64xf32, #tpu.memory_space<vmem>> -> memref<50x64xf32, #tpu.memory_space<vmem>>
    %dma_start3A_330 = arith.constant 0 : i32
    %dma_start3A_331 = tpu.memref_slice %arg5[%dma_start3A_322, %dma_start3A_330] : memref<128x50xi32, #tpu.memory_space<vmem>> -> memref<1x50xi32, #tpu.memory_space<vmem>>
    %dma_start3A_332 = tpu.memref_squeeze %dma_start3A_331 : memref<1x50xi32, #tpu.memory_space<vmem>> -> memref<50xi32, #tpu.memory_space<vmem>>
    %dma_start3A_333 = arith.constant 0 : i32
    %dma_start3A_334 = arith.constant 0 : i32
    %dma_start3A_335 = tpu.memref_slice %arg2[%dma_start3A_333, %dma_start3A_334] : memref<100000x64xf32, #tpu.memory_space<hbm>> -> memref<100000x64xf32, #tpu.memory_space<hbm>>
    %dma_start3A_336 = tpu.memref_slice %arg7[%dma_start3A_325] : memref<4x!tpu.dma_semaphore, #tpu.memory_space<semaphore_mem>> -> memref<1x!tpu.dma_semaphore, #tpu.memory_space<semaphore_mem>>
    %dma_start3A_337 = tpu.memref_squeeze %dma_start3A_336 : memref<1x!tpu.dma_semaphore, #tpu.memory_space<semaphore_mem>> -> memref<!tpu.dma_semaphore, #tpu.memory_space<semaphore_mem>>
    tpu.enqueue_indirect_dma source(%dma_start3A_335 : memref<100000x64xf32, #tpu.memory_space<hbm>>) target(%dma_start3A_329 : memref<50x64xf32, #tpu.memory_space<vmem>>) offsets(%dma_start3A_332 : memref<50xi32, #tpu.memory_space<vmem>>) semaphore(%dma_start3A_337 : memref<!tpu.dma_semaphore, #tpu.memory_space<semaphore_mem>>)
    %dma_start3A_338 = arith.constant 21 : i32
    %dma_start3A_339 = arith.constant 2 : i32
    %dma_start3A_340 = arith.constant 5 : i32
    %dma_start3A_341 = arith.constant 2 : i32
    %dma_start3A_342 = arith.constant 0 : i32
    %dma_start3A_343 = arith.constant 0 : i32
    %dma_start3A_344 = tpu.memref_slice %arg6[%dma_start3A_339, %dma_start3A_340, %dma_start3A_342, %dma_start3A_343] : memref<4x8x50x64xf32, #tpu.memory_space<vmem>> -> memref<1x1x50x64xf32, #tpu.memory_space<vmem>>
    %dma_start3A_345 = tpu.memref_squeeze %dma_start3A_344 : memref<1x1x50x64xf32, #tpu.memory_space<vmem>> -> memref<50x64xf32, #tpu.memory_space<vmem>>
    %dma_start3A_346 = arith.constant 0 : i32
    %dma_start3A_347 = tpu.memref_slice %arg5[%dma_start3A_338, %dma_start3A_346] : memref<128x50xi32, #tpu.memory_space<vmem>> -> memref<1x50xi32, #tpu.memory_space<vmem>>
    %dma_start3A_348 = tpu.memref_squeeze %dma_start3A_347 : memref<1x50xi32, #tpu.memory_space<vmem>> -> memref<50xi32, #tpu.memory_space<vmem>>
    %dma_start3A_349 = arith.constant 0 : i32
    %dma_start3A_350 = arith.constant 0 : i32
    %dma_start3A_351 = tpu.memref_slice %arg2[%dma_start3A_349, %dma_start3A_350] : memref<100000x64xf32, #tpu.memory_space<hbm>> -> memref<100000x64xf32, #tpu.memory_space<hbm>>
    %dma_start3A_352 = tpu.memref_slice %arg7[%dma_start3A_341] : memref<4x!tpu.dma_semaphore, #tpu.memory_space<semaphore_mem>> -> memref<1x!tpu.dma_semaphore, #tpu.memory_space<semaphore_mem>>
    %dma_start3A_353 = tpu.memref_squeeze %dma_start3A_352 : memref<1x!tpu.dma_semaphore, #tpu.memory_space<semaphore_mem>> -> memref<!tpu.dma_semaphore, #tpu.memory_space<semaphore_mem>>
    tpu.enqueue_indirect_dma source(%dma_start3A_351 : memref<100000x64xf32, #tpu.memory_space<hbm>>) target(%dma_start3A_345 : memref<50x64xf32, #tpu.memory_space<vmem>>) offsets(%dma_start3A_348 : memref<50xi32, #tpu.memory_space<vmem>>) semaphore(%dma_start3A_353 : memref<!tpu.dma_semaphore, #tpu.memory_space<semaphore_mem>>)
    %dma_start3A_354 = arith.constant 22 : i32
    %dma_start3A_355 = arith.constant 2 : i32
    %dma_start3A_356 = arith.constant 6 : i32
    %dma_start3A_357 = arith.constant 2 : i32
    %dma_start3A_358 = arith.constant 0 : i32
    %dma_start3A_359 = arith.constant 0 : i32
    %dma_start3A_360 = tpu.memref_slice %arg6[%dma_start3A_355, %dma_start3A_356, %dma_start3A_358, %dma_start3A_359] : memref<4x8x50x64xf32, #tpu.memory_space<vmem>> -> memref<1x1x50x64xf32, #tpu.memory_space<vmem>>
    %dma_start3A_361 = tpu.memref_squeeze %dma_start3A_360 : memref<1x1x50x64xf32, #tpu.memory_space<vmem>> -> memref<50x64xf32, #tpu.memory_space<vmem>>
    %dma_start3A_362 = arith.constant 0 : i32
    %dma_start3A_363 = tpu.memref_slice %arg5[%dma_start3A_354, %dma_start3A_362] : memref<128x50xi32, #tpu.memory_space<vmem>> -> memref<1x50xi32, #tpu.memory_space<vmem>>
    %dma_start3A_364 = tpu.memref_squeeze %dma_start3A_363 : memref<1x50xi32, #tpu.memory_space<vmem>> -> memref<50xi32, #tpu.memory_space<vmem>>
    %dma_start3A_365 = arith.constant 0 : i32
    %dma_start3A_366 = arith.constant 0 : i32
    %dma_start3A_367 = tpu.memref_slice %arg2[%dma_start3A_365, %dma_start3A_366] : memref<100000x64xf32, #tpu.memory_space<hbm>> -> memref<100000x64xf32, #tpu.memory_space<hbm>>
    %dma_start3A_368 = tpu.memref_slice %arg7[%dma_start3A_357] : memref<4x!tpu.dma_semaphore, #tpu.memory_space<semaphore_mem>> -> memref<1x!tpu.dma_semaphore, #tpu.memory_space<semaphore_mem>>
    %dma_start3A_369 = tpu.memref_squeeze %dma_start3A_368 : memref<1x!tpu.dma_semaphore, #tpu.memory_space<semaphore_mem>> -> memref<!tpu.dma_semaphore, #tpu.memory_space<semaphore_mem>>
    tpu.enqueue_indirect_dma source(%dma_start3A_367 : memref<100000x64xf32, #tpu.memory_space<hbm>>) target(%dma_start3A_361 : memref<50x64xf32, #tpu.memory_space<vmem>>) offsets(%dma_start3A_364 : memref<50xi32, #tpu.memory_space<vmem>>) semaphore(%dma_start3A_369 : memref<!tpu.dma_semaphore, #tpu.memory_space<semaphore_mem>>)
    %dma_start3A_370 = arith.constant 23 : i32
    %dma_start3A_371 = arith.constant 2 : i32
    %dma_start3A_372 = arith.constant 7 : i32
    %dma_start3A_373 = arith.constant 2 : i32
    %dma_start3A_374 = arith.constant 0 : i32
    %dma_start3A_375 = arith.constant 0 : i32
    %dma_start3A_376 = tpu.memref_slice %arg6[%dma_start3A_371, %dma_start3A_372, %dma_start3A_374, %dma_start3A_375] : memref<4x8x50x64xf32, #tpu.memory_space<vmem>> -> memref<1x1x50x64xf32, #tpu.memory_space<vmem>>
    %dma_start3A_377 = tpu.memref_squeeze %dma_start3A_376 : memref<1x1x50x64xf32, #tpu.memory_space<vmem>> -> memref<50x64xf32, #tpu.memory_space<vmem>>
    %dma_start3A_378 = arith.constant 0 : i32
    %dma_start3A_379 = tpu.memref_slice %arg5[%dma_start3A_370, %dma_start3A_378] : memref<128x50xi32, #tpu.memory_space<vmem>> -> memref<1x50xi32, #tpu.memory_space<vmem>>
    %dma_start3A_380 = tpu.memref_squeeze %dma_start3A_379 : memref<1x50xi32, #tpu.memory_space<vmem>> -> memref<50xi32, #tpu.memory_space<vmem>>
    %dma_start3A_381 = arith.constant 0 : i32
    %dma_start3A_382 = arith.constant 0 : i32
    %dma_start3A_383 = tpu.memref_slice %arg2[%dma_start3A_381, %dma_start3A_382] : memref<100000x64xf32, #tpu.memory_space<hbm>> -> memref<100000x64xf32, #tpu.memory_space<hbm>>
    %dma_start3A_384 = tpu.memref_slice %arg7[%dma_start3A_373] : memref<4x!tpu.dma_semaphore, #tpu.memory_space<semaphore_mem>> -> memref<1x!tpu.dma_semaphore, #tpu.memory_space<semaphore_mem>>
    %dma_start3A_385 = tpu.memref_squeeze %dma_start3A_384 : memref<1x!tpu.dma_semaphore, #tpu.memory_space<semaphore_mem>> -> memref<!tpu.dma_semaphore, #tpu.memory_space<semaphore_mem>>
    tpu.enqueue_indirect_dma source(%dma_start3A_383 : memref<100000x64xf32, #tpu.memory_space<hbm>>) target(%dma_start3A_377 : memref<50x64xf32, #tpu.memory_space<vmem>>) offsets(%dma_start3A_380 : memref<50xi32, #tpu.memory_space<vmem>>) semaphore(%dma_start3A_385 : memref<!tpu.dma_semaphore, #tpu.memory_space<semaphore_mem>>)
    %dma_start3A_386 = arith.constant 24 : i32
    %dma_start3A_387 = arith.constant 3 : i32
    %dma_start3A_388 = arith.constant 0 : i32
    %dma_start3A_389 = arith.constant 3 : i32
    %dma_start3A_390 = arith.constant 0 : i32
    %dma_start3A_391 = arith.constant 0 : i32
    %dma_start3A_392 = tpu.memref_slice %arg6[%dma_start3A_387, %dma_start3A_388, %dma_start3A_390, %dma_start3A_391] : memref<4x8x50x64xf32, #tpu.memory_space<vmem>> -> memref<1x1x50x64xf32, #tpu.memory_space<vmem>>
    %dma_start3A_393 = tpu.memref_squeeze %dma_start3A_392 : memref<1x1x50x64xf32, #tpu.memory_space<vmem>> -> memref<50x64xf32, #tpu.memory_space<vmem>>
    %dma_start3A_394 = arith.constant 0 : i32
    %dma_start3A_395 = tpu.memref_slice %arg5[%dma_start3A_386, %dma_start3A_394] : memref<128x50xi32, #tpu.memory_space<vmem>> -> memref<1x50xi32, #tpu.memory_space<vmem>>
    %dma_start3A_396 = tpu.memref_squeeze %dma_start3A_395 : memref<1x50xi32, #tpu.memory_space<vmem>> -> memref<50xi32, #tpu.memory_space<vmem>>
    %dma_start3A_397 = arith.constant 0 : i32
    %dma_start3A_398 = arith.constant 0 : i32
    %dma_start3A_399 = tpu.memref_slice %arg2[%dma_start3A_397, %dma_start3A_398] : memref<100000x64xf32, #tpu.memory_space<hbm>> -> memref<100000x64xf32, #tpu.memory_space<hbm>>
    %dma_start3A_400 = tpu.memref_slice %arg7[%dma_start3A_389] : memref<4x!tpu.dma_semaphore, #tpu.memory_space<semaphore_mem>> -> memref<1x!tpu.dma_semaphore, #tpu.memory_space<semaphore_mem>>
    %dma_start3A_401 = tpu.memref_squeeze %dma_start3A_400 : memref<1x!tpu.dma_semaphore, #tpu.memory_space<semaphore_mem>> -> memref<!tpu.dma_semaphore, #tpu.memory_space<semaphore_mem>>
    tpu.enqueue_indirect_dma source(%dma_start3A_399 : memref<100000x64xf32, #tpu.memory_space<hbm>>) target(%dma_start3A_393 : memref<50x64xf32, #tpu.memory_space<vmem>>) offsets(%dma_start3A_396 : memref<50xi32, #tpu.memory_space<vmem>>) semaphore(%dma_start3A_401 : memref<!tpu.dma_semaphore, #tpu.memory_space<semaphore_mem>>)
    %dma_start3A_402 = arith.constant 25 : i32
    %dma_start3A_403 = arith.constant 3 : i32
    %dma_start3A_404 = arith.constant 1 : i32
    %dma_start3A_405 = arith.constant 3 : i32
    %dma_start3A_406 = arith.constant 0 : i32
    %dma_start3A_407 = arith.constant 0 : i32
    %dma_start3A_408 = tpu.memref_slice %arg6[%dma_start3A_403, %dma_start3A_404, %dma_start3A_406, %dma_start3A_407] : memref<4x8x50x64xf32, #tpu.memory_space<vmem>> -> memref<1x1x50x64xf32, #tpu.memory_space<vmem>>
    %dma_start3A_409 = tpu.memref_squeeze %dma_start3A_408 : memref<1x1x50x64xf32, #tpu.memory_space<vmem>> -> memref<50x64xf32, #tpu.memory_space<vmem>>
    %dma_start3A_410 = arith.constant 0 : i32
    %dma_start3A_411 = tpu.memref_slice %arg5[%dma_start3A_402, %dma_start3A_410] : memref<128x50xi32, #tpu.memory_space<vmem>> -> memref<1x50xi32, #tpu.memory_space<vmem>>
    %dma_start3A_412 = tpu.memref_squeeze %dma_start3A_411 : memref<1x50xi32, #tpu.memory_space<vmem>> -> memref<50xi32, #tpu.memory_space<vmem>>
    %dma_start3A_413 = arith.constant 0 : i32
    %dma_start3A_414 = arith.constant 0 : i32
    %dma_start3A_415 = tpu.memref_slice %arg2[%dma_start3A_413, %dma_start3A_414] : memref<100000x64xf32, #tpu.memory_space<hbm>> -> memref<100000x64xf32, #tpu.memory_space<hbm>>
    %dma_start3A_416 = tpu.memref_slice %arg7[%dma_start3A_405] : memref<4x!tpu.dma_semaphore, #tpu.memory_space<semaphore_mem>> -> memref<1x!tpu.dma_semaphore, #tpu.memory_space<semaphore_mem>>
    %dma_start3A_417 = tpu.memref_squeeze %dma_start3A_416 : memref<1x!tpu.dma_semaphore, #tpu.memory_space<semaphore_mem>> -> memref<!tpu.dma_semaphore, #tpu.memory_space<semaphore_mem>>
    tpu.enqueue_indirect_dma source(%dma_start3A_415 : memref<100000x64xf32, #tpu.memory_space<hbm>>) target(%dma_start3A_409 : memref<50x64xf32, #tpu.memory_space<vmem>>) offsets(%dma_start3A_412 : memref<50xi32, #tpu.memory_space<vmem>>) semaphore(%dma_start3A_417 : memref<!tpu.dma_semaphore, #tpu.memory_space<semaphore_mem>>)
    %dma_start3A_418 = arith.constant 26 : i32
    %dma_start3A_419 = arith.constant 3 : i32
    %dma_start3A_420 = arith.constant 2 : i32
    %dma_start3A_421 = arith.constant 3 : i32
    %dma_start3A_422 = arith.constant 0 : i32
    %dma_start3A_423 = arith.constant 0 : i32
    %dma_start3A_424 = tpu.memref_slice %arg6[%dma_start3A_419, %dma_start3A_420, %dma_start3A_422, %dma_start3A_423] : memref<4x8x50x64xf32, #tpu.memory_space<vmem>> -> memref<1x1x50x64xf32, #tpu.memory_space<vmem>>
    %dma_start3A_425 = tpu.memref_squeeze %dma_start3A_424 : memref<1x1x50x64xf32, #tpu.memory_space<vmem>> -> memref<50x64xf32, #tpu.memory_space<vmem>>
    %dma_start3A_426 = arith.constant 0 : i32
    %dma_start3A_427 = tpu.memref_slice %arg5[%dma_start3A_418, %dma_start3A_426] : memref<128x50xi32, #tpu.memory_space<vmem>> -> memref<1x50xi32, #tpu.memory_space<vmem>>
    %dma_start3A_428 = tpu.memref_squeeze %dma_start3A_427 : memref<1x50xi32, #tpu.memory_space<vmem>> -> memref<50xi32, #tpu.memory_space<vmem>>
    %dma_start3A_429 = arith.constant 0 : i32
    %dma_start3A_430 = arith.constant 0 : i32
    %dma_start3A_431 = tpu.memref_slice %arg2[%dma_start3A_429, %dma_start3A_430] : memref<100000x64xf32, #tpu.memory_space<hbm>> -> memref<100000x64xf32, #tpu.memory_space<hbm>>
    %dma_start3A_432 = tpu.memref_slice %arg7[%dma_start3A_421] : memref<4x!tpu.dma_semaphore, #tpu.memory_space<semaphore_mem>> -> memref<1x!tpu.dma_semaphore, #tpu.memory_space<semaphore_mem>>
    %dma_start3A_433 = tpu.memref_squeeze %dma_start3A_432 : memref<1x!tpu.dma_semaphore, #tpu.memory_space<semaphore_mem>> -> memref<!tpu.dma_semaphore, #tpu.memory_space<semaphore_mem>>
    tpu.enqueue_indirect_dma source(%dma_start3A_431 : memref<100000x64xf32, #tpu.memory_space<hbm>>) target(%dma_start3A_425 : memref<50x64xf32, #tpu.memory_space<vmem>>) offsets(%dma_start3A_428 : memref<50xi32, #tpu.memory_space<vmem>>) semaphore(%dma_start3A_433 : memref<!tpu.dma_semaphore, #tpu.memory_space<semaphore_mem>>)
    %dma_start3A_434 = arith.constant 27 : i32
    %dma_start3A_435 = arith.constant 3 : i32
    %dma_start3A_436 = arith.constant 3 : i32
    %dma_start3A_437 = arith.constant 3 : i32
    %dma_start3A_438 = arith.constant 0 : i32
    %dma_start3A_439 = arith.constant 0 : i32
    %dma_start3A_440 = tpu.memref_slice %arg6[%dma_start3A_435, %dma_start3A_436, %dma_start3A_438, %dma_start3A_439] : memref<4x8x50x64xf32, #tpu.memory_space<vmem>> -> memref<1x1x50x64xf32, #tpu.memory_space<vmem>>
    %dma_start3A_441 = tpu.memref_squeeze %dma_start3A_440 : memref<1x1x50x64xf32, #tpu.memory_space<vmem>> -> memref<50x64xf32, #tpu.memory_space<vmem>>
    %dma_start3A_442 = arith.constant 0 : i32
    %dma_start3A_443 = tpu.memref_slice %arg5[%dma_start3A_434, %dma_start3A_442] : memref<128x50xi32, #tpu.memory_space<vmem>> -> memref<1x50xi32, #tpu.memory_space<vmem>>
    %dma_start3A_444 = tpu.memref_squeeze %dma_start3A_443 : memref<1x50xi32, #tpu.memory_space<vmem>> -> memref<50xi32, #tpu.memory_space<vmem>>
    %dma_start3A_445 = arith.constant 0 : i32
    %dma_start3A_446 = arith.constant 0 : i32
    %dma_start3A_447 = tpu.memref_slice %arg2[%dma_start3A_445, %dma_start3A_446] : memref<100000x64xf32, #tpu.memory_space<hbm>> -> memref<100000x64xf32, #tpu.memory_space<hbm>>
    %dma_start3A_448 = tpu.memref_slice %arg7[%dma_start3A_437] : memref<4x!tpu.dma_semaphore, #tpu.memory_space<semaphore_mem>> -> memref<1x!tpu.dma_semaphore, #tpu.memory_space<semaphore_mem>>
    %dma_start3A_449 = tpu.memref_squeeze %dma_start3A_448 : memref<1x!tpu.dma_semaphore, #tpu.memory_space<semaphore_mem>> -> memref<!tpu.dma_semaphore, #tpu.memory_space<semaphore_mem>>
    tpu.enqueue_indirect_dma source(%dma_start3A_447 : memref<100000x64xf32, #tpu.memory_space<hbm>>) target(%dma_start3A_441 : memref<50x64xf32, #tpu.memory_space<vmem>>) offsets(%dma_start3A_444 : memref<50xi32, #tpu.memory_space<vmem>>) semaphore(%dma_start3A_449 : memref<!tpu.dma_semaphore, #tpu.memory_space<semaphore_mem>>)
    %dma_start3A_450 = arith.constant 28 : i32
    %dma_start3A_451 = arith.constant 3 : i32
    %dma_start3A_452 = arith.constant 4 : i32
    %dma_start3A_453 = arith.constant 3 : i32
    %dma_start3A_454 = arith.constant 0 : i32
    %dma_start3A_455 = arith.constant 0 : i32
    %dma_start3A_456 = tpu.memref_slice %arg6[%dma_start3A_451, %dma_start3A_452, %dma_start3A_454, %dma_start3A_455] : memref<4x8x50x64xf32, #tpu.memory_space<vmem>> -> memref<1x1x50x64xf32, #tpu.memory_space<vmem>>
    %dma_start3A_457 = tpu.memref_squeeze %dma_start3A_456 : memref<1x1x50x64xf32, #tpu.memory_space<vmem>> -> memref<50x64xf32, #tpu.memory_space<vmem>>
    %dma_start3A_458 = arith.constant 0 : i32
    %dma_start3A_459 = tpu.memref_slice %arg5[%dma_start3A_450, %dma_start3A_458] : memref<128x50xi32, #tpu.memory_space<vmem>> -> memref<1x50xi32, #tpu.memory_space<vmem>>
    %dma_start3A_460 = tpu.memref_squeeze %dma_start3A_459 : memref<1x50xi32, #tpu.memory_space<vmem>> -> memref<50xi32, #tpu.memory_space<vmem>>
    %dma_start3A_461 = arith.constant 0 : i32
    %dma_start3A_462 = arith.constant 0 : i32
    %dma_start3A_463 = tpu.memref_slice %arg2[%dma_start3A_461, %dma_start3A_462] : memref<100000x64xf32, #tpu.memory_space<hbm>> -> memref<100000x64xf32, #tpu.memory_space<hbm>>
    %dma_start3A_464 = tpu.memref_slice %arg7[%dma_start3A_453] : memref<4x!tpu.dma_semaphore, #tpu.memory_space<semaphore_mem>> -> memref<1x!tpu.dma_semaphore, #tpu.memory_space<semaphore_mem>>
    %dma_start3A_465 = tpu.memref_squeeze %dma_start3A_464 : memref<1x!tpu.dma_semaphore, #tpu.memory_space<semaphore_mem>> -> memref<!tpu.dma_semaphore, #tpu.memory_space<semaphore_mem>>
    tpu.enqueue_indirect_dma source(%dma_start3A_463 : memref<100000x64xf32, #tpu.memory_space<hbm>>) target(%dma_start3A_457 : memref<50x64xf32, #tpu.memory_space<vmem>>) offsets(%dma_start3A_460 : memref<50xi32, #tpu.memory_space<vmem>>) semaphore(%dma_start3A_465 : memref<!tpu.dma_semaphore, #tpu.memory_space<semaphore_mem>>)
    %dma_start3A_466 = arith.constant 29 : i32
    %dma_start3A_467 = arith.constant 3 : i32
    %dma_start3A_468 = arith.constant 5 : i32
    %dma_start3A_469 = arith.constant 3 : i32
    %dma_start3A_470 = arith.constant 0 : i32
    %dma_start3A_471 = arith.constant 0 : i32
    %dma_start3A_472 = tpu.memref_slice %arg6[%dma_start3A_467, %dma_start3A_468, %dma_start3A_470, %dma_start3A_471] : memref<4x8x50x64xf32, #tpu.memory_space<vmem>> -> memref<1x1x50x64xf32, #tpu.memory_space<vmem>>
    %dma_start3A_473 = tpu.memref_squeeze %dma_start3A_472 : memref<1x1x50x64xf32, #tpu.memory_space<vmem>> -> memref<50x64xf32, #tpu.memory_space<vmem>>
    %dma_start3A_474 = arith.constant 0 : i32
    %dma_start3A_475 = tpu.memref_slice %arg5[%dma_start3A_466, %dma_start3A_474] : memref<128x50xi32, #tpu.memory_space<vmem>> -> memref<1x50xi32, #tpu.memory_space<vmem>>
    %dma_start3A_476 = tpu.memref_squeeze %dma_start3A_475 : memref<1x50xi32, #tpu.memory_space<vmem>> -> memref<50xi32, #tpu.memory_space<vmem>>
    %dma_start3A_477 = arith.constant 0 : i32
    %dma_start3A_478 = arith.constant 0 : i32
    %dma_start3A_479 = tpu.memref_slice %arg2[%dma_start3A_477, %dma_start3A_478] : memref<100000x64xf32, #tpu.memory_space<hbm>> -> memref<100000x64xf32, #tpu.memory_space<hbm>>
    %dma_start3A_480 = tpu.memref_slice %arg7[%dma_start3A_469] : memref<4x!tpu.dma_semaphore, #tpu.memory_space<semaphore_mem>> -> memref<1x!tpu.dma_semaphore, #tpu.memory_space<semaphore_mem>>
    %dma_start3A_481 = tpu.memref_squeeze %dma_start3A_480 : memref<1x!tpu.dma_semaphore, #tpu.memory_space<semaphore_mem>> -> memref<!tpu.dma_semaphore, #tpu.memory_space<semaphore_mem>>
    tpu.enqueue_indirect_dma source(%dma_start3A_479 : memref<100000x64xf32, #tpu.memory_space<hbm>>) target(%dma_start3A_473 : memref<50x64xf32, #tpu.memory_space<vmem>>) offsets(%dma_start3A_476 : memref<50xi32, #tpu.memory_space<vmem>>) semaphore(%dma_start3A_481 : memref<!tpu.dma_semaphore, #tpu.memory_space<semaphore_mem>>)
    %dma_start3A_482 = arith.constant 30 : i32
    %dma_start3A_483 = arith.constant 3 : i32
    %dma_start3A_484 = arith.constant 6 : i32
    %dma_start3A_485 = arith.constant 3 : i32
    %dma_start3A_486 = arith.constant 0 : i32
    %dma_start3A_487 = arith.constant 0 : i32
    %dma_start3A_488 = tpu.memref_slice %arg6[%dma_start3A_483, %dma_start3A_484, %dma_start3A_486, %dma_start3A_487] : memref<4x8x50x64xf32, #tpu.memory_space<vmem>> -> memref<1x1x50x64xf32, #tpu.memory_space<vmem>>
    %dma_start3A_489 = tpu.memref_squeeze %dma_start3A_488 : memref<1x1x50x64xf32, #tpu.memory_space<vmem>> -> memref<50x64xf32, #tpu.memory_space<vmem>>
    %dma_start3A_490 = arith.constant 0 : i32
    %dma_start3A_491 = tpu.memref_slice %arg5[%dma_start3A_482, %dma_start3A_490] : memref<128x50xi32, #tpu.memory_space<vmem>> -> memref<1x50xi32, #tpu.memory_space<vmem>>
    %dma_start3A_492 = tpu.memref_squeeze %dma_start3A_491 : memref<1x50xi32, #tpu.memory_space<vmem>> -> memref<50xi32, #tpu.memory_space<vmem>>
    %dma_start3A_493 = arith.constant 0 : i32
    %dma_start3A_494 = arith.constant 0 : i32
    %dma_start3A_495 = tpu.memref_slice %arg2[%dma_start3A_493, %dma_start3A_494] : memref<100000x64xf32, #tpu.memory_space<hbm>> -> memref<100000x64xf32, #tpu.memory_space<hbm>>
    %dma_start3A_496 = tpu.memref_slice %arg7[%dma_start3A_485] : memref<4x!tpu.dma_semaphore, #tpu.memory_space<semaphore_mem>> -> memref<1x!tpu.dma_semaphore, #tpu.memory_space<semaphore_mem>>
    %dma_start3A_497 = tpu.memref_squeeze %dma_start3A_496 : memref<1x!tpu.dma_semaphore, #tpu.memory_space<semaphore_mem>> -> memref<!tpu.dma_semaphore, #tpu.memory_space<semaphore_mem>>
    tpu.enqueue_indirect_dma source(%dma_start3A_495 : memref<100000x64xf32, #tpu.memory_space<hbm>>) target(%dma_start3A_489 : memref<50x64xf32, #tpu.memory_space<vmem>>) offsets(%dma_start3A_492 : memref<50xi32, #tpu.memory_space<vmem>>) semaphore(%dma_start3A_497 : memref<!tpu.dma_semaphore, #tpu.memory_space<semaphore_mem>>)
    %dma_start3A_498 = arith.constant 31 : i32
    %dma_start3A_499 = arith.constant 3 : i32
    %dma_start3A_500 = arith.constant 7 : i32
    %dma_start3A_501 = arith.constant 3 : i32
    %dma_start3A_502 = arith.constant 0 : i32
    %dma_start3A_503 = arith.constant 0 : i32
    %dma_start3A_504 = tpu.memref_slice %arg6[%dma_start3A_499, %dma_start3A_500, %dma_start3A_502, %dma_start3A_503] : memref<4x8x50x64xf32, #tpu.memory_space<vmem>> -> memref<1x1x50x64xf32, #tpu.memory_space<vmem>>
    %dma_start3A_505 = tpu.memref_squeeze %dma_start3A_504 : memref<1x1x50x64xf32, #tpu.memory_space<vmem>> -> memref<50x64xf32, #tpu.memory_space<vmem>>
    %dma_start3A_506 = arith.constant 0 : i32
    %dma_start3A_507 = tpu.memref_slice %arg5[%dma_start3A_498, %dma_start3A_506] : memref<128x50xi32, #tpu.memory_space<vmem>> -> memref<1x50xi32, #tpu.memory_space<vmem>>
    %dma_start3A_508 = tpu.memref_squeeze %dma_start3A_507 : memref<1x50xi32, #tpu.memory_space<vmem>> -> memref<50xi32, #tpu.memory_space<vmem>>
    %dma_start3A_509 = arith.constant 0 : i32
    %dma_start3A_510 = arith.constant 0 : i32
    %dma_start3A_511 = tpu.memref_slice %arg2[%dma_start3A_509, %dma_start3A_510] : memref<100000x64xf32, #tpu.memory_space<hbm>> -> memref<100000x64xf32, #tpu.memory_space<hbm>>
    %dma_start3A_512 = tpu.memref_slice %arg7[%dma_start3A_501] : memref<4x!tpu.dma_semaphore, #tpu.memory_space<semaphore_mem>> -> memref<1x!tpu.dma_semaphore, #tpu.memory_space<semaphore_mem>>
    %dma_start3A_513 = tpu.memref_squeeze %dma_start3A_512 : memref<1x!tpu.dma_semaphore, #tpu.memory_space<semaphore_mem>> -> memref<!tpu.dma_semaphore, #tpu.memory_space<semaphore_mem>>
    tpu.enqueue_indirect_dma source(%dma_start3A_511 : memref<100000x64xf32, #tpu.memory_space<hbm>>) target(%dma_start3A_505 : memref<50x64xf32, #tpu.memory_space<vmem>>) offsets(%dma_start3A_508 : memref<50xi32, #tpu.memory_space<vmem>>) semaphore(%dma_start3A_513 : memref<!tpu.dma_semaphore, #tpu.memory_space<semaphore_mem>>)
    %scan3A = arith.constant 0 : i32
    %scan3A_514 = arith.constant 0 : i32
    %scan3A_515 = arith.constant 3 : i32
    %scan3A_516 = arith.addi %scan3A_514, %scan3A_515 : i32
    %scan3A_517 = arith.constant 1 : i32
    scf.for %scan3A_1198 = %scan3A_514 to %scan3A_516 step %scan3A_517  : i32 {
      %mul3A_1199 = arith.constant 4 : i32
      %mul3A_1200 = arith.muli %scan3A_1198, %mul3A_1199 : i32
      %dma_wait3A_1201 = arith.constant 0 : i32
      %dma_wait3A_1202 = arith.constant 0 : i32
      %dma_wait3A_1203 = arith.constant 0 : i32
      %dma_wait3A_1204 = arith.constant 0 : i32
      %dma_wait3A_1205 = arith.constant 0 : i32
      %dma_wait3A_1206 = arith.constant 0 : i32
      %dma_wait3A_1207 = tpu.memref_slice %arg6[%dma_wait3A_1202, %dma_wait3A_1203, %dma_wait3A_1205, %dma_wait3A_1206] : memref<4x8x50x64xf32, #tpu.memory_space<vmem>> -> memref<1x1x50x64xf32, #tpu.memory_space<vmem>>
      %dma_wait3A_1208 = tpu.memref_squeeze %dma_wait3A_1207 : memref<1x1x50x64xf32, #tpu.memory_space<vmem>> -> memref<50x64xf32, #tpu.memory_space<vmem>>
      %dma_wait3A_1209 = arith.constant 0 : i32
      %dma_wait3A_1210 = tpu.memref_slice %arg5[%dma_wait3A_1201, %dma_wait3A_1209] : memref<128x50xi32, #tpu.memory_space<vmem>> -> memref<1x50xi32, #tpu.memory_space<vmem>>
      %dma_wait3A_1211 = tpu.memref_squeeze %dma_wait3A_1210 : memref<1x50xi32, #tpu.memory_space<vmem>> -> memref<50xi32, #tpu.memory_space<vmem>>
      %dma_wait3A_1212 = arith.constant 0 : i32
      %dma_wait3A_1213 = arith.constant 0 : i32
      %dma_wait3A_1214 = tpu.memref_slice %arg2[%dma_wait3A_1212, %dma_wait3A_1213] : memref<100000x64xf32, #tpu.memory_space<hbm>> -> memref<100000x64xf32, #tpu.memory_space<hbm>>
      %dma_wait3A_1215 = tpu.memref_slice %arg7[%dma_wait3A_1204] : memref<4x!tpu.dma_semaphore, #tpu.memory_space<semaphore_mem>> -> memref<1x!tpu.dma_semaphore, #tpu.memory_space<semaphore_mem>>
      %dma_wait3A_1216 = tpu.memref_squeeze %dma_wait3A_1215 : memref<1x!tpu.dma_semaphore, #tpu.memory_space<semaphore_mem>> -> memref<!tpu.dma_semaphore, #tpu.memory_space<semaphore_mem>>
      tpu.wait_indirect_dma semaphore(%dma_wait3A_1216 : memref<!tpu.dma_semaphore, #tpu.memory_space<semaphore_mem>>) src(%dma_wait3A_1214 : memref<100000x64xf32, #tpu.memory_space<hbm>>) dst(%dma_wait3A_1208 : memref<50x64xf32, #tpu.memory_space<vmem>>)
      %dma_wait3A_1217 = arith.constant 0 : i32
      %dma_wait3A_1218 = arith.constant 0 : i32
      %dma_wait3A_1219 = arith.constant 1 : i32
      %dma_wait3A_1220 = arith.constant 0 : i32
      %dma_wait3A_1221 = arith.constant 0 : i32
      %dma_wait3A_1222 = arith.constant 0 : i32
      %dma_wait3A_1223 = tpu.memref_slice %arg6[%dma_wait3A_1218, %dma_wait3A_1219, %dma_wait3A_1221, %dma_wait3A_1222] : memref<4x8x50x64xf32, #tpu.memory_space<vmem>> -> memref<1x1x50x64xf32, #tpu.memory_space<vmem>>
      %dma_wait3A_1224 = tpu.memref_squeeze %dma_wait3A_1223 : memref<1x1x50x64xf32, #tpu.memory_space<vmem>> -> memref<50x64xf32, #tpu.memory_space<vmem>>
      %dma_wait3A_1225 = arith.constant 0 : i32
      %dma_wait3A_1226 = tpu.memref_slice %arg5[%dma_wait3A_1217, %dma_wait3A_1225] : memref<128x50xi32, #tpu.memory_space<vmem>> -> memref<1x50xi32, #tpu.memory_space<vmem>>
      %dma_wait3A_1227 = tpu.memref_squeeze %dma_wait3A_1226 : memref<1x50xi32, #tpu.memory_space<vmem>> -> memref<50xi32, #tpu.memory_space<vmem>>
      %dma_wait3A_1228 = arith.constant 0 : i32
      %dma_wait3A_1229 = arith.constant 0 : i32
      %dma_wait3A_1230 = tpu.memref_slice %arg2[%dma_wait3A_1228, %dma_wait3A_1229] : memref<100000x64xf32, #tpu.memory_space<hbm>> -> memref<100000x64xf32, #tpu.memory_space<hbm>>
      %dma_wait3A_1231 = tpu.memref_slice %arg7[%dma_wait3A_1220] : memref<4x!tpu.dma_semaphore, #tpu.memory_space<semaphore_mem>> -> memref<1x!tpu.dma_semaphore, #tpu.memory_space<semaphore_mem>>
      %dma_wait3A_1232 = tpu.memref_squeeze %dma_wait3A_1231 : memref<1x!tpu.dma_semaphore, #tpu.memory_space<semaphore_mem>> -> memref<!tpu.dma_semaphore, #tpu.memory_space<semaphore_mem>>
      tpu.wait_indirect_dma semaphore(%dma_wait3A_1232 : memref<!tpu.dma_semaphore, #tpu.memory_space<semaphore_mem>>) src(%dma_wait3A_1230 : memref<100000x64xf32, #tpu.memory_space<hbm>>) dst(%dma_wait3A_1224 : memref<50x64xf32, #tpu.memory_space<vmem>>)
      %dma_wait3A_1233 = arith.constant 0 : i32
      %dma_wait3A_1234 = arith.constant 0 : i32
      %dma_wait3A_1235 = arith.constant 2 : i32
      %dma_wait3A_1236 = arith.constant 0 : i32
      %dma_wait3A_1237 = arith.constant 0 : i32
      %dma_wait3A_1238 = arith.constant 0 : i32
      %dma_wait3A_1239 = tpu.memref_slice %arg6[%dma_wait3A_1234, %dma_wait3A_1235, %dma_wait3A_1237, %dma_wait3A_1238] : memref<4x8x50x64xf32, #tpu.memory_space<vmem>> -> memref<1x1x50x64xf32, #tpu.memory_space<vmem>>
      %dma_wait3A_1240 = tpu.memref_squeeze %dma_wait3A_1239 : memref<1x1x50x64xf32, #tpu.memory_space<vmem>> -> memref<50x64xf32, #tpu.memory_space<vmem>>
      %dma_wait3A_1241 = arith.constant 0 : i32
      %dma_wait3A_1242 = tpu.memref_slice %arg5[%dma_wait3A_1233, %dma_wait3A_1241] : memref<128x50xi32, #tpu.memory_space<vmem>> -> memref<1x50xi32, #tpu.memory_space<vmem>>
      %dma_wait3A_1243 = tpu.memref_squeeze %dma_wait3A_1242 : memref<1x50xi32, #tpu.memory_space<vmem>> -> memref<50xi32, #tpu.memory_space<vmem>>
      %dma_wait3A_1244 = arith.constant 0 : i32
      %dma_wait3A_1245 = arith.constant 0 : i32
      %dma_wait3A_1246 = tpu.memref_slice %arg2[%dma_wait3A_1244, %dma_wait3A_1245] : memref<100000x64xf32, #tpu.memory_space<hbm>> -> memref<100000x64xf32, #tpu.memory_space<hbm>>
      %dma_wait3A_1247 = tpu.memref_slice %arg7[%dma_wait3A_1236] : memref<4x!tpu.dma_semaphore, #tpu.memory_space<semaphore_mem>> -> memref<1x!tpu.dma_semaphore, #tpu.memory_space<semaphore_mem>>
      %dma_wait3A_1248 = tpu.memref_squeeze %dma_wait3A_1247 : memref<1x!tpu.dma_semaphore, #tpu.memory_space<semaphore_mem>> -> memref<!tpu.dma_semaphore, #tpu.memory_space<semaphore_mem>>
      tpu.wait_indirect_dma semaphore(%dma_wait3A_1248 : memref<!tpu.dma_semaphore, #tpu.memory_space<semaphore_mem>>) src(%dma_wait3A_1246 : memref<100000x64xf32, #tpu.memory_space<hbm>>) dst(%dma_wait3A_1240 : memref<50x64xf32, #tpu.memory_space<vmem>>)
      %dma_wait3A_1249 = arith.constant 0 : i32
      %dma_wait3A_1250 = arith.constant 0 : i32
      %dma_wait3A_1251 = arith.constant 3 : i32
      %dma_wait3A_1252 = arith.constant 0 : i32
      %dma_wait3A_1253 = arith.constant 0 : i32
      %dma_wait3A_1254 = arith.constant 0 : i32
      %dma_wait3A_1255 = tpu.memref_slice %arg6[%dma_wait3A_1250, %dma_wait3A_1251, %dma_wait3A_1253, %dma_wait3A_1254] : memref<4x8x50x64xf32, #tpu.memory_space<vmem>> -> memref<1x1x50x64xf32, #tpu.memory_space<vmem>>
      %dma_wait3A_1256 = tpu.memref_squeeze %dma_wait3A_1255 : memref<1x1x50x64xf32, #tpu.memory_space<vmem>> -> memref<50x64xf32, #tpu.memory_space<vmem>>
      %dma_wait3A_1257 = arith.constant 0 : i32
      %dma_wait3A_1258 = tpu.memref_slice %arg5[%dma_wait3A_1249, %dma_wait3A_1257] : memref<128x50xi32, #tpu.memory_space<vmem>> -> memref<1x50xi32, #tpu.memory_space<vmem>>
      %dma_wait3A_1259 = tpu.memref_squeeze %dma_wait3A_1258 : memref<1x50xi32, #tpu.memory_space<vmem>> -> memref<50xi32, #tpu.memory_space<vmem>>
      %dma_wait3A_1260 = arith.constant 0 : i32
      %dma_wait3A_1261 = arith.constant 0 : i32
      %dma_wait3A_1262 = tpu.memref_slice %arg2[%dma_wait3A_1260, %dma_wait3A_1261] : memref<100000x64xf32, #tpu.memory_space<hbm>> -> memref<100000x64xf32, #tpu.memory_space<hbm>>
      %dma_wait3A_1263 = tpu.memref_slice %arg7[%dma_wait3A_1252] : memref<4x!tpu.dma_semaphore, #tpu.memory_space<semaphore_mem>> -> memref<1x!tpu.dma_semaphore, #tpu.memory_space<semaphore_mem>>
      %dma_wait3A_1264 = tpu.memref_squeeze %dma_wait3A_1263 : memref<1x!tpu.dma_semaphore, #tpu.memory_space<semaphore_mem>> -> memref<!tpu.dma_semaphore, #tpu.memory_space<semaphore_mem>>
      tpu.wait_indirect_dma semaphore(%dma_wait3A_1264 : memref<!tpu.dma_semaphore, #tpu.memory_space<semaphore_mem>>) src(%dma_wait3A_1262 : memref<100000x64xf32, #tpu.memory_space<hbm>>) dst(%dma_wait3A_1256 : memref<50x64xf32, #tpu.memory_space<vmem>>)
      %dma_wait3A_1265 = arith.constant 0 : i32
      %dma_wait3A_1266 = arith.constant 0 : i32
      %dma_wait3A_1267 = arith.constant 4 : i32
      %dma_wait3A_1268 = arith.constant 0 : i32
      %dma_wait3A_1269 = arith.constant 0 : i32
      %dma_wait3A_1270 = arith.constant 0 : i32
      %dma_wait3A_1271 = tpu.memref_slice %arg6[%dma_wait3A_1266, %dma_wait3A_1267, %dma_wait3A_1269, %dma_wait3A_1270] : memref<4x8x50x64xf32, #tpu.memory_space<vmem>> -> memref<1x1x50x64xf32, #tpu.memory_space<vmem>>
      %dma_wait3A_1272 = tpu.memref_squeeze %dma_wait3A_1271 : memref<1x1x50x64xf32, #tpu.memory_space<vmem>> -> memref<50x64xf32, #tpu.memory_space<vmem>>
      %dma_wait3A_1273 = arith.constant 0 : i32
      %dma_wait3A_1274 = tpu.memref_slice %arg5[%dma_wait3A_1265, %dma_wait3A_1273] : memref<128x50xi32, #tpu.memory_space<vmem>> -> memref<1x50xi32, #tpu.memory_space<vmem>>
      %dma_wait3A_1275 = tpu.memref_squeeze %dma_wait3A_1274 : memref<1x50xi32, #tpu.memory_space<vmem>> -> memref<50xi32, #tpu.memory_space<vmem>>
      %dma_wait3A_1276 = arith.constant 0 : i32
      %dma_wait3A_1277 = arith.constant 0 : i32
      %dma_wait3A_1278 = tpu.memref_slice %arg2[%dma_wait3A_1276, %dma_wait3A_1277] : memref<100000x64xf32, #tpu.memory_space<hbm>> -> memref<100000x64xf32, #tpu.memory_space<hbm>>
      %dma_wait3A_1279 = tpu.memref_slice %arg7[%dma_wait3A_1268] : memref<4x!tpu.dma_semaphore, #tpu.memory_space<semaphore_mem>> -> memref<1x!tpu.dma_semaphore, #tpu.memory_space<semaphore_mem>>
      %dma_wait3A_1280 = tpu.memref_squeeze %dma_wait3A_1279 : memref<1x!tpu.dma_semaphore, #tpu.memory_space<semaphore_mem>> -> memref<!tpu.dma_semaphore, #tpu.memory_space<semaphore_mem>>
      tpu.wait_indirect_dma semaphore(%dma_wait3A_1280 : memref<!tpu.dma_semaphore, #tpu.memory_space<semaphore_mem>>) src(%dma_wait3A_1278 : memref<100000x64xf32, #tpu.memory_space<hbm>>) dst(%dma_wait3A_1272 : memref<50x64xf32, #tpu.memory_space<vmem>>)
      %dma_wait3A_1281 = arith.constant 0 : i32
      %dma_wait3A_1282 = arith.constant 0 : i32
      %dma_wait3A_1283 = arith.constant 5 : i32
      %dma_wait3A_1284 = arith.constant 0 : i32
      %dma_wait3A_1285 = arith.constant 0 : i32
      %dma_wait3A_1286 = arith.constant 0 : i32
      %dma_wait3A_1287 = tpu.memref_slice %arg6[%dma_wait3A_1282, %dma_wait3A_1283, %dma_wait3A_1285, %dma_wait3A_1286] : memref<4x8x50x64xf32, #tpu.memory_space<vmem>> -> memref<1x1x50x64xf32, #tpu.memory_space<vmem>>
      %dma_wait3A_1288 = tpu.memref_squeeze %dma_wait3A_1287 : memref<1x1x50x64xf32, #tpu.memory_space<vmem>> -> memref<50x64xf32, #tpu.memory_space<vmem>>
      %dma_wait3A_1289 = arith.constant 0 : i32
      %dma_wait3A_1290 = tpu.memref_slice %arg5[%dma_wait3A_1281, %dma_wait3A_1289] : memref<128x50xi32, #tpu.memory_space<vmem>> -> memref<1x50xi32, #tpu.memory_space<vmem>>
      %dma_wait3A_1291 = tpu.memref_squeeze %dma_wait3A_1290 : memref<1x50xi32, #tpu.memory_space<vmem>> -> memref<50xi32, #tpu.memory_space<vmem>>
      %dma_wait3A_1292 = arith.constant 0 : i32
      %dma_wait3A_1293 = arith.constant 0 : i32
      %dma_wait3A_1294 = tpu.memref_slice %arg2[%dma_wait3A_1292, %dma_wait3A_1293] : memref<100000x64xf32, #tpu.memory_space<hbm>> -> memref<100000x64xf32, #tpu.memory_space<hbm>>
      %dma_wait3A_1295 = tpu.memref_slice %arg7[%dma_wait3A_1284] : memref<4x!tpu.dma_semaphore, #tpu.memory_space<semaphore_mem>> -> memref<1x!tpu.dma_semaphore, #tpu.memory_space<semaphore_mem>>
      %dma_wait3A_1296 = tpu.memref_squeeze %dma_wait3A_1295 : memref<1x!tpu.dma_semaphore, #tpu.memory_space<semaphore_mem>> -> memref<!tpu.dma_semaphore, #tpu.memory_space<semaphore_mem>>
      tpu.wait_indirect_dma semaphore(%dma_wait3A_1296 : memref<!tpu.dma_semaphore, #tpu.memory_space<semaphore_mem>>) src(%dma_wait3A_1294 : memref<100000x64xf32, #tpu.memory_space<hbm>>) dst(%dma_wait3A_1288 : memref<50x64xf32, #tpu.memory_space<vmem>>)
      %dma_wait3A_1297 = arith.constant 0 : i32
      %dma_wait3A_1298 = arith.constant 0 : i32
      %dma_wait3A_1299 = arith.constant 6 : i32
      %dma_wait3A_1300 = arith.constant 0 : i32
      %dma_wait3A_1301 = arith.constant 0 : i32
      %dma_wait3A_1302 = arith.constant 0 : i32
      %dma_wait3A_1303 = tpu.memref_slice %arg6[%dma_wait3A_1298, %dma_wait3A_1299, %dma_wait3A_1301, %dma_wait3A_1302] : memref<4x8x50x64xf32, #tpu.memory_space<vmem>> -> memref<1x1x50x64xf32, #tpu.memory_space<vmem>>
      %dma_wait3A_1304 = tpu.memref_squeeze %dma_wait3A_1303 : memref<1x1x50x64xf32, #tpu.memory_space<vmem>> -> memref<50x64xf32, #tpu.memory_space<vmem>>
      %dma_wait3A_1305 = arith.constant 0 : i32
      %dma_wait3A_1306 = tpu.memref_slice %arg5[%dma_wait3A_1297, %dma_wait3A_1305] : memref<128x50xi32, #tpu.memory_space<vmem>> -> memref<1x50xi32, #tpu.memory_space<vmem>>
      %dma_wait3A_1307 = tpu.memref_squeeze %dma_wait3A_1306 : memref<1x50xi32, #tpu.memory_space<vmem>> -> memref<50xi32, #tpu.memory_space<vmem>>
      %dma_wait3A_1308 = arith.constant 0 : i32
      %dma_wait3A_1309 = arith.constant 0 : i32
      %dma_wait3A_1310 = tpu.memref_slice %arg2[%dma_wait3A_1308, %dma_wait3A_1309] : memref<100000x64xf32, #tpu.memory_space<hbm>> -> memref<100000x64xf32, #tpu.memory_space<hbm>>
      %dma_wait3A_1311 = tpu.memref_slice %arg7[%dma_wait3A_1300] : memref<4x!tpu.dma_semaphore, #tpu.memory_space<semaphore_mem>> -> memref<1x!tpu.dma_semaphore, #tpu.memory_space<semaphore_mem>>
      %dma_wait3A_1312 = tpu.memref_squeeze %dma_wait3A_1311 : memref<1x!tpu.dma_semaphore, #tpu.memory_space<semaphore_mem>> -> memref<!tpu.dma_semaphore, #tpu.memory_space<semaphore_mem>>
      tpu.wait_indirect_dma semaphore(%dma_wait3A_1312 : memref<!tpu.dma_semaphore, #tpu.memory_space<semaphore_mem>>) src(%dma_wait3A_1310 : memref<100000x64xf32, #tpu.memory_space<hbm>>) dst(%dma_wait3A_1304 : memref<50x64xf32, #tpu.memory_space<vmem>>)
      %dma_wait3A_1313 = arith.constant 0 : i32
      %dma_wait3A_1314 = arith.constant 0 : i32
      %dma_wait3A_1315 = arith.constant 7 : i32
      %dma_wait3A_1316 = arith.constant 0 : i32
      %dma_wait3A_1317 = arith.constant 0 : i32
      %dma_wait3A_1318 = arith.constant 0 : i32
      %dma_wait3A_1319 = tpu.memref_slice %arg6[%dma_wait3A_1314, %dma_wait3A_1315, %dma_wait3A_1317, %dma_wait3A_1318] : memref<4x8x50x64xf32, #tpu.memory_space<vmem>> -> memref<1x1x50x64xf32, #tpu.memory_space<vmem>>
      %dma_wait3A_1320 = tpu.memref_squeeze %dma_wait3A_1319 : memref<1x1x50x64xf32, #tpu.memory_space<vmem>> -> memref<50x64xf32, #tpu.memory_space<vmem>>
      %dma_wait3A_1321 = arith.constant 0 : i32
      %dma_wait3A_1322 = tpu.memref_slice %arg5[%dma_wait3A_1313, %dma_wait3A_1321] : memref<128x50xi32, #tpu.memory_space<vmem>> -> memref<1x50xi32, #tpu.memory_space<vmem>>
      %dma_wait3A_1323 = tpu.memref_squeeze %dma_wait3A_1322 : memref<1x50xi32, #tpu.memory_space<vmem>> -> memref<50xi32, #tpu.memory_space<vmem>>
      %dma_wait3A_1324 = arith.constant 0 : i32
      %dma_wait3A_1325 = arith.constant 0 : i32
      %dma_wait3A_1326 = tpu.memref_slice %arg2[%dma_wait3A_1324, %dma_wait3A_1325] : memref<100000x64xf32, #tpu.memory_space<hbm>> -> memref<100000x64xf32, #tpu.memory_space<hbm>>
      %dma_wait3A_1327 = tpu.memref_slice %arg7[%dma_wait3A_1316] : memref<4x!tpu.dma_semaphore, #tpu.memory_space<semaphore_mem>> -> memref<1x!tpu.dma_semaphore, #tpu.memory_space<semaphore_mem>>
      %dma_wait3A_1328 = tpu.memref_squeeze %dma_wait3A_1327 : memref<1x!tpu.dma_semaphore, #tpu.memory_space<semaphore_mem>> -> memref<!tpu.dma_semaphore, #tpu.memory_space<semaphore_mem>>
      tpu.wait_indirect_dma semaphore(%dma_wait3A_1328 : memref<!tpu.dma_semaphore, #tpu.memory_space<semaphore_mem>>) src(%dma_wait3A_1326 : memref<100000x64xf32, #tpu.memory_space<hbm>>) dst(%dma_wait3A_1320 : memref<50x64xf32, #tpu.memory_space<vmem>>)
      %add3A_1329 = arith.constant 0 : i32
      %add3A_1330 = arith.addi %mul3A_1200, %add3A_1329 : i32
      %mul3A_1331 = arith.constant 8 : i32
      %mul3A_1332 = arith.muli %add3A_1330, %mul3A_1331 : i32
      %add3A_1333 = arith.addi %mul3A_2, %mul3A_1332 : i32
      %dma_start3A_1334 = arith.constant 0 : i32
      %dma_start3A_1335 = arith.constant 0 : i32
      %dma_start3A_1336 = arith.constant 0 : i32
      %dma_start3A_1337 = arith.constant 0 : i32
      %dma_start3A_1338 = arith.constant 0 : i32
      %dma_start3A_1339 = tpu.memref_slice %arg6[%dma_start3A_1334, %dma_start3A_1336, %dma_start3A_1337, %dma_start3A_1338] : memref<4x8x50x64xf32, #tpu.memory_space<vmem>> -> memref<1x8x50x64xf32, #tpu.memory_space<vmem>>
      %dma_start3A_1340 = tpu.memref_squeeze %dma_start3A_1339 : memref<1x8x50x64xf32, #tpu.memory_space<vmem>> -> memref<8x50x64xf32, #tpu.memory_space<vmem>>
      %dma_start3A_1341 = arith.constant 0 : i32
      %dma_start3A_1342 = arith.constant 0 : i32
      %dma_start3A_1343 = tpu.memref_slice %arg4[%add3A_1333, %dma_start3A_1341, %dma_start3A_1342] : memref<4096x56x128xf32, #tpu.memory_space<hbm>> -> memref<8x50x64xf32, #tpu.memory_space<hbm>>
      %dma_start3A_1344 = tpu.memref_slice %arg8[%dma_start3A_1335] : memref<4x!tpu.dma_semaphore, #tpu.memory_space<semaphore_mem>> -> memref<1x!tpu.dma_semaphore, #tpu.memory_space<semaphore_mem>>
      %dma_start3A_1345 = tpu.memref_squeeze %dma_start3A_1344 : memref<1x!tpu.dma_semaphore, #tpu.memory_space<semaphore_mem>> -> memref<!tpu.dma_semaphore, #tpu.memory_space<semaphore_mem>>
      %dma_start3A_1346 = arith.constant 0 : i32
      %dma_start3A_1347 = arith.constant 0 : i32
      %dma_start3A_1348 = tpu.memref_slice %arg4[%add3A_1333, %dma_start3A_1346, %dma_start3A_1347] : memref<4096x56x128xf32, #tpu.memory_space<hbm>> -> memref<8x50x64xf32, #tpu.memory_space<hbm>>
      %dma_start3A_1349 = arith.constant 0 : i32
      %dma_start3A_1350 = arith.constant 0 : i32
      %dma_start3A_1351 = arith.constant 0 : i32
      %dma_start3A_1352 = tpu.memref_slice %arg6[%dma_start3A_1334, %dma_start3A_1349, %dma_start3A_1350, %dma_start3A_1351] : memref<4x8x50x64xf32, #tpu.memory_space<vmem>> -> memref<1x8x50x64xf32, #tpu.memory_space<vmem>>
      %dma_start3A_1353 = tpu.memref_squeeze %dma_start3A_1352 : memref<1x8x50x64xf32, #tpu.memory_space<vmem>> -> memref<8x50x64xf32, #tpu.memory_space<vmem>>
      tpu.enqueue_dma source(%dma_start3A_1353 : memref<8x50x64xf32, #tpu.memory_space<vmem>>) target(%dma_start3A_1348 : memref<8x50x64xf32, #tpu.memory_space<hbm>>) target_semaphore(%dma_start3A_1345 : memref<!tpu.dma_semaphore, #tpu.memory_space<semaphore_mem>>)
      %dma_wait3A_1354 = arith.constant 0 : i32
      %dma_wait3A_1355 = arith.constant 1 : i32
      %dma_wait3A_1356 = arith.constant 0 : i32
      %dma_wait3A_1357 = arith.constant 1 : i32
      %dma_wait3A_1358 = arith.constant 0 : i32
      %dma_wait3A_1359 = arith.constant 0 : i32
      %dma_wait3A_1360 = tpu.memref_slice %arg6[%dma_wait3A_1355, %dma_wait3A_1356, %dma_wait3A_1358, %dma_wait3A_1359] : memref<4x8x50x64xf32, #tpu.memory_space<vmem>> -> memref<1x1x50x64xf32, #tpu.memory_space<vmem>>
      %dma_wait3A_1361 = tpu.memref_squeeze %dma_wait3A_1360 : memref<1x1x50x64xf32, #tpu.memory_space<vmem>> -> memref<50x64xf32, #tpu.memory_space<vmem>>
      %dma_wait3A_1362 = arith.constant 0 : i32
      %dma_wait3A_1363 = tpu.memref_slice %arg5[%dma_wait3A_1354, %dma_wait3A_1362] : memref<128x50xi32, #tpu.memory_space<vmem>> -> memref<1x50xi32, #tpu.memory_space<vmem>>
      %dma_wait3A_1364 = tpu.memref_squeeze %dma_wait3A_1363 : memref<1x50xi32, #tpu.memory_space<vmem>> -> memref<50xi32, #tpu.memory_space<vmem>>
      %dma_wait3A_1365 = arith.constant 0 : i32
      %dma_wait3A_1366 = arith.constant 0 : i32
      %dma_wait3A_1367 = tpu.memref_slice %arg2[%dma_wait3A_1365, %dma_wait3A_1366] : memref<100000x64xf32, #tpu.memory_space<hbm>> -> memref<100000x64xf32, #tpu.memory_space<hbm>>
      %dma_wait3A_1368 = tpu.memref_slice %arg7[%dma_wait3A_1357] : memref<4x!tpu.dma_semaphore, #tpu.memory_space<semaphore_mem>> -> memref<1x!tpu.dma_semaphore, #tpu.memory_space<semaphore_mem>>
      %dma_wait3A_1369 = tpu.memref_squeeze %dma_wait3A_1368 : memref<1x!tpu.dma_semaphore, #tpu.memory_space<semaphore_mem>> -> memref<!tpu.dma_semaphore, #tpu.memory_space<semaphore_mem>>
      tpu.wait_indirect_dma semaphore(%dma_wait3A_1369 : memref<!tpu.dma_semaphore, #tpu.memory_space<semaphore_mem>>) src(%dma_wait3A_1367 : memref<100000x64xf32, #tpu.memory_space<hbm>>) dst(%dma_wait3A_1361 : memref<50x64xf32, #tpu.memory_space<vmem>>)
      %dma_wait3A_1370 = arith.constant 0 : i32
      %dma_wait3A_1371 = arith.constant 1 : i32
      %dma_wait3A_1372 = arith.constant 1 : i32
      %dma_wait3A_1373 = arith.constant 1 : i32
      %dma_wait3A_1374 = arith.constant 0 : i32
      %dma_wait3A_1375 = arith.constant 0 : i32
      %dma_wait3A_1376 = tpu.memref_slice %arg6[%dma_wait3A_1371, %dma_wait3A_1372, %dma_wait3A_1374, %dma_wait3A_1375] : memref<4x8x50x64xf32, #tpu.memory_space<vmem>> -> memref<1x1x50x64xf32, #tpu.memory_space<vmem>>
      %dma_wait3A_1377 = tpu.memref_squeeze %dma_wait3A_1376 : memref<1x1x50x64xf32, #tpu.memory_space<vmem>> -> memref<50x64xf32, #tpu.memory_space<vmem>>
      %dma_wait3A_1378 = arith.constant 0 : i32
      %dma_wait3A_1379 = tpu.memref_slice %arg5[%dma_wait3A_1370, %dma_wait3A_1378] : memref<128x50xi32, #tpu.memory_space<vmem>> -> memref<1x50xi32, #tpu.memory_space<vmem>>
      %dma_wait3A_1380 = tpu.memref_squeeze %dma_wait3A_1379 : memref<1x50xi32, #tpu.memory_space<vmem>> -> memref<50xi32, #tpu.memory_space<vmem>>
      %dma_wait3A_1381 = arith.constant 0 : i32
      %dma_wait3A_1382 = arith.constant 0 : i32
      %dma_wait3A_1383 = tpu.memref_slice %arg2[%dma_wait3A_1381, %dma_wait3A_1382] : memref<100000x64xf32, #tpu.memory_space<hbm>> -> memref<100000x64xf32, #tpu.memory_space<hbm>>
      %dma_wait3A_1384 = tpu.memref_slice %arg7[%dma_wait3A_1373] : memref<4x!tpu.dma_semaphore, #tpu.memory_space<semaphore_mem>> -> memref<1x!tpu.dma_semaphore, #tpu.memory_space<semaphore_mem>>
      %dma_wait3A_1385 = tpu.memref_squeeze %dma_wait3A_1384 : memref<1x!tpu.dma_semaphore, #tpu.memory_space<semaphore_mem>> -> memref<!tpu.dma_semaphore, #tpu.memory_space<semaphore_mem>>
      tpu.wait_indirect_dma semaphore(%dma_wait3A_1385 : memref<!tpu.dma_semaphore, #tpu.memory_space<semaphore_mem>>) src(%dma_wait3A_1383 : memref<100000x64xf32, #tpu.memory_space<hbm>>) dst(%dma_wait3A_1377 : memref<50x64xf32, #tpu.memory_space<vmem>>)
      %dma_wait3A_1386 = arith.constant 0 : i32
      %dma_wait3A_1387 = arith.constant 1 : i32
      %dma_wait3A_1388 = arith.constant 2 : i32
      %dma_wait3A_1389 = arith.constant 1 : i32
      %dma_wait3A_1390 = arith.constant 0 : i32
      %dma_wait3A_1391 = arith.constant 0 : i32
      %dma_wait3A_1392 = tpu.memref_slice %arg6[%dma_wait3A_1387, %dma_wait3A_1388, %dma_wait3A_1390, %dma_wait3A_1391] : memref<4x8x50x64xf32, #tpu.memory_space<vmem>> -> memref<1x1x50x64xf32, #tpu.memory_space<vmem>>
      %dma_wait3A_1393 = tpu.memref_squeeze %dma_wait3A_1392 : memref<1x1x50x64xf32, #tpu.memory_space<vmem>> -> memref<50x64xf32, #tpu.memory_space<vmem>>
      %dma_wait3A_1394 = arith.constant 0 : i32
      %dma_wait3A_1395 = tpu.memref_slice %arg5[%dma_wait3A_1386, %dma_wait3A_1394] : memref<128x50xi32, #tpu.memory_space<vmem>> -> memref<1x50xi32, #tpu.memory_space<vmem>>
      %dma_wait3A_1396 = tpu.memref_squeeze %dma_wait3A_1395 : memref<1x50xi32, #tpu.memory_space<vmem>> -> memref<50xi32, #tpu.memory_space<vmem>>
      %dma_wait3A_1397 = arith.constant 0 : i32
      %dma_wait3A_1398 = arith.constant 0 : i32
      %dma_wait3A_1399 = tpu.memref_slice %arg2[%dma_wait3A_1397, %dma_wait3A_1398] : memref<100000x64xf32, #tpu.memory_space<hbm>> -> memref<100000x64xf32, #tpu.memory_space<hbm>>
      %dma_wait3A_1400 = tpu.memref_slice %arg7[%dma_wait3A_1389] : memref<4x!tpu.dma_semaphore, #tpu.memory_space<semaphore_mem>> -> memref<1x!tpu.dma_semaphore, #tpu.memory_space<semaphore_mem>>
      %dma_wait3A_1401 = tpu.memref_squeeze %dma_wait3A_1400 : memref<1x!tpu.dma_semaphore, #tpu.memory_space<semaphore_mem>> -> memref<!tpu.dma_semaphore, #tpu.memory_space<semaphore_mem>>
      tpu.wait_indirect_dma semaphore(%dma_wait3A_1401 : memref<!tpu.dma_semaphore, #tpu.memory_space<semaphore_mem>>) src(%dma_wait3A_1399 : memref<100000x64xf32, #tpu.memory_space<hbm>>) dst(%dma_wait3A_1393 : memref<50x64xf32, #tpu.memory_space<vmem>>)
      %dma_wait3A_1402 = arith.constant 0 : i32
      %dma_wait3A_1403 = arith.constant 1 : i32
      %dma_wait3A_1404 = arith.constant 3 : i32
      %dma_wait3A_1405 = arith.constant 1 : i32
      %dma_wait3A_1406 = arith.constant 0 : i32
      %dma_wait3A_1407 = arith.constant 0 : i32
      %dma_wait3A_1408 = tpu.memref_slice %arg6[%dma_wait3A_1403, %dma_wait3A_1404, %dma_wait3A_1406, %dma_wait3A_1407] : memref<4x8x50x64xf32, #tpu.memory_space<vmem>> -> memref<1x1x50x64xf32, #tpu.memory_space<vmem>>
      %dma_wait3A_1409 = tpu.memref_squeeze %dma_wait3A_1408 : memref<1x1x50x64xf32, #tpu.memory_space<vmem>> -> memref<50x64xf32, #tpu.memory_space<vmem>>
      %dma_wait3A_1410 = arith.constant 0 : i32
      %dma_wait3A_1411 = tpu.memref_slice %arg5[%dma_wait3A_1402, %dma_wait3A_1410] : memref<128x50xi32, #tpu.memory_space<vmem>> -> memref<1x50xi32, #tpu.memory_space<vmem>>
      %dma_wait3A_1412 = tpu.memref_squeeze %dma_wait3A_1411 : memref<1x50xi32, #tpu.memory_space<vmem>> -> memref<50xi32, #tpu.memory_space<vmem>>
      %dma_wait3A_1413 = arith.constant 0 : i32
      %dma_wait3A_1414 = arith.constant 0 : i32
      %dma_wait3A_1415 = tpu.memref_slice %arg2[%dma_wait3A_1413, %dma_wait3A_1414] : memref<100000x64xf32, #tpu.memory_space<hbm>> -> memref<100000x64xf32, #tpu.memory_space<hbm>>
      %dma_wait3A_1416 = tpu.memref_slice %arg7[%dma_wait3A_1405] : memref<4x!tpu.dma_semaphore, #tpu.memory_space<semaphore_mem>> -> memref<1x!tpu.dma_semaphore, #tpu.memory_space<semaphore_mem>>
      %dma_wait3A_1417 = tpu.memref_squeeze %dma_wait3A_1416 : memref<1x!tpu.dma_semaphore, #tpu.memory_space<semaphore_mem>> -> memref<!tpu.dma_semaphore, #tpu.memory_space<semaphore_mem>>
      tpu.wait_indirect_dma semaphore(%dma_wait3A_1417 : memref<!tpu.dma_semaphore, #tpu.memory_space<semaphore_mem>>) src(%dma_wait3A_1415 : memref<100000x64xf32, #tpu.memory_space<hbm>>) dst(%dma_wait3A_1409 : memref<50x64xf32, #tpu.memory_space<vmem>>)
      %dma_wait3A_1418 = arith.constant 0 : i32
      %dma_wait3A_1419 = arith.constant 1 : i32
      %dma_wait3A_1420 = arith.constant 4 : i32
      %dma_wait3A_1421 = arith.constant 1 : i32
      %dma_wait3A_1422 = arith.constant 0 : i32
      %dma_wait3A_1423 = arith.constant 0 : i32
      %dma_wait3A_1424 = tpu.memref_slice %arg6[%dma_wait3A_1419, %dma_wait3A_1420, %dma_wait3A_1422, %dma_wait3A_1423] : memref<4x8x50x64xf32, #tpu.memory_space<vmem>> -> memref<1x1x50x64xf32, #tpu.memory_space<vmem>>
      %dma_wait3A_1425 = tpu.memref_squeeze %dma_wait3A_1424 : memref<1x1x50x64xf32, #tpu.memory_space<vmem>> -> memref<50x64xf32, #tpu.memory_space<vmem>>
      %dma_wait3A_1426 = arith.constant 0 : i32
      %dma_wait3A_1427 = tpu.memref_slice %arg5[%dma_wait3A_1418, %dma_wait3A_1426] : memref<128x50xi32, #tpu.memory_space<vmem>> -> memref<1x50xi32, #tpu.memory_space<vmem>>
      %dma_wait3A_1428 = tpu.memref_squeeze %dma_wait3A_1427 : memref<1x50xi32, #tpu.memory_space<vmem>> -> memref<50xi32, #tpu.memory_space<vmem>>
      %dma_wait3A_1429 = arith.constant 0 : i32
      %dma_wait3A_1430 = arith.constant 0 : i32
      %dma_wait3A_1431 = tpu.memref_slice %arg2[%dma_wait3A_1429, %dma_wait3A_1430] : memref<100000x64xf32, #tpu.memory_space<hbm>> -> memref<100000x64xf32, #tpu.memory_space<hbm>>
      %dma_wait3A_1432 = tpu.memref_slice %arg7[%dma_wait3A_1421] : memref<4x!tpu.dma_semaphore, #tpu.memory_space<semaphore_mem>> -> memref<1x!tpu.dma_semaphore, #tpu.memory_space<semaphore_mem>>
      %dma_wait3A_1433 = tpu.memref_squeeze %dma_wait3A_1432 : memref<1x!tpu.dma_semaphore, #tpu.memory_space<semaphore_mem>> -> memref<!tpu.dma_semaphore, #tpu.memory_space<semaphore_mem>>
      tpu.wait_indirect_dma semaphore(%dma_wait3A_1433 : memref<!tpu.dma_semaphore, #tpu.memory_space<semaphore_mem>>) src(%dma_wait3A_1431 : memref<100000x64xf32, #tpu.memory_space<hbm>>) dst(%dma_wait3A_1425 : memref<50x64xf32, #tpu.memory_space<vmem>>)
      %dma_wait3A_1434 = arith.constant 0 : i32
      %dma_wait3A_1435 = arith.constant 1 : i32
      %dma_wait3A_1436 = arith.constant 5 : i32
      %dma_wait3A_1437 = arith.constant 1 : i32
      %dma_wait3A_1438 = arith.constant 0 : i32
      %dma_wait3A_1439 = arith.constant 0 : i32
      %dma_wait3A_1440 = tpu.memref_slice %arg6[%dma_wait3A_1435, %dma_wait3A_1436, %dma_wait3A_1438, %dma_wait3A_1439] : memref<4x8x50x64xf32, #tpu.memory_space<vmem>> -> memref<1x1x50x64xf32, #tpu.memory_space<vmem>>
      %dma_wait3A_1441 = tpu.memref_squeeze %dma_wait3A_1440 : memref<1x1x50x64xf32, #tpu.memory_space<vmem>> -> memref<50x64xf32, #tpu.memory_space<vmem>>
      %dma_wait3A_1442 = arith.constant 0 : i32
      %dma_wait3A_1443 = tpu.memref_slice %arg5[%dma_wait3A_1434, %dma_wait3A_1442] : memref<128x50xi32, #tpu.memory_space<vmem>> -> memref<1x50xi32, #tpu.memory_space<vmem>>
      %dma_wait3A_1444 = tpu.memref_squeeze %dma_wait3A_1443 : memref<1x50xi32, #tpu.memory_space<vmem>> -> memref<50xi32, #tpu.memory_space<vmem>>
      %dma_wait3A_1445 = arith.constant 0 : i32
      %dma_wait3A_1446 = arith.constant 0 : i32
      %dma_wait3A_1447 = tpu.memref_slice %arg2[%dma_wait3A_1445, %dma_wait3A_1446] : memref<100000x64xf32, #tpu.memory_space<hbm>> -> memref<100000x64xf32, #tpu.memory_space<hbm>>
      %dma_wait3A_1448 = tpu.memref_slice %arg7[%dma_wait3A_1437] : memref<4x!tpu.dma_semaphore, #tpu.memory_space<semaphore_mem>> -> memref<1x!tpu.dma_semaphore, #tpu.memory_space<semaphore_mem>>
      %dma_wait3A_1449 = tpu.memref_squeeze %dma_wait3A_1448 : memref<1x!tpu.dma_semaphore, #tpu.memory_space<semaphore_mem>> -> memref<!tpu.dma_semaphore, #tpu.memory_space<semaphore_mem>>
      tpu.wait_indirect_dma semaphore(%dma_wait3A_1449 : memref<!tpu.dma_semaphore, #tpu.memory_space<semaphore_mem>>) src(%dma_wait3A_1447 : memref<100000x64xf32, #tpu.memory_space<hbm>>) dst(%dma_wait3A_1441 : memref<50x64xf32, #tpu.memory_space<vmem>>)
      %dma_wait3A_1450 = arith.constant 0 : i32
      %dma_wait3A_1451 = arith.constant 1 : i32
      %dma_wait3A_1452 = arith.constant 6 : i32
      %dma_wait3A_1453 = arith.constant 1 : i32
      %dma_wait3A_1454 = arith.constant 0 : i32
      %dma_wait3A_1455 = arith.constant 0 : i32
      %dma_wait3A_1456 = tpu.memref_slice %arg6[%dma_wait3A_1451, %dma_wait3A_1452, %dma_wait3A_1454, %dma_wait3A_1455] : memref<4x8x50x64xf32, #tpu.memory_space<vmem>> -> memref<1x1x50x64xf32, #tpu.memory_space<vmem>>
      %dma_wait3A_1457 = tpu.memref_squeeze %dma_wait3A_1456 : memref<1x1x50x64xf32, #tpu.memory_space<vmem>> -> memref<50x64xf32, #tpu.memory_space<vmem>>
      %dma_wait3A_1458 = arith.constant 0 : i32
      %dma_wait3A_1459 = tpu.memref_slice %arg5[%dma_wait3A_1450, %dma_wait3A_1458] : memref<128x50xi32, #tpu.memory_space<vmem>> -> memref<1x50xi32, #tpu.memory_space<vmem>>
      %dma_wait3A_1460 = tpu.memref_squeeze %dma_wait3A_1459 : memref<1x50xi32, #tpu.memory_space<vmem>> -> memref<50xi32, #tpu.memory_space<vmem>>
      %dma_wait3A_1461 = arith.constant 0 : i32
      %dma_wait3A_1462 = arith.constant 0 : i32
      %dma_wait3A_1463 = tpu.memref_slice %arg2[%dma_wait3A_1461, %dma_wait3A_1462] : memref<100000x64xf32, #tpu.memory_space<hbm>> -> memref<100000x64xf32, #tpu.memory_space<hbm>>
      %dma_wait3A_1464 = tpu.memref_slice %arg7[%dma_wait3A_1453] : memref<4x!tpu.dma_semaphore, #tpu.memory_space<semaphore_mem>> -> memref<1x!tpu.dma_semaphore, #tpu.memory_space<semaphore_mem>>
      %dma_wait3A_1465 = tpu.memref_squeeze %dma_wait3A_1464 : memref<1x!tpu.dma_semaphore, #tpu.memory_space<semaphore_mem>> -> memref<!tpu.dma_semaphore, #tpu.memory_space<semaphore_mem>>
      tpu.wait_indirect_dma semaphore(%dma_wait3A_1465 : memref<!tpu.dma_semaphore, #tpu.memory_space<semaphore_mem>>) src(%dma_wait3A_1463 : memref<100000x64xf32, #tpu.memory_space<hbm>>) dst(%dma_wait3A_1457 : memref<50x64xf32, #tpu.memory_space<vmem>>)
      %dma_wait3A_1466 = arith.constant 0 : i32
      %dma_wait3A_1467 = arith.constant 1 : i32
      %dma_wait3A_1468 = arith.constant 7 : i32
      %dma_wait3A_1469 = arith.constant 1 : i32
      %dma_wait3A_1470 = arith.constant 0 : i32
      %dma_wait3A_1471 = arith.constant 0 : i32
      %dma_wait3A_1472 = tpu.memref_slice %arg6[%dma_wait3A_1467, %dma_wait3A_1468, %dma_wait3A_1470, %dma_wait3A_1471] : memref<4x8x50x64xf32, #tpu.memory_space<vmem>> -> memref<1x1x50x64xf32, #tpu.memory_space<vmem>>
      %dma_wait3A_1473 = tpu.memref_squeeze %dma_wait3A_1472 : memref<1x1x50x64xf32, #tpu.memory_space<vmem>> -> memref<50x64xf32, #tpu.memory_space<vmem>>
      %dma_wait3A_1474 = arith.constant 0 : i32
      %dma_wait3A_1475 = tpu.memref_slice %arg5[%dma_wait3A_1466, %dma_wait3A_1474] : memref<128x50xi32, #tpu.memory_space<vmem>> -> memref<1x50xi32, #tpu.memory_space<vmem>>
      %dma_wait3A_1476 = tpu.memref_squeeze %dma_wait3A_1475 : memref<1x50xi32, #tpu.memory_space<vmem>> -> memref<50xi32, #tpu.memory_space<vmem>>
      %dma_wait3A_1477 = arith.constant 0 : i32
      %dma_wait3A_1478 = arith.constant 0 : i32
      %dma_wait3A_1479 = tpu.memref_slice %arg2[%dma_wait3A_1477, %dma_wait3A_1478] : memref<100000x64xf32, #tpu.memory_space<hbm>> -> memref<100000x64xf32, #tpu.memory_space<hbm>>
      %dma_wait3A_1480 = tpu.memref_slice %arg7[%dma_wait3A_1469] : memref<4x!tpu.dma_semaphore, #tpu.memory_space<semaphore_mem>> -> memref<1x!tpu.dma_semaphore, #tpu.memory_space<semaphore_mem>>
      %dma_wait3A_1481 = tpu.memref_squeeze %dma_wait3A_1480 : memref<1x!tpu.dma_semaphore, #tpu.memory_space<semaphore_mem>> -> memref<!tpu.dma_semaphore, #tpu.memory_space<semaphore_mem>>
      tpu.wait_indirect_dma semaphore(%dma_wait3A_1481 : memref<!tpu.dma_semaphore, #tpu.memory_space<semaphore_mem>>) src(%dma_wait3A_1479 : memref<100000x64xf32, #tpu.memory_space<hbm>>) dst(%dma_wait3A_1473 : memref<50x64xf32, #tpu.memory_space<vmem>>)
      %add3A_1482 = arith.constant 1 : i32
      %add3A_1483 = arith.addi %mul3A_1200, %add3A_1482 : i32
      %mul3A_1484 = arith.constant 8 : i32
      %mul3A_1485 = arith.muli %add3A_1483, %mul3A_1484 : i32
      %add3A_1486 = arith.addi %mul3A_2, %mul3A_1485 : i32
      %dma_start3A_1487 = arith.constant 1 : i32
      %dma_start3A_1488 = arith.constant 1 : i32
      %dma_start3A_1489 = arith.constant 0 : i32
      %dma_start3A_1490 = arith.constant 0 : i32
      %dma_start3A_1491 = arith.constant 0 : i32
      %dma_start3A_1492 = tpu.memref_slice %arg6[%dma_start3A_1487, %dma_start3A_1489, %dma_start3A_1490, %dma_start3A_1491] : memref<4x8x50x64xf32, #tpu.memory_space<vmem>> -> memref<1x8x50x64xf32, #tpu.memory_space<vmem>>
      %dma_start3A_1493 = tpu.memref_squeeze %dma_start3A_1492 : memref<1x8x50x64xf32, #tpu.memory_space<vmem>> -> memref<8x50x64xf32, #tpu.memory_space<vmem>>
      %dma_start3A_1494 = arith.constant 0 : i32
      %dma_start3A_1495 = arith.constant 0 : i32
      %dma_start3A_1496 = tpu.memref_slice %arg4[%add3A_1486, %dma_start3A_1494, %dma_start3A_1495] : memref<4096x56x128xf32, #tpu.memory_space<hbm>> -> memref<8x50x64xf32, #tpu.memory_space<hbm>>
      %dma_start3A_1497 = tpu.memref_slice %arg8[%dma_start3A_1488] : memref<4x!tpu.dma_semaphore, #tpu.memory_space<semaphore_mem>> -> memref<1x!tpu.dma_semaphore, #tpu.memory_space<semaphore_mem>>
      %dma_start3A_1498 = tpu.memref_squeeze %dma_start3A_1497 : memref<1x!tpu.dma_semaphore, #tpu.memory_space<semaphore_mem>> -> memref<!tpu.dma_semaphore, #tpu.memory_space<semaphore_mem>>
      %dma_start3A_1499 = arith.constant 0 : i32
      %dma_start3A_1500 = arith.constant 0 : i32
      %dma_start3A_1501 = tpu.memref_slice %arg4[%add3A_1486, %dma_start3A_1499, %dma_start3A_1500] : memref<4096x56x128xf32, #tpu.memory_space<hbm>> -> memref<8x50x64xf32, #tpu.memory_space<hbm>>
      %dma_start3A_1502 = arith.constant 0 : i32
      %dma_start3A_1503 = arith.constant 0 : i32
      %dma_start3A_1504 = arith.constant 0 : i32
      %dma_start3A_1505 = tpu.memref_slice %arg6[%dma_start3A_1487, %dma_start3A_1502, %dma_start3A_1503, %dma_start3A_1504] : memref<4x8x50x64xf32, #tpu.memory_space<vmem>> -> memref<1x8x50x64xf32, #tpu.memory_space<vmem>>
      %dma_start3A_1506 = tpu.memref_squeeze %dma_start3A_1505 : memref<1x8x50x64xf32, #tpu.memory_space<vmem>> -> memref<8x50x64xf32, #tpu.memory_space<vmem>>
      tpu.enqueue_dma source(%dma_start3A_1506 : memref<8x50x64xf32, #tpu.memory_space<vmem>>) target(%dma_start3A_1501 : memref<8x50x64xf32, #tpu.memory_space<hbm>>) target_semaphore(%dma_start3A_1498 : memref<!tpu.dma_semaphore, #tpu.memory_space<semaphore_mem>>)
      %dma_wait3A_1507 = arith.constant 0 : i32
      %dma_wait3A_1508 = arith.constant 2 : i32
      %dma_wait3A_1509 = arith.constant 0 : i32
      %dma_wait3A_1510 = arith.constant 2 : i32
      %dma_wait3A_1511 = arith.constant 0 : i32
      %dma_wait3A_1512 = arith.constant 0 : i32
      %dma_wait3A_1513 = tpu.memref_slice %arg6[%dma_wait3A_1508, %dma_wait3A_1509, %dma_wait3A_1511, %dma_wait3A_1512] : memref<4x8x50x64xf32, #tpu.memory_space<vmem>> -> memref<1x1x50x64xf32, #tpu.memory_space<vmem>>
      %dma_wait3A_1514 = tpu.memref_squeeze %dma_wait3A_1513 : memref<1x1x50x64xf32, #tpu.memory_space<vmem>> -> memref<50x64xf32, #tpu.memory_space<vmem>>
      %dma_wait3A_1515 = arith.constant 0 : i32
      %dma_wait3A_1516 = tpu.memref_slice %arg5[%dma_wait3A_1507, %dma_wait3A_1515] : memref<128x50xi32, #tpu.memory_space<vmem>> -> memref<1x50xi32, #tpu.memory_space<vmem>>
      %dma_wait3A_1517 = tpu.memref_squeeze %dma_wait3A_1516 : memref<1x50xi32, #tpu.memory_space<vmem>> -> memref<50xi32, #tpu.memory_space<vmem>>
      %dma_wait3A_1518 = arith.constant 0 : i32
      %dma_wait3A_1519 = arith.constant 0 : i32
      %dma_wait3A_1520 = tpu.memref_slice %arg2[%dma_wait3A_1518, %dma_wait3A_1519] : memref<100000x64xf32, #tpu.memory_space<hbm>> -> memref<100000x64xf32, #tpu.memory_space<hbm>>
      %dma_wait3A_1521 = tpu.memref_slice %arg7[%dma_wait3A_1510] : memref<4x!tpu.dma_semaphore, #tpu.memory_space<semaphore_mem>> -> memref<1x!tpu.dma_semaphore, #tpu.memory_space<semaphore_mem>>
      %dma_wait3A_1522 = tpu.memref_squeeze %dma_wait3A_1521 : memref<1x!tpu.dma_semaphore, #tpu.memory_space<semaphore_mem>> -> memref<!tpu.dma_semaphore, #tpu.memory_space<semaphore_mem>>
      tpu.wait_indirect_dma semaphore(%dma_wait3A_1522 : memref<!tpu.dma_semaphore, #tpu.memory_space<semaphore_mem>>) src(%dma_wait3A_1520 : memref<100000x64xf32, #tpu.memory_space<hbm>>) dst(%dma_wait3A_1514 : memref<50x64xf32, #tpu.memory_space<vmem>>)
      %dma_wait3A_1523 = arith.constant 0 : i32
      %dma_wait3A_1524 = arith.constant 2 : i32
      %dma_wait3A_1525 = arith.constant 1 : i32
      %dma_wait3A_1526 = arith.constant 2 : i32
      %dma_wait3A_1527 = arith.constant 0 : i32
      %dma_wait3A_1528 = arith.constant 0 : i32
      %dma_wait3A_1529 = tpu.memref_slice %arg6[%dma_wait3A_1524, %dma_wait3A_1525, %dma_wait3A_1527, %dma_wait3A_1528] : memref<4x8x50x64xf32, #tpu.memory_space<vmem>> -> memref<1x1x50x64xf32, #tpu.memory_space<vmem>>
      %dma_wait3A_1530 = tpu.memref_squeeze %dma_wait3A_1529 : memref<1x1x50x64xf32, #tpu.memory_space<vmem>> -> memref<50x64xf32, #tpu.memory_space<vmem>>
      %dma_wait3A_1531 = arith.constant 0 : i32
      %dma_wait3A_1532 = tpu.memref_slice %arg5[%dma_wait3A_1523, %dma_wait3A_1531] : memref<128x50xi32, #tpu.memory_space<vmem>> -> memref<1x50xi32, #tpu.memory_space<vmem>>
      %dma_wait3A_1533 = tpu.memref_squeeze %dma_wait3A_1532 : memref<1x50xi32, #tpu.memory_space<vmem>> -> memref<50xi32, #tpu.memory_space<vmem>>
      %dma_wait3A_1534 = arith.constant 0 : i32
      %dma_wait3A_1535 = arith.constant 0 : i32
      %dma_wait3A_1536 = tpu.memref_slice %arg2[%dma_wait3A_1534, %dma_wait3A_1535] : memref<100000x64xf32, #tpu.memory_space<hbm>> -> memref<100000x64xf32, #tpu.memory_space<hbm>>
      %dma_wait3A_1537 = tpu.memref_slice %arg7[%dma_wait3A_1526] : memref<4x!tpu.dma_semaphore, #tpu.memory_space<semaphore_mem>> -> memref<1x!tpu.dma_semaphore, #tpu.memory_space<semaphore_mem>>
      %dma_wait3A_1538 = tpu.memref_squeeze %dma_wait3A_1537 : memref<1x!tpu.dma_semaphore, #tpu.memory_space<semaphore_mem>> -> memref<!tpu.dma_semaphore, #tpu.memory_space<semaphore_mem>>
      tpu.wait_indirect_dma semaphore(%dma_wait3A_1538 : memref<!tpu.dma_semaphore, #tpu.memory_space<semaphore_mem>>) src(%dma_wait3A_1536 : memref<100000x64xf32, #tpu.memory_space<hbm>>) dst(%dma_wait3A_1530 : memref<50x64xf32, #tpu.memory_space<vmem>>)
      %dma_wait3A_1539 = arith.constant 0 : i32
      %dma_wait3A_1540 = arith.constant 2 : i32
      %dma_wait3A_1541 = arith.constant 2 : i32
      %dma_wait3A_1542 = arith.constant 2 : i32
      %dma_wait3A_1543 = arith.constant 0 : i32
      %dma_wait3A_1544 = arith.constant 0 : i32
      %dma_wait3A_1545 = tpu.memref_slice %arg6[%dma_wait3A_1540, %dma_wait3A_1541, %dma_wait3A_1543, %dma_wait3A_1544] : memref<4x8x50x64xf32, #tpu.memory_space<vmem>> -> memref<1x1x50x64xf32, #tpu.memory_space<vmem>>
      %dma_wait3A_1546 = tpu.memref_squeeze %dma_wait3A_1545 : memref<1x1x50x64xf32, #tpu.memory_space<vmem>> -> memref<50x64xf32, #tpu.memory_space<vmem>>
      %dma_wait3A_1547 = arith.constant 0 : i32
      %dma_wait3A_1548 = tpu.memref_slice %arg5[%dma_wait3A_1539, %dma_wait3A_1547] : memref<128x50xi32, #tpu.memory_space<vmem>> -> memref<1x50xi32, #tpu.memory_space<vmem>>
      %dma_wait3A_1549 = tpu.memref_squeeze %dma_wait3A_1548 : memref<1x50xi32, #tpu.memory_space<vmem>> -> memref<50xi32, #tpu.memory_space<vmem>>
      %dma_wait3A_1550 = arith.constant 0 : i32
      %dma_wait3A_1551 = arith.constant 0 : i32
      %dma_wait3A_1552 = tpu.memref_slice %arg2[%dma_wait3A_1550, %dma_wait3A_1551] : memref<100000x64xf32, #tpu.memory_space<hbm>> -> memref<100000x64xf32, #tpu.memory_space<hbm>>
      %dma_wait3A_1553 = tpu.memref_slice %arg7[%dma_wait3A_1542] : memref<4x!tpu.dma_semaphore, #tpu.memory_space<semaphore_mem>> -> memref<1x!tpu.dma_semaphore, #tpu.memory_space<semaphore_mem>>
      %dma_wait3A_1554 = tpu.memref_squeeze %dma_wait3A_1553 : memref<1x!tpu.dma_semaphore, #tpu.memory_space<semaphore_mem>> -> memref<!tpu.dma_semaphore, #tpu.memory_space<semaphore_mem>>
      tpu.wait_indirect_dma semaphore(%dma_wait3A_1554 : memref<!tpu.dma_semaphore, #tpu.memory_space<semaphore_mem>>) src(%dma_wait3A_1552 : memref<100000x64xf32, #tpu.memory_space<hbm>>) dst(%dma_wait3A_1546 : memref<50x64xf32, #tpu.memory_space<vmem>>)
      %dma_wait3A_1555 = arith.constant 0 : i32
      %dma_wait3A_1556 = arith.constant 2 : i32
      %dma_wait3A_1557 = arith.constant 3 : i32
      %dma_wait3A_1558 = arith.constant 2 : i32
      %dma_wait3A_1559 = arith.constant 0 : i32
      %dma_wait3A_1560 = arith.constant 0 : i32
      %dma_wait3A_1561 = tpu.memref_slice %arg6[%dma_wait3A_1556, %dma_wait3A_1557, %dma_wait3A_1559, %dma_wait3A_1560] : memref<4x8x50x64xf32, #tpu.memory_space<vmem>> -> memref<1x1x50x64xf32, #tpu.memory_space<vmem>>
      %dma_wait3A_1562 = tpu.memref_squeeze %dma_wait3A_1561 : memref<1x1x50x64xf32, #tpu.memory_space<vmem>> -> memref<50x64xf32, #tpu.memory_space<vmem>>
      %dma_wait3A_1563 = arith.constant 0 : i32
      %dma_wait3A_1564 = tpu.memref_slice %arg5[%dma_wait3A_1555, %dma_wait3A_1563] : memref<128x50xi32, #tpu.memory_space<vmem>> -> memref<1x50xi32, #tpu.memory_space<vmem>>
      %dma_wait3A_1565 = tpu.memref_squeeze %dma_wait3A_1564 : memref<1x50xi32, #tpu.memory_space<vmem>> -> memref<50xi32, #tpu.memory_space<vmem>>
      %dma_wait3A_1566 = arith.constant 0 : i32
      %dma_wait3A_1567 = arith.constant 0 : i32
      %dma_wait3A_1568 = tpu.memref_slice %arg2[%dma_wait3A_1566, %dma_wait3A_1567] : memref<100000x64xf32, #tpu.memory_space<hbm>> -> memref<100000x64xf32, #tpu.memory_space<hbm>>
      %dma_wait3A_1569 = tpu.memref_slice %arg7[%dma_wait3A_1558] : memref<4x!tpu.dma_semaphore, #tpu.memory_space<semaphore_mem>> -> memref<1x!tpu.dma_semaphore, #tpu.memory_space<semaphore_mem>>
      %dma_wait3A_1570 = tpu.memref_squeeze %dma_wait3A_1569 : memref<1x!tpu.dma_semaphore, #tpu.memory_space<semaphore_mem>> -> memref<!tpu.dma_semaphore, #tpu.memory_space<semaphore_mem>>
      tpu.wait_indirect_dma semaphore(%dma_wait3A_1570 : memref<!tpu.dma_semaphore, #tpu.memory_space<semaphore_mem>>) src(%dma_wait3A_1568 : memref<100000x64xf32, #tpu.memory_space<hbm>>) dst(%dma_wait3A_1562 : memref<50x64xf32, #tpu.memory_space<vmem>>)
      %dma_wait3A_1571 = arith.constant 0 : i32
      %dma_wait3A_1572 = arith.constant 2 : i32
      %dma_wait3A_1573 = arith.constant 4 : i32
      %dma_wait3A_1574 = arith.constant 2 : i32
      %dma_wait3A_1575 = arith.constant 0 : i32
      %dma_wait3A_1576 = arith.constant 0 : i32
      %dma_wait3A_1577 = tpu.memref_slice %arg6[%dma_wait3A_1572, %dma_wait3A_1573, %dma_wait3A_1575, %dma_wait3A_1576] : memref<4x8x50x64xf32, #tpu.memory_space<vmem>> -> memref<1x1x50x64xf32, #tpu.memory_space<vmem>>
      %dma_wait3A_1578 = tpu.memref_squeeze %dma_wait3A_1577 : memref<1x1x50x64xf32, #tpu.memory_space<vmem>> -> memref<50x64xf32, #tpu.memory_space<vmem>>
      %dma_wait3A_1579 = arith.constant 0 : i32
      %dma_wait3A_1580 = tpu.memref_slice %arg5[%dma_wait3A_1571, %dma_wait3A_1579] : memref<128x50xi32, #tpu.memory_space<vmem>> -> memref<1x50xi32, #tpu.memory_space<vmem>>
      %dma_wait3A_1581 = tpu.memref_squeeze %dma_wait3A_1580 : memref<1x50xi32, #tpu.memory_space<vmem>> -> memref<50xi32, #tpu.memory_space<vmem>>
      %dma_wait3A_1582 = arith.constant 0 : i32
      %dma_wait3A_1583 = arith.constant 0 : i32
      %dma_wait3A_1584 = tpu.memref_slice %arg2[%dma_wait3A_1582, %dma_wait3A_1583] : memref<100000x64xf32, #tpu.memory_space<hbm>> -> memref<100000x64xf32, #tpu.memory_space<hbm>>
      %dma_wait3A_1585 = tpu.memref_slice %arg7[%dma_wait3A_1574] : memref<4x!tpu.dma_semaphore, #tpu.memory_space<semaphore_mem>> -> memref<1x!tpu.dma_semaphore, #tpu.memory_space<semaphore_mem>>
      %dma_wait3A_1586 = tpu.memref_squeeze %dma_wait3A_1585 : memref<1x!tpu.dma_semaphore, #tpu.memory_space<semaphore_mem>> -> memref<!tpu.dma_semaphore, #tpu.memory_space<semaphore_mem>>
      tpu.wait_indirect_dma semaphore(%dma_wait3A_1586 : memref<!tpu.dma_semaphore, #tpu.memory_space<semaphore_mem>>) src(%dma_wait3A_1584 : memref<100000x64xf32, #tpu.memory_space<hbm>>) dst(%dma_wait3A_1578 : memref<50x64xf32, #tpu.memory_space<vmem>>)
      %dma_wait3A_1587 = arith.constant 0 : i32
      %dma_wait3A_1588 = arith.constant 2 : i32
      %dma_wait3A_1589 = arith.constant 5 : i32
      %dma_wait3A_1590 = arith.constant 2 : i32
      %dma_wait3A_1591 = arith.constant 0 : i32
      %dma_wait3A_1592 = arith.constant 0 : i32
      %dma_wait3A_1593 = tpu.memref_slice %arg6[%dma_wait3A_1588, %dma_wait3A_1589, %dma_wait3A_1591, %dma_wait3A_1592] : memref<4x8x50x64xf32, #tpu.memory_space<vmem>> -> memref<1x1x50x64xf32, #tpu.memory_space<vmem>>
      %dma_wait3A_1594 = tpu.memref_squeeze %dma_wait3A_1593 : memref<1x1x50x64xf32, #tpu.memory_space<vmem>> -> memref<50x64xf32, #tpu.memory_space<vmem>>
      %dma_wait3A_1595 = arith.constant 0 : i32
      %dma_wait3A_1596 = tpu.memref_slice %arg5[%dma_wait3A_1587, %dma_wait3A_1595] : memref<128x50xi32, #tpu.memory_space<vmem>> -> memref<1x50xi32, #tpu.memory_space<vmem>>
      %dma_wait3A_1597 = tpu.memref_squeeze %dma_wait3A_1596 : memref<1x50xi32, #tpu.memory_space<vmem>> -> memref<50xi32, #tpu.memory_space<vmem>>
      %dma_wait3A_1598 = arith.constant 0 : i32
      %dma_wait3A_1599 = arith.constant 0 : i32
      %dma_wait3A_1600 = tpu.memref_slice %arg2[%dma_wait3A_1598, %dma_wait3A_1599] : memref<100000x64xf32, #tpu.memory_space<hbm>> -> memref<100000x64xf32, #tpu.memory_space<hbm>>
      %dma_wait3A_1601 = tpu.memref_slice %arg7[%dma_wait3A_1590] : memref<4x!tpu.dma_semaphore, #tpu.memory_space<semaphore_mem>> -> memref<1x!tpu.dma_semaphore, #tpu.memory_space<semaphore_mem>>
      %dma_wait3A_1602 = tpu.memref_squeeze %dma_wait3A_1601 : memref<1x!tpu.dma_semaphore, #tpu.memory_space<semaphore_mem>> -> memref<!tpu.dma_semaphore, #tpu.memory_space<semaphore_mem>>
      tpu.wait_indirect_dma semaphore(%dma_wait3A_1602 : memref<!tpu.dma_semaphore, #tpu.memory_space<semaphore_mem>>) src(%dma_wait3A_1600 : memref<100000x64xf32, #tpu.memory_space<hbm>>) dst(%dma_wait3A_1594 : memref<50x64xf32, #tpu.memory_space<vmem>>)
      %dma_wait3A_1603 = arith.constant 0 : i32
      %dma_wait3A_1604 = arith.constant 2 : i32
      %dma_wait3A_1605 = arith.constant 6 : i32
      %dma_wait3A_1606 = arith.constant 2 : i32
      %dma_wait3A_1607 = arith.constant 0 : i32
      %dma_wait3A_1608 = arith.constant 0 : i32
      %dma_wait3A_1609 = tpu.memref_slice %arg6[%dma_wait3A_1604, %dma_wait3A_1605, %dma_wait3A_1607, %dma_wait3A_1608] : memref<4x8x50x64xf32, #tpu.memory_space<vmem>> -> memref<1x1x50x64xf32, #tpu.memory_space<vmem>>
      %dma_wait3A_1610 = tpu.memref_squeeze %dma_wait3A_1609 : memref<1x1x50x64xf32, #tpu.memory_space<vmem>> -> memref<50x64xf32, #tpu.memory_space<vmem>>
      %dma_wait3A_1611 = arith.constant 0 : i32
      %dma_wait3A_1612 = tpu.memref_slice %arg5[%dma_wait3A_1603, %dma_wait3A_1611] : memref<128x50xi32, #tpu.memory_space<vmem>> -> memref<1x50xi32, #tpu.memory_space<vmem>>
      %dma_wait3A_1613 = tpu.memref_squeeze %dma_wait3A_1612 : memref<1x50xi32, #tpu.memory_space<vmem>> -> memref<50xi32, #tpu.memory_space<vmem>>
      %dma_wait3A_1614 = arith.constant 0 : i32
      %dma_wait3A_1615 = arith.constant 0 : i32
      %dma_wait3A_1616 = tpu.memref_slice %arg2[%dma_wait3A_1614, %dma_wait3A_1615] : memref<100000x64xf32, #tpu.memory_space<hbm>> -> memref<100000x64xf32, #tpu.memory_space<hbm>>
      %dma_wait3A_1617 = tpu.memref_slice %arg7[%dma_wait3A_1606] : memref<4x!tpu.dma_semaphore, #tpu.memory_space<semaphore_mem>> -> memref<1x!tpu.dma_semaphore, #tpu.memory_space<semaphore_mem>>
      %dma_wait3A_1618 = tpu.memref_squeeze %dma_wait3A_1617 : memref<1x!tpu.dma_semaphore, #tpu.memory_space<semaphore_mem>> -> memref<!tpu.dma_semaphore, #tpu.memory_space<semaphore_mem>>
      tpu.wait_indirect_dma semaphore(%dma_wait3A_1618 : memref<!tpu.dma_semaphore, #tpu.memory_space<semaphore_mem>>) src(%dma_wait3A_1616 : memref<100000x64xf32, #tpu.memory_space<hbm>>) dst(%dma_wait3A_1610 : memref<50x64xf32, #tpu.memory_space<vmem>>)
      %dma_wait3A_1619 = arith.constant 0 : i32
      %dma_wait3A_1620 = arith.constant 2 : i32
      %dma_wait3A_1621 = arith.constant 7 : i32
      %dma_wait3A_1622 = arith.constant 2 : i32
      %dma_wait3A_1623 = arith.constant 0 : i32
      %dma_wait3A_1624 = arith.constant 0 : i32
      %dma_wait3A_1625 = tpu.memref_slice %arg6[%dma_wait3A_1620, %dma_wait3A_1621, %dma_wait3A_1623, %dma_wait3A_1624] : memref<4x8x50x64xf32, #tpu.memory_space<vmem>> -> memref<1x1x50x64xf32, #tpu.memory_space<vmem>>
      %dma_wait3A_1626 = tpu.memref_squeeze %dma_wait3A_1625 : memref<1x1x50x64xf32, #tpu.memory_space<vmem>> -> memref<50x64xf32, #tpu.memory_space<vmem>>
      %dma_wait3A_1627 = arith.constant 0 : i32
      %dma_wait3A_1628 = tpu.memref_slice %arg5[%dma_wait3A_1619, %dma_wait3A_1627] : memref<128x50xi32, #tpu.memory_space<vmem>> -> memref<1x50xi32, #tpu.memory_space<vmem>>
      %dma_wait3A_1629 = tpu.memref_squeeze %dma_wait3A_1628 : memref<1x50xi32, #tpu.memory_space<vmem>> -> memref<50xi32, #tpu.memory_space<vmem>>
      %dma_wait3A_1630 = arith.constant 0 : i32
      %dma_wait3A_1631 = arith.constant 0 : i32
      %dma_wait3A_1632 = tpu.memref_slice %arg2[%dma_wait3A_1630, %dma_wait3A_1631] : memref<100000x64xf32, #tpu.memory_space<hbm>> -> memref<100000x64xf32, #tpu.memory_space<hbm>>
      %dma_wait3A_1633 = tpu.memref_slice %arg7[%dma_wait3A_1622] : memref<4x!tpu.dma_semaphore, #tpu.memory_space<semaphore_mem>> -> memref<1x!tpu.dma_semaphore, #tpu.memory_space<semaphore_mem>>
      %dma_wait3A_1634 = tpu.memref_squeeze %dma_wait3A_1633 : memref<1x!tpu.dma_semaphore, #tpu.memory_space<semaphore_mem>> -> memref<!tpu.dma_semaphore, #tpu.memory_space<semaphore_mem>>
      tpu.wait_indirect_dma semaphore(%dma_wait3A_1634 : memref<!tpu.dma_semaphore, #tpu.memory_space<semaphore_mem>>) src(%dma_wait3A_1632 : memref<100000x64xf32, #tpu.memory_space<hbm>>) dst(%dma_wait3A_1626 : memref<50x64xf32, #tpu.memory_space<vmem>>)
      %add3A_1635 = arith.constant 2 : i32
      %add3A_1636 = arith.addi %mul3A_1200, %add3A_1635 : i32
      %mul3A_1637 = arith.constant 8 : i32
      %mul3A_1638 = arith.muli %add3A_1636, %mul3A_1637 : i32
      %add3A_1639 = arith.addi %mul3A_2, %mul3A_1638 : i32
      %dma_start3A_1640 = arith.constant 2 : i32
      %dma_start3A_1641 = arith.constant 2 : i32
      %dma_start3A_1642 = arith.constant 0 : i32
      %dma_start3A_1643 = arith.constant 0 : i32
      %dma_start3A_1644 = arith.constant 0 : i32
      %dma_start3A_1645 = tpu.memref_slice %arg6[%dma_start3A_1640, %dma_start3A_1642, %dma_start3A_1643, %dma_start3A_1644] : memref<4x8x50x64xf32, #tpu.memory_space<vmem>> -> memref<1x8x50x64xf32, #tpu.memory_space<vmem>>
      %dma_start3A_1646 = tpu.memref_squeeze %dma_start3A_1645 : memref<1x8x50x64xf32, #tpu.memory_space<vmem>> -> memref<8x50x64xf32, #tpu.memory_space<vmem>>
      %dma_start3A_1647 = arith.constant 0 : i32
      %dma_start3A_1648 = arith.constant 0 : i32
      %dma_start3A_1649 = tpu.memref_slice %arg4[%add3A_1639, %dma_start3A_1647, %dma_start3A_1648] : memref<4096x56x128xf32, #tpu.memory_space<hbm>> -> memref<8x50x64xf32, #tpu.memory_space<hbm>>
      %dma_start3A_1650 = tpu.memref_slice %arg8[%dma_start3A_1641] : memref<4x!tpu.dma_semaphore, #tpu.memory_space<semaphore_mem>> -> memref<1x!tpu.dma_semaphore, #tpu.memory_space<semaphore_mem>>
      %dma_start3A_1651 = tpu.memref_squeeze %dma_start3A_1650 : memref<1x!tpu.dma_semaphore, #tpu.memory_space<semaphore_mem>> -> memref<!tpu.dma_semaphore, #tpu.memory_space<semaphore_mem>>
      %dma_start3A_1652 = arith.constant 0 : i32
      %dma_start3A_1653 = arith.constant 0 : i32
      %dma_start3A_1654 = tpu.memref_slice %arg4[%add3A_1639, %dma_start3A_1652, %dma_start3A_1653] : memref<4096x56x128xf32, #tpu.memory_space<hbm>> -> memref<8x50x64xf32, #tpu.memory_space<hbm>>
      %dma_start3A_1655 = arith.constant 0 : i32
      %dma_start3A_1656 = arith.constant 0 : i32
      %dma_start3A_1657 = arith.constant 0 : i32
      %dma_start3A_1658 = tpu.memref_slice %arg6[%dma_start3A_1640, %dma_start3A_1655, %dma_start3A_1656, %dma_start3A_1657] : memref<4x8x50x64xf32, #tpu.memory_space<vmem>> -> memref<1x8x50x64xf32, #tpu.memory_space<vmem>>
      %dma_start3A_1659 = tpu.memref_squeeze %dma_start3A_1658 : memref<1x8x50x64xf32, #tpu.memory_space<vmem>> -> memref<8x50x64xf32, #tpu.memory_space<vmem>>
      tpu.enqueue_dma source(%dma_start3A_1659 : memref<8x50x64xf32, #tpu.memory_space<vmem>>) target(%dma_start3A_1654 : memref<8x50x64xf32, #tpu.memory_space<hbm>>) target_semaphore(%dma_start3A_1651 : memref<!tpu.dma_semaphore, #tpu.memory_space<semaphore_mem>>)
      %dma_wait3A_1660 = arith.constant 0 : i32
      %dma_wait3A_1661 = arith.constant 3 : i32
      %dma_wait3A_1662 = arith.constant 0 : i32
      %dma_wait3A_1663 = arith.constant 3 : i32
      %dma_wait3A_1664 = arith.constant 0 : i32
      %dma_wait3A_1665 = arith.constant 0 : i32
      %dma_wait3A_1666 = tpu.memref_slice %arg6[%dma_wait3A_1661, %dma_wait3A_1662, %dma_wait3A_1664, %dma_wait3A_1665] : memref<4x8x50x64xf32, #tpu.memory_space<vmem>> -> memref<1x1x50x64xf32, #tpu.memory_space<vmem>>
      %dma_wait3A_1667 = tpu.memref_squeeze %dma_wait3A_1666 : memref<1x1x50x64xf32, #tpu.memory_space<vmem>> -> memref<50x64xf32, #tpu.memory_space<vmem>>
      %dma_wait3A_1668 = arith.constant 0 : i32
      %dma_wait3A_1669 = tpu.memref_slice %arg5[%dma_wait3A_1660, %dma_wait3A_1668] : memref<128x50xi32, #tpu.memory_space<vmem>> -> memref<1x50xi32, #tpu.memory_space<vmem>>
      %dma_wait3A_1670 = tpu.memref_squeeze %dma_wait3A_1669 : memref<1x50xi32, #tpu.memory_space<vmem>> -> memref<50xi32, #tpu.memory_space<vmem>>
      %dma_wait3A_1671 = arith.constant 0 : i32
      %dma_wait3A_1672 = arith.constant 0 : i32
      %dma_wait3A_1673 = tpu.memref_slice %arg2[%dma_wait3A_1671, %dma_wait3A_1672] : memref<100000x64xf32, #tpu.memory_space<hbm>> -> memref<100000x64xf32, #tpu.memory_space<hbm>>
      %dma_wait3A_1674 = tpu.memref_slice %arg7[%dma_wait3A_1663] : memref<4x!tpu.dma_semaphore, #tpu.memory_space<semaphore_mem>> -> memref<1x!tpu.dma_semaphore, #tpu.memory_space<semaphore_mem>>
      %dma_wait3A_1675 = tpu.memref_squeeze %dma_wait3A_1674 : memref<1x!tpu.dma_semaphore, #tpu.memory_space<semaphore_mem>> -> memref<!tpu.dma_semaphore, #tpu.memory_space<semaphore_mem>>
      tpu.wait_indirect_dma semaphore(%dma_wait3A_1675 : memref<!tpu.dma_semaphore, #tpu.memory_space<semaphore_mem>>) src(%dma_wait3A_1673 : memref<100000x64xf32, #tpu.memory_space<hbm>>) dst(%dma_wait3A_1667 : memref<50x64xf32, #tpu.memory_space<vmem>>)
      %dma_wait3A_1676 = arith.constant 0 : i32
      %dma_wait3A_1677 = arith.constant 3 : i32
      %dma_wait3A_1678 = arith.constant 1 : i32
      %dma_wait3A_1679 = arith.constant 3 : i32
      %dma_wait3A_1680 = arith.constant 0 : i32
      %dma_wait3A_1681 = arith.constant 0 : i32
      %dma_wait3A_1682 = tpu.memref_slice %arg6[%dma_wait3A_1677, %dma_wait3A_1678, %dma_wait3A_1680, %dma_wait3A_1681] : memref<4x8x50x64xf32, #tpu.memory_space<vmem>> -> memref<1x1x50x64xf32, #tpu.memory_space<vmem>>
      %dma_wait3A_1683 = tpu.memref_squeeze %dma_wait3A_1682 : memref<1x1x50x64xf32, #tpu.memory_space<vmem>> -> memref<50x64xf32, #tpu.memory_space<vmem>>
      %dma_wait3A_1684 = arith.constant 0 : i32
      %dma_wait3A_1685 = tpu.memref_slice %arg5[%dma_wait3A_1676, %dma_wait3A_1684] : memref<128x50xi32, #tpu.memory_space<vmem>> -> memref<1x50xi32, #tpu.memory_space<vmem>>
      %dma_wait3A_1686 = tpu.memref_squeeze %dma_wait3A_1685 : memref<1x50xi32, #tpu.memory_space<vmem>> -> memref<50xi32, #tpu.memory_space<vmem>>
      %dma_wait3A_1687 = arith.constant 0 : i32
      %dma_wait3A_1688 = arith.constant 0 : i32
      %dma_wait3A_1689 = tpu.memref_slice %arg2[%dma_wait3A_1687, %dma_wait3A_1688] : memref<100000x64xf32, #tpu.memory_space<hbm>> -> memref<100000x64xf32, #tpu.memory_space<hbm>>
      %dma_wait3A_1690 = tpu.memref_slice %arg7[%dma_wait3A_1679] : memref<4x!tpu.dma_semaphore, #tpu.memory_space<semaphore_mem>> -> memref<1x!tpu.dma_semaphore, #tpu.memory_space<semaphore_mem>>
      %dma_wait3A_1691 = tpu.memref_squeeze %dma_wait3A_1690 : memref<1x!tpu.dma_semaphore, #tpu.memory_space<semaphore_mem>> -> memref<!tpu.dma_semaphore, #tpu.memory_space<semaphore_mem>>
      tpu.wait_indirect_dma semaphore(%dma_wait3A_1691 : memref<!tpu.dma_semaphore, #tpu.memory_space<semaphore_mem>>) src(%dma_wait3A_1689 : memref<100000x64xf32, #tpu.memory_space<hbm>>) dst(%dma_wait3A_1683 : memref<50x64xf32, #tpu.memory_space<vmem>>)
      %dma_wait3A_1692 = arith.constant 0 : i32
      %dma_wait3A_1693 = arith.constant 3 : i32
      %dma_wait3A_1694 = arith.constant 2 : i32
      %dma_wait3A_1695 = arith.constant 3 : i32
      %dma_wait3A_1696 = arith.constant 0 : i32
      %dma_wait3A_1697 = arith.constant 0 : i32
      %dma_wait3A_1698 = tpu.memref_slice %arg6[%dma_wait3A_1693, %dma_wait3A_1694, %dma_wait3A_1696, %dma_wait3A_1697] : memref<4x8x50x64xf32, #tpu.memory_space<vmem>> -> memref<1x1x50x64xf32, #tpu.memory_space<vmem>>
      %dma_wait3A_1699 = tpu.memref_squeeze %dma_wait3A_1698 : memref<1x1x50x64xf32, #tpu.memory_space<vmem>> -> memref<50x64xf32, #tpu.memory_space<vmem>>
      %dma_wait3A_1700 = arith.constant 0 : i32
      %dma_wait3A_1701 = tpu.memref_slice %arg5[%dma_wait3A_1692, %dma_wait3A_1700] : memref<128x50xi32, #tpu.memory_space<vmem>> -> memref<1x50xi32, #tpu.memory_space<vmem>>
      %dma_wait3A_1702 = tpu.memref_squeeze %dma_wait3A_1701 : memref<1x50xi32, #tpu.memory_space<vmem>> -> memref<50xi32, #tpu.memory_space<vmem>>
      %dma_wait3A_1703 = arith.constant 0 : i32
      %dma_wait3A_1704 = arith.constant 0 : i32
      %dma_wait3A_1705 = tpu.memref_slice %arg2[%dma_wait3A_1703, %dma_wait3A_1704] : memref<100000x64xf32, #tpu.memory_space<hbm>> -> memref<100000x64xf32, #tpu.memory_space<hbm>>
      %dma_wait3A_1706 = tpu.memref_slice %arg7[%dma_wait3A_1695] : memref<4x!tpu.dma_semaphore, #tpu.memory_space<semaphore_mem>> -> memref<1x!tpu.dma_semaphore, #tpu.memory_space<semaphore_mem>>
      %dma_wait3A_1707 = tpu.memref_squeeze %dma_wait3A_1706 : memref<1x!tpu.dma_semaphore, #tpu.memory_space<semaphore_mem>> -> memref<!tpu.dma_semaphore, #tpu.memory_space<semaphore_mem>>
      tpu.wait_indirect_dma semaphore(%dma_wait3A_1707 : memref<!tpu.dma_semaphore, #tpu.memory_space<semaphore_mem>>) src(%dma_wait3A_1705 : memref<100000x64xf32, #tpu.memory_space<hbm>>) dst(%dma_wait3A_1699 : memref<50x64xf32, #tpu.memory_space<vmem>>)
      %dma_wait3A_1708 = arith.constant 0 : i32
      %dma_wait3A_1709 = arith.constant 3 : i32
      %dma_wait3A_1710 = arith.constant 3 : i32
      %dma_wait3A_1711 = arith.constant 3 : i32
      %dma_wait3A_1712 = arith.constant 0 : i32
      %dma_wait3A_1713 = arith.constant 0 : i32
      %dma_wait3A_1714 = tpu.memref_slice %arg6[%dma_wait3A_1709, %dma_wait3A_1710, %dma_wait3A_1712, %dma_wait3A_1713] : memref<4x8x50x64xf32, #tpu.memory_space<vmem>> -> memref<1x1x50x64xf32, #tpu.memory_space<vmem>>
      %dma_wait3A_1715 = tpu.memref_squeeze %dma_wait3A_1714 : memref<1x1x50x64xf32, #tpu.memory_space<vmem>> -> memref<50x64xf32, #tpu.memory_space<vmem>>
      %dma_wait3A_1716 = arith.constant 0 : i32
      %dma_wait3A_1717 = tpu.memref_slice %arg5[%dma_wait3A_1708, %dma_wait3A_1716] : memref<128x50xi32, #tpu.memory_space<vmem>> -> memref<1x50xi32, #tpu.memory_space<vmem>>
      %dma_wait3A_1718 = tpu.memref_squeeze %dma_wait3A_1717 : memref<1x50xi32, #tpu.memory_space<vmem>> -> memref<50xi32, #tpu.memory_space<vmem>>
      %dma_wait3A_1719 = arith.constant 0 : i32
      %dma_wait3A_1720 = arith.constant 0 : i32
      %dma_wait3A_1721 = tpu.memref_slice %arg2[%dma_wait3A_1719, %dma_wait3A_1720] : memref<100000x64xf32, #tpu.memory_space<hbm>> -> memref<100000x64xf32, #tpu.memory_space<hbm>>
      %dma_wait3A_1722 = tpu.memref_slice %arg7[%dma_wait3A_1711] : memref<4x!tpu.dma_semaphore, #tpu.memory_space<semaphore_mem>> -> memref<1x!tpu.dma_semaphore, #tpu.memory_space<semaphore_mem>>
      %dma_wait3A_1723 = tpu.memref_squeeze %dma_wait3A_1722 : memref<1x!tpu.dma_semaphore, #tpu.memory_space<semaphore_mem>> -> memref<!tpu.dma_semaphore, #tpu.memory_space<semaphore_mem>>
      tpu.wait_indirect_dma semaphore(%dma_wait3A_1723 : memref<!tpu.dma_semaphore, #tpu.memory_space<semaphore_mem>>) src(%dma_wait3A_1721 : memref<100000x64xf32, #tpu.memory_space<hbm>>) dst(%dma_wait3A_1715 : memref<50x64xf32, #tpu.memory_space<vmem>>)
      %dma_wait3A_1724 = arith.constant 0 : i32
      %dma_wait3A_1725 = arith.constant 3 : i32
      %dma_wait3A_1726 = arith.constant 4 : i32
      %dma_wait3A_1727 = arith.constant 3 : i32
      %dma_wait3A_1728 = arith.constant 0 : i32
      %dma_wait3A_1729 = arith.constant 0 : i32
      %dma_wait3A_1730 = tpu.memref_slice %arg6[%dma_wait3A_1725, %dma_wait3A_1726, %dma_wait3A_1728, %dma_wait3A_1729] : memref<4x8x50x64xf32, #tpu.memory_space<vmem>> -> memref<1x1x50x64xf32, #tpu.memory_space<vmem>>
      %dma_wait3A_1731 = tpu.memref_squeeze %dma_wait3A_1730 : memref<1x1x50x64xf32, #tpu.memory_space<vmem>> -> memref<50x64xf32, #tpu.memory_space<vmem>>
      %dma_wait3A_1732 = arith.constant 0 : i32
      %dma_wait3A_1733 = tpu.memref_slice %arg5[%dma_wait3A_1724, %dma_wait3A_1732] : memref<128x50xi32, #tpu.memory_space<vmem>> -> memref<1x50xi32, #tpu.memory_space<vmem>>
      %dma_wait3A_1734 = tpu.memref_squeeze %dma_wait3A_1733 : memref<1x50xi32, #tpu.memory_space<vmem>> -> memref<50xi32, #tpu.memory_space<vmem>>
      %dma_wait3A_1735 = arith.constant 0 : i32
      %dma_wait3A_1736 = arith.constant 0 : i32
      %dma_wait3A_1737 = tpu.memref_slice %arg2[%dma_wait3A_1735, %dma_wait3A_1736] : memref<100000x64xf32, #tpu.memory_space<hbm>> -> memref<100000x64xf32, #tpu.memory_space<hbm>>
      %dma_wait3A_1738 = tpu.memref_slice %arg7[%dma_wait3A_1727] : memref<4x!tpu.dma_semaphore, #tpu.memory_space<semaphore_mem>> -> memref<1x!tpu.dma_semaphore, #tpu.memory_space<semaphore_mem>>
      %dma_wait3A_1739 = tpu.memref_squeeze %dma_wait3A_1738 : memref<1x!tpu.dma_semaphore, #tpu.memory_space<semaphore_mem>> -> memref<!tpu.dma_semaphore, #tpu.memory_space<semaphore_mem>>
      tpu.wait_indirect_dma semaphore(%dma_wait3A_1739 : memref<!tpu.dma_semaphore, #tpu.memory_space<semaphore_mem>>) src(%dma_wait3A_1737 : memref<100000x64xf32, #tpu.memory_space<hbm>>) dst(%dma_wait3A_1731 : memref<50x64xf32, #tpu.memory_space<vmem>>)
      %dma_wait3A_1740 = arith.constant 0 : i32
      %dma_wait3A_1741 = arith.constant 3 : i32
      %dma_wait3A_1742 = arith.constant 5 : i32
      %dma_wait3A_1743 = arith.constant 3 : i32
      %dma_wait3A_1744 = arith.constant 0 : i32
      %dma_wait3A_1745 = arith.constant 0 : i32
      %dma_wait3A_1746 = tpu.memref_slice %arg6[%dma_wait3A_1741, %dma_wait3A_1742, %dma_wait3A_1744, %dma_wait3A_1745] : memref<4x8x50x64xf32, #tpu.memory_space<vmem>> -> memref<1x1x50x64xf32, #tpu.memory_space<vmem>>
      %dma_wait3A_1747 = tpu.memref_squeeze %dma_wait3A_1746 : memref<1x1x50x64xf32, #tpu.memory_space<vmem>> -> memref<50x64xf32, #tpu.memory_space<vmem>>
      %dma_wait3A_1748 = arith.constant 0 : i32
      %dma_wait3A_1749 = tpu.memref_slice %arg5[%dma_wait3A_1740, %dma_wait3A_1748] : memref<128x50xi32, #tpu.memory_space<vmem>> -> memref<1x50xi32, #tpu.memory_space<vmem>>
      %dma_wait3A_1750 = tpu.memref_squeeze %dma_wait3A_1749 : memref<1x50xi32, #tpu.memory_space<vmem>> -> memref<50xi32, #tpu.memory_space<vmem>>
      %dma_wait3A_1751 = arith.constant 0 : i32
      %dma_wait3A_1752 = arith.constant 0 : i32
      %dma_wait3A_1753 = tpu.memref_slice %arg2[%dma_wait3A_1751, %dma_wait3A_1752] : memref<100000x64xf32, #tpu.memory_space<hbm>> -> memref<100000x64xf32, #tpu.memory_space<hbm>>
      %dma_wait3A_1754 = tpu.memref_slice %arg7[%dma_wait3A_1743] : memref<4x!tpu.dma_semaphore, #tpu.memory_space<semaphore_mem>> -> memref<1x!tpu.dma_semaphore, #tpu.memory_space<semaphore_mem>>
      %dma_wait3A_1755 = tpu.memref_squeeze %dma_wait3A_1754 : memref<1x!tpu.dma_semaphore, #tpu.memory_space<semaphore_mem>> -> memref<!tpu.dma_semaphore, #tpu.memory_space<semaphore_mem>>
      tpu.wait_indirect_dma semaphore(%dma_wait3A_1755 : memref<!tpu.dma_semaphore, #tpu.memory_space<semaphore_mem>>) src(%dma_wait3A_1753 : memref<100000x64xf32, #tpu.memory_space<hbm>>) dst(%dma_wait3A_1747 : memref<50x64xf32, #tpu.memory_space<vmem>>)
      %dma_wait3A_1756 = arith.constant 0 : i32
      %dma_wait3A_1757 = arith.constant 3 : i32
      %dma_wait3A_1758 = arith.constant 6 : i32
      %dma_wait3A_1759 = arith.constant 3 : i32
      %dma_wait3A_1760 = arith.constant 0 : i32
      %dma_wait3A_1761 = arith.constant 0 : i32
      %dma_wait3A_1762 = tpu.memref_slice %arg6[%dma_wait3A_1757, %dma_wait3A_1758, %dma_wait3A_1760, %dma_wait3A_1761] : memref<4x8x50x64xf32, #tpu.memory_space<vmem>> -> memref<1x1x50x64xf32, #tpu.memory_space<vmem>>
      %dma_wait3A_1763 = tpu.memref_squeeze %dma_wait3A_1762 : memref<1x1x50x64xf32, #tpu.memory_space<vmem>> -> memref<50x64xf32, #tpu.memory_space<vmem>>
      %dma_wait3A_1764 = arith.constant 0 : i32
      %dma_wait3A_1765 = tpu.memref_slice %arg5[%dma_wait3A_1756, %dma_wait3A_1764] : memref<128x50xi32, #tpu.memory_space<vmem>> -> memref<1x50xi32, #tpu.memory_space<vmem>>
      %dma_wait3A_1766 = tpu.memref_squeeze %dma_wait3A_1765 : memref<1x50xi32, #tpu.memory_space<vmem>> -> memref<50xi32, #tpu.memory_space<vmem>>
      %dma_wait3A_1767 = arith.constant 0 : i32
      %dma_wait3A_1768 = arith.constant 0 : i32
      %dma_wait3A_1769 = tpu.memref_slice %arg2[%dma_wait3A_1767, %dma_wait3A_1768] : memref<100000x64xf32, #tpu.memory_space<hbm>> -> memref<100000x64xf32, #tpu.memory_space<hbm>>
      %dma_wait3A_1770 = tpu.memref_slice %arg7[%dma_wait3A_1759] : memref<4x!tpu.dma_semaphore, #tpu.memory_space<semaphore_mem>> -> memref<1x!tpu.dma_semaphore, #tpu.memory_space<semaphore_mem>>
      %dma_wait3A_1771 = tpu.memref_squeeze %dma_wait3A_1770 : memref<1x!tpu.dma_semaphore, #tpu.memory_space<semaphore_mem>> -> memref<!tpu.dma_semaphore, #tpu.memory_space<semaphore_mem>>
      tpu.wait_indirect_dma semaphore(%dma_wait3A_1771 : memref<!tpu.dma_semaphore, #tpu.memory_space<semaphore_mem>>) src(%dma_wait3A_1769 : memref<100000x64xf32, #tpu.memory_space<hbm>>) dst(%dma_wait3A_1763 : memref<50x64xf32, #tpu.memory_space<vmem>>)
      %dma_wait3A_1772 = arith.constant 0 : i32
      %dma_wait3A_1773 = arith.constant 3 : i32
      %dma_wait3A_1774 = arith.constant 7 : i32
      %dma_wait3A_1775 = arith.constant 3 : i32
      %dma_wait3A_1776 = arith.constant 0 : i32
      %dma_wait3A_1777 = arith.constant 0 : i32
      %dma_wait3A_1778 = tpu.memref_slice %arg6[%dma_wait3A_1773, %dma_wait3A_1774, %dma_wait3A_1776, %dma_wait3A_1777] : memref<4x8x50x64xf32, #tpu.memory_space<vmem>> -> memref<1x1x50x64xf32, #tpu.memory_space<vmem>>
      %dma_wait3A_1779 = tpu.memref_squeeze %dma_wait3A_1778 : memref<1x1x50x64xf32, #tpu.memory_space<vmem>> -> memref<50x64xf32, #tpu.memory_space<vmem>>
      %dma_wait3A_1780 = arith.constant 0 : i32
      %dma_wait3A_1781 = tpu.memref_slice %arg5[%dma_wait3A_1772, %dma_wait3A_1780] : memref<128x50xi32, #tpu.memory_space<vmem>> -> memref<1x50xi32, #tpu.memory_space<vmem>>
      %dma_wait3A_1782 = tpu.memref_squeeze %dma_wait3A_1781 : memref<1x50xi32, #tpu.memory_space<vmem>> -> memref<50xi32, #tpu.memory_space<vmem>>
      %dma_wait3A_1783 = arith.constant 0 : i32
      %dma_wait3A_1784 = arith.constant 0 : i32
      %dma_wait3A_1785 = tpu.memref_slice %arg2[%dma_wait3A_1783, %dma_wait3A_1784] : memref<100000x64xf32, #tpu.memory_space<hbm>> -> memref<100000x64xf32, #tpu.memory_space<hbm>>
      %dma_wait3A_1786 = tpu.memref_slice %arg7[%dma_wait3A_1775] : memref<4x!tpu.dma_semaphore, #tpu.memory_space<semaphore_mem>> -> memref<1x!tpu.dma_semaphore, #tpu.memory_space<semaphore_mem>>
      %dma_wait3A_1787 = tpu.memref_squeeze %dma_wait3A_1786 : memref<1x!tpu.dma_semaphore, #tpu.memory_space<semaphore_mem>> -> memref<!tpu.dma_semaphore, #tpu.memory_space<semaphore_mem>>
      tpu.wait_indirect_dma semaphore(%dma_wait3A_1787 : memref<!tpu.dma_semaphore, #tpu.memory_space<semaphore_mem>>) src(%dma_wait3A_1785 : memref<100000x64xf32, #tpu.memory_space<hbm>>) dst(%dma_wait3A_1779 : memref<50x64xf32, #tpu.memory_space<vmem>>)
      %add3A_1788 = arith.constant 3 : i32
      %add3A_1789 = arith.addi %mul3A_1200, %add3A_1788 : i32
      %mul3A_1790 = arith.constant 8 : i32
      %mul3A_1791 = arith.muli %add3A_1789, %mul3A_1790 : i32
      %add3A_1792 = arith.addi %mul3A_2, %mul3A_1791 : i32
      %dma_start3A_1793 = arith.constant 3 : i32
      %dma_start3A_1794 = arith.constant 3 : i32
      %dma_start3A_1795 = arith.constant 0 : i32
      %dma_start3A_1796 = arith.constant 0 : i32
      %dma_start3A_1797 = arith.constant 0 : i32
      %dma_start3A_1798 = tpu.memref_slice %arg6[%dma_start3A_1793, %dma_start3A_1795, %dma_start3A_1796, %dma_start3A_1797] : memref<4x8x50x64xf32, #tpu.memory_space<vmem>> -> memref<1x8x50x64xf32, #tpu.memory_space<vmem>>
      %dma_start3A_1799 = tpu.memref_squeeze %dma_start3A_1798 : memref<1x8x50x64xf32, #tpu.memory_space<vmem>> -> memref<8x50x64xf32, #tpu.memory_space<vmem>>
      %dma_start3A_1800 = arith.constant 0 : i32
      %dma_start3A_1801 = arith.constant 0 : i32
      %dma_start3A_1802 = tpu.memref_slice %arg4[%add3A_1792, %dma_start3A_1800, %dma_start3A_1801] : memref<4096x56x128xf32, #tpu.memory_space<hbm>> -> memref<8x50x64xf32, #tpu.memory_space<hbm>>
      %dma_start3A_1803 = tpu.memref_slice %arg8[%dma_start3A_1794] : memref<4x!tpu.dma_semaphore, #tpu.memory_space<semaphore_mem>> -> memref<1x!tpu.dma_semaphore, #tpu.memory_space<semaphore_mem>>
      %dma_start3A_1804 = tpu.memref_squeeze %dma_start3A_1803 : memref<1x!tpu.dma_semaphore, #tpu.memory_space<semaphore_mem>> -> memref<!tpu.dma_semaphore, #tpu.memory_space<semaphore_mem>>
      %dma_start3A_1805 = arith.constant 0 : i32
      %dma_start3A_1806 = arith.constant 0 : i32
      %dma_start3A_1807 = tpu.memref_slice %arg4[%add3A_1792, %dma_start3A_1805, %dma_start3A_1806] : memref<4096x56x128xf32, #tpu.memory_space<hbm>> -> memref<8x50x64xf32, #tpu.memory_space<hbm>>
      %dma_start3A_1808 = arith.constant 0 : i32
      %dma_start3A_1809 = arith.constant 0 : i32
      %dma_start3A_1810 = arith.constant 0 : i32
      %dma_start3A_1811 = tpu.memref_slice %arg6[%dma_start3A_1793, %dma_start3A_1808, %dma_start3A_1809, %dma_start3A_1810] : memref<4x8x50x64xf32, #tpu.memory_space<vmem>> -> memref<1x8x50x64xf32, #tpu.memory_space<vmem>>
      %dma_start3A_1812 = tpu.memref_squeeze %dma_start3A_1811 : memref<1x8x50x64xf32, #tpu.memory_space<vmem>> -> memref<8x50x64xf32, #tpu.memory_space<vmem>>
      tpu.enqueue_dma source(%dma_start3A_1812 : memref<8x50x64xf32, #tpu.memory_space<vmem>>) target(%dma_start3A_1807 : memref<8x50x64xf32, #tpu.memory_space<hbm>>) target_semaphore(%dma_start3A_1804 : memref<!tpu.dma_semaphore, #tpu.memory_space<semaphore_mem>>)
      %dma_wait3A_1813 = arith.constant 0 : i32
      %dma_wait3A_1814 = arith.constant 0 : i32
      %dma_wait3A_1815 = arith.constant 0 : i32
      %dma_wait3A_1816 = arith.constant 0 : i32
      %dma_wait3A_1817 = arith.constant 0 : i32
      %dma_wait3A_1818 = tpu.memref_slice %arg6[%dma_wait3A_1813, %dma_wait3A_1815, %dma_wait3A_1816, %dma_wait3A_1817] : memref<4x8x50x64xf32, #tpu.memory_space<vmem>> -> memref<1x8x50x64xf32, #tpu.memory_space<vmem>>
      %dma_wait3A_1819 = tpu.memref_squeeze %dma_wait3A_1818 : memref<1x8x50x64xf32, #tpu.memory_space<vmem>> -> memref<8x50x64xf32, #tpu.memory_space<vmem>>
      %dma_wait3A_1820 = arith.constant 0 : i32
      %dma_wait3A_1821 = arith.constant 0 : i32
      %dma_wait3A_1822 = tpu.memref_slice %arg4[%mul3A_2, %dma_wait3A_1820, %dma_wait3A_1821] : memref<4096x56x128xf32, #tpu.memory_space<hbm>> -> memref<8x50x64xf32, #tpu.memory_space<hbm>>
      %dma_wait3A_1823 = tpu.memref_slice %arg8[%dma_wait3A_1814] : memref<4x!tpu.dma_semaphore, #tpu.memory_space<semaphore_mem>> -> memref<1x!tpu.dma_semaphore, #tpu.memory_space<semaphore_mem>>
      %dma_wait3A_1824 = tpu.memref_squeeze %dma_wait3A_1823 : memref<1x!tpu.dma_semaphore, #tpu.memory_space<semaphore_mem>> -> memref<!tpu.dma_semaphore, #tpu.memory_space<semaphore_mem>>
      %dma_wait3A_1825 = arith.constant 0 : i32
      %dma_wait3A_1826 = arith.constant 0 : i32
      %dma_wait3A_1827 = tpu.memref_slice %arg4[%mul3A_2, %dma_wait3A_1825, %dma_wait3A_1826] : memref<4096x56x128xf32, #tpu.memory_space<hbm>> -> memref<8x50x64xf32, #tpu.memory_space<hbm>>
      %dma_wait3A_1828 = arith.constant 0 : i32
      %dma_wait3A_1829 = arith.constant 0 : i32
      %dma_wait3A_1830 = arith.constant 0 : i32
      %dma_wait3A_1831 = tpu.memref_slice %arg6[%dma_wait3A_1813, %dma_wait3A_1828, %dma_wait3A_1829, %dma_wait3A_1830] : memref<4x8x50x64xf32, #tpu.memory_space<vmem>> -> memref<1x8x50x64xf32, #tpu.memory_space<vmem>>
      %dma_wait3A_1832 = tpu.memref_squeeze %dma_wait3A_1831 : memref<1x8x50x64xf32, #tpu.memory_space<vmem>> -> memref<8x50x64xf32, #tpu.memory_space<vmem>>
      tpu.wait_dma2 semaphore(%dma_wait3A_1824 : memref<!tpu.dma_semaphore, #tpu.memory_space<semaphore_mem>>) src(%dma_wait3A_1832 : memref<8x50x64xf32, #tpu.memory_space<vmem>>) dst(%dma_wait3A_1827 : memref<8x50x64xf32, #tpu.memory_space<hbm>>)
      %add3A_1833 = arith.constant 4 : i32
      %add3A_1834 = arith.addi %mul3A_1200, %add3A_1833 : i32
      %add3A_1835 = arith.constant 0 : i32
      %add3A_1836 = arith.addi %add3A_1834, %add3A_1835 : i32
      %mul3A_1837 = arith.constant 8 : i32
      %mul3A_1838 = arith.muli %add3A_1836, %mul3A_1837 : i32
      %add3A_1839 = arith.constant 0 : i32
      %add3A_1840 = arith.addi %mul3A_1838, %add3A_1839 : i32
      %dma_start3A_1841 = arith.constant 0 : i32
      %dma_start3A_1842 = arith.constant 0 : i32
      %dma_start3A_1843 = arith.constant 0 : i32
      %dma_start3A_1844 = arith.constant 0 : i32
      %dma_start3A_1845 = arith.constant 0 : i32
      %dma_start3A_1846 = tpu.memref_slice %arg6[%dma_start3A_1841, %dma_start3A_1842, %dma_start3A_1844, %dma_start3A_1845] : memref<4x8x50x64xf32, #tpu.memory_space<vmem>> -> memref<1x1x50x64xf32, #tpu.memory_space<vmem>>
      %dma_start3A_1847 = tpu.memref_squeeze %dma_start3A_1846 : memref<1x1x50x64xf32, #tpu.memory_space<vmem>> -> memref<50x64xf32, #tpu.memory_space<vmem>>
      %dma_start3A_1848 = arith.constant 0 : i32
      %dma_start3A_1849 = tpu.memref_slice %arg5[%add3A_1840, %dma_start3A_1848] : memref<128x50xi32, #tpu.memory_space<vmem>> -> memref<1x50xi32, #tpu.memory_space<vmem>>
      %dma_start3A_1850 = tpu.memref_squeeze %dma_start3A_1849 : memref<1x50xi32, #tpu.memory_space<vmem>> -> memref<50xi32, #tpu.memory_space<vmem>>
      %dma_start3A_1851 = arith.constant 0 : i32
      %dma_start3A_1852 = arith.constant 0 : i32
      %dma_start3A_1853 = tpu.memref_slice %arg2[%dma_start3A_1851, %dma_start3A_1852] : memref<100000x64xf32, #tpu.memory_space<hbm>> -> memref<100000x64xf32, #tpu.memory_space<hbm>>
      %dma_start3A_1854 = tpu.memref_slice %arg7[%dma_start3A_1843] : memref<4x!tpu.dma_semaphore, #tpu.memory_space<semaphore_mem>> -> memref<1x!tpu.dma_semaphore, #tpu.memory_space<semaphore_mem>>
      %dma_start3A_1855 = tpu.memref_squeeze %dma_start3A_1854 : memref<1x!tpu.dma_semaphore, #tpu.memory_space<semaphore_mem>> -> memref<!tpu.dma_semaphore, #tpu.memory_space<semaphore_mem>>
      tpu.enqueue_indirect_dma source(%dma_start3A_1853 : memref<100000x64xf32, #tpu.memory_space<hbm>>) target(%dma_start3A_1847 : memref<50x64xf32, #tpu.memory_space<vmem>>) offsets(%dma_start3A_1850 : memref<50xi32, #tpu.memory_space<vmem>>) semaphore(%dma_start3A_1855 : memref<!tpu.dma_semaphore, #tpu.memory_space<semaphore_mem>>)
      %mul3A_1856 = arith.constant 8 : i32
      %mul3A_1857 = arith.muli %add3A_1836, %mul3A_1856 : i32
      %add3A_1858 = arith.constant 1 : i32
      %add3A_1859 = arith.addi %mul3A_1857, %add3A_1858 : i32
      %dma_start3A_1860 = arith.constant 0 : i32
      %dma_start3A_1861 = arith.constant 1 : i32
      %dma_start3A_1862 = arith.constant 0 : i32
      %dma_start3A_1863 = arith.constant 0 : i32
      %dma_start3A_1864 = arith.constant 0 : i32
      %dma_start3A_1865 = tpu.memref_slice %arg6[%dma_start3A_1860, %dma_start3A_1861, %dma_start3A_1863, %dma_start3A_1864] : memref<4x8x50x64xf32, #tpu.memory_space<vmem>> -> memref<1x1x50x64xf32, #tpu.memory_space<vmem>>
      %dma_start3A_1866 = tpu.memref_squeeze %dma_start3A_1865 : memref<1x1x50x64xf32, #tpu.memory_space<vmem>> -> memref<50x64xf32, #tpu.memory_space<vmem>>
      %dma_start3A_1867 = arith.constant 0 : i32
      %dma_start3A_1868 = tpu.memref_slice %arg5[%add3A_1859, %dma_start3A_1867] : memref<128x50xi32, #tpu.memory_space<vmem>> -> memref<1x50xi32, #tpu.memory_space<vmem>>
      %dma_start3A_1869 = tpu.memref_squeeze %dma_start3A_1868 : memref<1x50xi32, #tpu.memory_space<vmem>> -> memref<50xi32, #tpu.memory_space<vmem>>
      %dma_start3A_1870 = arith.constant 0 : i32
      %dma_start3A_1871 = arith.constant 0 : i32
      %dma_start3A_1872 = tpu.memref_slice %arg2[%dma_start3A_1870, %dma_start3A_1871] : memref<100000x64xf32, #tpu.memory_space<hbm>> -> memref<100000x64xf32, #tpu.memory_space<hbm>>
      %dma_start3A_1873 = tpu.memref_slice %arg7[%dma_start3A_1862] : memref<4x!tpu.dma_semaphore, #tpu.memory_space<semaphore_mem>> -> memref<1x!tpu.dma_semaphore, #tpu.memory_space<semaphore_mem>>
      %dma_start3A_1874 = tpu.memref_squeeze %dma_start3A_1873 : memref<1x!tpu.dma_semaphore, #tpu.memory_space<semaphore_mem>> -> memref<!tpu.dma_semaphore, #tpu.memory_space<semaphore_mem>>
      tpu.enqueue_indirect_dma source(%dma_start3A_1872 : memref<100000x64xf32, #tpu.memory_space<hbm>>) target(%dma_start3A_1866 : memref<50x64xf32, #tpu.memory_space<vmem>>) offsets(%dma_start3A_1869 : memref<50xi32, #tpu.memory_space<vmem>>) semaphore(%dma_start3A_1874 : memref<!tpu.dma_semaphore, #tpu.memory_space<semaphore_mem>>)
      %mul3A_1875 = arith.constant 8 : i32
      %mul3A_1876 = arith.muli %add3A_1836, %mul3A_1875 : i32
      %add3A_1877 = arith.constant 2 : i32
      %add3A_1878 = arith.addi %mul3A_1876, %add3A_1877 : i32
      %dma_start3A_1879 = arith.constant 0 : i32
      %dma_start3A_1880 = arith.constant 2 : i32
      %dma_start3A_1881 = arith.constant 0 : i32
      %dma_start3A_1882 = arith.constant 0 : i32
      %dma_start3A_1883 = arith.constant 0 : i32
      %dma_start3A_1884 = tpu.memref_slice %arg6[%dma_start3A_1879, %dma_start3A_1880, %dma_start3A_1882, %dma_start3A_1883] : memref<4x8x50x64xf32, #tpu.memory_space<vmem>> -> memref<1x1x50x64xf32, #tpu.memory_space<vmem>>
      %dma_start3A_1885 = tpu.memref_squeeze %dma_start3A_1884 : memref<1x1x50x64xf32, #tpu.memory_space<vmem>> -> memref<50x64xf32, #tpu.memory_space<vmem>>
      %dma_start3A_1886 = arith.constant 0 : i32
      %dma_start3A_1887 = tpu.memref_slice %arg5[%add3A_1878, %dma_start3A_1886] : memref<128x50xi32, #tpu.memory_space<vmem>> -> memref<1x50xi32, #tpu.memory_space<vmem>>
      %dma_start3A_1888 = tpu.memref_squeeze %dma_start3A_1887 : memref<1x50xi32, #tpu.memory_space<vmem>> -> memref<50xi32, #tpu.memory_space<vmem>>
      %dma_start3A_1889 = arith.constant 0 : i32
      %dma_start3A_1890 = arith.constant 0 : i32
      %dma_start3A_1891 = tpu.memref_slice %arg2[%dma_start3A_1889, %dma_start3A_1890] : memref<100000x64xf32, #tpu.memory_space<hbm>> -> memref<100000x64xf32, #tpu.memory_space<hbm>>
      %dma_start3A_1892 = tpu.memref_slice %arg7[%dma_start3A_1881] : memref<4x!tpu.dma_semaphore, #tpu.memory_space<semaphore_mem>> -> memref<1x!tpu.dma_semaphore, #tpu.memory_space<semaphore_mem>>
      %dma_start3A_1893 = tpu.memref_squeeze %dma_start3A_1892 : memref<1x!tpu.dma_semaphore, #tpu.memory_space<semaphore_mem>> -> memref<!tpu.dma_semaphore, #tpu.memory_space<semaphore_mem>>
      tpu.enqueue_indirect_dma source(%dma_start3A_1891 : memref<100000x64xf32, #tpu.memory_space<hbm>>) target(%dma_start3A_1885 : memref<50x64xf32, #tpu.memory_space<vmem>>) offsets(%dma_start3A_1888 : memref<50xi32, #tpu.memory_space<vmem>>) semaphore(%dma_start3A_1893 : memref<!tpu.dma_semaphore, #tpu.memory_space<semaphore_mem>>)
      %mul3A_1894 = arith.constant 8 : i32
      %mul3A_1895 = arith.muli %add3A_1836, %mul3A_1894 : i32
      %add3A_1896 = arith.constant 3 : i32
      %add3A_1897 = arith.addi %mul3A_1895, %add3A_1896 : i32
      %dma_start3A_1898 = arith.constant 0 : i32
      %dma_start3A_1899 = arith.constant 3 : i32
      %dma_start3A_1900 = arith.constant 0 : i32
      %dma_start3A_1901 = arith.constant 0 : i32
      %dma_start3A_1902 = arith.constant 0 : i32
      %dma_start3A_1903 = tpu.memref_slice %arg6[%dma_start3A_1898, %dma_start3A_1899, %dma_start3A_1901, %dma_start3A_1902] : memref<4x8x50x64xf32, #tpu.memory_space<vmem>> -> memref<1x1x50x64xf32, #tpu.memory_space<vmem>>
      %dma_start3A_1904 = tpu.memref_squeeze %dma_start3A_1903 : memref<1x1x50x64xf32, #tpu.memory_space<vmem>> -> memref<50x64xf32, #tpu.memory_space<vmem>>
      %dma_start3A_1905 = arith.constant 0 : i32
      %dma_start3A_1906 = tpu.memref_slice %arg5[%add3A_1897, %dma_start3A_1905] : memref<128x50xi32, #tpu.memory_space<vmem>> -> memref<1x50xi32, #tpu.memory_space<vmem>>
      %dma_start3A_1907 = tpu.memref_squeeze %dma_start3A_1906 : memref<1x50xi32, #tpu.memory_space<vmem>> -> memref<50xi32, #tpu.memory_space<vmem>>
      %dma_start3A_1908 = arith.constant 0 : i32
      %dma_start3A_1909 = arith.constant 0 : i32
      %dma_start3A_1910 = tpu.memref_slice %arg2[%dma_start3A_1908, %dma_start3A_1909] : memref<100000x64xf32, #tpu.memory_space<hbm>> -> memref<100000x64xf32, #tpu.memory_space<hbm>>
      %dma_start3A_1911 = tpu.memref_slice %arg7[%dma_start3A_1900] : memref<4x!tpu.dma_semaphore, #tpu.memory_space<semaphore_mem>> -> memref<1x!tpu.dma_semaphore, #tpu.memory_space<semaphore_mem>>
      %dma_start3A_1912 = tpu.memref_squeeze %dma_start3A_1911 : memref<1x!tpu.dma_semaphore, #tpu.memory_space<semaphore_mem>> -> memref<!tpu.dma_semaphore, #tpu.memory_space<semaphore_mem>>
      tpu.enqueue_indirect_dma source(%dma_start3A_1910 : memref<100000x64xf32, #tpu.memory_space<hbm>>) target(%dma_start3A_1904 : memref<50x64xf32, #tpu.memory_space<vmem>>) offsets(%dma_start3A_1907 : memref<50xi32, #tpu.memory_space<vmem>>) semaphore(%dma_start3A_1912 : memref<!tpu.dma_semaphore, #tpu.memory_space<semaphore_mem>>)
      %mul3A_1913 = arith.constant 8 : i32
      %mul3A_1914 = arith.muli %add3A_1836, %mul3A_1913 : i32
      %add3A_1915 = arith.constant 4 : i32
      %add3A_1916 = arith.addi %mul3A_1914, %add3A_1915 : i32
      %dma_start3A_1917 = arith.constant 0 : i32
      %dma_start3A_1918 = arith.constant 4 : i32
      %dma_start3A_1919 = arith.constant 0 : i32
      %dma_start3A_1920 = arith.constant 0 : i32
      %dma_start3A_1921 = arith.constant 0 : i32
      %dma_start3A_1922 = tpu.memref_slice %arg6[%dma_start3A_1917, %dma_start3A_1918, %dma_start3A_1920, %dma_start3A_1921] : memref<4x8x50x64xf32, #tpu.memory_space<vmem>> -> memref<1x1x50x64xf32, #tpu.memory_space<vmem>>
      %dma_start3A_1923 = tpu.memref_squeeze %dma_start3A_1922 : memref<1x1x50x64xf32, #tpu.memory_space<vmem>> -> memref<50x64xf32, #tpu.memory_space<vmem>>
      %dma_start3A_1924 = arith.constant 0 : i32
      %dma_start3A_1925 = tpu.memref_slice %arg5[%add3A_1916, %dma_start3A_1924] : memref<128x50xi32, #tpu.memory_space<vmem>> -> memref<1x50xi32, #tpu.memory_space<vmem>>
      %dma_start3A_1926 = tpu.memref_squeeze %dma_start3A_1925 : memref<1x50xi32, #tpu.memory_space<vmem>> -> memref<50xi32, #tpu.memory_space<vmem>>
      %dma_start3A_1927 = arith.constant 0 : i32
      %dma_start3A_1928 = arith.constant 0 : i32
      %dma_start3A_1929 = tpu.memref_slice %arg2[%dma_start3A_1927, %dma_start3A_1928] : memref<100000x64xf32, #tpu.memory_space<hbm>> -> memref<100000x64xf32, #tpu.memory_space<hbm>>
      %dma_start3A_1930 = tpu.memref_slice %arg7[%dma_start3A_1919] : memref<4x!tpu.dma_semaphore, #tpu.memory_space<semaphore_mem>> -> memref<1x!tpu.dma_semaphore, #tpu.memory_space<semaphore_mem>>
      %dma_start3A_1931 = tpu.memref_squeeze %dma_start3A_1930 : memref<1x!tpu.dma_semaphore, #tpu.memory_space<semaphore_mem>> -> memref<!tpu.dma_semaphore, #tpu.memory_space<semaphore_mem>>
      tpu.enqueue_indirect_dma source(%dma_start3A_1929 : memref<100000x64xf32, #tpu.memory_space<hbm>>) target(%dma_start3A_1923 : memref<50x64xf32, #tpu.memory_space<vmem>>) offsets(%dma_start3A_1926 : memref<50xi32, #tpu.memory_space<vmem>>) semaphore(%dma_start3A_1931 : memref<!tpu.dma_semaphore, #tpu.memory_space<semaphore_mem>>)
      %mul3A_1932 = arith.constant 8 : i32
      %mul3A_1933 = arith.muli %add3A_1836, %mul3A_1932 : i32
      %add3A_1934 = arith.constant 5 : i32
      %add3A_1935 = arith.addi %mul3A_1933, %add3A_1934 : i32
      %dma_start3A_1936 = arith.constant 0 : i32
      %dma_start3A_1937 = arith.constant 5 : i32
      %dma_start3A_1938 = arith.constant 0 : i32
      %dma_start3A_1939 = arith.constant 0 : i32
      %dma_start3A_1940 = arith.constant 0 : i32
      %dma_start3A_1941 = tpu.memref_slice %arg6[%dma_start3A_1936, %dma_start3A_1937, %dma_start3A_1939, %dma_start3A_1940] : memref<4x8x50x64xf32, #tpu.memory_space<vmem>> -> memref<1x1x50x64xf32, #tpu.memory_space<vmem>>
      %dma_start3A_1942 = tpu.memref_squeeze %dma_start3A_1941 : memref<1x1x50x64xf32, #tpu.memory_space<vmem>> -> memref<50x64xf32, #tpu.memory_space<vmem>>
      %dma_start3A_1943 = arith.constant 0 : i32
      %dma_start3A_1944 = tpu.memref_slice %arg5[%add3A_1935, %dma_start3A_1943] : memref<128x50xi32, #tpu.memory_space<vmem>> -> memref<1x50xi32, #tpu.memory_space<vmem>>
      %dma_start3A_1945 = tpu.memref_squeeze %dma_start3A_1944 : memref<1x50xi32, #tpu.memory_space<vmem>> -> memref<50xi32, #tpu.memory_space<vmem>>
      %dma_start3A_1946 = arith.constant 0 : i32
      %dma_start3A_1947 = arith.constant 0 : i32
      %dma_start3A_1948 = tpu.memref_slice %arg2[%dma_start3A_1946, %dma_start3A_1947] : memref<100000x64xf32, #tpu.memory_space<hbm>> -> memref<100000x64xf32, #tpu.memory_space<hbm>>
      %dma_start3A_1949 = tpu.memref_slice %arg7[%dma_start3A_1938] : memref<4x!tpu.dma_semaphore, #tpu.memory_space<semaphore_mem>> -> memref<1x!tpu.dma_semaphore, #tpu.memory_space<semaphore_mem>>
      %dma_start3A_1950 = tpu.memref_squeeze %dma_start3A_1949 : memref<1x!tpu.dma_semaphore, #tpu.memory_space<semaphore_mem>> -> memref<!tpu.dma_semaphore, #tpu.memory_space<semaphore_mem>>
      tpu.enqueue_indirect_dma source(%dma_start3A_1948 : memref<100000x64xf32, #tpu.memory_space<hbm>>) target(%dma_start3A_1942 : memref<50x64xf32, #tpu.memory_space<vmem>>) offsets(%dma_start3A_1945 : memref<50xi32, #tpu.memory_space<vmem>>) semaphore(%dma_start3A_1950 : memref<!tpu.dma_semaphore, #tpu.memory_space<semaphore_mem>>)
      %mul3A_1951 = arith.constant 8 : i32
      %mul3A_1952 = arith.muli %add3A_1836, %mul3A_1951 : i32
      %add3A_1953 = arith.constant 6 : i32
      %add3A_1954 = arith.addi %mul3A_1952, %add3A_1953 : i32
      %dma_start3A_1955 = arith.constant 0 : i32
      %dma_start3A_1956 = arith.constant 6 : i32
      %dma_start3A_1957 = arith.constant 0 : i32
      %dma_start3A_1958 = arith.constant 0 : i32
      %dma_start3A_1959 = arith.constant 0 : i32
      %dma_start3A_1960 = tpu.memref_slice %arg6[%dma_start3A_1955, %dma_start3A_1956, %dma_start3A_1958, %dma_start3A_1959] : memref<4x8x50x64xf32, #tpu.memory_space<vmem>> -> memref<1x1x50x64xf32, #tpu.memory_space<vmem>>
      %dma_start3A_1961 = tpu.memref_squeeze %dma_start3A_1960 : memref<1x1x50x64xf32, #tpu.memory_space<vmem>> -> memref<50x64xf32, #tpu.memory_space<vmem>>
      %dma_start3A_1962 = arith.constant 0 : i32
      %dma_start3A_1963 = tpu.memref_slice %arg5[%add3A_1954, %dma_start3A_1962] : memref<128x50xi32, #tpu.memory_space<vmem>> -> memref<1x50xi32, #tpu.memory_space<vmem>>
      %dma_start3A_1964 = tpu.memref_squeeze %dma_start3A_1963 : memref<1x50xi32, #tpu.memory_space<vmem>> -> memref<50xi32, #tpu.memory_space<vmem>>
      %dma_start3A_1965 = arith.constant 0 : i32
      %dma_start3A_1966 = arith.constant 0 : i32
      %dma_start3A_1967 = tpu.memref_slice %arg2[%dma_start3A_1965, %dma_start3A_1966] : memref<100000x64xf32, #tpu.memory_space<hbm>> -> memref<100000x64xf32, #tpu.memory_space<hbm>>
      %dma_start3A_1968 = tpu.memref_slice %arg7[%dma_start3A_1957] : memref<4x!tpu.dma_semaphore, #tpu.memory_space<semaphore_mem>> -> memref<1x!tpu.dma_semaphore, #tpu.memory_space<semaphore_mem>>
      %dma_start3A_1969 = tpu.memref_squeeze %dma_start3A_1968 : memref<1x!tpu.dma_semaphore, #tpu.memory_space<semaphore_mem>> -> memref<!tpu.dma_semaphore, #tpu.memory_space<semaphore_mem>>
      tpu.enqueue_indirect_dma source(%dma_start3A_1967 : memref<100000x64xf32, #tpu.memory_space<hbm>>) target(%dma_start3A_1961 : memref<50x64xf32, #tpu.memory_space<vmem>>) offsets(%dma_start3A_1964 : memref<50xi32, #tpu.memory_space<vmem>>) semaphore(%dma_start3A_1969 : memref<!tpu.dma_semaphore, #tpu.memory_space<semaphore_mem>>)
      %mul3A_1970 = arith.constant 8 : i32
      %mul3A_1971 = arith.muli %add3A_1836, %mul3A_1970 : i32
      %add3A_1972 = arith.constant 7 : i32
      %add3A_1973 = arith.addi %mul3A_1971, %add3A_1972 : i32
      %dma_start3A_1974 = arith.constant 0 : i32
      %dma_start3A_1975 = arith.constant 7 : i32
      %dma_start3A_1976 = arith.constant 0 : i32
      %dma_start3A_1977 = arith.constant 0 : i32
      %dma_start3A_1978 = arith.constant 0 : i32
      %dma_start3A_1979 = tpu.memref_slice %arg6[%dma_start3A_1974, %dma_start3A_1975, %dma_start3A_1977, %dma_start3A_1978] : memref<4x8x50x64xf32, #tpu.memory_space<vmem>> -> memref<1x1x50x64xf32, #tpu.memory_space<vmem>>
      %dma_start3A_1980 = tpu.memref_squeeze %dma_start3A_1979 : memref<1x1x50x64xf32, #tpu.memory_space<vmem>> -> memref<50x64xf32, #tpu.memory_space<vmem>>
      %dma_start3A_1981 = arith.constant 0 : i32
      %dma_start3A_1982 = tpu.memref_slice %arg5[%add3A_1973, %dma_start3A_1981] : memref<128x50xi32, #tpu.memory_space<vmem>> -> memref<1x50xi32, #tpu.memory_space<vmem>>
      %dma_start3A_1983 = tpu.memref_squeeze %dma_start3A_1982 : memref<1x50xi32, #tpu.memory_space<vmem>> -> memref<50xi32, #tpu.memory_space<vmem>>
      %dma_start3A_1984 = arith.constant 0 : i32
      %dma_start3A_1985 = arith.constant 0 : i32
      %dma_start3A_1986 = tpu.memref_slice %arg2[%dma_start3A_1984, %dma_start3A_1985] : memref<100000x64xf32, #tpu.memory_space<hbm>> -> memref<100000x64xf32, #tpu.memory_space<hbm>>
      %dma_start3A_1987 = tpu.memref_slice %arg7[%dma_start3A_1976] : memref<4x!tpu.dma_semaphore, #tpu.memory_space<semaphore_mem>> -> memref<1x!tpu.dma_semaphore, #tpu.memory_space<semaphore_mem>>
      %dma_start3A_1988 = tpu.memref_squeeze %dma_start3A_1987 : memref<1x!tpu.dma_semaphore, #tpu.memory_space<semaphore_mem>> -> memref<!tpu.dma_semaphore, #tpu.memory_space<semaphore_mem>>
      tpu.enqueue_indirect_dma source(%dma_start3A_1986 : memref<100000x64xf32, #tpu.memory_space<hbm>>) target(%dma_start3A_1980 : memref<50x64xf32, #tpu.memory_space<vmem>>) offsets(%dma_start3A_1983 : memref<50xi32, #tpu.memory_space<vmem>>) semaphore(%dma_start3A_1988 : memref<!tpu.dma_semaphore, #tpu.memory_space<semaphore_mem>>)
      %dma_wait3A_1989 = arith.constant 1 : i32
      %dma_wait3A_1990 = arith.constant 1 : i32
      %dma_wait3A_1991 = arith.constant 0 : i32
      %dma_wait3A_1992 = arith.constant 0 : i32
      %dma_wait3A_1993 = arith.constant 0 : i32
      %dma_wait3A_1994 = tpu.memref_slice %arg6[%dma_wait3A_1989, %dma_wait3A_1991, %dma_wait3A_1992, %dma_wait3A_1993] : memref<4x8x50x64xf32, #tpu.memory_space<vmem>> -> memref<1x8x50x64xf32, #tpu.memory_space<vmem>>
      %dma_wait3A_1995 = tpu.memref_squeeze %dma_wait3A_1994 : memref<1x8x50x64xf32, #tpu.memory_space<vmem>> -> memref<8x50x64xf32, #tpu.memory_space<vmem>>
      %dma_wait3A_1996 = arith.constant 0 : i32
      %dma_wait3A_1997 = arith.constant 0 : i32
      %dma_wait3A_1998 = tpu.memref_slice %arg4[%mul3A_2, %dma_wait3A_1996, %dma_wait3A_1997] : memref<4096x56x128xf32, #tpu.memory_space<hbm>> -> memref<8x50x64xf32, #tpu.memory_space<hbm>>
      %dma_wait3A_1999 = tpu.memref_slice %arg8[%dma_wait3A_1990] : memref<4x!tpu.dma_semaphore, #tpu.memory_space<semaphore_mem>> -> memref<1x!tpu.dma_semaphore, #tpu.memory_space<semaphore_mem>>
      %dma_wait3A_2000 = tpu.memref_squeeze %dma_wait3A_1999 : memref<1x!tpu.dma_semaphore, #tpu.memory_space<semaphore_mem>> -> memref<!tpu.dma_semaphore, #tpu.memory_space<semaphore_mem>>
      %dma_wait3A_2001 = arith.constant 0 : i32
      %dma_wait3A_2002 = arith.constant 0 : i32
      %dma_wait3A_2003 = tpu.memref_slice %arg4[%mul3A_2, %dma_wait3A_2001, %dma_wait3A_2002] : memref<4096x56x128xf32, #tpu.memory_space<hbm>> -> memref<8x50x64xf32, #tpu.memory_space<hbm>>
      %dma_wait3A_2004 = arith.constant 0 : i32
      %dma_wait3A_2005 = arith.constant 0 : i32
      %dma_wait3A_2006 = arith.constant 0 : i32
      %dma_wait3A_2007 = tpu.memref_slice %arg6[%dma_wait3A_1989, %dma_wait3A_2004, %dma_wait3A_2005, %dma_wait3A_2006] : memref<4x8x50x64xf32, #tpu.memory_space<vmem>> -> memref<1x8x50x64xf32, #tpu.memory_space<vmem>>
      %dma_wait3A_2008 = tpu.memref_squeeze %dma_wait3A_2007 : memref<1x8x50x64xf32, #tpu.memory_space<vmem>> -> memref<8x50x64xf32, #tpu.memory_space<vmem>>
      tpu.wait_dma2 semaphore(%dma_wait3A_2000 : memref<!tpu.dma_semaphore, #tpu.memory_space<semaphore_mem>>) src(%dma_wait3A_2008 : memref<8x50x64xf32, #tpu.memory_space<vmem>>) dst(%dma_wait3A_2003 : memref<8x50x64xf32, #tpu.memory_space<hbm>>)
      %add3A_2009 = arith.constant 4 : i32
      %add3A_2010 = arith.addi %mul3A_1200, %add3A_2009 : i32
      %add3A_2011 = arith.constant 1 : i32
      %add3A_2012 = arith.addi %add3A_2010, %add3A_2011 : i32
      %mul3A_2013 = arith.constant 8 : i32
      %mul3A_2014 = arith.muli %add3A_2012, %mul3A_2013 : i32
      %add3A_2015 = arith.constant 0 : i32
      %add3A_2016 = arith.addi %mul3A_2014, %add3A_2015 : i32
      %dma_start3A_2017 = arith.constant 1 : i32
      %dma_start3A_2018 = arith.constant 0 : i32
      %dma_start3A_2019 = arith.constant 1 : i32
      %dma_start3A_2020 = arith.constant 0 : i32
      %dma_start3A_2021 = arith.constant 0 : i32
      %dma_start3A_2022 = tpu.memref_slice %arg6[%dma_start3A_2017, %dma_start3A_2018, %dma_start3A_2020, %dma_start3A_2021] : memref<4x8x50x64xf32, #tpu.memory_space<vmem>> -> memref<1x1x50x64xf32, #tpu.memory_space<vmem>>
      %dma_start3A_2023 = tpu.memref_squeeze %dma_start3A_2022 : memref<1x1x50x64xf32, #tpu.memory_space<vmem>> -> memref<50x64xf32, #tpu.memory_space<vmem>>
      %dma_start3A_2024 = arith.constant 0 : i32
      %dma_start3A_2025 = tpu.memref_slice %arg5[%add3A_2016, %dma_start3A_2024] : memref<128x50xi32, #tpu.memory_space<vmem>> -> memref<1x50xi32, #tpu.memory_space<vmem>>
      %dma_start3A_2026 = tpu.memref_squeeze %dma_start3A_2025 : memref<1x50xi32, #tpu.memory_space<vmem>> -> memref<50xi32, #tpu.memory_space<vmem>>
      %dma_start3A_2027 = arith.constant 0 : i32
      %dma_start3A_2028 = arith.constant 0 : i32
      %dma_start3A_2029 = tpu.memref_slice %arg2[%dma_start3A_2027, %dma_start3A_2028] : memref<100000x64xf32, #tpu.memory_space<hbm>> -> memref<100000x64xf32, #tpu.memory_space<hbm>>
      %dma_start3A_2030 = tpu.memref_slice %arg7[%dma_start3A_2019] : memref<4x!tpu.dma_semaphore, #tpu.memory_space<semaphore_mem>> -> memref<1x!tpu.dma_semaphore, #tpu.memory_space<semaphore_mem>>
      %dma_start3A_2031 = tpu.memref_squeeze %dma_start3A_2030 : memref<1x!tpu.dma_semaphore, #tpu.memory_space<semaphore_mem>> -> memref<!tpu.dma_semaphore, #tpu.memory_space<semaphore_mem>>
      tpu.enqueue_indirect_dma source(%dma_start3A_2029 : memref<100000x64xf32, #tpu.memory_space<hbm>>) target(%dma_start3A_2023 : memref<50x64xf32, #tpu.memory_space<vmem>>) offsets(%dma_start3A_2026 : memref<50xi32, #tpu.memory_space<vmem>>) semaphore(%dma_start3A_2031 : memref<!tpu.dma_semaphore, #tpu.memory_space<semaphore_mem>>)
      %mul3A_2032 = arith.constant 8 : i32
      %mul3A_2033 = arith.muli %add3A_2012, %mul3A_2032 : i32
      %add3A_2034 = arith.constant 1 : i32
      %add3A_2035 = arith.addi %mul3A_2033, %add3A_2034 : i32
      %dma_start3A_2036 = arith.constant 1 : i32
      %dma_start3A_2037 = arith.constant 1 : i32
      %dma_start3A_2038 = arith.constant 1 : i32
      %dma_start3A_2039 = arith.constant 0 : i32
      %dma_start3A_2040 = arith.constant 0 : i32
      %dma_start3A_2041 = tpu.memref_slice %arg6[%dma_start3A_2036, %dma_start3A_2037, %dma_start3A_2039, %dma_start3A_2040] : memref<4x8x50x64xf32, #tpu.memory_space<vmem>> -> memref<1x1x50x64xf32, #tpu.memory_space<vmem>>
      %dma_start3A_2042 = tpu.memref_squeeze %dma_start3A_2041 : memref<1x1x50x64xf32, #tpu.memory_space<vmem>> -> memref<50x64xf32, #tpu.memory_space<vmem>>
      %dma_start3A_2043 = arith.constant 0 : i32
      %dma_start3A_2044 = tpu.memref_slice %arg5[%add3A_2035, %dma_start3A_2043] : memref<128x50xi32, #tpu.memory_space<vmem>> -> memref<1x50xi32, #tpu.memory_space<vmem>>
      %dma_start3A_2045 = tpu.memref_squeeze %dma_start3A_2044 : memref<1x50xi32, #tpu.memory_space<vmem>> -> memref<50xi32, #tpu.memory_space<vmem>>
      %dma_start3A_2046 = arith.constant 0 : i32
      %dma_start3A_2047 = arith.constant 0 : i32
      %dma_start3A_2048 = tpu.memref_slice %arg2[%dma_start3A_2046, %dma_start3A_2047] : memref<100000x64xf32, #tpu.memory_space<hbm>> -> memref<100000x64xf32, #tpu.memory_space<hbm>>
      %dma_start3A_2049 = tpu.memref_slice %arg7[%dma_start3A_2038] : memref<4x!tpu.dma_semaphore, #tpu.memory_space<semaphore_mem>> -> memref<1x!tpu.dma_semaphore, #tpu.memory_space<semaphore_mem>>
      %dma_start3A_2050 = tpu.memref_squeeze %dma_start3A_2049 : memref<1x!tpu.dma_semaphore, #tpu.memory_space<semaphore_mem>> -> memref<!tpu.dma_semaphore, #tpu.memory_space<semaphore_mem>>
      tpu.enqueue_indirect_dma source(%dma_start3A_2048 : memref<100000x64xf32, #tpu.memory_space<hbm>>) target(%dma_start3A_2042 : memref<50x64xf32, #tpu.memory_space<vmem>>) offsets(%dma_start3A_2045 : memref<50xi32, #tpu.memory_space<vmem>>) semaphore(%dma_start3A_2050 : memref<!tpu.dma_semaphore, #tpu.memory_space<semaphore_mem>>)
      %mul3A_2051 = arith.constant 8 : i32
      %mul3A_2052 = arith.muli %add3A_2012, %mul3A_2051 : i32
      %add3A_2053 = arith.constant 2 : i32
      %add3A_2054 = arith.addi %mul3A_2052, %add3A_2053 : i32
      %dma_start3A_2055 = arith.constant 1 : i32
      %dma_start3A_2056 = arith.constant 2 : i32
      %dma_start3A_2057 = arith.constant 1 : i32
      %dma_start3A_2058 = arith.constant 0 : i32
      %dma_start3A_2059 = arith.constant 0 : i32
      %dma_start3A_2060 = tpu.memref_slice %arg6[%dma_start3A_2055, %dma_start3A_2056, %dma_start3A_2058, %dma_start3A_2059] : memref<4x8x50x64xf32, #tpu.memory_space<vmem>> -> memref<1x1x50x64xf32, #tpu.memory_space<vmem>>
      %dma_start3A_2061 = tpu.memref_squeeze %dma_start3A_2060 : memref<1x1x50x64xf32, #tpu.memory_space<vmem>> -> memref<50x64xf32, #tpu.memory_space<vmem>>
      %dma_start3A_2062 = arith.constant 0 : i32
      %dma_start3A_2063 = tpu.memref_slice %arg5[%add3A_2054, %dma_start3A_2062] : memref<128x50xi32, #tpu.memory_space<vmem>> -> memref<1x50xi32, #tpu.memory_space<vmem>>
      %dma_start3A_2064 = tpu.memref_squeeze %dma_start3A_2063 : memref<1x50xi32, #tpu.memory_space<vmem>> -> memref<50xi32, #tpu.memory_space<vmem>>
      %dma_start3A_2065 = arith.constant 0 : i32
      %dma_start3A_2066 = arith.constant 0 : i32
      %dma_start3A_2067 = tpu.memref_slice %arg2[%dma_start3A_2065, %dma_start3A_2066] : memref<100000x64xf32, #tpu.memory_space<hbm>> -> memref<100000x64xf32, #tpu.memory_space<hbm>>
      %dma_start3A_2068 = tpu.memref_slice %arg7[%dma_start3A_2057] : memref<4x!tpu.dma_semaphore, #tpu.memory_space<semaphore_mem>> -> memref<1x!tpu.dma_semaphore, #tpu.memory_space<semaphore_mem>>
      %dma_start3A_2069 = tpu.memref_squeeze %dma_start3A_2068 : memref<1x!tpu.dma_semaphore, #tpu.memory_space<semaphore_mem>> -> memref<!tpu.dma_semaphore, #tpu.memory_space<semaphore_mem>>
      tpu.enqueue_indirect_dma source(%dma_start3A_2067 : memref<100000x64xf32, #tpu.memory_space<hbm>>) target(%dma_start3A_2061 : memref<50x64xf32, #tpu.memory_space<vmem>>) offsets(%dma_start3A_2064 : memref<50xi32, #tpu.memory_space<vmem>>) semaphore(%dma_start3A_2069 : memref<!tpu.dma_semaphore, #tpu.memory_space<semaphore_mem>>)
      %mul3A_2070 = arith.constant 8 : i32
      %mul3A_2071 = arith.muli %add3A_2012, %mul3A_2070 : i32
      %add3A_2072 = arith.constant 3 : i32
      %add3A_2073 = arith.addi %mul3A_2071, %add3A_2072 : i32
      %dma_start3A_2074 = arith.constant 1 : i32
      %dma_start3A_2075 = arith.constant 3 : i32
      %dma_start3A_2076 = arith.constant 1 : i32
      %dma_start3A_2077 = arith.constant 0 : i32
      %dma_start3A_2078 = arith.constant 0 : i32
      %dma_start3A_2079 = tpu.memref_slice %arg6[%dma_start3A_2074, %dma_start3A_2075, %dma_start3A_2077, %dma_start3A_2078] : memref<4x8x50x64xf32, #tpu.memory_space<vmem>> -> memref<1x1x50x64xf32, #tpu.memory_space<vmem>>
      %dma_start3A_2080 = tpu.memref_squeeze %dma_start3A_2079 : memref<1x1x50x64xf32, #tpu.memory_space<vmem>> -> memref<50x64xf32, #tpu.memory_space<vmem>>
      %dma_start3A_2081 = arith.constant 0 : i32
      %dma_start3A_2082 = tpu.memref_slice %arg5[%add3A_2073, %dma_start3A_2081] : memref<128x50xi32, #tpu.memory_space<vmem>> -> memref<1x50xi32, #tpu.memory_space<vmem>>
      %dma_start3A_2083 = tpu.memref_squeeze %dma_start3A_2082 : memref<1x50xi32, #tpu.memory_space<vmem>> -> memref<50xi32, #tpu.memory_space<vmem>>
      %dma_start3A_2084 = arith.constant 0 : i32
      %dma_start3A_2085 = arith.constant 0 : i32
      %dma_start3A_2086 = tpu.memref_slice %arg2[%dma_start3A_2084, %dma_start3A_2085] : memref<100000x64xf32, #tpu.memory_space<hbm>> -> memref<100000x64xf32, #tpu.memory_space<hbm>>
      %dma_start3A_2087 = tpu.memref_slice %arg7[%dma_start3A_2076] : memref<4x!tpu.dma_semaphore, #tpu.memory_space<semaphore_mem>> -> memref<1x!tpu.dma_semaphore, #tpu.memory_space<semaphore_mem>>
      %dma_start3A_2088 = tpu.memref_squeeze %dma_start3A_2087 : memref<1x!tpu.dma_semaphore, #tpu.memory_space<semaphore_mem>> -> memref<!tpu.dma_semaphore, #tpu.memory_space<semaphore_mem>>
      tpu.enqueue_indirect_dma source(%dma_start3A_2086 : memref<100000x64xf32, #tpu.memory_space<hbm>>) target(%dma_start3A_2080 : memref<50x64xf32, #tpu.memory_space<vmem>>) offsets(%dma_start3A_2083 : memref<50xi32, #tpu.memory_space<vmem>>) semaphore(%dma_start3A_2088 : memref<!tpu.dma_semaphore, #tpu.memory_space<semaphore_mem>>)
      %mul3A_2089 = arith.constant 8 : i32
      %mul3A_2090 = arith.muli %add3A_2012, %mul3A_2089 : i32
      %add3A_2091 = arith.constant 4 : i32
      %add3A_2092 = arith.addi %mul3A_2090, %add3A_2091 : i32
      %dma_start3A_2093 = arith.constant 1 : i32
      %dma_start3A_2094 = arith.constant 4 : i32
      %dma_start3A_2095 = arith.constant 1 : i32
      %dma_start3A_2096 = arith.constant 0 : i32
      %dma_start3A_2097 = arith.constant 0 : i32
      %dma_start3A_2098 = tpu.memref_slice %arg6[%dma_start3A_2093, %dma_start3A_2094, %dma_start3A_2096, %dma_start3A_2097] : memref<4x8x50x64xf32, #tpu.memory_space<vmem>> -> memref<1x1x50x64xf32, #tpu.memory_space<vmem>>
      %dma_start3A_2099 = tpu.memref_squeeze %dma_start3A_2098 : memref<1x1x50x64xf32, #tpu.memory_space<vmem>> -> memref<50x64xf32, #tpu.memory_space<vmem>>
      %dma_start3A_2100 = arith.constant 0 : i32
      %dma_start3A_2101 = tpu.memref_slice %arg5[%add3A_2092, %dma_start3A_2100] : memref<128x50xi32, #tpu.memory_space<vmem>> -> memref<1x50xi32, #tpu.memory_space<vmem>>
      %dma_start3A_2102 = tpu.memref_squeeze %dma_start3A_2101 : memref<1x50xi32, #tpu.memory_space<vmem>> -> memref<50xi32, #tpu.memory_space<vmem>>
      %dma_start3A_2103 = arith.constant 0 : i32
      %dma_start3A_2104 = arith.constant 0 : i32
      %dma_start3A_2105 = tpu.memref_slice %arg2[%dma_start3A_2103, %dma_start3A_2104] : memref<100000x64xf32, #tpu.memory_space<hbm>> -> memref<100000x64xf32, #tpu.memory_space<hbm>>
      %dma_start3A_2106 = tpu.memref_slice %arg7[%dma_start3A_2095] : memref<4x!tpu.dma_semaphore, #tpu.memory_space<semaphore_mem>> -> memref<1x!tpu.dma_semaphore, #tpu.memory_space<semaphore_mem>>
      %dma_start3A_2107 = tpu.memref_squeeze %dma_start3A_2106 : memref<1x!tpu.dma_semaphore, #tpu.memory_space<semaphore_mem>> -> memref<!tpu.dma_semaphore, #tpu.memory_space<semaphore_mem>>
      tpu.enqueue_indirect_dma source(%dma_start3A_2105 : memref<100000x64xf32, #tpu.memory_space<hbm>>) target(%dma_start3A_2099 : memref<50x64xf32, #tpu.memory_space<vmem>>) offsets(%dma_start3A_2102 : memref<50xi32, #tpu.memory_space<vmem>>) semaphore(%dma_start3A_2107 : memref<!tpu.dma_semaphore, #tpu.memory_space<semaphore_mem>>)
      %mul3A_2108 = arith.constant 8 : i32
      %mul3A_2109 = arith.muli %add3A_2012, %mul3A_2108 : i32
      %add3A_2110 = arith.constant 5 : i32
      %add3A_2111 = arith.addi %mul3A_2109, %add3A_2110 : i32
      %dma_start3A_2112 = arith.constant 1 : i32
      %dma_start3A_2113 = arith.constant 5 : i32
      %dma_start3A_2114 = arith.constant 1 : i32
      %dma_start3A_2115 = arith.constant 0 : i32
      %dma_start3A_2116 = arith.constant 0 : i32
      %dma_start3A_2117 = tpu.memref_slice %arg6[%dma_start3A_2112, %dma_start3A_2113, %dma_start3A_2115, %dma_start3A_2116] : memref<4x8x50x64xf32, #tpu.memory_space<vmem>> -> memref<1x1x50x64xf32, #tpu.memory_space<vmem>>
      %dma_start3A_2118 = tpu.memref_squeeze %dma_start3A_2117 : memref<1x1x50x64xf32, #tpu.memory_space<vmem>> -> memref<50x64xf32, #tpu.memory_space<vmem>>
      %dma_start3A_2119 = arith.constant 0 : i32
      %dma_start3A_2120 = tpu.memref_slice %arg5[%add3A_2111, %dma_start3A_2119] : memref<128x50xi32, #tpu.memory_space<vmem>> -> memref<1x50xi32, #tpu.memory_space<vmem>>
      %dma_start3A_2121 = tpu.memref_squeeze %dma_start3A_2120 : memref<1x50xi32, #tpu.memory_space<vmem>> -> memref<50xi32, #tpu.memory_space<vmem>>
      %dma_start3A_2122 = arith.constant 0 : i32
      %dma_start3A_2123 = arith.constant 0 : i32
      %dma_start3A_2124 = tpu.memref_slice %arg2[%dma_start3A_2122, %dma_start3A_2123] : memref<100000x64xf32, #tpu.memory_space<hbm>> -> memref<100000x64xf32, #tpu.memory_space<hbm>>
      %dma_start3A_2125 = tpu.memref_slice %arg7[%dma_start3A_2114] : memref<4x!tpu.dma_semaphore, #tpu.memory_space<semaphore_mem>> -> memref<1x!tpu.dma_semaphore, #tpu.memory_space<semaphore_mem>>
      %dma_start3A_2126 = tpu.memref_squeeze %dma_start3A_2125 : memref<1x!tpu.dma_semaphore, #tpu.memory_space<semaphore_mem>> -> memref<!tpu.dma_semaphore, #tpu.memory_space<semaphore_mem>>
      tpu.enqueue_indirect_dma source(%dma_start3A_2124 : memref<100000x64xf32, #tpu.memory_space<hbm>>) target(%dma_start3A_2118 : memref<50x64xf32, #tpu.memory_space<vmem>>) offsets(%dma_start3A_2121 : memref<50xi32, #tpu.memory_space<vmem>>) semaphore(%dma_start3A_2126 : memref<!tpu.dma_semaphore, #tpu.memory_space<semaphore_mem>>)
      %mul3A_2127 = arith.constant 8 : i32
      %mul3A_2128 = arith.muli %add3A_2012, %mul3A_2127 : i32
      %add3A_2129 = arith.constant 6 : i32
      %add3A_2130 = arith.addi %mul3A_2128, %add3A_2129 : i32
      %dma_start3A_2131 = arith.constant 1 : i32
      %dma_start3A_2132 = arith.constant 6 : i32
      %dma_start3A_2133 = arith.constant 1 : i32
      %dma_start3A_2134 = arith.constant 0 : i32
      %dma_start3A_2135 = arith.constant 0 : i32
      %dma_start3A_2136 = tpu.memref_slice %arg6[%dma_start3A_2131, %dma_start3A_2132, %dma_start3A_2134, %dma_start3A_2135] : memref<4x8x50x64xf32, #tpu.memory_space<vmem>> -> memref<1x1x50x64xf32, #tpu.memory_space<vmem>>
      %dma_start3A_2137 = tpu.memref_squeeze %dma_start3A_2136 : memref<1x1x50x64xf32, #tpu.memory_space<vmem>> -> memref<50x64xf32, #tpu.memory_space<vmem>>
      %dma_start3A_2138 = arith.constant 0 : i32
      %dma_start3A_2139 = tpu.memref_slice %arg5[%add3A_2130, %dma_start3A_2138] : memref<128x50xi32, #tpu.memory_space<vmem>> -> memref<1x50xi32, #tpu.memory_space<vmem>>
      %dma_start3A_2140 = tpu.memref_squeeze %dma_start3A_2139 : memref<1x50xi32, #tpu.memory_space<vmem>> -> memref<50xi32, #tpu.memory_space<vmem>>
      %dma_start3A_2141 = arith.constant 0 : i32
      %dma_start3A_2142 = arith.constant 0 : i32
      %dma_start3A_2143 = tpu.memref_slice %arg2[%dma_start3A_2141, %dma_start3A_2142] : memref<100000x64xf32, #tpu.memory_space<hbm>> -> memref<100000x64xf32, #tpu.memory_space<hbm>>
      %dma_start3A_2144 = tpu.memref_slice %arg7[%dma_start3A_2133] : memref<4x!tpu.dma_semaphore, #tpu.memory_space<semaphore_mem>> -> memref<1x!tpu.dma_semaphore, #tpu.memory_space<semaphore_mem>>
      %dma_start3A_2145 = tpu.memref_squeeze %dma_start3A_2144 : memref<1x!tpu.dma_semaphore, #tpu.memory_space<semaphore_mem>> -> memref<!tpu.dma_semaphore, #tpu.memory_space<semaphore_mem>>
      tpu.enqueue_indirect_dma source(%dma_start3A_2143 : memref<100000x64xf32, #tpu.memory_space<hbm>>) target(%dma_start3A_2137 : memref<50x64xf32, #tpu.memory_space<vmem>>) offsets(%dma_start3A_2140 : memref<50xi32, #tpu.memory_space<vmem>>) semaphore(%dma_start3A_2145 : memref<!tpu.dma_semaphore, #tpu.memory_space<semaphore_mem>>)
      %mul3A_2146 = arith.constant 8 : i32
      %mul3A_2147 = arith.muli %add3A_2012, %mul3A_2146 : i32
      %add3A_2148 = arith.constant 7 : i32
      %add3A_2149 = arith.addi %mul3A_2147, %add3A_2148 : i32
      %dma_start3A_2150 = arith.constant 1 : i32
      %dma_start3A_2151 = arith.constant 7 : i32
      %dma_start3A_2152 = arith.constant 1 : i32
      %dma_start3A_2153 = arith.constant 0 : i32
      %dma_start3A_2154 = arith.constant 0 : i32
      %dma_start3A_2155 = tpu.memref_slice %arg6[%dma_start3A_2150, %dma_start3A_2151, %dma_start3A_2153, %dma_start3A_2154] : memref<4x8x50x64xf32, #tpu.memory_space<vmem>> -> memref<1x1x50x64xf32, #tpu.memory_space<vmem>>
      %dma_start3A_2156 = tpu.memref_squeeze %dma_start3A_2155 : memref<1x1x50x64xf32, #tpu.memory_space<vmem>> -> memref<50x64xf32, #tpu.memory_space<vmem>>
      %dma_start3A_2157 = arith.constant 0 : i32
      %dma_start3A_2158 = tpu.memref_slice %arg5[%add3A_2149, %dma_start3A_2157] : memref<128x50xi32, #tpu.memory_space<vmem>> -> memref<1x50xi32, #tpu.memory_space<vmem>>
      %dma_start3A_2159 = tpu.memref_squeeze %dma_start3A_2158 : memref<1x50xi32, #tpu.memory_space<vmem>> -> memref<50xi32, #tpu.memory_space<vmem>>
      %dma_start3A_2160 = arith.constant 0 : i32
      %dma_start3A_2161 = arith.constant 0 : i32
      %dma_start3A_2162 = tpu.memref_slice %arg2[%dma_start3A_2160, %dma_start3A_2161] : memref<100000x64xf32, #tpu.memory_space<hbm>> -> memref<100000x64xf32, #tpu.memory_space<hbm>>
      %dma_start3A_2163 = tpu.memref_slice %arg7[%dma_start3A_2152] : memref<4x!tpu.dma_semaphore, #tpu.memory_space<semaphore_mem>> -> memref<1x!tpu.dma_semaphore, #tpu.memory_space<semaphore_mem>>
      %dma_start3A_2164 = tpu.memref_squeeze %dma_start3A_2163 : memref<1x!tpu.dma_semaphore, #tpu.memory_space<semaphore_mem>> -> memref<!tpu.dma_semaphore, #tpu.memory_space<semaphore_mem>>
      tpu.enqueue_indirect_dma source(%dma_start3A_2162 : memref<100000x64xf32, #tpu.memory_space<hbm>>) target(%dma_start3A_2156 : memref<50x64xf32, #tpu.memory_space<vmem>>) offsets(%dma_start3A_2159 : memref<50xi32, #tpu.memory_space<vmem>>) semaphore(%dma_start3A_2164 : memref<!tpu.dma_semaphore, #tpu.memory_space<semaphore_mem>>)
      %dma_wait3A_2165 = arith.constant 2 : i32
      %dma_wait3A_2166 = arith.constant 2 : i32
      %dma_wait3A_2167 = arith.constant 0 : i32
      %dma_wait3A_2168 = arith.constant 0 : i32
      %dma_wait3A_2169 = arith.constant 0 : i32
      %dma_wait3A_2170 = tpu.memref_slice %arg6[%dma_wait3A_2165, %dma_wait3A_2167, %dma_wait3A_2168, %dma_wait3A_2169] : memref<4x8x50x64xf32, #tpu.memory_space<vmem>> -> memref<1x8x50x64xf32, #tpu.memory_space<vmem>>
      %dma_wait3A_2171 = tpu.memref_squeeze %dma_wait3A_2170 : memref<1x8x50x64xf32, #tpu.memory_space<vmem>> -> memref<8x50x64xf32, #tpu.memory_space<vmem>>
      %dma_wait3A_2172 = arith.constant 0 : i32
      %dma_wait3A_2173 = arith.constant 0 : i32
      %dma_wait3A_2174 = tpu.memref_slice %arg4[%mul3A_2, %dma_wait3A_2172, %dma_wait3A_2173] : memref<4096x56x128xf32, #tpu.memory_space<hbm>> -> memref<8x50x64xf32, #tpu.memory_space<hbm>>
      %dma_wait3A_2175 = tpu.memref_slice %arg8[%dma_wait3A_2166] : memref<4x!tpu.dma_semaphore, #tpu.memory_space<semaphore_mem>> -> memref<1x!tpu.dma_semaphore, #tpu.memory_space<semaphore_mem>>
      %dma_wait3A_2176 = tpu.memref_squeeze %dma_wait3A_2175 : memref<1x!tpu.dma_semaphore, #tpu.memory_space<semaphore_mem>> -> memref<!tpu.dma_semaphore, #tpu.memory_space<semaphore_mem>>
      %dma_wait3A_2177 = arith.constant 0 : i32
      %dma_wait3A_2178 = arith.constant 0 : i32
      %dma_wait3A_2179 = tpu.memref_slice %arg4[%mul3A_2, %dma_wait3A_2177, %dma_wait3A_2178] : memref<4096x56x128xf32, #tpu.memory_space<hbm>> -> memref<8x50x64xf32, #tpu.memory_space<hbm>>
      %dma_wait3A_2180 = arith.constant 0 : i32
      %dma_wait3A_2181 = arith.constant 0 : i32
      %dma_wait3A_2182 = arith.constant 0 : i32
      %dma_wait3A_2183 = tpu.memref_slice %arg6[%dma_wait3A_2165, %dma_wait3A_2180, %dma_wait3A_2181, %dma_wait3A_2182] : memref<4x8x50x64xf32, #tpu.memory_space<vmem>> -> memref<1x8x50x64xf32, #tpu.memory_space<vmem>>
      %dma_wait3A_2184 = tpu.memref_squeeze %dma_wait3A_2183 : memref<1x8x50x64xf32, #tpu.memory_space<vmem>> -> memref<8x50x64xf32, #tpu.memory_space<vmem>>
      tpu.wait_dma2 semaphore(%dma_wait3A_2176 : memref<!tpu.dma_semaphore, #tpu.memory_space<semaphore_mem>>) src(%dma_wait3A_2184 : memref<8x50x64xf32, #tpu.memory_space<vmem>>) dst(%dma_wait3A_2179 : memref<8x50x64xf32, #tpu.memory_space<hbm>>)
      %add3A_2185 = arith.constant 4 : i32
      %add3A_2186 = arith.addi %mul3A_1200, %add3A_2185 : i32
      %add3A_2187 = arith.constant 2 : i32
      %add3A_2188 = arith.addi %add3A_2186, %add3A_2187 : i32
      %mul3A_2189 = arith.constant 8 : i32
      %mul3A_2190 = arith.muli %add3A_2188, %mul3A_2189 : i32
      %add3A_2191 = arith.constant 0 : i32
      %add3A_2192 = arith.addi %mul3A_2190, %add3A_2191 : i32
      %dma_start3A_2193 = arith.constant 2 : i32
      %dma_start3A_2194 = arith.constant 0 : i32
      %dma_start3A_2195 = arith.constant 2 : i32
      %dma_start3A_2196 = arith.constant 0 : i32
      %dma_start3A_2197 = arith.constant 0 : i32
      %dma_start3A_2198 = tpu.memref_slice %arg6[%dma_start3A_2193, %dma_start3A_2194, %dma_start3A_2196, %dma_start3A_2197] : memref<4x8x50x64xf32, #tpu.memory_space<vmem>> -> memref<1x1x50x64xf32, #tpu.memory_space<vmem>>
      %dma_start3A_2199 = tpu.memref_squeeze %dma_start3A_2198 : memref<1x1x50x64xf32, #tpu.memory_space<vmem>> -> memref<50x64xf32, #tpu.memory_space<vmem>>
      %dma_start3A_2200 = arith.constant 0 : i32
      %dma_start3A_2201 = tpu.memref_slice %arg5[%add3A_2192, %dma_start3A_2200] : memref<128x50xi32, #tpu.memory_space<vmem>> -> memref<1x50xi32, #tpu.memory_space<vmem>>
      %dma_start3A_2202 = tpu.memref_squeeze %dma_start3A_2201 : memref<1x50xi32, #tpu.memory_space<vmem>> -> memref<50xi32, #tpu.memory_space<vmem>>
      %dma_start3A_2203 = arith.constant 0 : i32
      %dma_start3A_2204 = arith.constant 0 : i32
      %dma_start3A_2205 = tpu.memref_slice %arg2[%dma_start3A_2203, %dma_start3A_2204] : memref<100000x64xf32, #tpu.memory_space<hbm>> -> memref<100000x64xf32, #tpu.memory_space<hbm>>
      %dma_start3A_2206 = tpu.memref_slice %arg7[%dma_start3A_2195] : memref<4x!tpu.dma_semaphore, #tpu.memory_space<semaphore_mem>> -> memref<1x!tpu.dma_semaphore, #tpu.memory_space<semaphore_mem>>
      %dma_start3A_2207 = tpu.memref_squeeze %dma_start3A_2206 : memref<1x!tpu.dma_semaphore, #tpu.memory_space<semaphore_mem>> -> memref<!tpu.dma_semaphore, #tpu.memory_space<semaphore_mem>>
      tpu.enqueue_indirect_dma source(%dma_start3A_2205 : memref<100000x64xf32, #tpu.memory_space<hbm>>) target(%dma_start3A_2199 : memref<50x64xf32, #tpu.memory_space<vmem>>) offsets(%dma_start3A_2202 : memref<50xi32, #tpu.memory_space<vmem>>) semaphore(%dma_start3A_2207 : memref<!tpu.dma_semaphore, #tpu.memory_space<semaphore_mem>>)
      %mul3A_2208 = arith.constant 8 : i32
      %mul3A_2209 = arith.muli %add3A_2188, %mul3A_2208 : i32
      %add3A_2210 = arith.constant 1 : i32
      %add3A_2211 = arith.addi %mul3A_2209, %add3A_2210 : i32
      %dma_start3A_2212 = arith.constant 2 : i32
      %dma_start3A_2213 = arith.constant 1 : i32
      %dma_start3A_2214 = arith.constant 2 : i32
      %dma_start3A_2215 = arith.constant 0 : i32
      %dma_start3A_2216 = arith.constant 0 : i32
      %dma_start3A_2217 = tpu.memref_slice %arg6[%dma_start3A_2212, %dma_start3A_2213, %dma_start3A_2215, %dma_start3A_2216] : memref<4x8x50x64xf32, #tpu.memory_space<vmem>> -> memref<1x1x50x64xf32, #tpu.memory_space<vmem>>
      %dma_start3A_2218 = tpu.memref_squeeze %dma_start3A_2217 : memref<1x1x50x64xf32, #tpu.memory_space<vmem>> -> memref<50x64xf32, #tpu.memory_space<vmem>>
      %dma_start3A_2219 = arith.constant 0 : i32
      %dma_start3A_2220 = tpu.memref_slice %arg5[%add3A_2211, %dma_start3A_2219] : memref<128x50xi32, #tpu.memory_space<vmem>> -> memref<1x50xi32, #tpu.memory_space<vmem>>
      %dma_start3A_2221 = tpu.memref_squeeze %dma_start3A_2220 : memref<1x50xi32, #tpu.memory_space<vmem>> -> memref<50xi32, #tpu.memory_space<vmem>>
      %dma_start3A_2222 = arith.constant 0 : i32
      %dma_start3A_2223 = arith.constant 0 : i32
      %dma_start3A_2224 = tpu.memref_slice %arg2[%dma_start3A_2222, %dma_start3A_2223] : memref<100000x64xf32, #tpu.memory_space<hbm>> -> memref<100000x64xf32, #tpu.memory_space<hbm>>
      %dma_start3A_2225 = tpu.memref_slice %arg7[%dma_start3A_2214] : memref<4x!tpu.dma_semaphore, #tpu.memory_space<semaphore_mem>> -> memref<1x!tpu.dma_semaphore, #tpu.memory_space<semaphore_mem>>
      %dma_start3A_2226 = tpu.memref_squeeze %dma_start3A_2225 : memref<1x!tpu.dma_semaphore, #tpu.memory_space<semaphore_mem>> -> memref<!tpu.dma_semaphore, #tpu.memory_space<semaphore_mem>>
      tpu.enqueue_indirect_dma source(%dma_start3A_2224 : memref<100000x64xf32, #tpu.memory_space<hbm>>) target(%dma_start3A_2218 : memref<50x64xf32, #tpu.memory_space<vmem>>) offsets(%dma_start3A_2221 : memref<50xi32, #tpu.memory_space<vmem>>) semaphore(%dma_start3A_2226 : memref<!tpu.dma_semaphore, #tpu.memory_space<semaphore_mem>>)
      %mul3A_2227 = arith.constant 8 : i32
      %mul3A_2228 = arith.muli %add3A_2188, %mul3A_2227 : i32
      %add3A_2229 = arith.constant 2 : i32
      %add3A_2230 = arith.addi %mul3A_2228, %add3A_2229 : i32
      %dma_start3A_2231 = arith.constant 2 : i32
      %dma_start3A_2232 = arith.constant 2 : i32
      %dma_start3A_2233 = arith.constant 2 : i32
      %dma_start3A_2234 = arith.constant 0 : i32
      %dma_start3A_2235 = arith.constant 0 : i32
      %dma_start3A_2236 = tpu.memref_slice %arg6[%dma_start3A_2231, %dma_start3A_2232, %dma_start3A_2234, %dma_start3A_2235] : memref<4x8x50x64xf32, #tpu.memory_space<vmem>> -> memref<1x1x50x64xf32, #tpu.memory_space<vmem>>
      %dma_start3A_2237 = tpu.memref_squeeze %dma_start3A_2236 : memref<1x1x50x64xf32, #tpu.memory_space<vmem>> -> memref<50x64xf32, #tpu.memory_space<vmem>>
      %dma_start3A_2238 = arith.constant 0 : i32
      %dma_start3A_2239 = tpu.memref_slice %arg5[%add3A_2230, %dma_start3A_2238] : memref<128x50xi32, #tpu.memory_space<vmem>> -> memref<1x50xi32, #tpu.memory_space<vmem>>
      %dma_start3A_2240 = tpu.memref_squeeze %dma_start3A_2239 : memref<1x50xi32, #tpu.memory_space<vmem>> -> memref<50xi32, #tpu.memory_space<vmem>>
      %dma_start3A_2241 = arith.constant 0 : i32
      %dma_start3A_2242 = arith.constant 0 : i32
      %dma_start3A_2243 = tpu.memref_slice %arg2[%dma_start3A_2241, %dma_start3A_2242] : memref<100000x64xf32, #tpu.memory_space<hbm>> -> memref<100000x64xf32, #tpu.memory_space<hbm>>
      %dma_start3A_2244 = tpu.memref_slice %arg7[%dma_start3A_2233] : memref<4x!tpu.dma_semaphore, #tpu.memory_space<semaphore_mem>> -> memref<1x!tpu.dma_semaphore, #tpu.memory_space<semaphore_mem>>
      %dma_start3A_2245 = tpu.memref_squeeze %dma_start3A_2244 : memref<1x!tpu.dma_semaphore, #tpu.memory_space<semaphore_mem>> -> memref<!tpu.dma_semaphore, #tpu.memory_space<semaphore_mem>>
      tpu.enqueue_indirect_dma source(%dma_start3A_2243 : memref<100000x64xf32, #tpu.memory_space<hbm>>) target(%dma_start3A_2237 : memref<50x64xf32, #tpu.memory_space<vmem>>) offsets(%dma_start3A_2240 : memref<50xi32, #tpu.memory_space<vmem>>) semaphore(%dma_start3A_2245 : memref<!tpu.dma_semaphore, #tpu.memory_space<semaphore_mem>>)
      %mul3A_2246 = arith.constant 8 : i32
      %mul3A_2247 = arith.muli %add3A_2188, %mul3A_2246 : i32
      %add3A_2248 = arith.constant 3 : i32
      %add3A_2249 = arith.addi %mul3A_2247, %add3A_2248 : i32
      %dma_start3A_2250 = arith.constant 2 : i32
      %dma_start3A_2251 = arith.constant 3 : i32
      %dma_start3A_2252 = arith.constant 2 : i32
      %dma_start3A_2253 = arith.constant 0 : i32
      %dma_start3A_2254 = arith.constant 0 : i32
      %dma_start3A_2255 = tpu.memref_slice %arg6[%dma_start3A_2250, %dma_start3A_2251, %dma_start3A_2253, %dma_start3A_2254] : memref<4x8x50x64xf32, #tpu.memory_space<vmem>> -> memref<1x1x50x64xf32, #tpu.memory_space<vmem>>
      %dma_start3A_2256 = tpu.memref_squeeze %dma_start3A_2255 : memref<1x1x50x64xf32, #tpu.memory_space<vmem>> -> memref<50x64xf32, #tpu.memory_space<vmem>>
      %dma_start3A_2257 = arith.constant 0 : i32
      %dma_start3A_2258 = tpu.memref_slice %arg5[%add3A_2249, %dma_start3A_2257] : memref<128x50xi32, #tpu.memory_space<vmem>> -> memref<1x50xi32, #tpu.memory_space<vmem>>
      %dma_start3A_2259 = tpu.memref_squeeze %dma_start3A_2258 : memref<1x50xi32, #tpu.memory_space<vmem>> -> memref<50xi32, #tpu.memory_space<vmem>>
      %dma_start3A_2260 = arith.constant 0 : i32
      %dma_start3A_2261 = arith.constant 0 : i32
      %dma_start3A_2262 = tpu.memref_slice %arg2[%dma_start3A_2260, %dma_start3A_2261] : memref<100000x64xf32, #tpu.memory_space<hbm>> -> memref<100000x64xf32, #tpu.memory_space<hbm>>
      %dma_start3A_2263 = tpu.memref_slice %arg7[%dma_start3A_2252] : memref<4x!tpu.dma_semaphore, #tpu.memory_space<semaphore_mem>> -> memref<1x!tpu.dma_semaphore, #tpu.memory_space<semaphore_mem>>
      %dma_start3A_2264 = tpu.memref_squeeze %dma_start3A_2263 : memref<1x!tpu.dma_semaphore, #tpu.memory_space<semaphore_mem>> -> memref<!tpu.dma_semaphore, #tpu.memory_space<semaphore_mem>>
      tpu.enqueue_indirect_dma source(%dma_start3A_2262 : memref<100000x64xf32, #tpu.memory_space<hbm>>) target(%dma_start3A_2256 : memref<50x64xf32, #tpu.memory_space<vmem>>) offsets(%dma_start3A_2259 : memref<50xi32, #tpu.memory_space<vmem>>) semaphore(%dma_start3A_2264 : memref<!tpu.dma_semaphore, #tpu.memory_space<semaphore_mem>>)
      %mul3A_2265 = arith.constant 8 : i32
      %mul3A_2266 = arith.muli %add3A_2188, %mul3A_2265 : i32
      %add3A_2267 = arith.constant 4 : i32
      %add3A_2268 = arith.addi %mul3A_2266, %add3A_2267 : i32
      %dma_start3A_2269 = arith.constant 2 : i32
      %dma_start3A_2270 = arith.constant 4 : i32
      %dma_start3A_2271 = arith.constant 2 : i32
      %dma_start3A_2272 = arith.constant 0 : i32
      %dma_start3A_2273 = arith.constant 0 : i32
      %dma_start3A_2274 = tpu.memref_slice %arg6[%dma_start3A_2269, %dma_start3A_2270, %dma_start3A_2272, %dma_start3A_2273] : memref<4x8x50x64xf32, #tpu.memory_space<vmem>> -> memref<1x1x50x64xf32, #tpu.memory_space<vmem>>
      %dma_start3A_2275 = tpu.memref_squeeze %dma_start3A_2274 : memref<1x1x50x64xf32, #tpu.memory_space<vmem>> -> memref<50x64xf32, #tpu.memory_space<vmem>>
      %dma_start3A_2276 = arith.constant 0 : i32
      %dma_start3A_2277 = tpu.memref_slice %arg5[%add3A_2268, %dma_start3A_2276] : memref<128x50xi32, #tpu.memory_space<vmem>> -> memref<1x50xi32, #tpu.memory_space<vmem>>
      %dma_start3A_2278 = tpu.memref_squeeze %dma_start3A_2277 : memref<1x50xi32, #tpu.memory_space<vmem>> -> memref<50xi32, #tpu.memory_space<vmem>>
      %dma_start3A_2279 = arith.constant 0 : i32
      %dma_start3A_2280 = arith.constant 0 : i32
      %dma_start3A_2281 = tpu.memref_slice %arg2[%dma_start3A_2279, %dma_start3A_2280] : memref<100000x64xf32, #tpu.memory_space<hbm>> -> memref<100000x64xf32, #tpu.memory_space<hbm>>
      %dma_start3A_2282 = tpu.memref_slice %arg7[%dma_start3A_2271] : memref<4x!tpu.dma_semaphore, #tpu.memory_space<semaphore_mem>> -> memref<1x!tpu.dma_semaphore, #tpu.memory_space<semaphore_mem>>
      %dma_start3A_2283 = tpu.memref_squeeze %dma_start3A_2282 : memref<1x!tpu.dma_semaphore, #tpu.memory_space<semaphore_mem>> -> memref<!tpu.dma_semaphore, #tpu.memory_space<semaphore_mem>>
      tpu.enqueue_indirect_dma source(%dma_start3A_2281 : memref<100000x64xf32, #tpu.memory_space<hbm>>) target(%dma_start3A_2275 : memref<50x64xf32, #tpu.memory_space<vmem>>) offsets(%dma_start3A_2278 : memref<50xi32, #tpu.memory_space<vmem>>) semaphore(%dma_start3A_2283 : memref<!tpu.dma_semaphore, #tpu.memory_space<semaphore_mem>>)
      %mul3A_2284 = arith.constant 8 : i32
      %mul3A_2285 = arith.muli %add3A_2188, %mul3A_2284 : i32
      %add3A_2286 = arith.constant 5 : i32
      %add3A_2287 = arith.addi %mul3A_2285, %add3A_2286 : i32
      %dma_start3A_2288 = arith.constant 2 : i32
      %dma_start3A_2289 = arith.constant 5 : i32
      %dma_start3A_2290 = arith.constant 2 : i32
      %dma_start3A_2291 = arith.constant 0 : i32
      %dma_start3A_2292 = arith.constant 0 : i32
      %dma_start3A_2293 = tpu.memref_slice %arg6[%dma_start3A_2288, %dma_start3A_2289, %dma_start3A_2291, %dma_start3A_2292] : memref<4x8x50x64xf32, #tpu.memory_space<vmem>> -> memref<1x1x50x64xf32, #tpu.memory_space<vmem>>
      %dma_start3A_2294 = tpu.memref_squeeze %dma_start3A_2293 : memref<1x1x50x64xf32, #tpu.memory_space<vmem>> -> memref<50x64xf32, #tpu.memory_space<vmem>>
      %dma_start3A_2295 = arith.constant 0 : i32
      %dma_start3A_2296 = tpu.memref_slice %arg5[%add3A_2287, %dma_start3A_2295] : memref<128x50xi32, #tpu.memory_space<vmem>> -> memref<1x50xi32, #tpu.memory_space<vmem>>
      %dma_start3A_2297 = tpu.memref_squeeze %dma_start3A_2296 : memref<1x50xi32, #tpu.memory_space<vmem>> -> memref<50xi32, #tpu.memory_space<vmem>>
      %dma_start3A_2298 = arith.constant 0 : i32
      %dma_start3A_2299 = arith.constant 0 : i32
      %dma_start3A_2300 = tpu.memref_slice %arg2[%dma_start3A_2298, %dma_start3A_2299] : memref<100000x64xf32, #tpu.memory_space<hbm>> -> memref<100000x64xf32, #tpu.memory_space<hbm>>
      %dma_start3A_2301 = tpu.memref_slice %arg7[%dma_start3A_2290] : memref<4x!tpu.dma_semaphore, #tpu.memory_space<semaphore_mem>> -> memref<1x!tpu.dma_semaphore, #tpu.memory_space<semaphore_mem>>
      %dma_start3A_2302 = tpu.memref_squeeze %dma_start3A_2301 : memref<1x!tpu.dma_semaphore, #tpu.memory_space<semaphore_mem>> -> memref<!tpu.dma_semaphore, #tpu.memory_space<semaphore_mem>>
      tpu.enqueue_indirect_dma source(%dma_start3A_2300 : memref<100000x64xf32, #tpu.memory_space<hbm>>) target(%dma_start3A_2294 : memref<50x64xf32, #tpu.memory_space<vmem>>) offsets(%dma_start3A_2297 : memref<50xi32, #tpu.memory_space<vmem>>) semaphore(%dma_start3A_2302 : memref<!tpu.dma_semaphore, #tpu.memory_space<semaphore_mem>>)
      %mul3A_2303 = arith.constant 8 : i32
      %mul3A_2304 = arith.muli %add3A_2188, %mul3A_2303 : i32
      %add3A_2305 = arith.constant 6 : i32
      %add3A_2306 = arith.addi %mul3A_2304, %add3A_2305 : i32
      %dma_start3A_2307 = arith.constant 2 : i32
      %dma_start3A_2308 = arith.constant 6 : i32
      %dma_start3A_2309 = arith.constant 2 : i32
      %dma_start3A_2310 = arith.constant 0 : i32
      %dma_start3A_2311 = arith.constant 0 : i32
      %dma_start3A_2312 = tpu.memref_slice %arg6[%dma_start3A_2307, %dma_start3A_2308, %dma_start3A_2310, %dma_start3A_2311] : memref<4x8x50x64xf32, #tpu.memory_space<vmem>> -> memref<1x1x50x64xf32, #tpu.memory_space<vmem>>
      %dma_start3A_2313 = tpu.memref_squeeze %dma_start3A_2312 : memref<1x1x50x64xf32, #tpu.memory_space<vmem>> -> memref<50x64xf32, #tpu.memory_space<vmem>>
      %dma_start3A_2314 = arith.constant 0 : i32
      %dma_start3A_2315 = tpu.memref_slice %arg5[%add3A_2306, %dma_start3A_2314] : memref<128x50xi32, #tpu.memory_space<vmem>> -> memref<1x50xi32, #tpu.memory_space<vmem>>
      %dma_start3A_2316 = tpu.memref_squeeze %dma_start3A_2315 : memref<1x50xi32, #tpu.memory_space<vmem>> -> memref<50xi32, #tpu.memory_space<vmem>>
      %dma_start3A_2317 = arith.constant 0 : i32
      %dma_start3A_2318 = arith.constant 0 : i32
      %dma_start3A_2319 = tpu.memref_slice %arg2[%dma_start3A_2317, %dma_start3A_2318] : memref<100000x64xf32, #tpu.memory_space<hbm>> -> memref<100000x64xf32, #tpu.memory_space<hbm>>
      %dma_start3A_2320 = tpu.memref_slice %arg7[%dma_start3A_2309] : memref<4x!tpu.dma_semaphore, #tpu.memory_space<semaphore_mem>> -> memref<1x!tpu.dma_semaphore, #tpu.memory_space<semaphore_mem>>
      %dma_start3A_2321 = tpu.memref_squeeze %dma_start3A_2320 : memref<1x!tpu.dma_semaphore, #tpu.memory_space<semaphore_mem>> -> memref<!tpu.dma_semaphore, #tpu.memory_space<semaphore_mem>>
      tpu.enqueue_indirect_dma source(%dma_start3A_2319 : memref<100000x64xf32, #tpu.memory_space<hbm>>) target(%dma_start3A_2313 : memref<50x64xf32, #tpu.memory_space<vmem>>) offsets(%dma_start3A_2316 : memref<50xi32, #tpu.memory_space<vmem>>) semaphore(%dma_start3A_2321 : memref<!tpu.dma_semaphore, #tpu.memory_space<semaphore_mem>>)
      %mul3A_2322 = arith.constant 8 : i32
      %mul3A_2323 = arith.muli %add3A_2188, %mul3A_2322 : i32
      %add3A_2324 = arith.constant 7 : i32
      %add3A_2325 = arith.addi %mul3A_2323, %add3A_2324 : i32
      %dma_start3A_2326 = arith.constant 2 : i32
      %dma_start3A_2327 = arith.constant 7 : i32
      %dma_start3A_2328 = arith.constant 2 : i32
      %dma_start3A_2329 = arith.constant 0 : i32
      %dma_start3A_2330 = arith.constant 0 : i32
      %dma_start3A_2331 = tpu.memref_slice %arg6[%dma_start3A_2326, %dma_start3A_2327, %dma_start3A_2329, %dma_start3A_2330] : memref<4x8x50x64xf32, #tpu.memory_space<vmem>> -> memref<1x1x50x64xf32, #tpu.memory_space<vmem>>
      %dma_start3A_2332 = tpu.memref_squeeze %dma_start3A_2331 : memref<1x1x50x64xf32, #tpu.memory_space<vmem>> -> memref<50x64xf32, #tpu.memory_space<vmem>>
      %dma_start3A_2333 = arith.constant 0 : i32
      %dma_start3A_2334 = tpu.memref_slice %arg5[%add3A_2325, %dma_start3A_2333] : memref<128x50xi32, #tpu.memory_space<vmem>> -> memref<1x50xi32, #tpu.memory_space<vmem>>
      %dma_start3A_2335 = tpu.memref_squeeze %dma_start3A_2334 : memref<1x50xi32, #tpu.memory_space<vmem>> -> memref<50xi32, #tpu.memory_space<vmem>>
      %dma_start3A_2336 = arith.constant 0 : i32
      %dma_start3A_2337 = arith.constant 0 : i32
      %dma_start3A_2338 = tpu.memref_slice %arg2[%dma_start3A_2336, %dma_start3A_2337] : memref<100000x64xf32, #tpu.memory_space<hbm>> -> memref<100000x64xf32, #tpu.memory_space<hbm>>
      %dma_start3A_2339 = tpu.memref_slice %arg7[%dma_start3A_2328] : memref<4x!tpu.dma_semaphore, #tpu.memory_space<semaphore_mem>> -> memref<1x!tpu.dma_semaphore, #tpu.memory_space<semaphore_mem>>
      %dma_start3A_2340 = tpu.memref_squeeze %dma_start3A_2339 : memref<1x!tpu.dma_semaphore, #tpu.memory_space<semaphore_mem>> -> memref<!tpu.dma_semaphore, #tpu.memory_space<semaphore_mem>>
      tpu.enqueue_indirect_dma source(%dma_start3A_2338 : memref<100000x64xf32, #tpu.memory_space<hbm>>) target(%dma_start3A_2332 : memref<50x64xf32, #tpu.memory_space<vmem>>) offsets(%dma_start3A_2335 : memref<50xi32, #tpu.memory_space<vmem>>) semaphore(%dma_start3A_2340 : memref<!tpu.dma_semaphore, #tpu.memory_space<semaphore_mem>>)
      %dma_wait3A_2341 = arith.constant 3 : i32
      %dma_wait3A_2342 = arith.constant 3 : i32
      %dma_wait3A_2343 = arith.constant 0 : i32
      %dma_wait3A_2344 = arith.constant 0 : i32
      %dma_wait3A_2345 = arith.constant 0 : i32
      %dma_wait3A_2346 = tpu.memref_slice %arg6[%dma_wait3A_2341, %dma_wait3A_2343, %dma_wait3A_2344, %dma_wait3A_2345] : memref<4x8x50x64xf32, #tpu.memory_space<vmem>> -> memref<1x8x50x64xf32, #tpu.memory_space<vmem>>
      %dma_wait3A_2347 = tpu.memref_squeeze %dma_wait3A_2346 : memref<1x8x50x64xf32, #tpu.memory_space<vmem>> -> memref<8x50x64xf32, #tpu.memory_space<vmem>>
      %dma_wait3A_2348 = arith.constant 0 : i32
      %dma_wait3A_2349 = arith.constant 0 : i32
      %dma_wait3A_2350 = tpu.memref_slice %arg4[%mul3A_2, %dma_wait3A_2348, %dma_wait3A_2349] : memref<4096x56x128xf32, #tpu.memory_space<hbm>> -> memref<8x50x64xf32, #tpu.memory_space<hbm>>
      %dma_wait3A_2351 = tpu.memref_slice %arg8[%dma_wait3A_2342] : memref<4x!tpu.dma_semaphore, #tpu.memory_space<semaphore_mem>> -> memref<1x!tpu.dma_semaphore, #tpu.memory_space<semaphore_mem>>
      %dma_wait3A_2352 = tpu.memref_squeeze %dma_wait3A_2351 : memref<1x!tpu.dma_semaphore, #tpu.memory_space<semaphore_mem>> -> memref<!tpu.dma_semaphore, #tpu.memory_space<semaphore_mem>>
      %dma_wait3A_2353 = arith.constant 0 : i32
      %dma_wait3A_2354 = arith.constant 0 : i32
      %dma_wait3A_2355 = tpu.memref_slice %arg4[%mul3A_2, %dma_wait3A_2353, %dma_wait3A_2354] : memref<4096x56x128xf32, #tpu.memory_space<hbm>> -> memref<8x50x64xf32, #tpu.memory_space<hbm>>
      %dma_wait3A_2356 = arith.constant 0 : i32
      %dma_wait3A_2357 = arith.constant 0 : i32
      %dma_wait3A_2358 = arith.constant 0 : i32
      %dma_wait3A_2359 = tpu.memref_slice %arg6[%dma_wait3A_2341, %dma_wait3A_2356, %dma_wait3A_2357, %dma_wait3A_2358] : memref<4x8x50x64xf32, #tpu.memory_space<vmem>> -> memref<1x8x50x64xf32, #tpu.memory_space<vmem>>
      %dma_wait3A_2360 = tpu.memref_squeeze %dma_wait3A_2359 : memref<1x8x50x64xf32, #tpu.memory_space<vmem>> -> memref<8x50x64xf32, #tpu.memory_space<vmem>>
      tpu.wait_dma2 semaphore(%dma_wait3A_2352 : memref<!tpu.dma_semaphore, #tpu.memory_space<semaphore_mem>>) src(%dma_wait3A_2360 : memref<8x50x64xf32, #tpu.memory_space<vmem>>) dst(%dma_wait3A_2355 : memref<8x50x64xf32, #tpu.memory_space<hbm>>)
      %add3A_2361 = arith.constant 4 : i32
      %add3A_2362 = arith.addi %mul3A_1200, %add3A_2361 : i32
      %add3A_2363 = arith.constant 3 : i32
      %add3A_2364 = arith.addi %add3A_2362, %add3A_2363 : i32
      %mul3A_2365 = arith.constant 8 : i32
      %mul3A_2366 = arith.muli %add3A_2364, %mul3A_2365 : i32
      %add3A_2367 = arith.constant 0 : i32
      %add3A_2368 = arith.addi %mul3A_2366, %add3A_2367 : i32
      %dma_start3A_2369 = arith.constant 3 : i32
      %dma_start3A_2370 = arith.constant 0 : i32
      %dma_start3A_2371 = arith.constant 3 : i32
      %dma_start3A_2372 = arith.constant 0 : i32
      %dma_start3A_2373 = arith.constant 0 : i32
      %dma_start3A_2374 = tpu.memref_slice %arg6[%dma_start3A_2369, %dma_start3A_2370, %dma_start3A_2372, %dma_start3A_2373] : memref<4x8x50x64xf32, #tpu.memory_space<vmem>> -> memref<1x1x50x64xf32, #tpu.memory_space<vmem>>
      %dma_start3A_2375 = tpu.memref_squeeze %dma_start3A_2374 : memref<1x1x50x64xf32, #tpu.memory_space<vmem>> -> memref<50x64xf32, #tpu.memory_space<vmem>>
      %dma_start3A_2376 = arith.constant 0 : i32
      %dma_start3A_2377 = tpu.memref_slice %arg5[%add3A_2368, %dma_start3A_2376] : memref<128x50xi32, #tpu.memory_space<vmem>> -> memref<1x50xi32, #tpu.memory_space<vmem>>
      %dma_start3A_2378 = tpu.memref_squeeze %dma_start3A_2377 : memref<1x50xi32, #tpu.memory_space<vmem>> -> memref<50xi32, #tpu.memory_space<vmem>>
      %dma_start3A_2379 = arith.constant 0 : i32
      %dma_start3A_2380 = arith.constant 0 : i32
      %dma_start3A_2381 = tpu.memref_slice %arg2[%dma_start3A_2379, %dma_start3A_2380] : memref<100000x64xf32, #tpu.memory_space<hbm>> -> memref<100000x64xf32, #tpu.memory_space<hbm>>
      %dma_start3A_2382 = tpu.memref_slice %arg7[%dma_start3A_2371] : memref<4x!tpu.dma_semaphore, #tpu.memory_space<semaphore_mem>> -> memref<1x!tpu.dma_semaphore, #tpu.memory_space<semaphore_mem>>
      %dma_start3A_2383 = tpu.memref_squeeze %dma_start3A_2382 : memref<1x!tpu.dma_semaphore, #tpu.memory_space<semaphore_mem>> -> memref<!tpu.dma_semaphore, #tpu.memory_space<semaphore_mem>>
      tpu.enqueue_indirect_dma source(%dma_start3A_2381 : memref<100000x64xf32, #tpu.memory_space<hbm>>) target(%dma_start3A_2375 : memref<50x64xf32, #tpu.memory_space<vmem>>) offsets(%dma_start3A_2378 : memref<50xi32, #tpu.memory_space<vmem>>) semaphore(%dma_start3A_2383 : memref<!tpu.dma_semaphore, #tpu.memory_space<semaphore_mem>>)
      %mul3A_2384 = arith.constant 8 : i32
      %mul3A_2385 = arith.muli %add3A_2364, %mul3A_2384 : i32
      %add3A_2386 = arith.constant 1 : i32
      %add3A_2387 = arith.addi %mul3A_2385, %add3A_2386 : i32
      %dma_start3A_2388 = arith.constant 3 : i32
      %dma_start3A_2389 = arith.constant 1 : i32
      %dma_start3A_2390 = arith.constant 3 : i32
      %dma_start3A_2391 = arith.constant 0 : i32
      %dma_start3A_2392 = arith.constant 0 : i32
      %dma_start3A_2393 = tpu.memref_slice %arg6[%dma_start3A_2388, %dma_start3A_2389, %dma_start3A_2391, %dma_start3A_2392] : memref<4x8x50x64xf32, #tpu.memory_space<vmem>> -> memref<1x1x50x64xf32, #tpu.memory_space<vmem>>
      %dma_start3A_2394 = tpu.memref_squeeze %dma_start3A_2393 : memref<1x1x50x64xf32, #tpu.memory_space<vmem>> -> memref<50x64xf32, #tpu.memory_space<vmem>>
      %dma_start3A_2395 = arith.constant 0 : i32
      %dma_start3A_2396 = tpu.memref_slice %arg5[%add3A_2387, %dma_start3A_2395] : memref<128x50xi32, #tpu.memory_space<vmem>> -> memref<1x50xi32, #tpu.memory_space<vmem>>
      %dma_start3A_2397 = tpu.memref_squeeze %dma_start3A_2396 : memref<1x50xi32, #tpu.memory_space<vmem>> -> memref<50xi32, #tpu.memory_space<vmem>>
      %dma_start3A_2398 = arith.constant 0 : i32
      %dma_start3A_2399 = arith.constant 0 : i32
      %dma_start3A_2400 = tpu.memref_slice %arg2[%dma_start3A_2398, %dma_start3A_2399] : memref<100000x64xf32, #tpu.memory_space<hbm>> -> memref<100000x64xf32, #tpu.memory_space<hbm>>
      %dma_start3A_2401 = tpu.memref_slice %arg7[%dma_start3A_2390] : memref<4x!tpu.dma_semaphore, #tpu.memory_space<semaphore_mem>> -> memref<1x!tpu.dma_semaphore, #tpu.memory_space<semaphore_mem>>
      %dma_start3A_2402 = tpu.memref_squeeze %dma_start3A_2401 : memref<1x!tpu.dma_semaphore, #tpu.memory_space<semaphore_mem>> -> memref<!tpu.dma_semaphore, #tpu.memory_space<semaphore_mem>>
      tpu.enqueue_indirect_dma source(%dma_start3A_2400 : memref<100000x64xf32, #tpu.memory_space<hbm>>) target(%dma_start3A_2394 : memref<50x64xf32, #tpu.memory_space<vmem>>) offsets(%dma_start3A_2397 : memref<50xi32, #tpu.memory_space<vmem>>) semaphore(%dma_start3A_2402 : memref<!tpu.dma_semaphore, #tpu.memory_space<semaphore_mem>>)
      %mul3A_2403 = arith.constant 8 : i32
      %mul3A_2404 = arith.muli %add3A_2364, %mul3A_2403 : i32
      %add3A_2405 = arith.constant 2 : i32
      %add3A_2406 = arith.addi %mul3A_2404, %add3A_2405 : i32
      %dma_start3A_2407 = arith.constant 3 : i32
      %dma_start3A_2408 = arith.constant 2 : i32
      %dma_start3A_2409 = arith.constant 3 : i32
      %dma_start3A_2410 = arith.constant 0 : i32
      %dma_start3A_2411 = arith.constant 0 : i32
      %dma_start3A_2412 = tpu.memref_slice %arg6[%dma_start3A_2407, %dma_start3A_2408, %dma_start3A_2410, %dma_start3A_2411] : memref<4x8x50x64xf32, #tpu.memory_space<vmem>> -> memref<1x1x50x64xf32, #tpu.memory_space<vmem>>
      %dma_start3A_2413 = tpu.memref_squeeze %dma_start3A_2412 : memref<1x1x50x64xf32, #tpu.memory_space<vmem>> -> memref<50x64xf32, #tpu.memory_space<vmem>>
      %dma_start3A_2414 = arith.constant 0 : i32
      %dma_start3A_2415 = tpu.memref_slice %arg5[%add3A_2406, %dma_start3A_2414] : memref<128x50xi32, #tpu.memory_space<vmem>> -> memref<1x50xi32, #tpu.memory_space<vmem>>
      %dma_start3A_2416 = tpu.memref_squeeze %dma_start3A_2415 : memref<1x50xi32, #tpu.memory_space<vmem>> -> memref<50xi32, #tpu.memory_space<vmem>>
      %dma_start3A_2417 = arith.constant 0 : i32
      %dma_start3A_2418 = arith.constant 0 : i32
      %dma_start3A_2419 = tpu.memref_slice %arg2[%dma_start3A_2417, %dma_start3A_2418] : memref<100000x64xf32, #tpu.memory_space<hbm>> -> memref<100000x64xf32, #tpu.memory_space<hbm>>
      %dma_start3A_2420 = tpu.memref_slice %arg7[%dma_start3A_2409] : memref<4x!tpu.dma_semaphore, #tpu.memory_space<semaphore_mem>> -> memref<1x!tpu.dma_semaphore, #tpu.memory_space<semaphore_mem>>
      %dma_start3A_2421 = tpu.memref_squeeze %dma_start3A_2420 : memref<1x!tpu.dma_semaphore, #tpu.memory_space<semaphore_mem>> -> memref<!tpu.dma_semaphore, #tpu.memory_space<semaphore_mem>>
      tpu.enqueue_indirect_dma source(%dma_start3A_2419 : memref<100000x64xf32, #tpu.memory_space<hbm>>) target(%dma_start3A_2413 : memref<50x64xf32, #tpu.memory_space<vmem>>) offsets(%dma_start3A_2416 : memref<50xi32, #tpu.memory_space<vmem>>) semaphore(%dma_start3A_2421 : memref<!tpu.dma_semaphore, #tpu.memory_space<semaphore_mem>>)
      %mul3A_2422 = arith.constant 8 : i32
      %mul3A_2423 = arith.muli %add3A_2364, %mul3A_2422 : i32
      %add3A_2424 = arith.constant 3 : i32
      %add3A_2425 = arith.addi %mul3A_2423, %add3A_2424 : i32
      %dma_start3A_2426 = arith.constant 3 : i32
      %dma_start3A_2427 = arith.constant 3 : i32
      %dma_start3A_2428 = arith.constant 3 : i32
      %dma_start3A_2429 = arith.constant 0 : i32
      %dma_start3A_2430 = arith.constant 0 : i32
      %dma_start3A_2431 = tpu.memref_slice %arg6[%dma_start3A_2426, %dma_start3A_2427, %dma_start3A_2429, %dma_start3A_2430] : memref<4x8x50x64xf32, #tpu.memory_space<vmem>> -> memref<1x1x50x64xf32, #tpu.memory_space<vmem>>
      %dma_start3A_2432 = tpu.memref_squeeze %dma_start3A_2431 : memref<1x1x50x64xf32, #tpu.memory_space<vmem>> -> memref<50x64xf32, #tpu.memory_space<vmem>>
      %dma_start3A_2433 = arith.constant 0 : i32
      %dma_start3A_2434 = tpu.memref_slice %arg5[%add3A_2425, %dma_start3A_2433] : memref<128x50xi32, #tpu.memory_space<vmem>> -> memref<1x50xi32, #tpu.memory_space<vmem>>
      %dma_start3A_2435 = tpu.memref_squeeze %dma_start3A_2434 : memref<1x50xi32, #tpu.memory_space<vmem>> -> memref<50xi32, #tpu.memory_space<vmem>>
      %dma_start3A_2436 = arith.constant 0 : i32
      %dma_start3A_2437 = arith.constant 0 : i32
      %dma_start3A_2438 = tpu.memref_slice %arg2[%dma_start3A_2436, %dma_start3A_2437] : memref<100000x64xf32, #tpu.memory_space<hbm>> -> memref<100000x64xf32, #tpu.memory_space<hbm>>
      %dma_start3A_2439 = tpu.memref_slice %arg7[%dma_start3A_2428] : memref<4x!tpu.dma_semaphore, #tpu.memory_space<semaphore_mem>> -> memref<1x!tpu.dma_semaphore, #tpu.memory_space<semaphore_mem>>
      %dma_start3A_2440 = tpu.memref_squeeze %dma_start3A_2439 : memref<1x!tpu.dma_semaphore, #tpu.memory_space<semaphore_mem>> -> memref<!tpu.dma_semaphore, #tpu.memory_space<semaphore_mem>>
      tpu.enqueue_indirect_dma source(%dma_start3A_2438 : memref<100000x64xf32, #tpu.memory_space<hbm>>) target(%dma_start3A_2432 : memref<50x64xf32, #tpu.memory_space<vmem>>) offsets(%dma_start3A_2435 : memref<50xi32, #tpu.memory_space<vmem>>) semaphore(%dma_start3A_2440 : memref<!tpu.dma_semaphore, #tpu.memory_space<semaphore_mem>>)
      %mul3A_2441 = arith.constant 8 : i32
      %mul3A_2442 = arith.muli %add3A_2364, %mul3A_2441 : i32
      %add3A_2443 = arith.constant 4 : i32
      %add3A_2444 = arith.addi %mul3A_2442, %add3A_2443 : i32
      %dma_start3A_2445 = arith.constant 3 : i32
      %dma_start3A_2446 = arith.constant 4 : i32
      %dma_start3A_2447 = arith.constant 3 : i32
      %dma_start3A_2448 = arith.constant 0 : i32
      %dma_start3A_2449 = arith.constant 0 : i32
      %dma_start3A_2450 = tpu.memref_slice %arg6[%dma_start3A_2445, %dma_start3A_2446, %dma_start3A_2448, %dma_start3A_2449] : memref<4x8x50x64xf32, #tpu.memory_space<vmem>> -> memref<1x1x50x64xf32, #tpu.memory_space<vmem>>
      %dma_start3A_2451 = tpu.memref_squeeze %dma_start3A_2450 : memref<1x1x50x64xf32, #tpu.memory_space<vmem>> -> memref<50x64xf32, #tpu.memory_space<vmem>>
      %dma_start3A_2452 = arith.constant 0 : i32
      %dma_start3A_2453 = tpu.memref_slice %arg5[%add3A_2444, %dma_start3A_2452] : memref<128x50xi32, #tpu.memory_space<vmem>> -> memref<1x50xi32, #tpu.memory_space<vmem>>
      %dma_start3A_2454 = tpu.memref_squeeze %dma_start3A_2453 : memref<1x50xi32, #tpu.memory_space<vmem>> -> memref<50xi32, #tpu.memory_space<vmem>>
      %dma_start3A_2455 = arith.constant 0 : i32
      %dma_start3A_2456 = arith.constant 0 : i32
      %dma_start3A_2457 = tpu.memref_slice %arg2[%dma_start3A_2455, %dma_start3A_2456] : memref<100000x64xf32, #tpu.memory_space<hbm>> -> memref<100000x64xf32, #tpu.memory_space<hbm>>
      %dma_start3A_2458 = tpu.memref_slice %arg7[%dma_start3A_2447] : memref<4x!tpu.dma_semaphore, #tpu.memory_space<semaphore_mem>> -> memref<1x!tpu.dma_semaphore, #tpu.memory_space<semaphore_mem>>
      %dma_start3A_2459 = tpu.memref_squeeze %dma_start3A_2458 : memref<1x!tpu.dma_semaphore, #tpu.memory_space<semaphore_mem>> -> memref<!tpu.dma_semaphore, #tpu.memory_space<semaphore_mem>>
      tpu.enqueue_indirect_dma source(%dma_start3A_2457 : memref<100000x64xf32, #tpu.memory_space<hbm>>) target(%dma_start3A_2451 : memref<50x64xf32, #tpu.memory_space<vmem>>) offsets(%dma_start3A_2454 : memref<50xi32, #tpu.memory_space<vmem>>) semaphore(%dma_start3A_2459 : memref<!tpu.dma_semaphore, #tpu.memory_space<semaphore_mem>>)
      %mul3A_2460 = arith.constant 8 : i32
      %mul3A_2461 = arith.muli %add3A_2364, %mul3A_2460 : i32
      %add3A_2462 = arith.constant 5 : i32
      %add3A_2463 = arith.addi %mul3A_2461, %add3A_2462 : i32
      %dma_start3A_2464 = arith.constant 3 : i32
      %dma_start3A_2465 = arith.constant 5 : i32
      %dma_start3A_2466 = arith.constant 3 : i32
      %dma_start3A_2467 = arith.constant 0 : i32
      %dma_start3A_2468 = arith.constant 0 : i32
      %dma_start3A_2469 = tpu.memref_slice %arg6[%dma_start3A_2464, %dma_start3A_2465, %dma_start3A_2467, %dma_start3A_2468] : memref<4x8x50x64xf32, #tpu.memory_space<vmem>> -> memref<1x1x50x64xf32, #tpu.memory_space<vmem>>
      %dma_start3A_2470 = tpu.memref_squeeze %dma_start3A_2469 : memref<1x1x50x64xf32, #tpu.memory_space<vmem>> -> memref<50x64xf32, #tpu.memory_space<vmem>>
      %dma_start3A_2471 = arith.constant 0 : i32
      %dma_start3A_2472 = tpu.memref_slice %arg5[%add3A_2463, %dma_start3A_2471] : memref<128x50xi32, #tpu.memory_space<vmem>> -> memref<1x50xi32, #tpu.memory_space<vmem>>
      %dma_start3A_2473 = tpu.memref_squeeze %dma_start3A_2472 : memref<1x50xi32, #tpu.memory_space<vmem>> -> memref<50xi32, #tpu.memory_space<vmem>>
      %dma_start3A_2474 = arith.constant 0 : i32
      %dma_start3A_2475 = arith.constant 0 : i32
      %dma_start3A_2476 = tpu.memref_slice %arg2[%dma_start3A_2474, %dma_start3A_2475] : memref<100000x64xf32, #tpu.memory_space<hbm>> -> memref<100000x64xf32, #tpu.memory_space<hbm>>
      %dma_start3A_2477 = tpu.memref_slice %arg7[%dma_start3A_2466] : memref<4x!tpu.dma_semaphore, #tpu.memory_space<semaphore_mem>> -> memref<1x!tpu.dma_semaphore, #tpu.memory_space<semaphore_mem>>
      %dma_start3A_2478 = tpu.memref_squeeze %dma_start3A_2477 : memref<1x!tpu.dma_semaphore, #tpu.memory_space<semaphore_mem>> -> memref<!tpu.dma_semaphore, #tpu.memory_space<semaphore_mem>>
      tpu.enqueue_indirect_dma source(%dma_start3A_2476 : memref<100000x64xf32, #tpu.memory_space<hbm>>) target(%dma_start3A_2470 : memref<50x64xf32, #tpu.memory_space<vmem>>) offsets(%dma_start3A_2473 : memref<50xi32, #tpu.memory_space<vmem>>) semaphore(%dma_start3A_2478 : memref<!tpu.dma_semaphore, #tpu.memory_space<semaphore_mem>>)
      %mul3A_2479 = arith.constant 8 : i32
      %mul3A_2480 = arith.muli %add3A_2364, %mul3A_2479 : i32
      %add3A_2481 = arith.constant 6 : i32
      %add3A_2482 = arith.addi %mul3A_2480, %add3A_2481 : i32
      %dma_start3A_2483 = arith.constant 3 : i32
      %dma_start3A_2484 = arith.constant 6 : i32
      %dma_start3A_2485 = arith.constant 3 : i32
      %dma_start3A_2486 = arith.constant 0 : i32
      %dma_start3A_2487 = arith.constant 0 : i32
      %dma_start3A_2488 = tpu.memref_slice %arg6[%dma_start3A_2483, %dma_start3A_2484, %dma_start3A_2486, %dma_start3A_2487] : memref<4x8x50x64xf32, #tpu.memory_space<vmem>> -> memref<1x1x50x64xf32, #tpu.memory_space<vmem>>
      %dma_start3A_2489 = tpu.memref_squeeze %dma_start3A_2488 : memref<1x1x50x64xf32, #tpu.memory_space<vmem>> -> memref<50x64xf32, #tpu.memory_space<vmem>>
      %dma_start3A_2490 = arith.constant 0 : i32
      %dma_start3A_2491 = tpu.memref_slice %arg5[%add3A_2482, %dma_start3A_2490] : memref<128x50xi32, #tpu.memory_space<vmem>> -> memref<1x50xi32, #tpu.memory_space<vmem>>
      %dma_start3A_2492 = tpu.memref_squeeze %dma_start3A_2491 : memref<1x50xi32, #tpu.memory_space<vmem>> -> memref<50xi32, #tpu.memory_space<vmem>>
      %dma_start3A_2493 = arith.constant 0 : i32
      %dma_start3A_2494 = arith.constant 0 : i32
      %dma_start3A_2495 = tpu.memref_slice %arg2[%dma_start3A_2493, %dma_start3A_2494] : memref<100000x64xf32, #tpu.memory_space<hbm>> -> memref<100000x64xf32, #tpu.memory_space<hbm>>
      %dma_start3A_2496 = tpu.memref_slice %arg7[%dma_start3A_2485] : memref<4x!tpu.dma_semaphore, #tpu.memory_space<semaphore_mem>> -> memref<1x!tpu.dma_semaphore, #tpu.memory_space<semaphore_mem>>
      %dma_start3A_2497 = tpu.memref_squeeze %dma_start3A_2496 : memref<1x!tpu.dma_semaphore, #tpu.memory_space<semaphore_mem>> -> memref<!tpu.dma_semaphore, #tpu.memory_space<semaphore_mem>>
      tpu.enqueue_indirect_dma source(%dma_start3A_2495 : memref<100000x64xf32, #tpu.memory_space<hbm>>) target(%dma_start3A_2489 : memref<50x64xf32, #tpu.memory_space<vmem>>) offsets(%dma_start3A_2492 : memref<50xi32, #tpu.memory_space<vmem>>) semaphore(%dma_start3A_2497 : memref<!tpu.dma_semaphore, #tpu.memory_space<semaphore_mem>>)
      %mul3A_2498 = arith.constant 8 : i32
      %mul3A_2499 = arith.muli %add3A_2364, %mul3A_2498 : i32
      %add3A_2500 = arith.constant 7 : i32
      %add3A_2501 = arith.addi %mul3A_2499, %add3A_2500 : i32
      %dma_start3A_2502 = arith.constant 3 : i32
      %dma_start3A_2503 = arith.constant 7 : i32
      %dma_start3A_2504 = arith.constant 3 : i32
      %dma_start3A_2505 = arith.constant 0 : i32
      %dma_start3A_2506 = arith.constant 0 : i32
      %dma_start3A_2507 = tpu.memref_slice %arg6[%dma_start3A_2502, %dma_start3A_2503, %dma_start3A_2505, %dma_start3A_2506] : memref<4x8x50x64xf32, #tpu.memory_space<vmem>> -> memref<1x1x50x64xf32, #tpu.memory_space<vmem>>
      %dma_start3A_2508 = tpu.memref_squeeze %dma_start3A_2507 : memref<1x1x50x64xf32, #tpu.memory_space<vmem>> -> memref<50x64xf32, #tpu.memory_space<vmem>>
      %dma_start3A_2509 = arith.constant 0 : i32
      %dma_start3A_2510 = tpu.memref_slice %arg5[%add3A_2501, %dma_start3A_2509] : memref<128x50xi32, #tpu.memory_space<vmem>> -> memref<1x50xi32, #tpu.memory_space<vmem>>
      %dma_start3A_2511 = tpu.memref_squeeze %dma_start3A_2510 : memref<1x50xi32, #tpu.memory_space<vmem>> -> memref<50xi32, #tpu.memory_space<vmem>>
      %dma_start3A_2512 = arith.constant 0 : i32
      %dma_start3A_2513 = arith.constant 0 : i32
      %dma_start3A_2514 = tpu.memref_slice %arg2[%dma_start3A_2512, %dma_start3A_2513] : memref<100000x64xf32, #tpu.memory_space<hbm>> -> memref<100000x64xf32, #tpu.memory_space<hbm>>
      %dma_start3A_2515 = tpu.memref_slice %arg7[%dma_start3A_2504] : memref<4x!tpu.dma_semaphore, #tpu.memory_space<semaphore_mem>> -> memref<1x!tpu.dma_semaphore, #tpu.memory_space<semaphore_mem>>
      %dma_start3A_2516 = tpu.memref_squeeze %dma_start3A_2515 : memref<1x!tpu.dma_semaphore, #tpu.memory_space<semaphore_mem>> -> memref<!tpu.dma_semaphore, #tpu.memory_space<semaphore_mem>>
      tpu.enqueue_indirect_dma source(%dma_start3A_2514 : memref<100000x64xf32, #tpu.memory_space<hbm>>) target(%dma_start3A_2508 : memref<50x64xf32, #tpu.memory_space<vmem>>) offsets(%dma_start3A_2511 : memref<50xi32, #tpu.memory_space<vmem>>) semaphore(%dma_start3A_2516 : memref<!tpu.dma_semaphore, #tpu.memory_space<semaphore_mem>>)
    }
    %scan3A_518 = arith.constant 3 : i32
    %dma_wait3A = arith.constant 0 : i32
    %dma_wait3A_519 = arith.constant 0 : i32
    %dma_wait3A_520 = arith.constant 0 : i32
    %dma_wait3A_521 = arith.constant 0 : i32
    %dma_wait3A_522 = arith.constant 0 : i32
    %dma_wait3A_523 = arith.constant 0 : i32
    %dma_wait3A_524 = tpu.memref_slice %arg6[%dma_wait3A_519, %dma_wait3A_520, %dma_wait3A_522, %dma_wait3A_523] : memref<4x8x50x64xf32, #tpu.memory_space<vmem>> -> memref<1x1x50x64xf32, #tpu.memory_space<vmem>>
    %dma_wait3A_525 = tpu.memref_squeeze %dma_wait3A_524 : memref<1x1x50x64xf32, #tpu.memory_space<vmem>> -> memref<50x64xf32, #tpu.memory_space<vmem>>
    %dma_wait3A_526 = arith.constant 0 : i32
    %dma_wait3A_527 = tpu.memref_slice %arg5[%dma_wait3A, %dma_wait3A_526] : memref<128x50xi32, #tpu.memory_space<vmem>> -> memref<1x50xi32, #tpu.memory_space<vmem>>
    %dma_wait3A_528 = tpu.memref_squeeze %dma_wait3A_527 : memref<1x50xi32, #tpu.memory_space<vmem>> -> memref<50xi32, #tpu.memory_space<vmem>>
    %dma_wait3A_529 = arith.constant 0 : i32
    %dma_wait3A_530 = arith.constant 0 : i32
    %dma_wait3A_531 = tpu.memref_slice %arg2[%dma_wait3A_529, %dma_wait3A_530] : memref<100000x64xf32, #tpu.memory_space<hbm>> -> memref<100000x64xf32, #tpu.memory_space<hbm>>
    %dma_wait3A_532 = tpu.memref_slice %arg7[%dma_wait3A_521] : memref<4x!tpu.dma_semaphore, #tpu.memory_space<semaphore_mem>> -> memref<1x!tpu.dma_semaphore, #tpu.memory_space<semaphore_mem>>
    %dma_wait3A_533 = tpu.memref_squeeze %dma_wait3A_532 : memref<1x!tpu.dma_semaphore, #tpu.memory_space<semaphore_mem>> -> memref<!tpu.dma_semaphore, #tpu.memory_space<semaphore_mem>>
    tpu.wait_indirect_dma semaphore(%dma_wait3A_533 : memref<!tpu.dma_semaphore, #tpu.memory_space<semaphore_mem>>) src(%dma_wait3A_531 : memref<100000x64xf32, #tpu.memory_space<hbm>>) dst(%dma_wait3A_525 : memref<50x64xf32, #tpu.memory_space<vmem>>)
    %dma_wait3A_534 = arith.constant 0 : i32
    %dma_wait3A_535 = arith.constant 0 : i32
    %dma_wait3A_536 = arith.constant 1 : i32
    %dma_wait3A_537 = arith.constant 0 : i32
    %dma_wait3A_538 = arith.constant 0 : i32
    %dma_wait3A_539 = arith.constant 0 : i32
    %dma_wait3A_540 = tpu.memref_slice %arg6[%dma_wait3A_535, %dma_wait3A_536, %dma_wait3A_538, %dma_wait3A_539] : memref<4x8x50x64xf32, #tpu.memory_space<vmem>> -> memref<1x1x50x64xf32, #tpu.memory_space<vmem>>
    %dma_wait3A_541 = tpu.memref_squeeze %dma_wait3A_540 : memref<1x1x50x64xf32, #tpu.memory_space<vmem>> -> memref<50x64xf32, #tpu.memory_space<vmem>>
    %dma_wait3A_542 = arith.constant 0 : i32
    %dma_wait3A_543 = tpu.memref_slice %arg5[%dma_wait3A_534, %dma_wait3A_542] : memref<128x50xi32, #tpu.memory_space<vmem>> -> memref<1x50xi32, #tpu.memory_space<vmem>>
    %dma_wait3A_544 = tpu.memref_squeeze %dma_wait3A_543 : memref<1x50xi32, #tpu.memory_space<vmem>> -> memref<50xi32, #tpu.memory_space<vmem>>
    %dma_wait3A_545 = arith.constant 0 : i32
    %dma_wait3A_546 = arith.constant 0 : i32
    %dma_wait3A_547 = tpu.memref_slice %arg2[%dma_wait3A_545, %dma_wait3A_546] : memref<100000x64xf32, #tpu.memory_space<hbm>> -> memref<100000x64xf32, #tpu.memory_space<hbm>>
    %dma_wait3A_548 = tpu.memref_slice %arg7[%dma_wait3A_537] : memref<4x!tpu.dma_semaphore, #tpu.memory_space<semaphore_mem>> -> memref<1x!tpu.dma_semaphore, #tpu.memory_space<semaphore_mem>>
    %dma_wait3A_549 = tpu.memref_squeeze %dma_wait3A_548 : memref<1x!tpu.dma_semaphore, #tpu.memory_space<semaphore_mem>> -> memref<!tpu.dma_semaphore, #tpu.memory_space<semaphore_mem>>
    tpu.wait_indirect_dma semaphore(%dma_wait3A_549 : memref<!tpu.dma_semaphore, #tpu.memory_space<semaphore_mem>>) src(%dma_wait3A_547 : memref<100000x64xf32, #tpu.memory_space<hbm>>) dst(%dma_wait3A_541 : memref<50x64xf32, #tpu.memory_space<vmem>>)
    %dma_wait3A_550 = arith.constant 0 : i32
    %dma_wait3A_551 = arith.constant 0 : i32
    %dma_wait3A_552 = arith.constant 2 : i32
    %dma_wait3A_553 = arith.constant 0 : i32
    %dma_wait3A_554 = arith.constant 0 : i32
    %dma_wait3A_555 = arith.constant 0 : i32
    %dma_wait3A_556 = tpu.memref_slice %arg6[%dma_wait3A_551, %dma_wait3A_552, %dma_wait3A_554, %dma_wait3A_555] : memref<4x8x50x64xf32, #tpu.memory_space<vmem>> -> memref<1x1x50x64xf32, #tpu.memory_space<vmem>>
    %dma_wait3A_557 = tpu.memref_squeeze %dma_wait3A_556 : memref<1x1x50x64xf32, #tpu.memory_space<vmem>> -> memref<50x64xf32, #tpu.memory_space<vmem>>
    %dma_wait3A_558 = arith.constant 0 : i32
    %dma_wait3A_559 = tpu.memref_slice %arg5[%dma_wait3A_550, %dma_wait3A_558] : memref<128x50xi32, #tpu.memory_space<vmem>> -> memref<1x50xi32, #tpu.memory_space<vmem>>
    %dma_wait3A_560 = tpu.memref_squeeze %dma_wait3A_559 : memref<1x50xi32, #tpu.memory_space<vmem>> -> memref<50xi32, #tpu.memory_space<vmem>>
    %dma_wait3A_561 = arith.constant 0 : i32
    %dma_wait3A_562 = arith.constant 0 : i32
    %dma_wait3A_563 = tpu.memref_slice %arg2[%dma_wait3A_561, %dma_wait3A_562] : memref<100000x64xf32, #tpu.memory_space<hbm>> -> memref<100000x64xf32, #tpu.memory_space<hbm>>
    %dma_wait3A_564 = tpu.memref_slice %arg7[%dma_wait3A_553] : memref<4x!tpu.dma_semaphore, #tpu.memory_space<semaphore_mem>> -> memref<1x!tpu.dma_semaphore, #tpu.memory_space<semaphore_mem>>
    %dma_wait3A_565 = tpu.memref_squeeze %dma_wait3A_564 : memref<1x!tpu.dma_semaphore, #tpu.memory_space<semaphore_mem>> -> memref<!tpu.dma_semaphore, #tpu.memory_space<semaphore_mem>>
    tpu.wait_indirect_dma semaphore(%dma_wait3A_565 : memref<!tpu.dma_semaphore, #tpu.memory_space<semaphore_mem>>) src(%dma_wait3A_563 : memref<100000x64xf32, #tpu.memory_space<hbm>>) dst(%dma_wait3A_557 : memref<50x64xf32, #tpu.memory_space<vmem>>)
    %dma_wait3A_566 = arith.constant 0 : i32
    %dma_wait3A_567 = arith.constant 0 : i32
    %dma_wait3A_568 = arith.constant 3 : i32
    %dma_wait3A_569 = arith.constant 0 : i32
    %dma_wait3A_570 = arith.constant 0 : i32
    %dma_wait3A_571 = arith.constant 0 : i32
    %dma_wait3A_572 = tpu.memref_slice %arg6[%dma_wait3A_567, %dma_wait3A_568, %dma_wait3A_570, %dma_wait3A_571] : memref<4x8x50x64xf32, #tpu.memory_space<vmem>> -> memref<1x1x50x64xf32, #tpu.memory_space<vmem>>
    %dma_wait3A_573 = tpu.memref_squeeze %dma_wait3A_572 : memref<1x1x50x64xf32, #tpu.memory_space<vmem>> -> memref<50x64xf32, #tpu.memory_space<vmem>>
    %dma_wait3A_574 = arith.constant 0 : i32
    %dma_wait3A_575 = tpu.memref_slice %arg5[%dma_wait3A_566, %dma_wait3A_574] : memref<128x50xi32, #tpu.memory_space<vmem>> -> memref<1x50xi32, #tpu.memory_space<vmem>>
    %dma_wait3A_576 = tpu.memref_squeeze %dma_wait3A_575 : memref<1x50xi32, #tpu.memory_space<vmem>> -> memref<50xi32, #tpu.memory_space<vmem>>
    %dma_wait3A_577 = arith.constant 0 : i32
    %dma_wait3A_578 = arith.constant 0 : i32
    %dma_wait3A_579 = tpu.memref_slice %arg2[%dma_wait3A_577, %dma_wait3A_578] : memref<100000x64xf32, #tpu.memory_space<hbm>> -> memref<100000x64xf32, #tpu.memory_space<hbm>>
    %dma_wait3A_580 = tpu.memref_slice %arg7[%dma_wait3A_569] : memref<4x!tpu.dma_semaphore, #tpu.memory_space<semaphore_mem>> -> memref<1x!tpu.dma_semaphore, #tpu.memory_space<semaphore_mem>>
    %dma_wait3A_581 = tpu.memref_squeeze %dma_wait3A_580 : memref<1x!tpu.dma_semaphore, #tpu.memory_space<semaphore_mem>> -> memref<!tpu.dma_semaphore, #tpu.memory_space<semaphore_mem>>
    tpu.wait_indirect_dma semaphore(%dma_wait3A_581 : memref<!tpu.dma_semaphore, #tpu.memory_space<semaphore_mem>>) src(%dma_wait3A_579 : memref<100000x64xf32, #tpu.memory_space<hbm>>) dst(%dma_wait3A_573 : memref<50x64xf32, #tpu.memory_space<vmem>>)
    %dma_wait3A_582 = arith.constant 0 : i32
    %dma_wait3A_583 = arith.constant 0 : i32
    %dma_wait3A_584 = arith.constant 4 : i32
    %dma_wait3A_585 = arith.constant 0 : i32
    %dma_wait3A_586 = arith.constant 0 : i32
    %dma_wait3A_587 = arith.constant 0 : i32
    %dma_wait3A_588 = tpu.memref_slice %arg6[%dma_wait3A_583, %dma_wait3A_584, %dma_wait3A_586, %dma_wait3A_587] : memref<4x8x50x64xf32, #tpu.memory_space<vmem>> -> memref<1x1x50x64xf32, #tpu.memory_space<vmem>>
    %dma_wait3A_589 = tpu.memref_squeeze %dma_wait3A_588 : memref<1x1x50x64xf32, #tpu.memory_space<vmem>> -> memref<50x64xf32, #tpu.memory_space<vmem>>
    %dma_wait3A_590 = arith.constant 0 : i32
    %dma_wait3A_591 = tpu.memref_slice %arg5[%dma_wait3A_582, %dma_wait3A_590] : memref<128x50xi32, #tpu.memory_space<vmem>> -> memref<1x50xi32, #tpu.memory_space<vmem>>
    %dma_wait3A_592 = tpu.memref_squeeze %dma_wait3A_591 : memref<1x50xi32, #tpu.memory_space<vmem>> -> memref<50xi32, #tpu.memory_space<vmem>>
    %dma_wait3A_593 = arith.constant 0 : i32
    %dma_wait3A_594 = arith.constant 0 : i32
    %dma_wait3A_595 = tpu.memref_slice %arg2[%dma_wait3A_593, %dma_wait3A_594] : memref<100000x64xf32, #tpu.memory_space<hbm>> -> memref<100000x64xf32, #tpu.memory_space<hbm>>
    %dma_wait3A_596 = tpu.memref_slice %arg7[%dma_wait3A_585] : memref<4x!tpu.dma_semaphore, #tpu.memory_space<semaphore_mem>> -> memref<1x!tpu.dma_semaphore, #tpu.memory_space<semaphore_mem>>
    %dma_wait3A_597 = tpu.memref_squeeze %dma_wait3A_596 : memref<1x!tpu.dma_semaphore, #tpu.memory_space<semaphore_mem>> -> memref<!tpu.dma_semaphore, #tpu.memory_space<semaphore_mem>>
    tpu.wait_indirect_dma semaphore(%dma_wait3A_597 : memref<!tpu.dma_semaphore, #tpu.memory_space<semaphore_mem>>) src(%dma_wait3A_595 : memref<100000x64xf32, #tpu.memory_space<hbm>>) dst(%dma_wait3A_589 : memref<50x64xf32, #tpu.memory_space<vmem>>)
    %dma_wait3A_598 = arith.constant 0 : i32
    %dma_wait3A_599 = arith.constant 0 : i32
    %dma_wait3A_600 = arith.constant 5 : i32
    %dma_wait3A_601 = arith.constant 0 : i32
    %dma_wait3A_602 = arith.constant 0 : i32
    %dma_wait3A_603 = arith.constant 0 : i32
    %dma_wait3A_604 = tpu.memref_slice %arg6[%dma_wait3A_599, %dma_wait3A_600, %dma_wait3A_602, %dma_wait3A_603] : memref<4x8x50x64xf32, #tpu.memory_space<vmem>> -> memref<1x1x50x64xf32, #tpu.memory_space<vmem>>
    %dma_wait3A_605 = tpu.memref_squeeze %dma_wait3A_604 : memref<1x1x50x64xf32, #tpu.memory_space<vmem>> -> memref<50x64xf32, #tpu.memory_space<vmem>>
    %dma_wait3A_606 = arith.constant 0 : i32
    %dma_wait3A_607 = tpu.memref_slice %arg5[%dma_wait3A_598, %dma_wait3A_606] : memref<128x50xi32, #tpu.memory_space<vmem>> -> memref<1x50xi32, #tpu.memory_space<vmem>>
    %dma_wait3A_608 = tpu.memref_squeeze %dma_wait3A_607 : memref<1x50xi32, #tpu.memory_space<vmem>> -> memref<50xi32, #tpu.memory_space<vmem>>
    %dma_wait3A_609 = arith.constant 0 : i32
    %dma_wait3A_610 = arith.constant 0 : i32
    %dma_wait3A_611 = tpu.memref_slice %arg2[%dma_wait3A_609, %dma_wait3A_610] : memref<100000x64xf32, #tpu.memory_space<hbm>> -> memref<100000x64xf32, #tpu.memory_space<hbm>>
    %dma_wait3A_612 = tpu.memref_slice %arg7[%dma_wait3A_601] : memref<4x!tpu.dma_semaphore, #tpu.memory_space<semaphore_mem>> -> memref<1x!tpu.dma_semaphore, #tpu.memory_space<semaphore_mem>>
    %dma_wait3A_613 = tpu.memref_squeeze %dma_wait3A_612 : memref<1x!tpu.dma_semaphore, #tpu.memory_space<semaphore_mem>> -> memref<!tpu.dma_semaphore, #tpu.memory_space<semaphore_mem>>
    tpu.wait_indirect_dma semaphore(%dma_wait3A_613 : memref<!tpu.dma_semaphore, #tpu.memory_space<semaphore_mem>>) src(%dma_wait3A_611 : memref<100000x64xf32, #tpu.memory_space<hbm>>) dst(%dma_wait3A_605 : memref<50x64xf32, #tpu.memory_space<vmem>>)
    %dma_wait3A_614 = arith.constant 0 : i32
    %dma_wait3A_615 = arith.constant 0 : i32
    %dma_wait3A_616 = arith.constant 6 : i32
    %dma_wait3A_617 = arith.constant 0 : i32
    %dma_wait3A_618 = arith.constant 0 : i32
    %dma_wait3A_619 = arith.constant 0 : i32
    %dma_wait3A_620 = tpu.memref_slice %arg6[%dma_wait3A_615, %dma_wait3A_616, %dma_wait3A_618, %dma_wait3A_619] : memref<4x8x50x64xf32, #tpu.memory_space<vmem>> -> memref<1x1x50x64xf32, #tpu.memory_space<vmem>>
    %dma_wait3A_621 = tpu.memref_squeeze %dma_wait3A_620 : memref<1x1x50x64xf32, #tpu.memory_space<vmem>> -> memref<50x64xf32, #tpu.memory_space<vmem>>
    %dma_wait3A_622 = arith.constant 0 : i32
    %dma_wait3A_623 = tpu.memref_slice %arg5[%dma_wait3A_614, %dma_wait3A_622] : memref<128x50xi32, #tpu.memory_space<vmem>> -> memref<1x50xi32, #tpu.memory_space<vmem>>
    %dma_wait3A_624 = tpu.memref_squeeze %dma_wait3A_623 : memref<1x50xi32, #tpu.memory_space<vmem>> -> memref<50xi32, #tpu.memory_space<vmem>>
    %dma_wait3A_625 = arith.constant 0 : i32
    %dma_wait3A_626 = arith.constant 0 : i32
    %dma_wait3A_627 = tpu.memref_slice %arg2[%dma_wait3A_625, %dma_wait3A_626] : memref<100000x64xf32, #tpu.memory_space<hbm>> -> memref<100000x64xf32, #tpu.memory_space<hbm>>
    %dma_wait3A_628 = tpu.memref_slice %arg7[%dma_wait3A_617] : memref<4x!tpu.dma_semaphore, #tpu.memory_space<semaphore_mem>> -> memref<1x!tpu.dma_semaphore, #tpu.memory_space<semaphore_mem>>
    %dma_wait3A_629 = tpu.memref_squeeze %dma_wait3A_628 : memref<1x!tpu.dma_semaphore, #tpu.memory_space<semaphore_mem>> -> memref<!tpu.dma_semaphore, #tpu.memory_space<semaphore_mem>>
    tpu.wait_indirect_dma semaphore(%dma_wait3A_629 : memref<!tpu.dma_semaphore, #tpu.memory_space<semaphore_mem>>) src(%dma_wait3A_627 : memref<100000x64xf32, #tpu.memory_space<hbm>>) dst(%dma_wait3A_621 : memref<50x64xf32, #tpu.memory_space<vmem>>)
    %dma_wait3A_630 = arith.constant 0 : i32
    %dma_wait3A_631 = arith.constant 0 : i32
    %dma_wait3A_632 = arith.constant 7 : i32
    %dma_wait3A_633 = arith.constant 0 : i32
    %dma_wait3A_634 = arith.constant 0 : i32
    %dma_wait3A_635 = arith.constant 0 : i32
    %dma_wait3A_636 = tpu.memref_slice %arg6[%dma_wait3A_631, %dma_wait3A_632, %dma_wait3A_634, %dma_wait3A_635] : memref<4x8x50x64xf32, #tpu.memory_space<vmem>> -> memref<1x1x50x64xf32, #tpu.memory_space<vmem>>
    %dma_wait3A_637 = tpu.memref_squeeze %dma_wait3A_636 : memref<1x1x50x64xf32, #tpu.memory_space<vmem>> -> memref<50x64xf32, #tpu.memory_space<vmem>>
    %dma_wait3A_638 = arith.constant 0 : i32
    %dma_wait3A_639 = tpu.memref_slice %arg5[%dma_wait3A_630, %dma_wait3A_638] : memref<128x50xi32, #tpu.memory_space<vmem>> -> memref<1x50xi32, #tpu.memory_space<vmem>>
    %dma_wait3A_640 = tpu.memref_squeeze %dma_wait3A_639 : memref<1x50xi32, #tpu.memory_space<vmem>> -> memref<50xi32, #tpu.memory_space<vmem>>
    %dma_wait3A_641 = arith.constant 0 : i32
    %dma_wait3A_642 = arith.constant 0 : i32
    %dma_wait3A_643 = tpu.memref_slice %arg2[%dma_wait3A_641, %dma_wait3A_642] : memref<100000x64xf32, #tpu.memory_space<hbm>> -> memref<100000x64xf32, #tpu.memory_space<hbm>>
    %dma_wait3A_644 = tpu.memref_slice %arg7[%dma_wait3A_633] : memref<4x!tpu.dma_semaphore, #tpu.memory_space<semaphore_mem>> -> memref<1x!tpu.dma_semaphore, #tpu.memory_space<semaphore_mem>>
    %dma_wait3A_645 = tpu.memref_squeeze %dma_wait3A_644 : memref<1x!tpu.dma_semaphore, #tpu.memory_space<semaphore_mem>> -> memref<!tpu.dma_semaphore, #tpu.memory_space<semaphore_mem>>
    tpu.wait_indirect_dma semaphore(%dma_wait3A_645 : memref<!tpu.dma_semaphore, #tpu.memory_space<semaphore_mem>>) src(%dma_wait3A_643 : memref<100000x64xf32, #tpu.memory_space<hbm>>) dst(%dma_wait3A_637 : memref<50x64xf32, #tpu.memory_space<vmem>>)
    %add3A_646 = arith.constant 96 : i32
    %add3A_647 = arith.addi %mul3A_2, %add3A_646 : i32
    %dma_start3A_648 = arith.constant 0 : i32
    %dma_start3A_649 = arith.constant 0 : i32
    %dma_start3A_650 = arith.constant 0 : i32
    %dma_start3A_651 = arith.constant 0 : i32
    %dma_start3A_652 = arith.constant 0 : i32
    %dma_start3A_653 = tpu.memref_slice %arg6[%dma_start3A_648, %dma_start3A_650, %dma_start3A_651, %dma_start3A_652] : memref<4x8x50x64xf32, #tpu.memory_space<vmem>> -> memref<1x8x50x64xf32, #tpu.memory_space<vmem>>
    %dma_start3A_654 = tpu.memref_squeeze %dma_start3A_653 : memref<1x8x50x64xf32, #tpu.memory_space<vmem>> -> memref<8x50x64xf32, #tpu.memory_space<vmem>>
    %dma_start3A_655 = arith.constant 0 : i32
    %dma_start3A_656 = arith.constant 0 : i32
    %dma_start3A_657 = tpu.memref_slice %arg4[%add3A_647, %dma_start3A_655, %dma_start3A_656] : memref<4096x56x128xf32, #tpu.memory_space<hbm>> -> memref<8x50x64xf32, #tpu.memory_space<hbm>>
    %dma_start3A_658 = tpu.memref_slice %arg8[%dma_start3A_649] : memref<4x!tpu.dma_semaphore, #tpu.memory_space<semaphore_mem>> -> memref<1x!tpu.dma_semaphore, #tpu.memory_space<semaphore_mem>>
    %dma_start3A_659 = tpu.memref_squeeze %dma_start3A_658 : memref<1x!tpu.dma_semaphore, #tpu.memory_space<semaphore_mem>> -> memref<!tpu.dma_semaphore, #tpu.memory_space<semaphore_mem>>
    %dma_start3A_660 = arith.constant 0 : i32
    %dma_start3A_661 = arith.constant 0 : i32
    %dma_start3A_662 = tpu.memref_slice %arg4[%add3A_647, %dma_start3A_660, %dma_start3A_661] : memref<4096x56x128xf32, #tpu.memory_space<hbm>> -> memref<8x50x64xf32, #tpu.memory_space<hbm>>
    %dma_start3A_663 = arith.constant 0 : i32
    %dma_start3A_664 = arith.constant 0 : i32
    %dma_start3A_665 = arith.constant 0 : i32
    %dma_start3A_666 = tpu.memref_slice %arg6[%dma_start3A_648, %dma_start3A_663, %dma_start3A_664, %dma_start3A_665] : memref<4x8x50x64xf32, #tpu.memory_space<vmem>> -> memref<1x8x50x64xf32, #tpu.memory_space<vmem>>
    %dma_start3A_667 = tpu.memref_squeeze %dma_start3A_666 : memref<1x8x50x64xf32, #tpu.memory_space<vmem>> -> memref<8x50x64xf32, #tpu.memory_space<vmem>>
    tpu.enqueue_dma source(%dma_start3A_667 : memref<8x50x64xf32, #tpu.memory_space<vmem>>) target(%dma_start3A_662 : memref<8x50x64xf32, #tpu.memory_space<hbm>>) target_semaphore(%dma_start3A_659 : memref<!tpu.dma_semaphore, #tpu.memory_space<semaphore_mem>>)
    %dma_wait3A_668 = arith.constant 0 : i32
    %dma_wait3A_669 = arith.constant 1 : i32
    %dma_wait3A_670 = arith.constant 0 : i32
    %dma_wait3A_671 = arith.constant 1 : i32
    %dma_wait3A_672 = arith.constant 0 : i32
    %dma_wait3A_673 = arith.constant 0 : i32
    %dma_wait3A_674 = tpu.memref_slice %arg6[%dma_wait3A_669, %dma_wait3A_670, %dma_wait3A_672, %dma_wait3A_673] : memref<4x8x50x64xf32, #tpu.memory_space<vmem>> -> memref<1x1x50x64xf32, #tpu.memory_space<vmem>>
    %dma_wait3A_675 = tpu.memref_squeeze %dma_wait3A_674 : memref<1x1x50x64xf32, #tpu.memory_space<vmem>> -> memref<50x64xf32, #tpu.memory_space<vmem>>
    %dma_wait3A_676 = arith.constant 0 : i32
    %dma_wait3A_677 = tpu.memref_slice %arg5[%dma_wait3A_668, %dma_wait3A_676] : memref<128x50xi32, #tpu.memory_space<vmem>> -> memref<1x50xi32, #tpu.memory_space<vmem>>
    %dma_wait3A_678 = tpu.memref_squeeze %dma_wait3A_677 : memref<1x50xi32, #tpu.memory_space<vmem>> -> memref<50xi32, #tpu.memory_space<vmem>>
    %dma_wait3A_679 = arith.constant 0 : i32
    %dma_wait3A_680 = arith.constant 0 : i32
    %dma_wait3A_681 = tpu.memref_slice %arg2[%dma_wait3A_679, %dma_wait3A_680] : memref<100000x64xf32, #tpu.memory_space<hbm>> -> memref<100000x64xf32, #tpu.memory_space<hbm>>
    %dma_wait3A_682 = tpu.memref_slice %arg7[%dma_wait3A_671] : memref<4x!tpu.dma_semaphore, #tpu.memory_space<semaphore_mem>> -> memref<1x!tpu.dma_semaphore, #tpu.memory_space<semaphore_mem>>
    %dma_wait3A_683 = tpu.memref_squeeze %dma_wait3A_682 : memref<1x!tpu.dma_semaphore, #tpu.memory_space<semaphore_mem>> -> memref<!tpu.dma_semaphore, #tpu.memory_space<semaphore_mem>>
    tpu.wait_indirect_dma semaphore(%dma_wait3A_683 : memref<!tpu.dma_semaphore, #tpu.memory_space<semaphore_mem>>) src(%dma_wait3A_681 : memref<100000x64xf32, #tpu.memory_space<hbm>>) dst(%dma_wait3A_675 : memref<50x64xf32, #tpu.memory_space<vmem>>)
    %dma_wait3A_684 = arith.constant 0 : i32
    %dma_wait3A_685 = arith.constant 1 : i32
    %dma_wait3A_686 = arith.constant 1 : i32
    %dma_wait3A_687 = arith.constant 1 : i32
    %dma_wait3A_688 = arith.constant 0 : i32
    %dma_wait3A_689 = arith.constant 0 : i32
    %dma_wait3A_690 = tpu.memref_slice %arg6[%dma_wait3A_685, %dma_wait3A_686, %dma_wait3A_688, %dma_wait3A_689] : memref<4x8x50x64xf32, #tpu.memory_space<vmem>> -> memref<1x1x50x64xf32, #tpu.memory_space<vmem>>
    %dma_wait3A_691 = tpu.memref_squeeze %dma_wait3A_690 : memref<1x1x50x64xf32, #tpu.memory_space<vmem>> -> memref<50x64xf32, #tpu.memory_space<vmem>>
    %dma_wait3A_692 = arith.constant 0 : i32
    %dma_wait3A_693 = tpu.memref_slice %arg5[%dma_wait3A_684, %dma_wait3A_692] : memref<128x50xi32, #tpu.memory_space<vmem>> -> memref<1x50xi32, #tpu.memory_space<vmem>>
    %dma_wait3A_694 = tpu.memref_squeeze %dma_wait3A_693 : memref<1x50xi32, #tpu.memory_space<vmem>> -> memref<50xi32, #tpu.memory_space<vmem>>
    %dma_wait3A_695 = arith.constant 0 : i32
    %dma_wait3A_696 = arith.constant 0 : i32
    %dma_wait3A_697 = tpu.memref_slice %arg2[%dma_wait3A_695, %dma_wait3A_696] : memref<100000x64xf32, #tpu.memory_space<hbm>> -> memref<100000x64xf32, #tpu.memory_space<hbm>>
    %dma_wait3A_698 = tpu.memref_slice %arg7[%dma_wait3A_687] : memref<4x!tpu.dma_semaphore, #tpu.memory_space<semaphore_mem>> -> memref<1x!tpu.dma_semaphore, #tpu.memory_space<semaphore_mem>>
    %dma_wait3A_699 = tpu.memref_squeeze %dma_wait3A_698 : memref<1x!tpu.dma_semaphore, #tpu.memory_space<semaphore_mem>> -> memref<!tpu.dma_semaphore, #tpu.memory_space<semaphore_mem>>
    tpu.wait_indirect_dma semaphore(%dma_wait3A_699 : memref<!tpu.dma_semaphore, #tpu.memory_space<semaphore_mem>>) src(%dma_wait3A_697 : memref<100000x64xf32, #tpu.memory_space<hbm>>) dst(%dma_wait3A_691 : memref<50x64xf32, #tpu.memory_space<vmem>>)
    %dma_wait3A_700 = arith.constant 0 : i32
    %dma_wait3A_701 = arith.constant 1 : i32
    %dma_wait3A_702 = arith.constant 2 : i32
    %dma_wait3A_703 = arith.constant 1 : i32
    %dma_wait3A_704 = arith.constant 0 : i32
    %dma_wait3A_705 = arith.constant 0 : i32
    %dma_wait3A_706 = tpu.memref_slice %arg6[%dma_wait3A_701, %dma_wait3A_702, %dma_wait3A_704, %dma_wait3A_705] : memref<4x8x50x64xf32, #tpu.memory_space<vmem>> -> memref<1x1x50x64xf32, #tpu.memory_space<vmem>>
    %dma_wait3A_707 = tpu.memref_squeeze %dma_wait3A_706 : memref<1x1x50x64xf32, #tpu.memory_space<vmem>> -> memref<50x64xf32, #tpu.memory_space<vmem>>
    %dma_wait3A_708 = arith.constant 0 : i32
    %dma_wait3A_709 = tpu.memref_slice %arg5[%dma_wait3A_700, %dma_wait3A_708] : memref<128x50xi32, #tpu.memory_space<vmem>> -> memref<1x50xi32, #tpu.memory_space<vmem>>
    %dma_wait3A_710 = tpu.memref_squeeze %dma_wait3A_709 : memref<1x50xi32, #tpu.memory_space<vmem>> -> memref<50xi32, #tpu.memory_space<vmem>>
    %dma_wait3A_711 = arith.constant 0 : i32
    %dma_wait3A_712 = arith.constant 0 : i32
    %dma_wait3A_713 = tpu.memref_slice %arg2[%dma_wait3A_711, %dma_wait3A_712] : memref<100000x64xf32, #tpu.memory_space<hbm>> -> memref<100000x64xf32, #tpu.memory_space<hbm>>
    %dma_wait3A_714 = tpu.memref_slice %arg7[%dma_wait3A_703] : memref<4x!tpu.dma_semaphore, #tpu.memory_space<semaphore_mem>> -> memref<1x!tpu.dma_semaphore, #tpu.memory_space<semaphore_mem>>
    %dma_wait3A_715 = tpu.memref_squeeze %dma_wait3A_714 : memref<1x!tpu.dma_semaphore, #tpu.memory_space<semaphore_mem>> -> memref<!tpu.dma_semaphore, #tpu.memory_space<semaphore_mem>>
    tpu.wait_indirect_dma semaphore(%dma_wait3A_715 : memref<!tpu.dma_semaphore, #tpu.memory_space<semaphore_mem>>) src(%dma_wait3A_713 : memref<100000x64xf32, #tpu.memory_space<hbm>>) dst(%dma_wait3A_707 : memref<50x64xf32, #tpu.memory_space<vmem>>)
    %dma_wait3A_716 = arith.constant 0 : i32
    %dma_wait3A_717 = arith.constant 1 : i32
    %dma_wait3A_718 = arith.constant 3 : i32
    %dma_wait3A_719 = arith.constant 1 : i32
    %dma_wait3A_720 = arith.constant 0 : i32
    %dma_wait3A_721 = arith.constant 0 : i32
    %dma_wait3A_722 = tpu.memref_slice %arg6[%dma_wait3A_717, %dma_wait3A_718, %dma_wait3A_720, %dma_wait3A_721] : memref<4x8x50x64xf32, #tpu.memory_space<vmem>> -> memref<1x1x50x64xf32, #tpu.memory_space<vmem>>
    %dma_wait3A_723 = tpu.memref_squeeze %dma_wait3A_722 : memref<1x1x50x64xf32, #tpu.memory_space<vmem>> -> memref<50x64xf32, #tpu.memory_space<vmem>>
    %dma_wait3A_724 = arith.constant 0 : i32
    %dma_wait3A_725 = tpu.memref_slice %arg5[%dma_wait3A_716, %dma_wait3A_724] : memref<128x50xi32, #tpu.memory_space<vmem>> -> memref<1x50xi32, #tpu.memory_space<vmem>>
    %dma_wait3A_726 = tpu.memref_squeeze %dma_wait3A_725 : memref<1x50xi32, #tpu.memory_space<vmem>> -> memref<50xi32, #tpu.memory_space<vmem>>
    %dma_wait3A_727 = arith.constant 0 : i32
    %dma_wait3A_728 = arith.constant 0 : i32
    %dma_wait3A_729 = tpu.memref_slice %arg2[%dma_wait3A_727, %dma_wait3A_728] : memref<100000x64xf32, #tpu.memory_space<hbm>> -> memref<100000x64xf32, #tpu.memory_space<hbm>>
    %dma_wait3A_730 = tpu.memref_slice %arg7[%dma_wait3A_719] : memref<4x!tpu.dma_semaphore, #tpu.memory_space<semaphore_mem>> -> memref<1x!tpu.dma_semaphore, #tpu.memory_space<semaphore_mem>>
    %dma_wait3A_731 = tpu.memref_squeeze %dma_wait3A_730 : memref<1x!tpu.dma_semaphore, #tpu.memory_space<semaphore_mem>> -> memref<!tpu.dma_semaphore, #tpu.memory_space<semaphore_mem>>
    tpu.wait_indirect_dma semaphore(%dma_wait3A_731 : memref<!tpu.dma_semaphore, #tpu.memory_space<semaphore_mem>>) src(%dma_wait3A_729 : memref<100000x64xf32, #tpu.memory_space<hbm>>) dst(%dma_wait3A_723 : memref<50x64xf32, #tpu.memory_space<vmem>>)
    %dma_wait3A_732 = arith.constant 0 : i32
    %dma_wait3A_733 = arith.constant 1 : i32
    %dma_wait3A_734 = arith.constant 4 : i32
    %dma_wait3A_735 = arith.constant 1 : i32
    %dma_wait3A_736 = arith.constant 0 : i32
    %dma_wait3A_737 = arith.constant 0 : i32
    %dma_wait3A_738 = tpu.memref_slice %arg6[%dma_wait3A_733, %dma_wait3A_734, %dma_wait3A_736, %dma_wait3A_737] : memref<4x8x50x64xf32, #tpu.memory_space<vmem>> -> memref<1x1x50x64xf32, #tpu.memory_space<vmem>>
    %dma_wait3A_739 = tpu.memref_squeeze %dma_wait3A_738 : memref<1x1x50x64xf32, #tpu.memory_space<vmem>> -> memref<50x64xf32, #tpu.memory_space<vmem>>
    %dma_wait3A_740 = arith.constant 0 : i32
    %dma_wait3A_741 = tpu.memref_slice %arg5[%dma_wait3A_732, %dma_wait3A_740] : memref<128x50xi32, #tpu.memory_space<vmem>> -> memref<1x50xi32, #tpu.memory_space<vmem>>
    %dma_wait3A_742 = tpu.memref_squeeze %dma_wait3A_741 : memref<1x50xi32, #tpu.memory_space<vmem>> -> memref<50xi32, #tpu.memory_space<vmem>>
    %dma_wait3A_743 = arith.constant 0 : i32
    %dma_wait3A_744 = arith.constant 0 : i32
    %dma_wait3A_745 = tpu.memref_slice %arg2[%dma_wait3A_743, %dma_wait3A_744] : memref<100000x64xf32, #tpu.memory_space<hbm>> -> memref<100000x64xf32, #tpu.memory_space<hbm>>
    %dma_wait3A_746 = tpu.memref_slice %arg7[%dma_wait3A_735] : memref<4x!tpu.dma_semaphore, #tpu.memory_space<semaphore_mem>> -> memref<1x!tpu.dma_semaphore, #tpu.memory_space<semaphore_mem>>
    %dma_wait3A_747 = tpu.memref_squeeze %dma_wait3A_746 : memref<1x!tpu.dma_semaphore, #tpu.memory_space<semaphore_mem>> -> memref<!tpu.dma_semaphore, #tpu.memory_space<semaphore_mem>>
    tpu.wait_indirect_dma semaphore(%dma_wait3A_747 : memref<!tpu.dma_semaphore, #tpu.memory_space<semaphore_mem>>) src(%dma_wait3A_745 : memref<100000x64xf32, #tpu.memory_space<hbm>>) dst(%dma_wait3A_739 : memref<50x64xf32, #tpu.memory_space<vmem>>)
    %dma_wait3A_748 = arith.constant 0 : i32
    %dma_wait3A_749 = arith.constant 1 : i32
    %dma_wait3A_750 = arith.constant 5 : i32
    %dma_wait3A_751 = arith.constant 1 : i32
    %dma_wait3A_752 = arith.constant 0 : i32
    %dma_wait3A_753 = arith.constant 0 : i32
    %dma_wait3A_754 = tpu.memref_slice %arg6[%dma_wait3A_749, %dma_wait3A_750, %dma_wait3A_752, %dma_wait3A_753] : memref<4x8x50x64xf32, #tpu.memory_space<vmem>> -> memref<1x1x50x64xf32, #tpu.memory_space<vmem>>
    %dma_wait3A_755 = tpu.memref_squeeze %dma_wait3A_754 : memref<1x1x50x64xf32, #tpu.memory_space<vmem>> -> memref<50x64xf32, #tpu.memory_space<vmem>>
    %dma_wait3A_756 = arith.constant 0 : i32
    %dma_wait3A_757 = tpu.memref_slice %arg5[%dma_wait3A_748, %dma_wait3A_756] : memref<128x50xi32, #tpu.memory_space<vmem>> -> memref<1x50xi32, #tpu.memory_space<vmem>>
    %dma_wait3A_758 = tpu.memref_squeeze %dma_wait3A_757 : memref<1x50xi32, #tpu.memory_space<vmem>> -> memref<50xi32, #tpu.memory_space<vmem>>
    %dma_wait3A_759 = arith.constant 0 : i32
    %dma_wait3A_760 = arith.constant 0 : i32
    %dma_wait3A_761 = tpu.memref_slice %arg2[%dma_wait3A_759, %dma_wait3A_760] : memref<100000x64xf32, #tpu.memory_space<hbm>> -> memref<100000x64xf32, #tpu.memory_space<hbm>>
    %dma_wait3A_762 = tpu.memref_slice %arg7[%dma_wait3A_751] : memref<4x!tpu.dma_semaphore, #tpu.memory_space<semaphore_mem>> -> memref<1x!tpu.dma_semaphore, #tpu.memory_space<semaphore_mem>>
    %dma_wait3A_763 = tpu.memref_squeeze %dma_wait3A_762 : memref<1x!tpu.dma_semaphore, #tpu.memory_space<semaphore_mem>> -> memref<!tpu.dma_semaphore, #tpu.memory_space<semaphore_mem>>
    tpu.wait_indirect_dma semaphore(%dma_wait3A_763 : memref<!tpu.dma_semaphore, #tpu.memory_space<semaphore_mem>>) src(%dma_wait3A_761 : memref<100000x64xf32, #tpu.memory_space<hbm>>) dst(%dma_wait3A_755 : memref<50x64xf32, #tpu.memory_space<vmem>>)
    %dma_wait3A_764 = arith.constant 0 : i32
    %dma_wait3A_765 = arith.constant 1 : i32
    %dma_wait3A_766 = arith.constant 6 : i32
    %dma_wait3A_767 = arith.constant 1 : i32
    %dma_wait3A_768 = arith.constant 0 : i32
    %dma_wait3A_769 = arith.constant 0 : i32
    %dma_wait3A_770 = tpu.memref_slice %arg6[%dma_wait3A_765, %dma_wait3A_766, %dma_wait3A_768, %dma_wait3A_769] : memref<4x8x50x64xf32, #tpu.memory_space<vmem>> -> memref<1x1x50x64xf32, #tpu.memory_space<vmem>>
    %dma_wait3A_771 = tpu.memref_squeeze %dma_wait3A_770 : memref<1x1x50x64xf32, #tpu.memory_space<vmem>> -> memref<50x64xf32, #tpu.memory_space<vmem>>
    %dma_wait3A_772 = arith.constant 0 : i32
    %dma_wait3A_773 = tpu.memref_slice %arg5[%dma_wait3A_764, %dma_wait3A_772] : memref<128x50xi32, #tpu.memory_space<vmem>> -> memref<1x50xi32, #tpu.memory_space<vmem>>
    %dma_wait3A_774 = tpu.memref_squeeze %dma_wait3A_773 : memref<1x50xi32, #tpu.memory_space<vmem>> -> memref<50xi32, #tpu.memory_space<vmem>>
    %dma_wait3A_775 = arith.constant 0 : i32
    %dma_wait3A_776 = arith.constant 0 : i32
    %dma_wait3A_777 = tpu.memref_slice %arg2[%dma_wait3A_775, %dma_wait3A_776] : memref<100000x64xf32, #tpu.memory_space<hbm>> -> memref<100000x64xf32, #tpu.memory_space<hbm>>
    %dma_wait3A_778 = tpu.memref_slice %arg7[%dma_wait3A_767] : memref<4x!tpu.dma_semaphore, #tpu.memory_space<semaphore_mem>> -> memref<1x!tpu.dma_semaphore, #tpu.memory_space<semaphore_mem>>
    %dma_wait3A_779 = tpu.memref_squeeze %dma_wait3A_778 : memref<1x!tpu.dma_semaphore, #tpu.memory_space<semaphore_mem>> -> memref<!tpu.dma_semaphore, #tpu.memory_space<semaphore_mem>>
    tpu.wait_indirect_dma semaphore(%dma_wait3A_779 : memref<!tpu.dma_semaphore, #tpu.memory_space<semaphore_mem>>) src(%dma_wait3A_777 : memref<100000x64xf32, #tpu.memory_space<hbm>>) dst(%dma_wait3A_771 : memref<50x64xf32, #tpu.memory_space<vmem>>)
    %dma_wait3A_780 = arith.constant 0 : i32
    %dma_wait3A_781 = arith.constant 1 : i32
    %dma_wait3A_782 = arith.constant 7 : i32
    %dma_wait3A_783 = arith.constant 1 : i32
    %dma_wait3A_784 = arith.constant 0 : i32
    %dma_wait3A_785 = arith.constant 0 : i32
    %dma_wait3A_786 = tpu.memref_slice %arg6[%dma_wait3A_781, %dma_wait3A_782, %dma_wait3A_784, %dma_wait3A_785] : memref<4x8x50x64xf32, #tpu.memory_space<vmem>> -> memref<1x1x50x64xf32, #tpu.memory_space<vmem>>
    %dma_wait3A_787 = tpu.memref_squeeze %dma_wait3A_786 : memref<1x1x50x64xf32, #tpu.memory_space<vmem>> -> memref<50x64xf32, #tpu.memory_space<vmem>>
    %dma_wait3A_788 = arith.constant 0 : i32
    %dma_wait3A_789 = tpu.memref_slice %arg5[%dma_wait3A_780, %dma_wait3A_788] : memref<128x50xi32, #tpu.memory_space<vmem>> -> memref<1x50xi32, #tpu.memory_space<vmem>>
    %dma_wait3A_790 = tpu.memref_squeeze %dma_wait3A_789 : memref<1x50xi32, #tpu.memory_space<vmem>> -> memref<50xi32, #tpu.memory_space<vmem>>
    %dma_wait3A_791 = arith.constant 0 : i32
    %dma_wait3A_792 = arith.constant 0 : i32
    %dma_wait3A_793 = tpu.memref_slice %arg2[%dma_wait3A_791, %dma_wait3A_792] : memref<100000x64xf32, #tpu.memory_space<hbm>> -> memref<100000x64xf32, #tpu.memory_space<hbm>>
    %dma_wait3A_794 = tpu.memref_slice %arg7[%dma_wait3A_783] : memref<4x!tpu.dma_semaphore, #tpu.memory_space<semaphore_mem>> -> memref<1x!tpu.dma_semaphore, #tpu.memory_space<semaphore_mem>>
    %dma_wait3A_795 = tpu.memref_squeeze %dma_wait3A_794 : memref<1x!tpu.dma_semaphore, #tpu.memory_space<semaphore_mem>> -> memref<!tpu.dma_semaphore, #tpu.memory_space<semaphore_mem>>
    tpu.wait_indirect_dma semaphore(%dma_wait3A_795 : memref<!tpu.dma_semaphore, #tpu.memory_space<semaphore_mem>>) src(%dma_wait3A_793 : memref<100000x64xf32, #tpu.memory_space<hbm>>) dst(%dma_wait3A_787 : memref<50x64xf32, #tpu.memory_space<vmem>>)
    %add3A_796 = arith.constant 104 : i32
    %add3A_797 = arith.addi %mul3A_2, %add3A_796 : i32
    %dma_start3A_798 = arith.constant 1 : i32
    %dma_start3A_799 = arith.constant 1 : i32
    %dma_start3A_800 = arith.constant 0 : i32
    %dma_start3A_801 = arith.constant 0 : i32
    %dma_start3A_802 = arith.constant 0 : i32
    %dma_start3A_803 = tpu.memref_slice %arg6[%dma_start3A_798, %dma_start3A_800, %dma_start3A_801, %dma_start3A_802] : memref<4x8x50x64xf32, #tpu.memory_space<vmem>> -> memref<1x8x50x64xf32, #tpu.memory_space<vmem>>
    %dma_start3A_804 = tpu.memref_squeeze %dma_start3A_803 : memref<1x8x50x64xf32, #tpu.memory_space<vmem>> -> memref<8x50x64xf32, #tpu.memory_space<vmem>>
    %dma_start3A_805 = arith.constant 0 : i32
    %dma_start3A_806 = arith.constant 0 : i32
    %dma_start3A_807 = tpu.memref_slice %arg4[%add3A_797, %dma_start3A_805, %dma_start3A_806] : memref<4096x56x128xf32, #tpu.memory_space<hbm>> -> memref<8x50x64xf32, #tpu.memory_space<hbm>>
    %dma_start3A_808 = tpu.memref_slice %arg8[%dma_start3A_799] : memref<4x!tpu.dma_semaphore, #tpu.memory_space<semaphore_mem>> -> memref<1x!tpu.dma_semaphore, #tpu.memory_space<semaphore_mem>>
    %dma_start3A_809 = tpu.memref_squeeze %dma_start3A_808 : memref<1x!tpu.dma_semaphore, #tpu.memory_space<semaphore_mem>> -> memref<!tpu.dma_semaphore, #tpu.memory_space<semaphore_mem>>
    %dma_start3A_810 = arith.constant 0 : i32
    %dma_start3A_811 = arith.constant 0 : i32
    %dma_start3A_812 = tpu.memref_slice %arg4[%add3A_797, %dma_start3A_810, %dma_start3A_811] : memref<4096x56x128xf32, #tpu.memory_space<hbm>> -> memref<8x50x64xf32, #tpu.memory_space<hbm>>
    %dma_start3A_813 = arith.constant 0 : i32
    %dma_start3A_814 = arith.constant 0 : i32
    %dma_start3A_815 = arith.constant 0 : i32
    %dma_start3A_816 = tpu.memref_slice %arg6[%dma_start3A_798, %dma_start3A_813, %dma_start3A_814, %dma_start3A_815] : memref<4x8x50x64xf32, #tpu.memory_space<vmem>> -> memref<1x8x50x64xf32, #tpu.memory_space<vmem>>
    %dma_start3A_817 = tpu.memref_squeeze %dma_start3A_816 : memref<1x8x50x64xf32, #tpu.memory_space<vmem>> -> memref<8x50x64xf32, #tpu.memory_space<vmem>>
    tpu.enqueue_dma source(%dma_start3A_817 : memref<8x50x64xf32, #tpu.memory_space<vmem>>) target(%dma_start3A_812 : memref<8x50x64xf32, #tpu.memory_space<hbm>>) target_semaphore(%dma_start3A_809 : memref<!tpu.dma_semaphore, #tpu.memory_space<semaphore_mem>>)
    %dma_wait3A_818 = arith.constant 0 : i32
    %dma_wait3A_819 = arith.constant 2 : i32
    %dma_wait3A_820 = arith.constant 0 : i32
    %dma_wait3A_821 = arith.constant 2 : i32
    %dma_wait3A_822 = arith.constant 0 : i32
    %dma_wait3A_823 = arith.constant 0 : i32
    %dma_wait3A_824 = tpu.memref_slice %arg6[%dma_wait3A_819, %dma_wait3A_820, %dma_wait3A_822, %dma_wait3A_823] : memref<4x8x50x64xf32, #tpu.memory_space<vmem>> -> memref<1x1x50x64xf32, #tpu.memory_space<vmem>>
    %dma_wait3A_825 = tpu.memref_squeeze %dma_wait3A_824 : memref<1x1x50x64xf32, #tpu.memory_space<vmem>> -> memref<50x64xf32, #tpu.memory_space<vmem>>
    %dma_wait3A_826 = arith.constant 0 : i32
    %dma_wait3A_827 = tpu.memref_slice %arg5[%dma_wait3A_818, %dma_wait3A_826] : memref<128x50xi32, #tpu.memory_space<vmem>> -> memref<1x50xi32, #tpu.memory_space<vmem>>
    %dma_wait3A_828 = tpu.memref_squeeze %dma_wait3A_827 : memref<1x50xi32, #tpu.memory_space<vmem>> -> memref<50xi32, #tpu.memory_space<vmem>>
    %dma_wait3A_829 = arith.constant 0 : i32
    %dma_wait3A_830 = arith.constant 0 : i32
    %dma_wait3A_831 = tpu.memref_slice %arg2[%dma_wait3A_829, %dma_wait3A_830] : memref<100000x64xf32, #tpu.memory_space<hbm>> -> memref<100000x64xf32, #tpu.memory_space<hbm>>
    %dma_wait3A_832 = tpu.memref_slice %arg7[%dma_wait3A_821] : memref<4x!tpu.dma_semaphore, #tpu.memory_space<semaphore_mem>> -> memref<1x!tpu.dma_semaphore, #tpu.memory_space<semaphore_mem>>
    %dma_wait3A_833 = tpu.memref_squeeze %dma_wait3A_832 : memref<1x!tpu.dma_semaphore, #tpu.memory_space<semaphore_mem>> -> memref<!tpu.dma_semaphore, #tpu.memory_space<semaphore_mem>>
    tpu.wait_indirect_dma semaphore(%dma_wait3A_833 : memref<!tpu.dma_semaphore, #tpu.memory_space<semaphore_mem>>) src(%dma_wait3A_831 : memref<100000x64xf32, #tpu.memory_space<hbm>>) dst(%dma_wait3A_825 : memref<50x64xf32, #tpu.memory_space<vmem>>)
    %dma_wait3A_834 = arith.constant 0 : i32
    %dma_wait3A_835 = arith.constant 2 : i32
    %dma_wait3A_836 = arith.constant 1 : i32
    %dma_wait3A_837 = arith.constant 2 : i32
    %dma_wait3A_838 = arith.constant 0 : i32
    %dma_wait3A_839 = arith.constant 0 : i32
    %dma_wait3A_840 = tpu.memref_slice %arg6[%dma_wait3A_835, %dma_wait3A_836, %dma_wait3A_838, %dma_wait3A_839] : memref<4x8x50x64xf32, #tpu.memory_space<vmem>> -> memref<1x1x50x64xf32, #tpu.memory_space<vmem>>
    %dma_wait3A_841 = tpu.memref_squeeze %dma_wait3A_840 : memref<1x1x50x64xf32, #tpu.memory_space<vmem>> -> memref<50x64xf32, #tpu.memory_space<vmem>>
    %dma_wait3A_842 = arith.constant 0 : i32
    %dma_wait3A_843 = tpu.memref_slice %arg5[%dma_wait3A_834, %dma_wait3A_842] : memref<128x50xi32, #tpu.memory_space<vmem>> -> memref<1x50xi32, #tpu.memory_space<vmem>>
    %dma_wait3A_844 = tpu.memref_squeeze %dma_wait3A_843 : memref<1x50xi32, #tpu.memory_space<vmem>> -> memref<50xi32, #tpu.memory_space<vmem>>
    %dma_wait3A_845 = arith.constant 0 : i32
    %dma_wait3A_846 = arith.constant 0 : i32
    %dma_wait3A_847 = tpu.memref_slice %arg2[%dma_wait3A_845, %dma_wait3A_846] : memref<100000x64xf32, #tpu.memory_space<hbm>> -> memref<100000x64xf32, #tpu.memory_space<hbm>>
    %dma_wait3A_848 = tpu.memref_slice %arg7[%dma_wait3A_837] : memref<4x!tpu.dma_semaphore, #tpu.memory_space<semaphore_mem>> -> memref<1x!tpu.dma_semaphore, #tpu.memory_space<semaphore_mem>>
    %dma_wait3A_849 = tpu.memref_squeeze %dma_wait3A_848 : memref<1x!tpu.dma_semaphore, #tpu.memory_space<semaphore_mem>> -> memref<!tpu.dma_semaphore, #tpu.memory_space<semaphore_mem>>
    tpu.wait_indirect_dma semaphore(%dma_wait3A_849 : memref<!tpu.dma_semaphore, #tpu.memory_space<semaphore_mem>>) src(%dma_wait3A_847 : memref<100000x64xf32, #tpu.memory_space<hbm>>) dst(%dma_wait3A_841 : memref<50x64xf32, #tpu.memory_space<vmem>>)
    %dma_wait3A_850 = arith.constant 0 : i32
    %dma_wait3A_851 = arith.constant 2 : i32
    %dma_wait3A_852 = arith.constant 2 : i32
    %dma_wait3A_853 = arith.constant 2 : i32
    %dma_wait3A_854 = arith.constant 0 : i32
    %dma_wait3A_855 = arith.constant 0 : i32
    %dma_wait3A_856 = tpu.memref_slice %arg6[%dma_wait3A_851, %dma_wait3A_852, %dma_wait3A_854, %dma_wait3A_855] : memref<4x8x50x64xf32, #tpu.memory_space<vmem>> -> memref<1x1x50x64xf32, #tpu.memory_space<vmem>>
    %dma_wait3A_857 = tpu.memref_squeeze %dma_wait3A_856 : memref<1x1x50x64xf32, #tpu.memory_space<vmem>> -> memref<50x64xf32, #tpu.memory_space<vmem>>
    %dma_wait3A_858 = arith.constant 0 : i32
    %dma_wait3A_859 = tpu.memref_slice %arg5[%dma_wait3A_850, %dma_wait3A_858] : memref<128x50xi32, #tpu.memory_space<vmem>> -> memref<1x50xi32, #tpu.memory_space<vmem>>
    %dma_wait3A_860 = tpu.memref_squeeze %dma_wait3A_859 : memref<1x50xi32, #tpu.memory_space<vmem>> -> memref<50xi32, #tpu.memory_space<vmem>>
    %dma_wait3A_861 = arith.constant 0 : i32
    %dma_wait3A_862 = arith.constant 0 : i32
    %dma_wait3A_863 = tpu.memref_slice %arg2[%dma_wait3A_861, %dma_wait3A_862] : memref<100000x64xf32, #tpu.memory_space<hbm>> -> memref<100000x64xf32, #tpu.memory_space<hbm>>
    %dma_wait3A_864 = tpu.memref_slice %arg7[%dma_wait3A_853] : memref<4x!tpu.dma_semaphore, #tpu.memory_space<semaphore_mem>> -> memref<1x!tpu.dma_semaphore, #tpu.memory_space<semaphore_mem>>
    %dma_wait3A_865 = tpu.memref_squeeze %dma_wait3A_864 : memref<1x!tpu.dma_semaphore, #tpu.memory_space<semaphore_mem>> -> memref<!tpu.dma_semaphore, #tpu.memory_space<semaphore_mem>>
    tpu.wait_indirect_dma semaphore(%dma_wait3A_865 : memref<!tpu.dma_semaphore, #tpu.memory_space<semaphore_mem>>) src(%dma_wait3A_863 : memref<100000x64xf32, #tpu.memory_space<hbm>>) dst(%dma_wait3A_857 : memref<50x64xf32, #tpu.memory_space<vmem>>)
    %dma_wait3A_866 = arith.constant 0 : i32
    %dma_wait3A_867 = arith.constant 2 : i32
    %dma_wait3A_868 = arith.constant 3 : i32
    %dma_wait3A_869 = arith.constant 2 : i32
    %dma_wait3A_870 = arith.constant 0 : i32
    %dma_wait3A_871 = arith.constant 0 : i32
    %dma_wait3A_872 = tpu.memref_slice %arg6[%dma_wait3A_867, %dma_wait3A_868, %dma_wait3A_870, %dma_wait3A_871] : memref<4x8x50x64xf32, #tpu.memory_space<vmem>> -> memref<1x1x50x64xf32, #tpu.memory_space<vmem>>
    %dma_wait3A_873 = tpu.memref_squeeze %dma_wait3A_872 : memref<1x1x50x64xf32, #tpu.memory_space<vmem>> -> memref<50x64xf32, #tpu.memory_space<vmem>>
    %dma_wait3A_874 = arith.constant 0 : i32
    %dma_wait3A_875 = tpu.memref_slice %arg5[%dma_wait3A_866, %dma_wait3A_874] : memref<128x50xi32, #tpu.memory_space<vmem>> -> memref<1x50xi32, #tpu.memory_space<vmem>>
    %dma_wait3A_876 = tpu.memref_squeeze %dma_wait3A_875 : memref<1x50xi32, #tpu.memory_space<vmem>> -> memref<50xi32, #tpu.memory_space<vmem>>
    %dma_wait3A_877 = arith.constant 0 : i32
    %dma_wait3A_878 = arith.constant 0 : i32
    %dma_wait3A_879 = tpu.memref_slice %arg2[%dma_wait3A_877, %dma_wait3A_878] : memref<100000x64xf32, #tpu.memory_space<hbm>> -> memref<100000x64xf32, #tpu.memory_space<hbm>>
    %dma_wait3A_880 = tpu.memref_slice %arg7[%dma_wait3A_869] : memref<4x!tpu.dma_semaphore, #tpu.memory_space<semaphore_mem>> -> memref<1x!tpu.dma_semaphore, #tpu.memory_space<semaphore_mem>>
    %dma_wait3A_881 = tpu.memref_squeeze %dma_wait3A_880 : memref<1x!tpu.dma_semaphore, #tpu.memory_space<semaphore_mem>> -> memref<!tpu.dma_semaphore, #tpu.memory_space<semaphore_mem>>
    tpu.wait_indirect_dma semaphore(%dma_wait3A_881 : memref<!tpu.dma_semaphore, #tpu.memory_space<semaphore_mem>>) src(%dma_wait3A_879 : memref<100000x64xf32, #tpu.memory_space<hbm>>) dst(%dma_wait3A_873 : memref<50x64xf32, #tpu.memory_space<vmem>>)
    %dma_wait3A_882 = arith.constant 0 : i32
    %dma_wait3A_883 = arith.constant 2 : i32
    %dma_wait3A_884 = arith.constant 4 : i32
    %dma_wait3A_885 = arith.constant 2 : i32
    %dma_wait3A_886 = arith.constant 0 : i32
    %dma_wait3A_887 = arith.constant 0 : i32
    %dma_wait3A_888 = tpu.memref_slice %arg6[%dma_wait3A_883, %dma_wait3A_884, %dma_wait3A_886, %dma_wait3A_887] : memref<4x8x50x64xf32, #tpu.memory_space<vmem>> -> memref<1x1x50x64xf32, #tpu.memory_space<vmem>>
    %dma_wait3A_889 = tpu.memref_squeeze %dma_wait3A_888 : memref<1x1x50x64xf32, #tpu.memory_space<vmem>> -> memref<50x64xf32, #tpu.memory_space<vmem>>
    %dma_wait3A_890 = arith.constant 0 : i32
    %dma_wait3A_891 = tpu.memref_slice %arg5[%dma_wait3A_882, %dma_wait3A_890] : memref<128x50xi32, #tpu.memory_space<vmem>> -> memref<1x50xi32, #tpu.memory_space<vmem>>
    %dma_wait3A_892 = tpu.memref_squeeze %dma_wait3A_891 : memref<1x50xi32, #tpu.memory_space<vmem>> -> memref<50xi32, #tpu.memory_space<vmem>>
    %dma_wait3A_893 = arith.constant 0 : i32
    %dma_wait3A_894 = arith.constant 0 : i32
    %dma_wait3A_895 = tpu.memref_slice %arg2[%dma_wait3A_893, %dma_wait3A_894] : memref<100000x64xf32, #tpu.memory_space<hbm>> -> memref<100000x64xf32, #tpu.memory_space<hbm>>
    %dma_wait3A_896 = tpu.memref_slice %arg7[%dma_wait3A_885] : memref<4x!tpu.dma_semaphore, #tpu.memory_space<semaphore_mem>> -> memref<1x!tpu.dma_semaphore, #tpu.memory_space<semaphore_mem>>
    %dma_wait3A_897 = tpu.memref_squeeze %dma_wait3A_896 : memref<1x!tpu.dma_semaphore, #tpu.memory_space<semaphore_mem>> -> memref<!tpu.dma_semaphore, #tpu.memory_space<semaphore_mem>>
    tpu.wait_indirect_dma semaphore(%dma_wait3A_897 : memref<!tpu.dma_semaphore, #tpu.memory_space<semaphore_mem>>) src(%dma_wait3A_895 : memref<100000x64xf32, #tpu.memory_space<hbm>>) dst(%dma_wait3A_889 : memref<50x64xf32, #tpu.memory_space<vmem>>)
    %dma_wait3A_898 = arith.constant 0 : i32
    %dma_wait3A_899 = arith.constant 2 : i32
    %dma_wait3A_900 = arith.constant 5 : i32
    %dma_wait3A_901 = arith.constant 2 : i32
    %dma_wait3A_902 = arith.constant 0 : i32
    %dma_wait3A_903 = arith.constant 0 : i32
    %dma_wait3A_904 = tpu.memref_slice %arg6[%dma_wait3A_899, %dma_wait3A_900, %dma_wait3A_902, %dma_wait3A_903] : memref<4x8x50x64xf32, #tpu.memory_space<vmem>> -> memref<1x1x50x64xf32, #tpu.memory_space<vmem>>
    %dma_wait3A_905 = tpu.memref_squeeze %dma_wait3A_904 : memref<1x1x50x64xf32, #tpu.memory_space<vmem>> -> memref<50x64xf32, #tpu.memory_space<vmem>>
    %dma_wait3A_906 = arith.constant 0 : i32
    %dma_wait3A_907 = tpu.memref_slice %arg5[%dma_wait3A_898, %dma_wait3A_906] : memref<128x50xi32, #tpu.memory_space<vmem>> -> memref<1x50xi32, #tpu.memory_space<vmem>>
    %dma_wait3A_908 = tpu.memref_squeeze %dma_wait3A_907 : memref<1x50xi32, #tpu.memory_space<vmem>> -> memref<50xi32, #tpu.memory_space<vmem>>
    %dma_wait3A_909 = arith.constant 0 : i32
    %dma_wait3A_910 = arith.constant 0 : i32
    %dma_wait3A_911 = tpu.memref_slice %arg2[%dma_wait3A_909, %dma_wait3A_910] : memref<100000x64xf32, #tpu.memory_space<hbm>> -> memref<100000x64xf32, #tpu.memory_space<hbm>>
    %dma_wait3A_912 = tpu.memref_slice %arg7[%dma_wait3A_901] : memref<4x!tpu.dma_semaphore, #tpu.memory_space<semaphore_mem>> -> memref<1x!tpu.dma_semaphore, #tpu.memory_space<semaphore_mem>>
    %dma_wait3A_913 = tpu.memref_squeeze %dma_wait3A_912 : memref<1x!tpu.dma_semaphore, #tpu.memory_space<semaphore_mem>> -> memref<!tpu.dma_semaphore, #tpu.memory_space<semaphore_mem>>
    tpu.wait_indirect_dma semaphore(%dma_wait3A_913 : memref<!tpu.dma_semaphore, #tpu.memory_space<semaphore_mem>>) src(%dma_wait3A_911 : memref<100000x64xf32, #tpu.memory_space<hbm>>) dst(%dma_wait3A_905 : memref<50x64xf32, #tpu.memory_space<vmem>>)
    %dma_wait3A_914 = arith.constant 0 : i32
    %dma_wait3A_915 = arith.constant 2 : i32
    %dma_wait3A_916 = arith.constant 6 : i32
    %dma_wait3A_917 = arith.constant 2 : i32
    %dma_wait3A_918 = arith.constant 0 : i32
    %dma_wait3A_919 = arith.constant 0 : i32
    %dma_wait3A_920 = tpu.memref_slice %arg6[%dma_wait3A_915, %dma_wait3A_916, %dma_wait3A_918, %dma_wait3A_919] : memref<4x8x50x64xf32, #tpu.memory_space<vmem>> -> memref<1x1x50x64xf32, #tpu.memory_space<vmem>>
    %dma_wait3A_921 = tpu.memref_squeeze %dma_wait3A_920 : memref<1x1x50x64xf32, #tpu.memory_space<vmem>> -> memref<50x64xf32, #tpu.memory_space<vmem>>
    %dma_wait3A_922 = arith.constant 0 : i32
    %dma_wait3A_923 = tpu.memref_slice %arg5[%dma_wait3A_914, %dma_wait3A_922] : memref<128x50xi32, #tpu.memory_space<vmem>> -> memref<1x50xi32, #tpu.memory_space<vmem>>
    %dma_wait3A_924 = tpu.memref_squeeze %dma_wait3A_923 : memref<1x50xi32, #tpu.memory_space<vmem>> -> memref<50xi32, #tpu.memory_space<vmem>>
    %dma_wait3A_925 = arith.constant 0 : i32
    %dma_wait3A_926 = arith.constant 0 : i32
    %dma_wait3A_927 = tpu.memref_slice %arg2[%dma_wait3A_925, %dma_wait3A_926] : memref<100000x64xf32, #tpu.memory_space<hbm>> -> memref<100000x64xf32, #tpu.memory_space<hbm>>
    %dma_wait3A_928 = tpu.memref_slice %arg7[%dma_wait3A_917] : memref<4x!tpu.dma_semaphore, #tpu.memory_space<semaphore_mem>> -> memref<1x!tpu.dma_semaphore, #tpu.memory_space<semaphore_mem>>
    %dma_wait3A_929 = tpu.memref_squeeze %dma_wait3A_928 : memref<1x!tpu.dma_semaphore, #tpu.memory_space<semaphore_mem>> -> memref<!tpu.dma_semaphore, #tpu.memory_space<semaphore_mem>>
    tpu.wait_indirect_dma semaphore(%dma_wait3A_929 : memref<!tpu.dma_semaphore, #tpu.memory_space<semaphore_mem>>) src(%dma_wait3A_927 : memref<100000x64xf32, #tpu.memory_space<hbm>>) dst(%dma_wait3A_921 : memref<50x64xf32, #tpu.memory_space<vmem>>)
    %dma_wait3A_930 = arith.constant 0 : i32
    %dma_wait3A_931 = arith.constant 2 : i32
    %dma_wait3A_932 = arith.constant 7 : i32
    %dma_wait3A_933 = arith.constant 2 : i32
    %dma_wait3A_934 = arith.constant 0 : i32
    %dma_wait3A_935 = arith.constant 0 : i32
    %dma_wait3A_936 = tpu.memref_slice %arg6[%dma_wait3A_931, %dma_wait3A_932, %dma_wait3A_934, %dma_wait3A_935] : memref<4x8x50x64xf32, #tpu.memory_space<vmem>> -> memref<1x1x50x64xf32, #tpu.memory_space<vmem>>
    %dma_wait3A_937 = tpu.memref_squeeze %dma_wait3A_936 : memref<1x1x50x64xf32, #tpu.memory_space<vmem>> -> memref<50x64xf32, #tpu.memory_space<vmem>>
    %dma_wait3A_938 = arith.constant 0 : i32
    %dma_wait3A_939 = tpu.memref_slice %arg5[%dma_wait3A_930, %dma_wait3A_938] : memref<128x50xi32, #tpu.memory_space<vmem>> -> memref<1x50xi32, #tpu.memory_space<vmem>>
    %dma_wait3A_940 = tpu.memref_squeeze %dma_wait3A_939 : memref<1x50xi32, #tpu.memory_space<vmem>> -> memref<50xi32, #tpu.memory_space<vmem>>
    %dma_wait3A_941 = arith.constant 0 : i32
    %dma_wait3A_942 = arith.constant 0 : i32
    %dma_wait3A_943 = tpu.memref_slice %arg2[%dma_wait3A_941, %dma_wait3A_942] : memref<100000x64xf32, #tpu.memory_space<hbm>> -> memref<100000x64xf32, #tpu.memory_space<hbm>>
    %dma_wait3A_944 = tpu.memref_slice %arg7[%dma_wait3A_933] : memref<4x!tpu.dma_semaphore, #tpu.memory_space<semaphore_mem>> -> memref<1x!tpu.dma_semaphore, #tpu.memory_space<semaphore_mem>>
    %dma_wait3A_945 = tpu.memref_squeeze %dma_wait3A_944 : memref<1x!tpu.dma_semaphore, #tpu.memory_space<semaphore_mem>> -> memref<!tpu.dma_semaphore, #tpu.memory_space<semaphore_mem>>
    tpu.wait_indirect_dma semaphore(%dma_wait3A_945 : memref<!tpu.dma_semaphore, #tpu.memory_space<semaphore_mem>>) src(%dma_wait3A_943 : memref<100000x64xf32, #tpu.memory_space<hbm>>) dst(%dma_wait3A_937 : memref<50x64xf32, #tpu.memory_space<vmem>>)
    %add3A_946 = arith.constant 112 : i32
    %add3A_947 = arith.addi %mul3A_2, %add3A_946 : i32
    %dma_start3A_948 = arith.constant 2 : i32
    %dma_start3A_949 = arith.constant 2 : i32
    %dma_start3A_950 = arith.constant 0 : i32
    %dma_start3A_951 = arith.constant 0 : i32
    %dma_start3A_952 = arith.constant 0 : i32
    %dma_start3A_953 = tpu.memref_slice %arg6[%dma_start3A_948, %dma_start3A_950, %dma_start3A_951, %dma_start3A_952] : memref<4x8x50x64xf32, #tpu.memory_space<vmem>> -> memref<1x8x50x64xf32, #tpu.memory_space<vmem>>
    %dma_start3A_954 = tpu.memref_squeeze %dma_start3A_953 : memref<1x8x50x64xf32, #tpu.memory_space<vmem>> -> memref<8x50x64xf32, #tpu.memory_space<vmem>>
    %dma_start3A_955 = arith.constant 0 : i32
    %dma_start3A_956 = arith.constant 0 : i32
    %dma_start3A_957 = tpu.memref_slice %arg4[%add3A_947, %dma_start3A_955, %dma_start3A_956] : memref<4096x56x128xf32, #tpu.memory_space<hbm>> -> memref<8x50x64xf32, #tpu.memory_space<hbm>>
    %dma_start3A_958 = tpu.memref_slice %arg8[%dma_start3A_949] : memref<4x!tpu.dma_semaphore, #tpu.memory_space<semaphore_mem>> -> memref<1x!tpu.dma_semaphore, #tpu.memory_space<semaphore_mem>>
    %dma_start3A_959 = tpu.memref_squeeze %dma_start3A_958 : memref<1x!tpu.dma_semaphore, #tpu.memory_space<semaphore_mem>> -> memref<!tpu.dma_semaphore, #tpu.memory_space<semaphore_mem>>
    %dma_start3A_960 = arith.constant 0 : i32
    %dma_start3A_961 = arith.constant 0 : i32
    %dma_start3A_962 = tpu.memref_slice %arg4[%add3A_947, %dma_start3A_960, %dma_start3A_961] : memref<4096x56x128xf32, #tpu.memory_space<hbm>> -> memref<8x50x64xf32, #tpu.memory_space<hbm>>
    %dma_start3A_963 = arith.constant 0 : i32
    %dma_start3A_964 = arith.constant 0 : i32
    %dma_start3A_965 = arith.constant 0 : i32
    %dma_start3A_966 = tpu.memref_slice %arg6[%dma_start3A_948, %dma_start3A_963, %dma_start3A_964, %dma_start3A_965] : memref<4x8x50x64xf32, #tpu.memory_space<vmem>> -> memref<1x8x50x64xf32, #tpu.memory_space<vmem>>
    %dma_start3A_967 = tpu.memref_squeeze %dma_start3A_966 : memref<1x8x50x64xf32, #tpu.memory_space<vmem>> -> memref<8x50x64xf32, #tpu.memory_space<vmem>>
    tpu.enqueue_dma source(%dma_start3A_967 : memref<8x50x64xf32, #tpu.memory_space<vmem>>) target(%dma_start3A_962 : memref<8x50x64xf32, #tpu.memory_space<hbm>>) target_semaphore(%dma_start3A_959 : memref<!tpu.dma_semaphore, #tpu.memory_space<semaphore_mem>>)
    %dma_wait3A_968 = arith.constant 0 : i32
    %dma_wait3A_969 = arith.constant 3 : i32
    %dma_wait3A_970 = arith.constant 0 : i32
    %dma_wait3A_971 = arith.constant 3 : i32
    %dma_wait3A_972 = arith.constant 0 : i32
    %dma_wait3A_973 = arith.constant 0 : i32
    %dma_wait3A_974 = tpu.memref_slice %arg6[%dma_wait3A_969, %dma_wait3A_970, %dma_wait3A_972, %dma_wait3A_973] : memref<4x8x50x64xf32, #tpu.memory_space<vmem>> -> memref<1x1x50x64xf32, #tpu.memory_space<vmem>>
    %dma_wait3A_975 = tpu.memref_squeeze %dma_wait3A_974 : memref<1x1x50x64xf32, #tpu.memory_space<vmem>> -> memref<50x64xf32, #tpu.memory_space<vmem>>
    %dma_wait3A_976 = arith.constant 0 : i32
    %dma_wait3A_977 = tpu.memref_slice %arg5[%dma_wait3A_968, %dma_wait3A_976] : memref<128x50xi32, #tpu.memory_space<vmem>> -> memref<1x50xi32, #tpu.memory_space<vmem>>
    %dma_wait3A_978 = tpu.memref_squeeze %dma_wait3A_977 : memref<1x50xi32, #tpu.memory_space<vmem>> -> memref<50xi32, #tpu.memory_space<vmem>>
    %dma_wait3A_979 = arith.constant 0 : i32
    %dma_wait3A_980 = arith.constant 0 : i32
    %dma_wait3A_981 = tpu.memref_slice %arg2[%dma_wait3A_979, %dma_wait3A_980] : memref<100000x64xf32, #tpu.memory_space<hbm>> -> memref<100000x64xf32, #tpu.memory_space<hbm>>
    %dma_wait3A_982 = tpu.memref_slice %arg7[%dma_wait3A_971] : memref<4x!tpu.dma_semaphore, #tpu.memory_space<semaphore_mem>> -> memref<1x!tpu.dma_semaphore, #tpu.memory_space<semaphore_mem>>
    %dma_wait3A_983 = tpu.memref_squeeze %dma_wait3A_982 : memref<1x!tpu.dma_semaphore, #tpu.memory_space<semaphore_mem>> -> memref<!tpu.dma_semaphore, #tpu.memory_space<semaphore_mem>>
    tpu.wait_indirect_dma semaphore(%dma_wait3A_983 : memref<!tpu.dma_semaphore, #tpu.memory_space<semaphore_mem>>) src(%dma_wait3A_981 : memref<100000x64xf32, #tpu.memory_space<hbm>>) dst(%dma_wait3A_975 : memref<50x64xf32, #tpu.memory_space<vmem>>)
    %dma_wait3A_984 = arith.constant 0 : i32
    %dma_wait3A_985 = arith.constant 3 : i32
    %dma_wait3A_986 = arith.constant 1 : i32
    %dma_wait3A_987 = arith.constant 3 : i32
    %dma_wait3A_988 = arith.constant 0 : i32
    %dma_wait3A_989 = arith.constant 0 : i32
    %dma_wait3A_990 = tpu.memref_slice %arg6[%dma_wait3A_985, %dma_wait3A_986, %dma_wait3A_988, %dma_wait3A_989] : memref<4x8x50x64xf32, #tpu.memory_space<vmem>> -> memref<1x1x50x64xf32, #tpu.memory_space<vmem>>
    %dma_wait3A_991 = tpu.memref_squeeze %dma_wait3A_990 : memref<1x1x50x64xf32, #tpu.memory_space<vmem>> -> memref<50x64xf32, #tpu.memory_space<vmem>>
    %dma_wait3A_992 = arith.constant 0 : i32
    %dma_wait3A_993 = tpu.memref_slice %arg5[%dma_wait3A_984, %dma_wait3A_992] : memref<128x50xi32, #tpu.memory_space<vmem>> -> memref<1x50xi32, #tpu.memory_space<vmem>>
    %dma_wait3A_994 = tpu.memref_squeeze %dma_wait3A_993 : memref<1x50xi32, #tpu.memory_space<vmem>> -> memref<50xi32, #tpu.memory_space<vmem>>
    %dma_wait3A_995 = arith.constant 0 : i32
    %dma_wait3A_996 = arith.constant 0 : i32
    %dma_wait3A_997 = tpu.memref_slice %arg2[%dma_wait3A_995, %dma_wait3A_996] : memref<100000x64xf32, #tpu.memory_space<hbm>> -> memref<100000x64xf32, #tpu.memory_space<hbm>>
    %dma_wait3A_998 = tpu.memref_slice %arg7[%dma_wait3A_987] : memref<4x!tpu.dma_semaphore, #tpu.memory_space<semaphore_mem>> -> memref<1x!tpu.dma_semaphore, #tpu.memory_space<semaphore_mem>>
    %dma_wait3A_999 = tpu.memref_squeeze %dma_wait3A_998 : memref<1x!tpu.dma_semaphore, #tpu.memory_space<semaphore_mem>> -> memref<!tpu.dma_semaphore, #tpu.memory_space<semaphore_mem>>
    tpu.wait_indirect_dma semaphore(%dma_wait3A_999 : memref<!tpu.dma_semaphore, #tpu.memory_space<semaphore_mem>>) src(%dma_wait3A_997 : memref<100000x64xf32, #tpu.memory_space<hbm>>) dst(%dma_wait3A_991 : memref<50x64xf32, #tpu.memory_space<vmem>>)
    %dma_wait3A_1000 = arith.constant 0 : i32
    %dma_wait3A_1001 = arith.constant 3 : i32
    %dma_wait3A_1002 = arith.constant 2 : i32
    %dma_wait3A_1003 = arith.constant 3 : i32
    %dma_wait3A_1004 = arith.constant 0 : i32
    %dma_wait3A_1005 = arith.constant 0 : i32
    %dma_wait3A_1006 = tpu.memref_slice %arg6[%dma_wait3A_1001, %dma_wait3A_1002, %dma_wait3A_1004, %dma_wait3A_1005] : memref<4x8x50x64xf32, #tpu.memory_space<vmem>> -> memref<1x1x50x64xf32, #tpu.memory_space<vmem>>
    %dma_wait3A_1007 = tpu.memref_squeeze %dma_wait3A_1006 : memref<1x1x50x64xf32, #tpu.memory_space<vmem>> -> memref<50x64xf32, #tpu.memory_space<vmem>>
    %dma_wait3A_1008 = arith.constant 0 : i32
    %dma_wait3A_1009 = tpu.memref_slice %arg5[%dma_wait3A_1000, %dma_wait3A_1008] : memref<128x50xi32, #tpu.memory_space<vmem>> -> memref<1x50xi32, #tpu.memory_space<vmem>>
    %dma_wait3A_1010 = tpu.memref_squeeze %dma_wait3A_1009 : memref<1x50xi32, #tpu.memory_space<vmem>> -> memref<50xi32, #tpu.memory_space<vmem>>
    %dma_wait3A_1011 = arith.constant 0 : i32
    %dma_wait3A_1012 = arith.constant 0 : i32
    %dma_wait3A_1013 = tpu.memref_slice %arg2[%dma_wait3A_1011, %dma_wait3A_1012] : memref<100000x64xf32, #tpu.memory_space<hbm>> -> memref<100000x64xf32, #tpu.memory_space<hbm>>
    %dma_wait3A_1014 = tpu.memref_slice %arg7[%dma_wait3A_1003] : memref<4x!tpu.dma_semaphore, #tpu.memory_space<semaphore_mem>> -> memref<1x!tpu.dma_semaphore, #tpu.memory_space<semaphore_mem>>
    %dma_wait3A_1015 = tpu.memref_squeeze %dma_wait3A_1014 : memref<1x!tpu.dma_semaphore, #tpu.memory_space<semaphore_mem>> -> memref<!tpu.dma_semaphore, #tpu.memory_space<semaphore_mem>>
    tpu.wait_indirect_dma semaphore(%dma_wait3A_1015 : memref<!tpu.dma_semaphore, #tpu.memory_space<semaphore_mem>>) src(%dma_wait3A_1013 : memref<100000x64xf32, #tpu.memory_space<hbm>>) dst(%dma_wait3A_1007 : memref<50x64xf32, #tpu.memory_space<vmem>>)
    %dma_wait3A_1016 = arith.constant 0 : i32
    %dma_wait3A_1017 = arith.constant 3 : i32
    %dma_wait3A_1018 = arith.constant 3 : i32
    %dma_wait3A_1019 = arith.constant 3 : i32
    %dma_wait3A_1020 = arith.constant 0 : i32
    %dma_wait3A_1021 = arith.constant 0 : i32
    %dma_wait3A_1022 = tpu.memref_slice %arg6[%dma_wait3A_1017, %dma_wait3A_1018, %dma_wait3A_1020, %dma_wait3A_1021] : memref<4x8x50x64xf32, #tpu.memory_space<vmem>> -> memref<1x1x50x64xf32, #tpu.memory_space<vmem>>
    %dma_wait3A_1023 = tpu.memref_squeeze %dma_wait3A_1022 : memref<1x1x50x64xf32, #tpu.memory_space<vmem>> -> memref<50x64xf32, #tpu.memory_space<vmem>>
    %dma_wait3A_1024 = arith.constant 0 : i32
    %dma_wait3A_1025 = tpu.memref_slice %arg5[%dma_wait3A_1016, %dma_wait3A_1024] : memref<128x50xi32, #tpu.memory_space<vmem>> -> memref<1x50xi32, #tpu.memory_space<vmem>>
    %dma_wait3A_1026 = tpu.memref_squeeze %dma_wait3A_1025 : memref<1x50xi32, #tpu.memory_space<vmem>> -> memref<50xi32, #tpu.memory_space<vmem>>
    %dma_wait3A_1027 = arith.constant 0 : i32
    %dma_wait3A_1028 = arith.constant 0 : i32
    %dma_wait3A_1029 = tpu.memref_slice %arg2[%dma_wait3A_1027, %dma_wait3A_1028] : memref<100000x64xf32, #tpu.memory_space<hbm>> -> memref<100000x64xf32, #tpu.memory_space<hbm>>
    %dma_wait3A_1030 = tpu.memref_slice %arg7[%dma_wait3A_1019] : memref<4x!tpu.dma_semaphore, #tpu.memory_space<semaphore_mem>> -> memref<1x!tpu.dma_semaphore, #tpu.memory_space<semaphore_mem>>
    %dma_wait3A_1031 = tpu.memref_squeeze %dma_wait3A_1030 : memref<1x!tpu.dma_semaphore, #tpu.memory_space<semaphore_mem>> -> memref<!tpu.dma_semaphore, #tpu.memory_space<semaphore_mem>>
    tpu.wait_indirect_dma semaphore(%dma_wait3A_1031 : memref<!tpu.dma_semaphore, #tpu.memory_space<semaphore_mem>>) src(%dma_wait3A_1029 : memref<100000x64xf32, #tpu.memory_space<hbm>>) dst(%dma_wait3A_1023 : memref<50x64xf32, #tpu.memory_space<vmem>>)
    %dma_wait3A_1032 = arith.constant 0 : i32
    %dma_wait3A_1033 = arith.constant 3 : i32
    %dma_wait3A_1034 = arith.constant 4 : i32
    %dma_wait3A_1035 = arith.constant 3 : i32
    %dma_wait3A_1036 = arith.constant 0 : i32
    %dma_wait3A_1037 = arith.constant 0 : i32
    %dma_wait3A_1038 = tpu.memref_slice %arg6[%dma_wait3A_1033, %dma_wait3A_1034, %dma_wait3A_1036, %dma_wait3A_1037] : memref<4x8x50x64xf32, #tpu.memory_space<vmem>> -> memref<1x1x50x64xf32, #tpu.memory_space<vmem>>
    %dma_wait3A_1039 = tpu.memref_squeeze %dma_wait3A_1038 : memref<1x1x50x64xf32, #tpu.memory_space<vmem>> -> memref<50x64xf32, #tpu.memory_space<vmem>>
    %dma_wait3A_1040 = arith.constant 0 : i32
    %dma_wait3A_1041 = tpu.memref_slice %arg5[%dma_wait3A_1032, %dma_wait3A_1040] : memref<128x50xi32, #tpu.memory_space<vmem>> -> memref<1x50xi32, #tpu.memory_space<vmem>>
    %dma_wait3A_1042 = tpu.memref_squeeze %dma_wait3A_1041 : memref<1x50xi32, #tpu.memory_space<vmem>> -> memref<50xi32, #tpu.memory_space<vmem>>
    %dma_wait3A_1043 = arith.constant 0 : i32
    %dma_wait3A_1044 = arith.constant 0 : i32
    %dma_wait3A_1045 = tpu.memref_slice %arg2[%dma_wait3A_1043, %dma_wait3A_1044] : memref<100000x64xf32, #tpu.memory_space<hbm>> -> memref<100000x64xf32, #tpu.memory_space<hbm>>
    %dma_wait3A_1046 = tpu.memref_slice %arg7[%dma_wait3A_1035] : memref<4x!tpu.dma_semaphore, #tpu.memory_space<semaphore_mem>> -> memref<1x!tpu.dma_semaphore, #tpu.memory_space<semaphore_mem>>
    %dma_wait3A_1047 = tpu.memref_squeeze %dma_wait3A_1046 : memref<1x!tpu.dma_semaphore, #tpu.memory_space<semaphore_mem>> -> memref<!tpu.dma_semaphore, #tpu.memory_space<semaphore_mem>>
    tpu.wait_indirect_dma semaphore(%dma_wait3A_1047 : memref<!tpu.dma_semaphore, #tpu.memory_space<semaphore_mem>>) src(%dma_wait3A_1045 : memref<100000x64xf32, #tpu.memory_space<hbm>>) dst(%dma_wait3A_1039 : memref<50x64xf32, #tpu.memory_space<vmem>>)
    %dma_wait3A_1048 = arith.constant 0 : i32
    %dma_wait3A_1049 = arith.constant 3 : i32
    %dma_wait3A_1050 = arith.constant 5 : i32
    %dma_wait3A_1051 = arith.constant 3 : i32
    %dma_wait3A_1052 = arith.constant 0 : i32
    %dma_wait3A_1053 = arith.constant 0 : i32
    %dma_wait3A_1054 = tpu.memref_slice %arg6[%dma_wait3A_1049, %dma_wait3A_1050, %dma_wait3A_1052, %dma_wait3A_1053] : memref<4x8x50x64xf32, #tpu.memory_space<vmem>> -> memref<1x1x50x64xf32, #tpu.memory_space<vmem>>
    %dma_wait3A_1055 = tpu.memref_squeeze %dma_wait3A_1054 : memref<1x1x50x64xf32, #tpu.memory_space<vmem>> -> memref<50x64xf32, #tpu.memory_space<vmem>>
    %dma_wait3A_1056 = arith.constant 0 : i32
    %dma_wait3A_1057 = tpu.memref_slice %arg5[%dma_wait3A_1048, %dma_wait3A_1056] : memref<128x50xi32, #tpu.memory_space<vmem>> -> memref<1x50xi32, #tpu.memory_space<vmem>>
    %dma_wait3A_1058 = tpu.memref_squeeze %dma_wait3A_1057 : memref<1x50xi32, #tpu.memory_space<vmem>> -> memref<50xi32, #tpu.memory_space<vmem>>
    %dma_wait3A_1059 = arith.constant 0 : i32
    %dma_wait3A_1060 = arith.constant 0 : i32
    %dma_wait3A_1061 = tpu.memref_slice %arg2[%dma_wait3A_1059, %dma_wait3A_1060] : memref<100000x64xf32, #tpu.memory_space<hbm>> -> memref<100000x64xf32, #tpu.memory_space<hbm>>
    %dma_wait3A_1062 = tpu.memref_slice %arg7[%dma_wait3A_1051] : memref<4x!tpu.dma_semaphore, #tpu.memory_space<semaphore_mem>> -> memref<1x!tpu.dma_semaphore, #tpu.memory_space<semaphore_mem>>
    %dma_wait3A_1063 = tpu.memref_squeeze %dma_wait3A_1062 : memref<1x!tpu.dma_semaphore, #tpu.memory_space<semaphore_mem>> -> memref<!tpu.dma_semaphore, #tpu.memory_space<semaphore_mem>>
    tpu.wait_indirect_dma semaphore(%dma_wait3A_1063 : memref<!tpu.dma_semaphore, #tpu.memory_space<semaphore_mem>>) src(%dma_wait3A_1061 : memref<100000x64xf32, #tpu.memory_space<hbm>>) dst(%dma_wait3A_1055 : memref<50x64xf32, #tpu.memory_space<vmem>>)
    %dma_wait3A_1064 = arith.constant 0 : i32
    %dma_wait3A_1065 = arith.constant 3 : i32
    %dma_wait3A_1066 = arith.constant 6 : i32
    %dma_wait3A_1067 = arith.constant 3 : i32
    %dma_wait3A_1068 = arith.constant 0 : i32
    %dma_wait3A_1069 = arith.constant 0 : i32
    %dma_wait3A_1070 = tpu.memref_slice %arg6[%dma_wait3A_1065, %dma_wait3A_1066, %dma_wait3A_1068, %dma_wait3A_1069] : memref<4x8x50x64xf32, #tpu.memory_space<vmem>> -> memref<1x1x50x64xf32, #tpu.memory_space<vmem>>
    %dma_wait3A_1071 = tpu.memref_squeeze %dma_wait3A_1070 : memref<1x1x50x64xf32, #tpu.memory_space<vmem>> -> memref<50x64xf32, #tpu.memory_space<vmem>>
    %dma_wait3A_1072 = arith.constant 0 : i32
    %dma_wait3A_1073 = tpu.memref_slice %arg5[%dma_wait3A_1064, %dma_wait3A_1072] : memref<128x50xi32, #tpu.memory_space<vmem>> -> memref<1x50xi32, #tpu.memory_space<vmem>>
    %dma_wait3A_1074 = tpu.memref_squeeze %dma_wait3A_1073 : memref<1x50xi32, #tpu.memory_space<vmem>> -> memref<50xi32, #tpu.memory_space<vmem>>
    %dma_wait3A_1075 = arith.constant 0 : i32
    %dma_wait3A_1076 = arith.constant 0 : i32
    %dma_wait3A_1077 = tpu.memref_slice %arg2[%dma_wait3A_1075, %dma_wait3A_1076] : memref<100000x64xf32, #tpu.memory_space<hbm>> -> memref<100000x64xf32, #tpu.memory_space<hbm>>
    %dma_wait3A_1078 = tpu.memref_slice %arg7[%dma_wait3A_1067] : memref<4x!tpu.dma_semaphore, #tpu.memory_space<semaphore_mem>> -> memref<1x!tpu.dma_semaphore, #tpu.memory_space<semaphore_mem>>
    %dma_wait3A_1079 = tpu.memref_squeeze %dma_wait3A_1078 : memref<1x!tpu.dma_semaphore, #tpu.memory_space<semaphore_mem>> -> memref<!tpu.dma_semaphore, #tpu.memory_space<semaphore_mem>>
    tpu.wait_indirect_dma semaphore(%dma_wait3A_1079 : memref<!tpu.dma_semaphore, #tpu.memory_space<semaphore_mem>>) src(%dma_wait3A_1077 : memref<100000x64xf32, #tpu.memory_space<hbm>>) dst(%dma_wait3A_1071 : memref<50x64xf32, #tpu.memory_space<vmem>>)
    %dma_wait3A_1080 = arith.constant 0 : i32
    %dma_wait3A_1081 = arith.constant 3 : i32
    %dma_wait3A_1082 = arith.constant 7 : i32
    %dma_wait3A_1083 = arith.constant 3 : i32
    %dma_wait3A_1084 = arith.constant 0 : i32
    %dma_wait3A_1085 = arith.constant 0 : i32
    %dma_wait3A_1086 = tpu.memref_slice %arg6[%dma_wait3A_1081, %dma_wait3A_1082, %dma_wait3A_1084, %dma_wait3A_1085] : memref<4x8x50x64xf32, #tpu.memory_space<vmem>> -> memref<1x1x50x64xf32, #tpu.memory_space<vmem>>
    %dma_wait3A_1087 = tpu.memref_squeeze %dma_wait3A_1086 : memref<1x1x50x64xf32, #tpu.memory_space<vmem>> -> memref<50x64xf32, #tpu.memory_space<vmem>>
    %dma_wait3A_1088 = arith.constant 0 : i32
    %dma_wait3A_1089 = tpu.memref_slice %arg5[%dma_wait3A_1080, %dma_wait3A_1088] : memref<128x50xi32, #tpu.memory_space<vmem>> -> memref<1x50xi32, #tpu.memory_space<vmem>>
    %dma_wait3A_1090 = tpu.memref_squeeze %dma_wait3A_1089 : memref<1x50xi32, #tpu.memory_space<vmem>> -> memref<50xi32, #tpu.memory_space<vmem>>
    %dma_wait3A_1091 = arith.constant 0 : i32
    %dma_wait3A_1092 = arith.constant 0 : i32
    %dma_wait3A_1093 = tpu.memref_slice %arg2[%dma_wait3A_1091, %dma_wait3A_1092] : memref<100000x64xf32, #tpu.memory_space<hbm>> -> memref<100000x64xf32, #tpu.memory_space<hbm>>
    %dma_wait3A_1094 = tpu.memref_slice %arg7[%dma_wait3A_1083] : memref<4x!tpu.dma_semaphore, #tpu.memory_space<semaphore_mem>> -> memref<1x!tpu.dma_semaphore, #tpu.memory_space<semaphore_mem>>
    %dma_wait3A_1095 = tpu.memref_squeeze %dma_wait3A_1094 : memref<1x!tpu.dma_semaphore, #tpu.memory_space<semaphore_mem>> -> memref<!tpu.dma_semaphore, #tpu.memory_space<semaphore_mem>>
    tpu.wait_indirect_dma semaphore(%dma_wait3A_1095 : memref<!tpu.dma_semaphore, #tpu.memory_space<semaphore_mem>>) src(%dma_wait3A_1093 : memref<100000x64xf32, #tpu.memory_space<hbm>>) dst(%dma_wait3A_1087 : memref<50x64xf32, #tpu.memory_space<vmem>>)
    %add3A_1096 = arith.constant 120 : i32
    %add3A_1097 = arith.addi %mul3A_2, %add3A_1096 : i32
    %dma_start3A_1098 = arith.constant 3 : i32
    %dma_start3A_1099 = arith.constant 3 : i32
    %dma_start3A_1100 = arith.constant 0 : i32
    %dma_start3A_1101 = arith.constant 0 : i32
    %dma_start3A_1102 = arith.constant 0 : i32
    %dma_start3A_1103 = tpu.memref_slice %arg6[%dma_start3A_1098, %dma_start3A_1100, %dma_start3A_1101, %dma_start3A_1102] : memref<4x8x50x64xf32, #tpu.memory_space<vmem>> -> memref<1x8x50x64xf32, #tpu.memory_space<vmem>>
    %dma_start3A_1104 = tpu.memref_squeeze %dma_start3A_1103 : memref<1x8x50x64xf32, #tpu.memory_space<vmem>> -> memref<8x50x64xf32, #tpu.memory_space<vmem>>
    %dma_start3A_1105 = arith.constant 0 : i32
    %dma_start3A_1106 = arith.constant 0 : i32
    %dma_start3A_1107 = tpu.memref_slice %arg4[%add3A_1097, %dma_start3A_1105, %dma_start3A_1106] : memref<4096x56x128xf32, #tpu.memory_space<hbm>> -> memref<8x50x64xf32, #tpu.memory_space<hbm>>
    %dma_start3A_1108 = tpu.memref_slice %arg8[%dma_start3A_1099] : memref<4x!tpu.dma_semaphore, #tpu.memory_space<semaphore_mem>> -> memref<1x!tpu.dma_semaphore, #tpu.memory_space<semaphore_mem>>
    %dma_start3A_1109 = tpu.memref_squeeze %dma_start3A_1108 : memref<1x!tpu.dma_semaphore, #tpu.memory_space<semaphore_mem>> -> memref<!tpu.dma_semaphore, #tpu.memory_space<semaphore_mem>>
    %dma_start3A_1110 = arith.constant 0 : i32
    %dma_start3A_1111 = arith.constant 0 : i32
    %dma_start3A_1112 = tpu.memref_slice %arg4[%add3A_1097, %dma_start3A_1110, %dma_start3A_1111] : memref<4096x56x128xf32, #tpu.memory_space<hbm>> -> memref<8x50x64xf32, #tpu.memory_space<hbm>>
    %dma_start3A_1113 = arith.constant 0 : i32
    %dma_start3A_1114 = arith.constant 0 : i32
    %dma_start3A_1115 = arith.constant 0 : i32
    %dma_start3A_1116 = tpu.memref_slice %arg6[%dma_start3A_1098, %dma_start3A_1113, %dma_start3A_1114, %dma_start3A_1115] : memref<4x8x50x64xf32, #tpu.memory_space<vmem>> -> memref<1x8x50x64xf32, #tpu.memory_space<vmem>>
    %dma_start3A_1117 = tpu.memref_squeeze %dma_start3A_1116 : memref<1x8x50x64xf32, #tpu.memory_space<vmem>> -> memref<8x50x64xf32, #tpu.memory_space<vmem>>
    tpu.enqueue_dma source(%dma_start3A_1117 : memref<8x50x64xf32, #tpu.memory_space<vmem>>) target(%dma_start3A_1112 : memref<8x50x64xf32, #tpu.memory_space<hbm>>) target_semaphore(%dma_start3A_1109 : memref<!tpu.dma_semaphore, #tpu.memory_space<semaphore_mem>>)
    %dma_wait3A_1118 = arith.constant 0 : i32
    %dma_wait3A_1119 = arith.constant 0 : i32
    %dma_wait3A_1120 = arith.constant 0 : i32
    %dma_wait3A_1121 = arith.constant 0 : i32
    %dma_wait3A_1122 = arith.constant 0 : i32
    %dma_wait3A_1123 = tpu.memref_slice %arg6[%dma_wait3A_1118, %dma_wait3A_1120, %dma_wait3A_1121, %dma_wait3A_1122] : memref<4x8x50x64xf32, #tpu.memory_space<vmem>> -> memref<1x8x50x64xf32, #tpu.memory_space<vmem>>
    %dma_wait3A_1124 = tpu.memref_squeeze %dma_wait3A_1123 : memref<1x8x50x64xf32, #tpu.memory_space<vmem>> -> memref<8x50x64xf32, #tpu.memory_space<vmem>>
    %dma_wait3A_1125 = arith.constant 0 : i32
    %dma_wait3A_1126 = arith.constant 0 : i32
    %dma_wait3A_1127 = tpu.memref_slice %arg4[%mul3A_2, %dma_wait3A_1125, %dma_wait3A_1126] : memref<4096x56x128xf32, #tpu.memory_space<hbm>> -> memref<8x50x64xf32, #tpu.memory_space<hbm>>
    %dma_wait3A_1128 = tpu.memref_slice %arg8[%dma_wait3A_1119] : memref<4x!tpu.dma_semaphore, #tpu.memory_space<semaphore_mem>> -> memref<1x!tpu.dma_semaphore, #tpu.memory_space<semaphore_mem>>
    %dma_wait3A_1129 = tpu.memref_squeeze %dma_wait3A_1128 : memref<1x!tpu.dma_semaphore, #tpu.memory_space<semaphore_mem>> -> memref<!tpu.dma_semaphore, #tpu.memory_space<semaphore_mem>>
    %dma_wait3A_1130 = arith.constant 0 : i32
    %dma_wait3A_1131 = arith.constant 0 : i32
    %dma_wait3A_1132 = tpu.memref_slice %arg4[%mul3A_2, %dma_wait3A_1130, %dma_wait3A_1131] : memref<4096x56x128xf32, #tpu.memory_space<hbm>> -> memref<8x50x64xf32, #tpu.memory_space<hbm>>
    %dma_wait3A_1133 = arith.constant 0 : i32
    %dma_wait3A_1134 = arith.constant 0 : i32
    %dma_wait3A_1135 = arith.constant 0 : i32
    %dma_wait3A_1136 = tpu.memref_slice %arg6[%dma_wait3A_1118, %dma_wait3A_1133, %dma_wait3A_1134, %dma_wait3A_1135] : memref<4x8x50x64xf32, #tpu.memory_space<vmem>> -> memref<1x8x50x64xf32, #tpu.memory_space<vmem>>
    %dma_wait3A_1137 = tpu.memref_squeeze %dma_wait3A_1136 : memref<1x8x50x64xf32, #tpu.memory_space<vmem>> -> memref<8x50x64xf32, #tpu.memory_space<vmem>>
    tpu.wait_dma2 semaphore(%dma_wait3A_1129 : memref<!tpu.dma_semaphore, #tpu.memory_space<semaphore_mem>>) src(%dma_wait3A_1137 : memref<8x50x64xf32, #tpu.memory_space<vmem>>) dst(%dma_wait3A_1132 : memref<8x50x64xf32, #tpu.memory_space<hbm>>)
    %dma_wait3A_1138 = arith.constant 1 : i32
    %dma_wait3A_1139 = arith.constant 1 : i32
    %dma_wait3A_1140 = arith.constant 0 : i32
    %dma_wait3A_1141 = arith.constant 0 : i32
    %dma_wait3A_1142 = arith.constant 0 : i32
    %dma_wait3A_1143 = tpu.memref_slice %arg6[%dma_wait3A_1138, %dma_wait3A_1140, %dma_wait3A_1141, %dma_wait3A_1142] : memref<4x8x50x64xf32, #tpu.memory_space<vmem>> -> memref<1x8x50x64xf32, #tpu.memory_space<vmem>>
    %dma_wait3A_1144 = tpu.memref_squeeze %dma_wait3A_1143 : memref<1x8x50x64xf32, #tpu.memory_space<vmem>> -> memref<8x50x64xf32, #tpu.memory_space<vmem>>
    %dma_wait3A_1145 = arith.constant 0 : i32
    %dma_wait3A_1146 = arith.constant 0 : i32
    %dma_wait3A_1147 = tpu.memref_slice %arg4[%mul3A_2, %dma_wait3A_1145, %dma_wait3A_1146] : memref<4096x56x128xf32, #tpu.memory_space<hbm>> -> memref<8x50x64xf32, #tpu.memory_space<hbm>>
    %dma_wait3A_1148 = tpu.memref_slice %arg8[%dma_wait3A_1139] : memref<4x!tpu.dma_semaphore, #tpu.memory_space<semaphore_mem>> -> memref<1x!tpu.dma_semaphore, #tpu.memory_space<semaphore_mem>>
    %dma_wait3A_1149 = tpu.memref_squeeze %dma_wait3A_1148 : memref<1x!tpu.dma_semaphore, #tpu.memory_space<semaphore_mem>> -> memref<!tpu.dma_semaphore, #tpu.memory_space<semaphore_mem>>
    %dma_wait3A_1150 = arith.constant 0 : i32
    %dma_wait3A_1151 = arith.constant 0 : i32
    %dma_wait3A_1152 = tpu.memref_slice %arg4[%mul3A_2, %dma_wait3A_1150, %dma_wait3A_1151] : memref<4096x56x128xf32, #tpu.memory_space<hbm>> -> memref<8x50x64xf32, #tpu.memory_space<hbm>>
    %dma_wait3A_1153 = arith.constant 0 : i32
    %dma_wait3A_1154 = arith.constant 0 : i32
    %dma_wait3A_1155 = arith.constant 0 : i32
    %dma_wait3A_1156 = tpu.memref_slice %arg6[%dma_wait3A_1138, %dma_wait3A_1153, %dma_wait3A_1154, %dma_wait3A_1155] : memref<4x8x50x64xf32, #tpu.memory_space<vmem>> -> memref<1x8x50x64xf32, #tpu.memory_space<vmem>>
    %dma_wait3A_1157 = tpu.memref_squeeze %dma_wait3A_1156 : memref<1x8x50x64xf32, #tpu.memory_space<vmem>> -> memref<8x50x64xf32, #tpu.memory_space<vmem>>
    tpu.wait_dma2 semaphore(%dma_wait3A_1149 : memref<!tpu.dma_semaphore, #tpu.memory_space<semaphore_mem>>) src(%dma_wait3A_1157 : memref<8x50x64xf32, #tpu.memory_space<vmem>>) dst(%dma_wait3A_1152 : memref<8x50x64xf32, #tpu.memory_space<hbm>>)
    %dma_wait3A_1158 = arith.constant 2 : i32
    %dma_wait3A_1159 = arith.constant 2 : i32
    %dma_wait3A_1160 = arith.constant 0 : i32
    %dma_wait3A_1161 = arith.constant 0 : i32
    %dma_wait3A_1162 = arith.constant 0 : i32
    %dma_wait3A_1163 = tpu.memref_slice %arg6[%dma_wait3A_1158, %dma_wait3A_1160, %dma_wait3A_1161, %dma_wait3A_1162] : memref<4x8x50x64xf32, #tpu.memory_space<vmem>> -> memref<1x8x50x64xf32, #tpu.memory_space<vmem>>
    %dma_wait3A_1164 = tpu.memref_squeeze %dma_wait3A_1163 : memref<1x8x50x64xf32, #tpu.memory_space<vmem>> -> memref<8x50x64xf32, #tpu.memory_space<vmem>>
    %dma_wait3A_1165 = arith.constant 0 : i32
    %dma_wait3A_1166 = arith.constant 0 : i32
    %dma_wait3A_1167 = tpu.memref_slice %arg4[%mul3A_2, %dma_wait3A_1165, %dma_wait3A_1166] : memref<4096x56x128xf32, #tpu.memory_space<hbm>> -> memref<8x50x64xf32, #tpu.memory_space<hbm>>
    %dma_wait3A_1168 = tpu.memref_slice %arg8[%dma_wait3A_1159] : memref<4x!tpu.dma_semaphore, #tpu.memory_space<semaphore_mem>> -> memref<1x!tpu.dma_semaphore, #tpu.memory_space<semaphore_mem>>
    %dma_wait3A_1169 = tpu.memref_squeeze %dma_wait3A_1168 : memref<1x!tpu.dma_semaphore, #tpu.memory_space<semaphore_mem>> -> memref<!tpu.dma_semaphore, #tpu.memory_space<semaphore_mem>>
    %dma_wait3A_1170 = arith.constant 0 : i32
    %dma_wait3A_1171 = arith.constant 0 : i32
    %dma_wait3A_1172 = tpu.memref_slice %arg4[%mul3A_2, %dma_wait3A_1170, %dma_wait3A_1171] : memref<4096x56x128xf32, #tpu.memory_space<hbm>> -> memref<8x50x64xf32, #tpu.memory_space<hbm>>
    %dma_wait3A_1173 = arith.constant 0 : i32
    %dma_wait3A_1174 = arith.constant 0 : i32
    %dma_wait3A_1175 = arith.constant 0 : i32
    %dma_wait3A_1176 = tpu.memref_slice %arg6[%dma_wait3A_1158, %dma_wait3A_1173, %dma_wait3A_1174, %dma_wait3A_1175] : memref<4x8x50x64xf32, #tpu.memory_space<vmem>> -> memref<1x8x50x64xf32, #tpu.memory_space<vmem>>
    %dma_wait3A_1177 = tpu.memref_squeeze %dma_wait3A_1176 : memref<1x8x50x64xf32, #tpu.memory_space<vmem>> -> memref<8x50x64xf32, #tpu.memory_space<vmem>>
    tpu.wait_dma2 semaphore(%dma_wait3A_1169 : memref<!tpu.dma_semaphore, #tpu.memory_space<semaphore_mem>>) src(%dma_wait3A_1177 : memref<8x50x64xf32, #tpu.memory_space<vmem>>) dst(%dma_wait3A_1172 : memref<8x50x64xf32, #tpu.memory_space<hbm>>)
    %dma_wait3A_1178 = arith.constant 3 : i32
    %dma_wait3A_1179 = arith.constant 3 : i32
    %dma_wait3A_1180 = arith.constant 0 : i32
    %dma_wait3A_1181 = arith.constant 0 : i32
    %dma_wait3A_1182 = arith.constant 0 : i32
    %dma_wait3A_1183 = tpu.memref_slice %arg6[%dma_wait3A_1178, %dma_wait3A_1180, %dma_wait3A_1181, %dma_wait3A_1182] : memref<4x8x50x64xf32, #tpu.memory_space<vmem>> -> memref<1x8x50x64xf32, #tpu.memory_space<vmem>>
    %dma_wait3A_1184 = tpu.memref_squeeze %dma_wait3A_1183 : memref<1x8x50x64xf32, #tpu.memory_space<vmem>> -> memref<8x50x64xf32, #tpu.memory_space<vmem>>
    %dma_wait3A_1185 = arith.constant 0 : i32
    %dma_wait3A_1186 = arith.constant 0 : i32
    %dma_wait3A_1187 = tpu.memref_slice %arg4[%mul3A_2, %dma_wait3A_1185, %dma_wait3A_1186] : memref<4096x56x128xf32, #tpu.memory_space<hbm>> -> memref<8x50x64xf32, #tpu.memory_space<hbm>>
    %dma_wait3A_1188 = tpu.memref_slice %arg8[%dma_wait3A_1179] : memref<4x!tpu.dma_semaphore, #tpu.memory_space<semaphore_mem>> -> memref<1x!tpu.dma_semaphore, #tpu.memory_space<semaphore_mem>>
    %dma_wait3A_1189 = tpu.memref_squeeze %dma_wait3A_1188 : memref<1x!tpu.dma_semaphore, #tpu.memory_space<semaphore_mem>> -> memref<!tpu.dma_semaphore, #tpu.memory_space<semaphore_mem>>
    %dma_wait3A_1190 = arith.constant 0 : i32
    %dma_wait3A_1191 = arith.constant 0 : i32
    %dma_wait3A_1192 = tpu.memref_slice %arg4[%mul3A_2, %dma_wait3A_1190, %dma_wait3A_1191] : memref<4096x56x128xf32, #tpu.memory_space<hbm>> -> memref<8x50x64xf32, #tpu.memory_space<hbm>>
    %dma_wait3A_1193 = arith.constant 0 : i32
    %dma_wait3A_1194 = arith.constant 0 : i32
    %dma_wait3A_1195 = arith.constant 0 : i32
    %dma_wait3A_1196 = tpu.memref_slice %arg6[%dma_wait3A_1178, %dma_wait3A_1193, %dma_wait3A_1194, %dma_wait3A_1195] : memref<4x8x50x64xf32, #tpu.memory_space<vmem>> -> memref<1x8x50x64xf32, #tpu.memory_space<vmem>>
    %dma_wait3A_1197 = tpu.memref_squeeze %dma_wait3A_1196 : memref<1x8x50x64xf32, #tpu.memory_space<vmem>> -> memref<8x50x64xf32, #tpu.memory_space<vmem>>
    tpu.wait_dma2 semaphore(%dma_wait3A_1189 : memref<!tpu.dma_semaphore, #tpu.memory_space<semaphore_mem>>) src(%dma_wait3A_1197 : memref<8x50x64xf32, #tpu.memory_space<vmem>>) dst(%dma_wait3A_1192 : memref<8x50x64xf32, #tpu.memory_space<hbm>>)
    return
  }
}

</mosaic_0001>

<sc_bundles>
// kernel: kernel.3.cloned.1.call-start
scs
__scs_entry_jumppad:
0x0: {  	(pc) =	sbr.rel $0x88, $3  }
0x1: {  	(tag) =	ssettag $0x0;
	lr =	simm.s32 $0x1  }
0x2: {  	[smem:$0x3F9F] =	sst lr;
	_ =	strace $0xD0000000  }
0x3: {  	_ = 	snop  }
0x4: {  	_ = 	snop  }
0x5: {  	_ = 	snop  }
0x6: {  	_ = 	snop  }
0x7: {  	_ = 	snop  }
__scs_overlays_trampoline_lowered:
0x8: {  	[smem:$0x3FAE] =	sst s0  }
0x9: {  	[smem:$0x3FAF] =	sst s1  }
0xa: {  	[smem:$0x3FB0] =	sst s2  }
0xb: {  	[smem:$0x3FB1] =	sst s3  }
0xc: {  	[smem:$0x3FB2] =	sst s4  }
0xd: {  	[smem:$0x3FB3] =	sst s5  }
0xe: {  	[smem:$0x3FB4] =	sst s6  }
0xf: {  	[smem:$0x3FB5] =	sst s7  }
0x10: {  	[smem:$0x3FB6] =	sst s8  }
0x11: {  	[smem:$0x3FB7] =	sst s9;
	s0 =	simm.s32 @!p0 $0x0  }
0x12: {  	s1 =	sld [smem:$0x3F9D];
	s0 =	simm.s32 @p0 $0x1  }
0x13: {  	[smem:$0x3FB8] =	sst s0;
	s0 =	simm.s32 @!p1 $0x0  }
0x14: {  	s2 =	sld [smem:$0x3F9C];
	s0 =	simm.s32 @p1 $0x1  }
0x15: {  	[smem:$0x3FB9] =	sst s0;
	s0 =	simm.s32 @!p2 $0x0  }
0x16: {  	s3 =	sld [smem:$0x3FDB];
	s0 =	simm.s32 @p2 $0x1  }
0x17: {  	s4 =	simm.s32 $0x1BF5;
	[smem:$0x3FBB] =	sst s0  }
0x18: {  	s0 =	sld [smem:$0x3F9E];
	_ =	swait.ge [sflag:s4], $0x0  }
0x19: {  	s7 =	sld [smem:$0x3F9F]  }
0x1a: {  	s8 =	sadd.s32 $0xFFFFE003, lr  }
0x1b: {  	s9 =	sadd.s32 $0xFFFFFEF7, lr;
	s5 =	simm.s32 $0xFFFFFFFF;
	p2 =	slt.u32 s8, $0xFFFFF086  }
0x1c: {  	p1 =	slt.u32 s9, $0xF7A;
	s5 =	simm.s32 @!p2 $0x0  }
0x1d: {  	s5 =	simm.s32 @p1 $0x1;
	p0 =	seq.s32 s7, s2  }
0x1e: {  	s7 =	smul.u32 @!p0 $0xF7A, s2;
	p2 =	seq.s32 @!p0 s5, $0x0  }
0x1f: {  	s9 =	smul.u32 $0xF7A, s1;
	s8 =	simm.s32 @!p0 $0x1BF5;
	p2 =	por !p2, p0  }
0x20: {  	[sflag:s8] =	ssyncset.s32 @!p0 $0xFFFFF086;
	s6 =	sadd.s32 @!p0 s3, s7;
	s7 =	simm.s32 @!p0 $0x108  }
0x21: {  	s3 =	sadd.s32 s3, s9;
	s6 =	sadd.s32 @!p0 $0x88, s6;
	s7 =	simm.s32 @p2 $0x1082  }
0x22: {  	[simem:s7], [sflag:s8] =	dma.local @!p0 [hbm:s6], $0xF7A  }
0x23: {  	s9 =	sor.u32 $0xD0000000, s2;
	s6 =	simm.s32 $0x108;
	_ =	swait.ge @!p0 [sflag:s8], $0x0  }
0x24: {  	s3 =	sadd.s32 $0x88, s3;
	s6 =	simm.s32 @!p1 $0x1082;
	[sflag:s4] =	ssyncset.s32 $0xFFFFF086  }
0x25: {  	[simem:s6], [sflag:s4] =	dma.local [hbm:s3], $0xF7A  }
0x26: {  	[smem:$0x3F9F] =	sst s1;
	(tag) =	ssettag s2;
	_ =	strace s9  }
0x27: {  	s1 =	sld [smem:$0x3FAF]  }
0x28: {  	s2 =	sld [smem:$0x3FB0]  }
0x29: {  	s4 =	sld [smem:$0x3FB2]  }
0x2a: {  	p0 =	seq.s32 s5, $0x0;
	s5 =	sld [smem:$0x3FB3]  }
0x2b: {  	s6 =	sld [smem:$0x3FB4]  }
0x2c: {  	s7 =	sld [smem:$0x3FB5]  }
0x2d: {  	s3 =	simm.s32 $0x108;
	s8 =	sld [smem:$0x3FB6]  }
0x2e: {  	s3 =	simm.s32 @!p0 $0x1082;
	s9 =	sld [smem:$0x3FB7]  }
0x2f: {  	lr =	sadd.s32 s0, s3;
	s0 =	sld [smem:$0x3FAE]  }
0x30: {  	s3 =	sld [smem:$0x3FB1]  }
0x31: {  	[smem:$0x3FBA] =	sst s10  }
0x32: {  	s10 =	sld [smem:$0x3FB8];
	_ =	sdelay $0x3  }
0x33: {  	p0 =	seq.s32 s10, $0x1;
	s10 =	sld [smem:$0x3FBA];
	_ =	sdelay $0x3  }
0x34: {  	[smem:$0x3FBA] =	sst s10  }
0x35: {  	s10 =	sld [smem:$0x3FB9];
	_ =	sdelay $0x3  }
0x36: {  	p1 =	seq.s32 s10, $0x1;
	s10 =	sld [smem:$0x3FBA];
	_ =	sdelay $0x3  }
0x37: {  	[smem:$0x3FBA] =	sst s10  }
0x38: {  	s10 =	sld [smem:$0x3FBB]  }
0x39: {  	_ = 	snop;
	(pc) =	sbr.ind lr, $3  }
0x3a: {  	_ = 	snop  }
0x3b: {  	_ = 	snop  }
0x3c: {  	p2 =	seq.s32 s10, $0x1;
	s10 =	sld [smem:$0x3FBA]  }
0x3d: {  	_ =	shalt  }
0x3e: {  	_ =	shalt  }
0x3f: {  	_ =	shalt  }
0x40: {  	_ =	shalt  }
0x41: {  	_ =	shalt  }
0x42: {  	_ =	shalt  }
0x43: {  	_ =	shalt  }
0x44: {  	_ =	shalt  }
0x45: {  	_ =	shalt  }
0x46: {  	_ =	shalt  }
0x47: {  	_ =	shalt  }
0x48: {  	_ =	shalt  }
0x49: {  	_ =	shalt  }
0x4a: {  	_ =	shalt  }
0x4b: {  	_ =	shalt  }
0x4c: {  	_ =	shalt  }
0x4d: {  	_ =	shalt  }
0x4e: {  	_ =	shalt  }
0x4f: {  	_ =	shalt  }
0x50: {  	_ =	shalt  }
0x51: {  	_ =	shalt  }
0x52: {  	_ =	shalt  }
0x53: {  	_ =	shalt  }
0x54: {  	_ =	shalt  }
0x55: {  	_ =	shalt  }
0x56: {  	_ =	shalt  }
0x57: {  	_ =	shalt  }
0x58: {  	_ =	shalt  }
0x59: {  	_ =	shalt  }
0x5a: {  	_ =	shalt  }
0x5b: {  	_ =	shalt  }
0x5c: {  	_ =	shalt  }
0x5d: {  	_ =	shalt  }
0x5e: {  	_ =	shalt  }
0x5f: {  	_ =	shalt  }
0x60: {  	_ =	shalt  }
0x61: {  	_ =	shalt  }
0x62: {  	_ =	shalt  }
0x63: {  	_ =	shalt  }
0x64: {  	_ =	shalt  }
0x65: {  	_ =	shalt  }
0x66: {  	_ =	shalt  }
0x67: {  	_ =	shalt  }
0x68: {  	_ =	shalt  }
0x69: {  	_ =	shalt  }
0x6a: {  	_ =	shalt  }
0x6b: {  	_ =	shalt  }
0x6c: {  	_ =	shalt  }
0x6d: {  	_ =	shalt  }
0x6e: {  	_ =	shalt  }
0x6f: {  	_ =	shalt  }
0x70: {  	_ =	shalt  }
0x71: {  	_ =	shalt  }
0x72: {  	_ =	shalt  }
0x73: {  	_ =	shalt  }
0x74: {  	_ =	shalt  }
0x75: {  	_ =	shalt  }
0x76: {  	_ =	shalt  }
0x77: {  	_ =	shalt  }
0x78: {  	_ =	shalt  }
0x79: {  	_ =	shalt  }
0x7a: {  	_ =	shalt  }
0x7b: {  	_ =	shalt  }
0x7c: {  	_ =	shalt  }
0x7d: {  	_ =	shalt  }
0x7e: {  	_ =	shalt  }
0x7f: {  	_ =	shalt  }
0x80: {  	_ =	shalt  }
0x81: {  	_ =	shalt  }
0x82: {  	_ =	shalt  }
0x83: {  	_ =	shalt  }
0x84: {  	_ =	shalt  }
0x85: {  	_ =	shalt  }
0x86: {  	_ =	shalt  }
0x87: {  	_ =	shalt  }
.Lfunc_end0:
.L_simem_size_0:
called_computation.1_lowered:
.L_overlay_start_0:
0x88: {  	s2 =	sld [smem:$0x3FD9]  }
0x89: {  	s3 =	sld [smem:$0x3FFE];
	_ =	sdelay $0x1  }
0x8a: {  	s1 =	srdreg.scid  }
0x8b: {  	s0 =	sand.u32 $0x1, s1  }
0x8c: {  	s16 =	sshll.u32 s0, $0xA;
	s2 =	sadd.s32 s3, s2  }
0x8d: {  	s2 =	sadd.s32 s2, s16  }
0x8e: {  	[smem:$0x3FC6] =	sst s2  }
0x8f: {  	_ = 	snop  }
0x90: {  	(tm) =	ssettm $0x1  }
0x91: {  	s17 =	sld [smem:$0x3FFB];
	_ =	sdelay $0x3  }
0x92: {  	_ =	strace s17  }
0x93: {  	s2 =	sld [smem:$0x3FFC];
	_ =	sdelay $0x3  }
0x94: {  	_ =	strace s2  }
0x95: {  	s2 =	sld [smem:$0x3FFD];
	_ =	sdelay $0x3  }
0x96: {  	_ =	strace s2  }
0x97: {  	_ =	strace $0x8FFFFFFF  }
0x98: {  	s18 =	sld [smem:$0x3FDB];
	_ =	sdelay $0x1  }
0x99: {  	s19 =	simm.s32 $_scs_section_size  }
0x9a: {  	s4 =	simm.s32 $_size__tile_overlayer_lowered;
	s5 =	simm.s32 $_tile_overlayer_lowered  }
0x9b: {  	s22 =	simm.s32 $0x1BFF;
	s21 =	sshll.u32 s5, $0x1;
	s2 =	sadd.s32 s19, s18  }
0x9c: {  	s6 =	simm.s32 $0x0;
	s20 =	sshll.u32 s4, $0x1;
	s4 =	sadd.s32 s21, s2  }
0x9d: {  	[timem:s6], [sflag:s22] =	dma.local [hbm:s4], s20  }
0x9e: {  	_ =	swait.ge [sflag:s22], s20  }
0x9f: {  	s3 =	ssub.s32 $0x0, s20;
	[sflag:s22] =	ssyncset.done $0x0  }
0xa0: {  	[sflag:s22] =	ssyncadd.s32 s3;
	_ =	sdelay $0x1  }
0xa1: {  	s23 =	simm.s32 $0x1B8B  }
0xa2: {  	_ =	swait.ge [sflag:s23], $0x1  }
0xa3: {  	[sflag:s23] =	ssyncset.done $0x0  }
0xa4: {  	s25 =	simm.s32 $0x1B8E;
	s24 =	sld [smem:$0x3FFE];
	[sflag:s23] =	ssyncadd.s32 $0xFFFFFFFF  }
0xa5: {  	s26 =	simm.s32 $execute0_lowered;
	[smem:$0x3FD2] =	sst s25  }
0xa6: {  	s4 =	sshll.u32 s26, $0x1;
	_ =	strace $0x80000046;
	[dreg:$0x1] =	wrdreg $0xFFFFFFFF  }
0xa7: {  	s28 =	simm.s32 $_size_execute0_lowered;
	s2 =	sadd.s32 s2, s4;
	[dreg:$0x0] =	wrdreg $0x0  }
0xa8: {  	s4 =	sshll.u32 s28, $0x1;
	[dreg:$0x2] =	wrdreg s2  }
0xa9: {  	[dreg:$0x3] =	wrdreg s4  }
0xaa: {  	[dreg:$0x4] =	wrdreg $0xC0  }
0xab: {  	_ =	task [dreg:s6], $0x5FFFF  }
0xac: {  	[dreg:$0x1] =	wrdreg $0xFFFFFFFF  }
0xad: {  	[dreg:$0x0] =	wrdreg $0x60  }
0xae: {  	[dreg:$0x2] =	wrdreg s24  }
0xaf: {  	[dreg:$0x3] =	wrdreg $0x9  }
0xb0: {  	_ =	task.clear_ibuf [dreg:s6], $0x4FFFF;
	_ =	strace $0x90000046  }
0xb1: {  	s29 =	simm.s32 $0x9;
	_ =	strace $0x80000048  }
0xb2: {  	_ =	swait.ge [sflag:s29], $0x1  }
0xb3: {  	[sflag:s29] =	ssyncadd.s32 $0xFFFFFFFF  }
0xb4: {  	_ =	strace $0x90000048  }
0xb5: {  	_ =	sfence  }
0xb6: {  	s30 =	sld [smem:$0x0];
	_ =	sdelay $0x2  }
0xb7: {  	s31 =	sshll.u32 s1, $0xD;
	s1 =	sshrl.u32 s1, $0x2  }
0xb8: {  	s3 =	sand.u32 $0x4000, s31;
	s1 =	sadd.s32 s1, s30  }
0xb9: {  	s0 =	sor.u32 s3, s0;
	s1 =	sshll.u32 s1, $0x11  }
0xba: {  	s0 =	sor.u32 s1, s0  }
0xbb: {  	s0 =	sadd.s32 $0x8F2B, s0  }
0xbc: {  	[sflag:s0] =	ssyncadd.remote.s32 $0x1  }
0xbd: {  	_ =	sfence.sel $0xFFFF  }
0xbe: {  	[dreg:$0x0] =	wrdreg $0xFFFFFFFF;
	(pc) =	sbr.abs _section_cstart, $3  }
0xbf: {  	[dreg:$0x1] =	wrdreg $0xFFFFFFFF  }
0xc0: {  	_ =	task.clear_ibuf [dreg:s6], $0x2FFFF;
	_ =	strace $0x9FFFFFFF  }
0xc1: {  	(tm) =	ssettm $0x7FFFFFFF  }
tec
execute0_lowered:
.L_overlay_start_1:
0x0: {  	(tag) =	ssettag $0x1  }
0x1: {  	s0 =	srdreg.scid  }
0x2: {  	s7 =	stileid.u32;
	s1 =	rddreg [dreg:$0x0]  }
0x3: {  	s4 =	simm.s32 $0x0;
	s12 =	simm.s32 $0x32;
	s0 =	sand.u32 $0x1, s0  }
0x4: {  	s19 =	simm.s32 $0x1;
	s2 =	sshll.u32 s7, $0x8;
	s3 =	sshll.u32 s0, $0x7  }
0x5: {  	s21 =	simm.s32 $0x40;
	s5 =	ssub.s32 $0x2, s0;
	s2 =	sor.u32 s3, s2  }
0x6: {  	s28 =	simm.s32 $0x3;
	s6 =	sshrl.u32 s5, $0x1;
	s23 =	smul.u32 $0x7, s2  }
0x7: {  	[smem:$0x7FF] =	sst s4;
	s2 =	smul.u32 $0x1C00, s2;
	s5 =	ssub.s32 s5, s6  }
0x8: {  	_ =	strace $0x80000047;
	s3 =	sadd.s32 $0x7800, s1;
	s31 =	smax.u32 s5, $0x1  }
0x9: {  	s4 =	sadd.s32 s23, s1;
	s1 =	sadd.s32 $0xCAE00, s1;
	s2 =	sshrl.u32 s2, $0x3  }
0xa: {  	[dreg:$0x7] =	wrdreg s31;
	s4 =	sadd.s32 $0x800, s4;
	s2 =	sadd.s32 s1, s2  }
0xb: {  	s30 =	simm.s32 $0x4;
	[dreg:$0x2] =	wrdreg s4;
	s25 =	sadd.s32 $0x15000, s2  }
0xc: {  	s24 =	smul.u32 $0x38000, s7;
	s26 =	sadd.s32 $0x16C00, s2;
	[dreg:$0x3] =	wrdreg s25  }
0xd: {  	s0 =	smul.u32 $0x1C000, s0;
	s29 =	sadd.s32 $0x18800, s2;
	[dreg:$0x4] =	wrdreg s26  }
0xe: {  	s1 =	sadd.s32 s24, s1;
	s2 =	sadd.s32 $0x1A400, s2;
	[dreg:$0x5] =	wrdreg s29  }
0xf: {  	s23 =	simm.s32 $0x80;
	s0 =	sadd.s32 s0, s1;
	[dreg:$0x6] =	wrdreg s2  }
0x10: {  	s1 =	simm.s32 $0x0;
	[dreg:$0x8] =	wrdreg s0;
	s25 =	simm.s32 $0x2  }
.LBB2_1:
0x11: {  	[dreg:$0x9] =	wrdreg s1  }
0x12: {  	s16 =	simm.s32 $0x0;
	s24 =	rddreg [dreg:$0x2];
	s10 =	simm.s32 $0x9  }
0x13: {  	[tilespmem:s16], [sflag:$0x9] =	stream.linear.gather [hbm4b:s24+s16], $0x1C00, $0x38;
	[tilespmem:$0x1AC00] =	vst v63  }
0x14: {  	_ =	swait.ge [sflag:s10], $0x1C00  }
0x15: {  	[sflag:s10] =	ssyncset.done $0x0  }
0x16: {  	s0 =	simm.s32 $0x1C00;
	[sflag:s10] =	ssyncadd.s32 $0xFFFFE400  }
0x17: {  	[tilespmem:s0], [sflag:$0x1] =	stream.indirect.gather [hbm4b:s3+s12], $0x40, s16, s12, $0xb8;
	[tilespmem:$0x1AC00] =	vst v63  }
0x18: {  	s11 =	simm.s32 $0x38;
	s20 =	simm.s32 $0x2880  }
0x19: {  	[tilespmem:s20], [sflag:$0x1] =	stream.indirect.gather [hbm4b:s3+s12], $0x40, s11, s12, $0xb8;
	[tilespmem:$0x1AC00] =	vst v63  }
0x1a: {  	s13 =	simm.s32 $0x70;
	s9 =	simm.s32 $0x3500  }
0x1b: {  	[tilespmem:s9], [sflag:$0x1] =	stream.indirect.gather [hbm4b:s3+s12], $0x40, s13, s12, $0xb8;
	[tilespmem:$0x1AC00] =	vst v63  }
0x1c: {  	s14 =	simm.s32 $0xA8;
	s10 =	simm.s32 $0x4180  }
0x1d: {  	[tilespmem:s10], [sflag:$0x1] =	stream.indirect.gather [hbm4b:s3+s12], $0x40, s14, s12, $0xb8;
	[tilespmem:$0x1AC00] =	vst v63  }
0x1e: {  	s15 =	simm.s32 $0xE0;
	s11 =	simm.s32 $0x4E00  }
0x1f: {  	[tilespmem:s11], [sflag:$0x1] =	stream.indirect.gather [hbm4b:s3+s12], $0x40, s15, s12, $0xb8;
	[tilespmem:$0x1AC00] =	vst v63  }
0x20: {  	s17 =	simm.s32 $0x118;
	s13 =	simm.s32 $0x5A80  }
0x21: {  	[tilespmem:s13], [sflag:$0x1] =	stream.indirect.gather [hbm4b:s3+s12], $0x40, s17, s12, $0xb8;
	[tilespmem:$0x1AC00] =	vst v63  }
0x22: {  	s18 =	simm.s32 $0x150;
	s14 =	simm.s32 $0x6700  }
0x23: {  	[tilespmem:s14], [sflag:$0x1] =	stream.indirect.gather [hbm4b:s3+s12], $0x40, s18, s12, $0xb8;
	[tilespmem:$0x1AC00] =	vst v63  }
0x24: {  	s22 =	simm.s32 $0x188;
	s15 =	simm.s32 $0x7380  }
0x25: {  	[tilespmem:s15], [sflag:$0x1] =	stream.indirect.gather [hbm4b:s3+s12], $0x40, s22, s12, $0xb8;
	[tilespmem:$0x1AC00] =	vst v63  }
0x26: {  	s24 =	simm.s32 $0x1C0;
	s17 =	simm.s32 $0x8000  }
0x27: {  	[tilespmem:s17], [sflag:$0x2] =	stream.indirect.gather [hbm4b:s3+s12], $0x40, s24, s12, $0xb8;
	[tilespmem:$0x1AC00] =	vst v63  }
0x28: {  	s26 =	simm.s32 $0x1F8;
	s18 =	simm.s32 $0x8C80  }
0x29: {  	[tilespmem:s18], [sflag:$0x2] =	stream.indirect.gather [hbm4b:s3+s12], $0x40, s26, s12, $0xb8;
	[tilespmem:$0x1AC00] =	vst v63  }
0x2a: {  	s29 =	simm.s32 $0x230;
	s22 =	simm.s32 $0x9900  }
0x2b: {  	[tilespmem:s22], [sflag:$0x2] =	stream.indirect.gather [hbm4b:s3+s12], $0x40, s29, s12, $0xb8;
	[tilespmem:$0x1AC00] =	vst v63  }
0x2c: {  	s1 =	simm.s32 $0x268;
	s26 =	simm.s32 $0xA580  }
0x2d: {  	[tilespmem:s26], [sflag:$0x2] =	stream.indirect.gather [hbm4b:s3+s12], $0x40, s1, s12, $0xb8;
	[tilespmem:$0x1AC00] =	vst v63  }
0x2e: {  	s2 =	simm.s32 $0x2A0;
	s29 =	simm.s32 $0xB200  }
0x2f: {  	[tilespmem:s29], [sflag:$0x2] =	stream.indirect.gather [hbm4b:s3+s12], $0x40, s2, s12, $0xb8;
	[tilespmem:$0x1AC00] =	vst v63  }
0x30: {  	s4 =	simm.s32 $0x2D8;
	s5 =	simm.s32 $0xBE80  }
0x31: {  	[tilespmem:s5], [sflag:$0x2] =	stream.indirect.gather [hbm4b:s3+s12], $0x40, s4, s12, $0xb8;
	[tilespmem:$0x1AC00] =	vst v63  }
0x32: {  	s6 =	simm.s32 $0x310;
	s7 =	simm.s32 $0xCB00  }
0x33: {  	[tilespmem:s7], [sflag:$0x2] =	stream.indirect.gather [hbm4b:s3+s12], $0x40, s6, s12, $0xb8;
	[tilespmem:$0x1AC00] =	vst v63  }
0x34: {  	s8 =	simm.s32 $0x348;
	s24 =	simm.s32 $0xD780  }
0x35: {  	[tilespmem:s24], [sflag:$0x2] =	stream.indirect.gather [hbm4b:s3+s12], $0x40, s8, s12, $0xb8;
	[tilespmem:$0x1AC00] =	vst v63  }
0x36: {  	s1 =	simm.s32 $0x380;
	s5 =	simm.s32 $0xE400  }
0x37: {  	[tilespmem:s5], [sflag:$0x3] =	stream.indirect.gather [hbm4b:s3+s12], $0x40, s1, s12, $0xb8;
	[tilespmem:$0x1AC00] =	vst v63  }
0x38: {  	s6 =	simm.s32 $0x3B8;
	s7 =	simm.s32 $0xF080  }
0x39: {  	[tilespmem:s7], [sflag:$0x3] =	stream.indirect.gather [hbm4b:s3+s12], $0x40, s6, s12, $0xb8;
	[tilespmem:$0x1AC00] =	vst v63  }
0x3a: {  	s8 =	simm.s32 $0x3F0;
	s24 =	simm.s32 $0xFD00  }
0x3b: {  	[tilespmem:s24], [sflag:$0x3] =	stream.indirect.gather [hbm4b:s3+s12], $0x40, s8, s12, $0xb8;
	[tilespmem:$0x1AC00] =	vst v63  }
0x3c: {  	s1 =	simm.s32 $0x428;
	s8 =	simm.s32 $0x10980  }
0x3d: {  	[tilespmem:s8], [sflag:$0x3] =	stream.indirect.gather [hbm4b:s3+s12], $0x40, s1, s12, $0xb8;
	[tilespmem:$0x1AC00] =	vst v63  }
0x3e: {  	s24 =	simm.s32 $0x460;
	s8 =	simm.s32 $0x11600  }
0x3f: {  	[tilespmem:s8], [sflag:$0x3] =	stream.indirect.gather [hbm4b:s3+s12], $0x40, s24, s12, $0xb8;
	[tilespmem:$0x1AC00] =	vst v63  }
0x40: {  	s16 =	simm.s32 $0x498;
	s24 =	simm.s32 $0x12280  }
0x41: {  	[tilespmem:s24], [sflag:$0x3] =	stream.indirect.gather [hbm4b:s3+s12], $0x40, s16, s12, $0xb8;
	[tilespmem:$0x1AC00] =	vst v63  }
0x42: {  	s16 =	simm.s32 $0x4D0;
	s24 =	simm.s32 $0x12F00  }
0x43: {  	[tilespmem:s24], [sflag:$0x3] =	stream.indirect.gather [hbm4b:s3+s12], $0x40, s16, s12, $0xb8;
	[tilespmem:$0x1AC00] =	vst v63  }
0x44: {  	s16 =	simm.s32 $0x508;
	s24 =	simm.s32 $0x13B80  }
0x45: {  	[tilespmem:s24], [sflag:$0x3] =	stream.indirect.gather [hbm4b:s3+s12], $0x40, s16, s12, $0xb8;
	[tilespmem:$0x1AC00] =	vst v63  }
0x46: {  	s16 =	simm.s32 $0x540;
	s24 =	simm.s32 $0x14800  }
0x47: {  	[tilespmem:s24], [sflag:$0x4] =	stream.indirect.gather [hbm4b:s3+s12], $0x40, s16, s12, $0xb8;
	[tilespmem:$0x1AC00] =	vst v63  }
0x48: {  	s16 =	simm.s32 $0x578;
	s24 =	simm.s32 $0x15480  }
0x49: {  	[tilespmem:s24], [sflag:$0x4] =	stream.indirect.gather [hbm4b:s3+s12], $0x40, s16, s12, $0xb8;
	[tilespmem:$0x1AC00] =	vst v63  }
0x4a: {  	s16 =	simm.s32 $0x5B0;
	s24 =	simm.s32 $0x16100  }
0x4b: {  	[tilespmem:s24], [sflag:$0x4] =	stream.indirect.gather [hbm4b:s3+s12], $0x40, s16, s12, $0xb8;
	[tilespmem:$0x1AC00] =	vst v63  }
0x4c: {  	s16 =	simm.s32 $0x5E8;
	s24 =	simm.s32 $0x16D80  }
0x4d: {  	[tilespmem:s24], [sflag:$0x4] =	stream.indirect.gather [hbm4b:s3+s12], $0x40, s16, s12, $0xb8;
	[tilespmem:$0x1AC00] =	vst v63  }
0x4e: {  	s16 =	simm.s32 $0x620;
	s24 =	simm.s32 $0x17A00  }
0x4f: {  	[tilespmem:s24], [sflag:$0x4] =	stream.indirect.gather [hbm4b:s3+s12], $0x40, s16, s12, $0xb8;
	[tilespmem:$0x1AC00] =	vst v63  }
0x50: {  	s16 =	simm.s32 $0x658;
	s24 =	simm.s32 $0x18680  }
0x51: {  	[tilespmem:s24], [sflag:$0x4] =	stream.indirect.gather [hbm4b:s3+s12], $0x40, s16, s12, $0xb8;
	[tilespmem:$0x1AC00] =	vst v63  }
0x52: {  	s16 =	simm.s32 $0x690;
	s24 =	simm.s32 $0x19300  }
0x53: {  	[tilespmem:s24], [sflag:$0x4] =	stream.indirect.gather [hbm4b:s3+s12], $0x40, s16, s12, $0xb8;
	[tilespmem:$0x1AC00] =	vst v63  }
0x54: {  	s16 =	simm.s32 $0x6C8;
	s24 =	simm.s32 $0x19F80  }
0x55: {  	[tilespmem:s24], [sflag:$0x4] =	stream.indirect.gather [hbm4b:s3+s12], $0x40, s16, s12, $0xb8;
	[tilespmem:$0x1AC00] =	vst v63  }
0x56: {  	_ =	swait.ge [sflag:s19], $0xC80  }
0x57: {  	[sflag:s19] =	ssyncset.done $0x0  }
0x58: {  	[sflag:s19] =	ssyncadd.s32 $0xFFFFF380  }
0x59: {  	_ =	swait.ge [sflag:s19], $0xC80  }
0x5a: {  	[sflag:s19] =	ssyncset.done $0x0  }
0x5b: {  	[sflag:s19] =	ssyncadd.s32 $0xFFFFF380  }
0x5c: {  	_ =	swait.ge [sflag:s19], $0xC80  }
0x5d: {  	[sflag:s19] =	ssyncset.done $0x0  }
0x5e: {  	[sflag:s19] =	ssyncadd.s32 $0xFFFFF380  }
0x5f: {  	_ =	swait.ge [sflag:s19], $0xC80  }
0x60: {  	[sflag:s19] =	ssyncset.done $0x0  }
0x61: {  	[sflag:s19] =	ssyncadd.s32 $0xFFFFF380  }
0x62: {  	_ =	swait.ge [sflag:s19], $0xC80  }
0x63: {  	[sflag:s19] =	ssyncset.done $0x0  }
0x64: {  	[sflag:s19] =	ssyncadd.s32 $0xFFFFF380  }
0x65: {  	_ =	swait.ge [sflag:s19], $0xC80  }
0x66: {  	[sflag:s19] =	ssyncset.done $0x0  }
0x67: {  	[sflag:s19] =	ssyncadd.s32 $0xFFFFF380  }
0x68: {  	_ =	swait.ge [sflag:s19], $0xC80  }
0x69: {  	[sflag:s19] =	ssyncset.done $0x0  }
0x6a: {  	[sflag:s19] =	ssyncadd.s32 $0xFFFFF380  }
0x6b: {  	_ =	swait.ge [sflag:s19], $0xC80  }
0x6c: {  	[sflag:s19] =	ssyncset.done $0x0  }
0x6d: {  	s24 =	rddreg [dreg:$0x8];
	[sflag:s19] =	ssyncadd.s32 $0xFFFFF380  }
0x6e: {  	[hbm4b:s24+s21] =	stream.strided.scatter [tilespmem:s0], [sflag:$0x5], $0xC80, s23, s21, $0x38;
	[tilespmem:$0x1AC00] =	vst v63  }
0x6f: {  	s16 =	sadd.s32 $0x380, s24  }
0x70: {  	[hbm4b:s16+s21] =	stream.strided.scatter [tilespmem:s20], [sflag:$0x5], $0xC80, s23, s21, $0x38;
	[tilespmem:$0x1AC00] =	vst v63  }
0x71: {  	s16 =	sadd.s32 $0x700, s24  }
0x72: {  	[hbm4b:s16+s21] =	stream.strided.scatter [tilespmem:s9], [sflag:$0x5], $0xC80, s23, s21, $0x38;
	[tilespmem:$0x1AC00] =	vst v63  }
0x73: {  	s16 =	sadd.s32 $0xA80, s24  }
0x74: {  	[hbm4b:s16+s21] =	stream.strided.scatter [tilespmem:s10], [sflag:$0x5], $0xC80, s23, s21, $0x38;
	[tilespmem:$0x1AC00] =	vst v63  }
0x75: {  	s16 =	sadd.s32 $0xE00, s24  }
0x76: {  	[hbm4b:s16+s21] =	stream.strided.scatter [tilespmem:s11], [sflag:$0x5], $0xC80, s23, s21, $0x38;
	[tilespmem:$0x1AC00] =	vst v63  }
0x77: {  	s16 =	sadd.s32 $0x1180, s24  }
0x78: {  	[hbm4b:s16+s21] =	stream.strided.scatter [tilespmem:s13], [sflag:$0x5], $0xC80, s23, s21, $0x38;
	[tilespmem:$0x1AC00] =	vst v63  }
0x79: {  	s16 =	sadd.s32 $0x1500, s24  }
0x7a: {  	[hbm4b:s16+s21] =	stream.strided.scatter [tilespmem:s14], [sflag:$0x5], $0xC80, s23, s21, $0x38;
	[tilespmem:$0x1AC00] =	vst v63  }
0x7b: {  	s16 =	sadd.s32 $0x1880, s24  }
0x7c: {  	[hbm4b:s16+s21] =	stream.strided.scatter [tilespmem:s15], [sflag:$0x5], $0xC80, s23, s21, $0x38;
	[tilespmem:$0x1AC00] =	vst v63  }
0x7d: {  	_ =	swait.ge [sflag:s25], $0xC80  }
0x7e: {  	[sflag:s25] =	ssyncset.done $0x0  }
0x7f: {  	[sflag:s25] =	ssyncadd.s32 $0xFFFFF380  }
0x80: {  	_ =	swait.ge [sflag:s25], $0xC80  }
0x81: {  	[sflag:s25] =	ssyncset.done $0x0  }
0x82: {  	[sflag:s25] =	ssyncadd.s32 $0xFFFFF380  }
0x83: {  	_ =	swait.ge [sflag:s25], $0xC80  }
0x84: {  	[sflag:s25] =	ssyncset.done $0x0  }
0x85: {  	[sflag:s25] =	ssyncadd.s32 $0xFFFFF380  }
0x86: {  	_ =	swait.ge [sflag:s25], $0xC80  }
0x87: {  	[sflag:s25] =	ssyncset.done $0x0  }
0x88: {  	[sflag:s25] =	ssyncadd.s32 $0xFFFFF380  }
0x89: {  	_ =	swait.ge [sflag:s25], $0xC80  }
0x8a: {  	[sflag:s25] =	ssyncset.done $0x0  }
0x8b: {  	[sflag:s25] =	ssyncadd.s32 $0xFFFFF380  }
0x8c: {  	_ =	swait.ge [sflag:s25], $0xC80  }
0x8d: {  	[sflag:s25] =	ssyncset.done $0x0  }
0x8e: {  	[sflag:s25] =	ssyncadd.s32 $0xFFFFF380  }
0x8f: {  	_ =	swait.ge [sflag:s25], $0xC80  }
0x90: {  	[sflag:s25] =	ssyncset.done $0x0  }
0x91: {  	[sflag:s25] =	ssyncadd.s32 $0xFFFFF380  }
0x92: {  	_ =	swait.ge [sflag:s25], $0xC80  }
0x93: {  	[sflag:s25] =	ssyncset.done $0x0  }
0x94: {  	s16 =	sadd.s32 $0x1C00, s24;
	[sflag:s25] =	ssyncadd.s32 $0xFFFFF380  }
0x95: {  	[hbm4b:s16+s21] =	stream.strided.scatter [tilespmem:s17], [sflag:$0x6], $0xC80, s23, s21, $0x38;
	[tilespmem:$0x1AC00] =	vst v63  }
0x96: {  	s16 =	sadd.s32 $0x1F80, s24  }
0x97: {  	[hbm4b:s16+s21] =	stream.strided.scatter [tilespmem:s18], [sflag:$0x6], $0xC80, s23, s21, $0x38;
	[tilespmem:$0x1AC00] =	vst v63  }
0x98: {  	s16 =	sadd.s32 $0x2300, s24  }
0x99: {  	[hbm4b:s16+s21] =	stream.strided.scatter [tilespmem:s22], [sflag:$0x6], $0xC80, s23, s21, $0x38;
	[tilespmem:$0x1AC00] =	vst v63  }
0x9a: {  	s16 =	sadd.s32 $0x2680, s24  }
0x9b: {  	[hbm4b:s16+s21] =	stream.strided.scatter [tilespmem:s26], [sflag:$0x6], $0xC80, s23, s21, $0x38;
	[tilespmem:$0x1AC00] =	vst v63  }
0x9c: {  	s16 =	sadd.s32 $0x2A00, s24  }
0x9d: {  	[hbm4b:s16+s21] =	stream.strided.scatter [tilespmem:s29], [sflag:$0x6], $0xC80, s23, s21, $0x38;
	[tilespmem:$0x1AC00] =	vst v63  }
0x9e: {  	s31 =	simm.s32 $0xBE80;
	s16 =	sadd.s32 $0x2D80, s24  }
0x9f: {  	[hbm4b:s16+s21] =	stream.strided.scatter [tilespmem:s31], [sflag:$0x6], $0xC80, s23, s21, $0x38;
	[tilespmem:$0x1AC00] =	vst v63  }
0xa0: {  	s2 =	simm.s32 $0xCB00;
	s16 =	sadd.s32 $0x3100, s24  }
0xa1: {  	[hbm4b:s16+s21] =	stream.strided.scatter [tilespmem:s2], [sflag:$0x6], $0xC80, s23, s21, $0x38;
	[tilespmem:$0x1AC00] =	vst v63  }
0xa2: {  	s4 =	simm.s32 $0xD780;
	s2 =	sadd.s32 $0x3480, s24  }
0xa3: {  	[hbm4b:s2+s21] =	stream.strided.scatter [tilespmem:s4], [sflag:$0x6], $0xC80, s23, s21, $0x38;
	[tilespmem:$0x1AC00] =	vst v63  }
0xa4: {  	_ =	swait.ge [sflag:s28], $0xC80  }
0xa5: {  	[sflag:s28] =	ssyncset.done $0x0  }
0xa6: {  	[sflag:s28] =	ssyncadd.s32 $0xFFFFF380  }
0xa7: {  	_ =	swait.ge [sflag:s28], $0xC80  }
0xa8: {  	[sflag:s28] =	ssyncset.done $0x0  }
0xa9: {  	[sflag:s28] =	ssyncadd.s32 $0xFFFFF380  }
0xaa: {  	_ =	swait.ge [sflag:s28], $0xC80  }
0xab: {  	[sflag:s28] =	ssyncset.done $0x0  }
0xac: {  	[sflag:s28] =	ssyncadd.s32 $0xFFFFF380  }
0xad: {  	_ =	swait.ge [sflag:s28], $0xC80  }
0xae: {  	[sflag:s28] =	ssyncset.done $0x0  }
0xaf: {  	[sflag:s28] =	ssyncadd.s32 $0xFFFFF380  }
0xb0: {  	_ =	swait.ge [sflag:s28], $0xC80  }
0xb1: {  	[sflag:s28] =	ssyncset.done $0x0  }
0xb2: {  	[sflag:s28] =	ssyncadd.s32 $0xFFFFF380  }
0xb3: {  	_ =	swait.ge [sflag:s28], $0xC80  }
0xb4: {  	[sflag:s28] =	ssyncset.done $0x0  }
0xb5: {  	[sflag:s28] =	ssyncadd.s32 $0xFFFFF380  }
0xb6: {  	_ =	swait.ge [sflag:s28], $0xC80  }
0xb7: {  	[sflag:s28] =	ssyncset.done $0x0  }
0xb8: {  	[sflag:s28] =	ssyncadd.s32 $0xFFFFF380  }
0xb9: {  	_ =	swait.ge [sflag:s28], $0xC80  }
0xba: {  	[sflag:s28] =	ssyncset.done $0x0  }
0xbb: {  	s5 =	simm.s32 $0xE400;
	s4 =	sadd.s32 $0x3800, s24;
	[sflag:s28] =	ssyncadd.s32 $0xFFFFF380  }
0xbc: {  	[hbm4b:s4+s21] =	stream.strided.scatter [tilespmem:s5], [sflag:$0x7], $0xC80, s23, s21, $0x38;
	[tilespmem:$0x1AC00] =	vst v63  }
0xbd: {  	s6 =	simm.s32 $0xF080;
	s5 =	sadd.s32 $0x3B80, s24  }
0xbe: {  	[hbm4b:s5+s21] =	stream.strided.scatter [tilespmem:s6], [sflag:$0x7], $0xC80, s23, s21, $0x38;
	[tilespmem:$0x1AC00] =	vst v63  }
0xbf: {  	s7 =	simm.s32 $0xFD00;
	s6 =	sadd.s32 $0x3F00, s24  }
0xc0: {  	[hbm4b:s6+s21] =	stream.strided.scatter [tilespmem:s7], [sflag:$0x7], $0xC80, s23, s21, $0x38;
	[tilespmem:$0x1AC00] =	vst v63  }
0xc1: {  	s1 =	simm.s32 $0x10980;
	s2 =	sadd.s32 $0x4280, s24  }
0xc2: {  	[hbm4b:s2+s21] =	stream.strided.scatter [tilespmem:s1], [sflag:$0x7], $0xC80, s23, s21, $0x38;
	[tilespmem:$0x1AC00] =	vst v63  }
0xc3: {  	s8 =	simm.s32 $0x11600;
	s4 =	sadd.s32 $0x4600, s24  }
0xc4: {  	[hbm4b:s4+s21] =	stream.strided.scatter [tilespmem:s8], [sflag:$0x7], $0xC80, s23, s21, $0x38;
	[tilespmem:$0x1AC00] =	vst v63  }
0xc5: {  	s5 =	sadd.s32 $0x4980, s24;
	s6 =	simm.s32 $0x12280  }
0xc6: {  	[hbm4b:s5+s21] =	stream.strided.scatter [tilespmem:s6], [sflag:$0x7], $0xC80, s23, s21, $0x38;
	[tilespmem:$0x1AC00] =	vst v63  }
0xc7: {  	s7 =	sadd.s32 $0x4D00, s24;
	s8 =	simm.s32 $0x12F00  }
0xc8: {  	[hbm4b:s7+s21] =	stream.strided.scatter [tilespmem:s8], [sflag:$0x7], $0xC80, s23, s21, $0x38;
	[tilespmem:$0x1AC00] =	vst v63  }
0xc9: {  	s1 =	sadd.s32 $0x5080, s24;
	s2 =	simm.s32 $0x13B80  }
0xca: {  	[hbm4b:s1+s21] =	stream.strided.scatter [tilespmem:s2], [sflag:$0x7], $0xC80, s23, s21, $0x38;
	[tilespmem:$0x1AC00] =	vst v63  }
0xcb: {  	_ =	swait.ge [sflag:s30], $0xC80  }
0xcc: {  	[sflag:s30] =	ssyncset.done $0x0  }
0xcd: {  	[sflag:s30] =	ssyncadd.s32 $0xFFFFF380  }
0xce: {  	_ =	swait.ge [sflag:s30], $0xC80  }
0xcf: {  	[sflag:s30] =	ssyncset.done $0x0  }
0xd0: {  	[sflag:s30] =	ssyncadd.s32 $0xFFFFF380  }
0xd1: {  	_ =	swait.ge [sflag:s30], $0xC80  }
0xd2: {  	[sflag:s30] =	ssyncset.done $0x0  }
0xd3: {  	[sflag:s30] =	ssyncadd.s32 $0xFFFFF380  }
0xd4: {  	_ =	swait.ge [sflag:s30], $0xC80  }
0xd5: {  	[sflag:s30] =	ssyncset.done $0x0  }
0xd6: {  	[sflag:s30] =	ssyncadd.s32 $0xFFFFF380  }
0xd7: {  	_ =	swait.ge [sflag:s30], $0xC80  }
0xd8: {  	[sflag:s30] =	ssyncset.done $0x0  }
0xd9: {  	[sflag:s30] =	ssyncadd.s32 $0xFFFFF380  }
0xda: {  	_ =	swait.ge [sflag:s30], $0xC80  }
0xdb: {  	[sflag:s30] =	ssyncset.done $0x0  }
0xdc: {  	[sflag:s30] =	ssyncadd.s32 $0xFFFFF380  }
0xdd: {  	_ =	swait.ge [sflag:s30], $0xC80  }
0xde: {  	[sflag:s30] =	ssyncset.done $0x0  }
0xdf: {  	[sflag:s30] =	ssyncadd.s32 $0xFFFFF380  }
0xe0: {  	_ =	swait.ge [sflag:s30], $0xC80  }
0xe1: {  	[sflag:s30] =	ssyncset.done $0x0  }
0xe2: {  	s4 =	sadd.s32 $0x5400, s24;
	s5 =	simm.s32 $0x14800;
	[sflag:s30] =	ssyncadd.s32 $0xFFFFF380  }
0xe3: {  	[hbm4b:s4+s21] =	stream.strided.scatter [tilespmem:s5], [sflag:$0x8], $0xC80, s23, s21, $0x38;
	[tilespmem:$0x1AC00] =	vst v63  }
0xe4: {  	s6 =	sadd.s32 $0x5780, s24;
	s7 =	simm.s32 $0x15480  }
0xe5: {  	[hbm4b:s6+s21] =	stream.strided.scatter [tilespmem:s7], [sflag:$0x8], $0xC80, s23, s21, $0x38;
	[tilespmem:$0x1AC00] =	vst v63  }
0xe6: {  	s1 =	sadd.s32 $0x5B00, s24;
	s2 =	simm.s32 $0x16100  }
0xe7: {  	[hbm4b:s1+s21] =	stream.strided.scatter [tilespmem:s2], [sflag:$0x8], $0xC80, s23, s21, $0x38;
	[tilespmem:$0x1AC00] =	vst v63  }
0xe8: {  	s4 =	sadd.s32 $0x5E80, s24;
	s5 =	simm.s32 $0x16D80  }
0xe9: {  	[hbm4b:s4+s21] =	stream.strided.scatter [tilespmem:s5], [sflag:$0x8], $0xC80, s23, s21, $0x38;
	[tilespmem:$0x1AC00] =	vst v63  }
0xea: {  	s2 =	sadd.s32 $0x6200, s24;
	s4 =	simm.s32 $0x17A00  }
0xeb: {  	[hbm4b:s2+s21] =	stream.strided.scatter [tilespmem:s4], [sflag:$0x8], $0xC80, s23, s21, $0x38;
	[tilespmem:$0x1AC00] =	vst v63  }
0xec: {  	s1 =	sadd.s32 $0x6580, s24;
	s2 =	simm.s32 $0x18680  }
0xed: {  	[hbm4b:s1+s21] =	stream.strided.scatter [tilespmem:s2], [sflag:$0x8], $0xC80, s23, s21, $0x38;
	[tilespmem:$0x1AC00] =	vst v63  }
0xee: {  	s16 =	sadd.s32 $0x6900, s24;
	s1 =	simm.s32 $0x19300  }
0xef: {  	[hbm4b:s16+s21] =	stream.strided.scatter [tilespmem:s1], [sflag:$0x8], $0xC80, s23, s21, $0x38;
	[tilespmem:$0x1AC00] =	vst v63  }
0xf0: {  	s31 =	simm.s32 $0x19F80;
	s16 =	sadd.s32 $0x6C80, s24  }
0xf1: {  	[hbm4b:s16+s21] =	stream.strided.scatter [tilespmem:s31], [sflag:$0x8], $0xC80, s23, s21, $0x38;
	[tilespmem:$0x1AC00] =	vst v63  }
0xf2: {  	s16 =	simm.s32 $0x5  }
0xf3: {  	_ =	swait.ge [sflag:s16], $0x6400  }
0xf4: {  	[sflag:s16] =	ssyncset.done $0x0  }
0xf5: {  	[sflag:s16] =	ssyncadd.s32 $0xFFFF9C00;
	s16 =	simm.s32 $0x700  }
0xf6: {  	[tilespmem:s0], [sflag:$0x1] =	stream.indirect.gather [hbm4b:s3+s12], $0x40, s16, s12, $0xb8;
	[tilespmem:$0x1AC00] =	vst v63  }
0xf7: {  	s0 =	simm.s32 $0x738  }
0xf8: {  	[tilespmem:s20], [sflag:$0x1] =	stream.indirect.gather [hbm4b:s3+s12], $0x40, s0, s12, $0xb8;
	[tilespmem:$0x1AC00] =	vst v63  }
0xf9: {  	s0 =	simm.s32 $0x770  }
0xfa: {  	[tilespmem:s9], [sflag:$0x1] =	stream.indirect.gather [hbm4b:s3+s12], $0x40, s0, s12, $0xb8;
	[tilespmem:$0x1AC00] =	vst v63  }
0xfb: {  	s9 =	simm.s32 $0x7A8  }
0xfc: {  	[tilespmem:s10], [sflag:$0x1] =	stream.indirect.gather [hbm4b:s3+s12], $0x40, s9, s12, $0xb8;
	[tilespmem:$0x1AC00] =	vst v63  }
0xfd: {  	s10 =	simm.s32 $0x7E0  }
0xfe: {  	[tilespmem:s11], [sflag:$0x1] =	stream.indirect.gather [hbm4b:s3+s12], $0x40, s10, s12, $0xb8;
	[tilespmem:$0x1AC00] =	vst v63  }
0xff: {  	s11 =	simm.s32 $0x818  }
0x100: {  	[tilespmem:s13], [sflag:$0x1] =	stream.indirect.gather [hbm4b:s3+s12], $0x40, s11, s12, $0xb8;
	[tilespmem:$0x1AC00] =	vst v63  }
0x101: {  	s13 =	simm.s32 $0x850  }
0x102: {  	[tilespmem:s14], [sflag:$0x1] =	stream.indirect.gather [hbm4b:s3+s12], $0x40, s13, s12, $0xb8;
	[tilespmem:$0x1AC00] =	vst v63  }
0x103: {  	s20 =	simm.s32 $0x6;
	s14 =	simm.s32 $0x888  }
0x104: {  	[tilespmem:s15], [sflag:$0x1] =	stream.indirect.gather [hbm4b:s3+s12], $0x40, s14, s12, $0xb8;
	[tilespmem:$0x1AC00] =	vst v63  }
0x105: {  	_ =	swait.ge [sflag:s20], $0x6400  }
0x106: {  	[sflag:s20] =	ssyncset.done $0x0  }
0x107: {  	s9 =	simm.s32 $0x8C0;
	[sflag:s20] =	ssyncadd.s32 $0xFFFF9C00  }
0x108: {  	[tilespmem:s17], [sflag:$0x2] =	stream.indirect.gather [hbm4b:s3+s12], $0x40, s9, s12, $0xb8;
	[tilespmem:$0x1AC00] =	vst v63  }
0x109: {  	s10 =	simm.s32 $0x8F8  }
0x10a: {  	[tilespmem:s18], [sflag:$0x2] =	stream.indirect.gather [hbm4b:s3+s12], $0x40, s10, s12, $0xb8;
	[tilespmem:$0x1AC00] =	vst v63  }
0x10b: {  	s11 =	simm.s32 $0x930  }
0x10c: {  	[tilespmem:s22], [sflag:$0x2] =	stream.indirect.gather [hbm4b:s3+s12], $0x40, s11, s12, $0xb8;
	[tilespmem:$0x1AC00] =	vst v63  }
0x10d: {  	s13 =	simm.s32 $0x968  }
0x10e: {  	[tilespmem:s26], [sflag:$0x2] =	stream.indirect.gather [hbm4b:s3+s12], $0x40, s13, s12, $0xb8;
	[tilespmem:$0x1AC00] =	vst v63  }
0x10f: {  	s14 =	simm.s32 $0x9A0  }
0x110: {  	[tilespmem:s29], [sflag:$0x2] =	stream.indirect.gather [hbm4b:s3+s12], $0x40, s14, s12, $0xb8;
	[tilespmem:$0x1AC00] =	vst v63  }
0x111: {  	s15 =	simm.s32 $0x9D8;
	s17 =	simm.s32 $0xBE80  }
0x112: {  	[tilespmem:s17], [sflag:$0x2] =	stream.indirect.gather [hbm4b:s3+s12], $0x40, s15, s12, $0xb8;
	[tilespmem:$0x1AC00] =	vst v63  }
0x113: {  	s20 =	simm.s32 $0xCB00;
	s18 =	simm.s32 $0xA10  }
0x114: {  	[tilespmem:s20], [sflag:$0x2] =	stream.indirect.gather [hbm4b:s3+s12], $0x40, s18, s12, $0xb8;
	[tilespmem:$0x1AC00] =	vst v63  }
0x115: {  	s22 =	simm.s32 $0xA48;
	s26 =	simm.s32 $0xD780;
	s29 =	simm.s32 $0x7  }
0x116: {  	[tilespmem:s26], [sflag:$0x2] =	stream.indirect.gather [hbm4b:s3+s12], $0x40, s22, s12, $0xb8;
	[tilespmem:$0x1AC00] =	vst v63  }
0x117: {  	_ =	swait.ge [sflag:s29], $0x6400  }
0x118: {  	[sflag:s29] =	ssyncset.done $0x0  }
0x119: {  	s9 =	simm.s32 $0xA80;
	s10 =	simm.s32 $0xE400;
	[sflag:s29] =	ssyncadd.s32 $0xFFFF9C00  }
0x11a: {  	[tilespmem:s10], [sflag:$0x3] =	stream.indirect.gather [hbm4b:s3+s12], $0x40, s9, s12, $0xb8;
	[tilespmem:$0x1AC00] =	vst v63  }
0x11b: {  	s11 =	simm.s32 $0xAB8;
	s13 =	simm.s32 $0xF080  }
0x11c: {  	[tilespmem:s13], [sflag:$0x3] =	stream.indirect.gather [hbm4b:s3+s12], $0x40, s11, s12, $0xb8;
	[tilespmem:$0x1AC00] =	vst v63  }
0x11d: {  	s14 =	simm.s32 $0xAF0;
	s15 =	simm.s32 $0xFD00  }
0x11e: {  	[tilespmem:s15], [sflag:$0x3] =	stream.indirect.gather [hbm4b:s3+s12], $0x40, s14, s12, $0xb8;
	[tilespmem:$0x1AC00] =	vst v63  }
0x11f: {  	s17 =	simm.s32 $0xB28;
	s18 =	simm.s32 $0x10980  }
0x120: {  	[tilespmem:s18], [sflag:$0x3] =	stream.indirect.gather [hbm4b:s3+s12], $0x40, s17, s12, $0xb8;
	[tilespmem:$0x1AC00] =	vst v63  }
0x121: {  	s20 =	simm.s32 $0xB60;
	s22 =	simm.s32 $0x11600  }
0x122: {  	[tilespmem:s22], [sflag:$0x3] =	stream.indirect.gather [hbm4b:s3+s12], $0x40, s20, s12, $0xb8;
	[tilespmem:$0x1AC00] =	vst v63  }
0x123: {  	s26 =	simm.s32 $0xB98;
	s29 =	simm.s32 $0x12280  }
0x124: {  	[tilespmem:s29], [sflag:$0x3] =	stream.indirect.gather [hbm4b:s3+s12], $0x40, s26, s12, $0xb8;
	[tilespmem:$0x1AC00] =	vst v63  }
0x125: {  	s9 =	simm.s32 $0xBD0;
	s10 =	simm.s32 $0x12F00  }
0x126: {  	[tilespmem:s10], [sflag:$0x3] =	stream.indirect.gather [hbm4b:s3+s12], $0x40, s9, s12, $0xb8;
	[tilespmem:$0x1AC00] =	vst v63  }
0x127: {  	s11 =	simm.s32 $0xC08;
	s13 =	simm.s32 $0x13B80;
	s14 =	simm.s32 $0x8  }
0x128: {  	[tilespmem:s13], [sflag:$0x3] =	stream.indirect.gather [hbm4b:s3+s12], $0x40, s11, s12, $0xb8;
	[tilespmem:$0x1AC00] =	vst v63  }
0x129: {  	_ =	swait.ge [sflag:s14], $0x6400  }
0x12a: {  	[sflag:s14] =	ssyncset.done $0x0  }
0x12b: {  	s8 =	simm.s32 $0x14800;
	s15 =	simm.s32 $0xC40;
	[sflag:s14] =	ssyncadd.s32 $0xFFFF9C00  }
0x12c: {  	[tilespmem:s8], [sflag:$0x4] =	stream.indirect.gather [hbm4b:s3+s12], $0x40, s15, s12, $0xb8;
	[tilespmem:$0x1AC00] =	vst v63  }
0x12d: {  	s7 =	simm.s32 $0x15480;
	s17 =	simm.s32 $0xC78  }
0x12e: {  	[tilespmem:s7], [sflag:$0x4] =	stream.indirect.gather [hbm4b:s3+s12], $0x40, s17, s12, $0xb8;
	[tilespmem:$0x1AC00] =	vst v63  }
0x12f: {  	s6 =	simm.s32 $0x16100;
	s18 =	simm.s32 $0xCB0  }
0x130: {  	[tilespmem:s6], [sflag:$0x4] =	stream.indirect.gather [hbm4b:s3+s12], $0x40, s18, s12, $0xb8;
	[tilespmem:$0x1AC00] =	vst v63  }
0x131: {  	s5 =	simm.s32 $0x16D80;
	s20 =	simm.s32 $0xCE8  }
0x132: {  	[tilespmem:s5], [sflag:$0x4] =	stream.indirect.gather [hbm4b:s3+s12], $0x40, s20, s12, $0xb8;
	[tilespmem:$0x1AC00] =	vst v63  }
0x133: {  	s4 =	simm.s32 $0x17A00;
	s2 =	simm.s32 $0x18680;
	s22 =	simm.s32 $0xD20  }
0x134: {  	[tilespmem:s4], [sflag:$0x4] =	stream.indirect.gather [hbm4b:s3+s12], $0x40, s22, s12, $0xb8;
	[tilespmem:$0x1AC00] =	vst v63  }
0x135: {  	s1 =	simm.s32 $0x19300;
	s31 =	sadd.s32 $0x7000, s24;
	s26 =	simm.s32 $0xD58  }
0x136: {  	[tilespmem:s2], [sflag:$0x4] =	stream.indirect.gather [hbm4b:s3+s12], $0x40, s26, s12, $0xb8;
	[tilespmem:$0x1AC00] =	vst v63  }
0x137: {  	s16 =	simm.s32 $0xDC8;
	s29 =	simm.s32 $0xD90;
	s26 =	simm.s32 $0x1C00  }
0x138: {  	[tilespmem:s1], [sflag:$0x4] =	stream.indirect.gather [hbm4b:s3+s12], $0x40, s29, s12, $0xb8;
	[tilespmem:$0x1AC00] =	vst v63  }
.LBB2_2:
0x139: {  	s10 =	simm.s32 $0x19F80  }
0x13a: {  	[tilespmem:s10], [sflag:$0x4] =	stream.indirect.gather [hbm4b:s3+s12], $0x40, s16, s12, $0xb8;
	[tilespmem:$0x1AC00] =	vst v63  }
0x13b: {  	s16 =	smov.u32 s26  }
0x13c: {  	p0 =	sne.s32 s26, $0x3800;
	s26 =	sadd.s32 $0x1C00, s26;
	_ =	swait.ge [sflag:s19], $0xC80  }
0x13d: {  	[sflag:s19] =	ssyncset.done $0x0  }
0x13e: {  	[sflag:s19] =	ssyncadd.s32 $0xFFFFF380  }
0x13f: {  	_ =	swait.ge [sflag:s19], $0xC80  }
0x140: {  	[sflag:s19] =	ssyncset.done $0x0  }
0x141: {  	[sflag:s19] =	ssyncadd.s32 $0xFFFFF380  }
0x142: {  	_ =	swait.ge [sflag:s19], $0xC80  }
0x143: {  	[sflag:s19] =	ssyncset.done $0x0  }
0x144: {  	[sflag:s19] =	ssyncadd.s32 $0xFFFFF380  }
0x145: {  	_ =	swait.ge [sflag:s19], $0xC80  }
0x146: {  	[sflag:s19] =	ssyncset.done $0x0  }
0x147: {  	[sflag:s19] =	ssyncadd.s32 $0xFFFFF380  }
0x148: {  	_ =	swait.ge [sflag:s19], $0xC80  }
0x149: {  	[sflag:s19] =	ssyncset.done $0x0  }
0x14a: {  	[sflag:s19] =	ssyncadd.s32 $0xFFFFF380  }
0x14b: {  	_ =	swait.ge [sflag:s19], $0xC80  }
0x14c: {  	[sflag:s19] =	ssyncset.done $0x0  }
0x14d: {  	[sflag:s19] =	ssyncadd.s32 $0xFFFFF380  }
0x14e: {  	_ =	swait.ge [sflag:s19], $0xC80  }
0x14f: {  	[sflag:s19] =	ssyncset.done $0x0  }
0x150: {  	[sflag:s19] =	ssyncadd.s32 $0xFFFFF380  }
0x151: {  	_ =	swait.ge [sflag:s19], $0xC80  }
0x152: {  	[sflag:s19] =	ssyncset.done $0x0  }
0x153: {  	s0 =	simm.s32 $0x1C00;
	[sflag:s19] =	ssyncadd.s32 $0xFFFFF380  }
0x154: {  	[hbm4b:s31+s21] =	stream.strided.scatter [tilespmem:s0], [sflag:$0x5], $0xC80, s23, s21, $0x38;
	[tilespmem:$0x1AC00] =	vst v63  }
0x155: {  	s24 =	sadd.s32 $0x380, s31;
	s6 =	simm.s32 $0x2880  }
0x156: {  	[hbm4b:s24+s21] =	stream.strided.scatter [tilespmem:s6], [sflag:$0x5], $0xC80, s23, s21, $0x38;
	[tilespmem:$0x1AC00] =	vst v63  }
0x157: {  	s0 =	simm.s32 $0x3500;
	s24 =	sadd.s32 $0x700, s31  }
0x158: {  	[hbm4b:s24+s21] =	stream.strided.scatter [tilespmem:s0], [sflag:$0x5], $0xC80, s23, s21, $0x38;
	[tilespmem:$0x1AC00] =	vst v63  }
0x159: {  	s24 =	sadd.s32 $0xA80, s31;
	s0 =	simm.s32 $0x4180  }
0x15a: {  	[hbm4b:s24+s21] =	stream.strided.scatter [tilespmem:s0], [sflag:$0x5], $0xC80, s23, s21, $0x38;
	[tilespmem:$0x1AC00] =	vst v63  }
0x15b: {  	s9 =	simm.s32 $0x4E00;
	s24 =	sadd.s32 $0xE00, s31  }
0x15c: {  	[hbm4b:s24+s21] =	stream.strided.scatter [tilespmem:s9], [sflag:$0x5], $0xC80, s23, s21, $0x38;
	[tilespmem:$0x1AC00] =	vst v63  }
0x15d: {  	s11 =	simm.s32 $0x5A80;
	s24 =	sadd.s32 $0x1180, s31  }
0x15e: {  	[hbm4b:s24+s21] =	stream.strided.scatter [tilespmem:s11], [sflag:$0x5], $0xC80, s23, s21, $0x38;
	[tilespmem:$0x1AC00] =	vst v63  }
0x15f: {  	s5 =	simm.s32 $0x6700;
	s24 =	sadd.s32 $0x1500, s31  }
0x160: {  	[hbm4b:s24+s21] =	stream.strided.scatter [tilespmem:s5], [sflag:$0x5], $0xC80, s23, s21, $0x38;
	[tilespmem:$0x1AC00] =	vst v63  }
0x161: {  	s0 =	simm.s32 $0x7380;
	s24 =	sadd.s32 $0x1880, s31  }
0x162: {  	[hbm4b:s24+s21] =	stream.strided.scatter [tilespmem:s0], [sflag:$0x5], $0xC80, s23, s21, $0x38;
	[tilespmem:$0x1AC00] =	vst v63  }
0x163: {  	_ =	swait.ge [sflag:s25], $0xC80  }
0x164: {  	[sflag:s25] =	ssyncset.done $0x0  }
0x165: {  	[sflag:s25] =	ssyncadd.s32 $0xFFFFF380  }
0x166: {  	_ =	swait.ge [sflag:s25], $0xC80  }
0x167: {  	[sflag:s25] =	ssyncset.done $0x0  }
0x168: {  	[sflag:s25] =	ssyncadd.s32 $0xFFFFF380  }
0x169: {  	_ =	swait.ge [sflag:s25], $0xC80  }
0x16a: {  	[sflag:s25] =	ssyncset.done $0x0  }
0x16b: {  	[sflag:s25] =	ssyncadd.s32 $0xFFFFF380  }
0x16c: {  	_ =	swait.ge [sflag:s25], $0xC80  }
0x16d: {  	[sflag:s25] =	ssyncset.done $0x0  }
0x16e: {  	[sflag:s25] =	ssyncadd.s32 $0xFFFFF380  }
0x16f: {  	_ =	swait.ge [sflag:s25], $0xC80  }
0x170: {  	[sflag:s25] =	ssyncset.done $0x0  }
0x171: {  	[sflag:s25] =	ssyncadd.s32 $0xFFFFF380  }
0x172: {  	_ =	swait.ge [sflag:s25], $0xC80  }
0x173: {  	[sflag:s25] =	ssyncset.done $0x0  }
0x174: {  	[sflag:s25] =	ssyncadd.s32 $0xFFFFF380  }
0x175: {  	_ =	swait.ge [sflag:s25], $0xC80  }
0x176: {  	[sflag:s25] =	ssyncset.done $0x0  }
0x177: {  	[sflag:s25] =	ssyncadd.s32 $0xFFFFF380  }
0x178: {  	_ =	swait.ge [sflag:s25], $0xC80  }
0x179: {  	[sflag:s25] =	ssyncset.done $0x0  }
0x17a: {  	s24 =	sadd.s32 $0x1C00, s31;
	s0 =	simm.s32 $0x8000;
	[sflag:s25] =	ssyncadd.s32 $0xFFFFF380  }
0x17b: {  	[hbm4b:s24+s21] =	stream.strided.scatter [tilespmem:s0], [sflag:$0x6], $0xC80, s23, s21, $0x38;
	[tilespmem:$0x1AC00] =	vst v63  }
0x17c: {  	s8 =	simm.s32 $0x8C80;
	s24 =	sadd.s32 $0x1F80, s31  }
0x17d: {  	[hbm4b:s24+s21] =	stream.strided.scatter [tilespmem:s8], [sflag:$0x6], $0xC80, s23, s21, $0x38;
	[tilespmem:$0x1AC00] =	vst v63  }
0x17e: {  	s0 =	simm.s32 $0x9900;
	s24 =	sadd.s32 $0x2300, s31  }
0x17f: {  	[hbm4b:s24+s21] =	stream.strided.scatter [tilespmem:s0], [sflag:$0x6], $0xC80, s23, s21, $0x38;
	[tilespmem:$0x1AC00] =	vst v63  }
0x180: {  	s13 =	simm.s32 $0xA580;
	s24 =	sadd.s32 $0x2680, s31  }
0x181: {  	[hbm4b:s24+s21] =	stream.strided.scatter [tilespmem:s13], [sflag:$0x6], $0xC80, s23, s21, $0x38;
	[tilespmem:$0x1AC00] =	vst v63  }
0x182: {  	s15 =	simm.s32 $0xB200;
	s24 =	sadd.s32 $0x2A00, s31  }
0x183: {  	[hbm4b:s24+s21] =	stream.strided.scatter [tilespmem:s15], [sflag:$0x6], $0xC80, s23, s21, $0x38;
	[tilespmem:$0x1AC00] =	vst v63  }
0x184: {  	s17 =	simm.s32 $0xBE80;
	s24 =	sadd.s32 $0x2D80, s31  }
0x185: {  	[hbm4b:s24+s21] =	stream.strided.scatter [tilespmem:s17], [sflag:$0x6], $0xC80, s23, s21, $0x38;
	[tilespmem:$0x1AC00] =	vst v63  }
0x186: {  	s0 =	simm.s32 $0xCB00;
	s24 =	sadd.s32 $0x3100, s31  }
0x187: {  	[hbm4b:s24+s21] =	stream.strided.scatter [tilespmem:s0], [sflag:$0x6], $0xC80, s23, s21, $0x38;
	[tilespmem:$0x1AC00] =	vst v63  }
0x188: {  	s24 =	sadd.s32 $0x3480, s31;
	s0 =	simm.s32 $0xD780  }
0x189: {  	[hbm4b:s24+s21] =	stream.strided.scatter [tilespmem:s0], [sflag:$0x6], $0xC80, s23, s21, $0x38;
	[tilespmem:$0x1AC00] =	vst v63  }
0x18a: {  	_ =	swait.ge [sflag:s28], $0xC80  }
0x18b: {  	[sflag:s28] =	ssyncset.done $0x0  }
0x18c: {  	[sflag:s28] =	ssyncadd.s32 $0xFFFFF380  }
0x18d: {  	_ =	swait.ge [sflag:s28], $0xC80  }
0x18e: {  	[sflag:s28] =	ssyncset.done $0x0  }
0x18f: {  	[sflag:s28] =	ssyncadd.s32 $0xFFFFF380  }
0x190: {  	_ =	swait.ge [sflag:s28], $0xC80  }
0x191: {  	[sflag:s28] =	ssyncset.done $0x0  }
0x192: {  	[sflag:s28] =	ssyncadd.s32 $0xFFFFF380  }
0x193: {  	_ =	swait.ge [sflag:s28], $0xC80  }
0x194: {  	[sflag:s28] =	ssyncset.done $0x0  }
0x195: {  	[sflag:s28] =	ssyncadd.s32 $0xFFFFF380  }
0x196: {  	_ =	swait.ge [sflag:s28], $0xC80  }
0x197: {  	[sflag:s28] =	ssyncset.done $0x0  }
0x198: {  	[sflag:s28] =	ssyncadd.s32 $0xFFFFF380  }
0x199: {  	_ =	swait.ge [sflag:s28], $0xC80  }
0x19a: {  	[sflag:s28] =	ssyncset.done $0x0  }
0x19b: {  	[sflag:s28] =	ssyncadd.s32 $0xFFFFF380  }
0x19c: {  	_ =	swait.ge [sflag:s28], $0xC80  }
0x19d: {  	[sflag:s28] =	ssyncset.done $0x0  }
0x19e: {  	[sflag:s28] =	ssyncadd.s32 $0xFFFFF380  }
0x19f: {  	_ =	swait.ge [sflag:s28], $0xC80  }
0x1a0: {  	[sflag:s28] =	ssyncset.done $0x0  }
0x1a1: {  	s18 =	simm.s32 $0xE400;
	s24 =	sadd.s32 $0x3800, s31;
	[sflag:s28] =	ssyncadd.s32 $0xFFFFF380  }
0x1a2: {  	[hbm4b:s24+s21] =	stream.strided.scatter [tilespmem:s18], [sflag:$0x7], $0xC80, s23, s21, $0x38;
	[tilespmem:$0x1AC00] =	vst v63  }
0x1a3: {  	s22 =	simm.s32 $0xF080;
	s24 =	sadd.s32 $0x3B80, s31  }
0x1a4: {  	[hbm4b:s24+s21] =	stream.strided.scatter [tilespmem:s22], [sflag:$0x7], $0xC80, s23, s21, $0x38;
	[tilespmem:$0x1AC00] =	vst v63  }
0x1a5: {  	s0 =	simm.s32 $0xFD00;
	s24 =	sadd.s32 $0x3F00, s31  }
0x1a6: {  	[hbm4b:s24+s21] =	stream.strided.scatter [tilespmem:s0], [sflag:$0x7], $0xC80, s23, s21, $0x38;
	[tilespmem:$0x1AC00] =	vst v63  }
0x1a7: {  	s24 =	sadd.s32 $0x4280, s31;
	s0 =	simm.s32 $0x10980  }
0x1a8: {  	[hbm4b:s24+s21] =	stream.strided.scatter [tilespmem:s0], [sflag:$0x7], $0xC80, s23, s21, $0x38;
	[tilespmem:$0x1AC00] =	vst v63  }
0x1a9: {  	s24 =	sadd.s32 $0x4600, s31;
	s0 =	simm.s32 $0x11600  }
0x1aa: {  	[hbm4b:s24+s21] =	stream.strided.scatter [tilespmem:s0], [sflag:$0x7], $0xC80, s23, s21, $0x38;
	[tilespmem:$0x1AC00] =	vst v63  }
0x1ab: {  	s24 =	sadd.s32 $0x4980, s31;
	s0 =	simm.s32 $0x12280  }
0x1ac: {  	[hbm4b:s24+s21] =	stream.strided.scatter [tilespmem:s0], [sflag:$0x7], $0xC80, s23, s21, $0x38;
	[tilespmem:$0x1AC00] =	vst v63  }
0x1ad: {  	s24 =	sadd.s32 $0x4D00, s31;
	s0 =	simm.s32 $0x12F00  }
0x1ae: {  	[hbm4b:s24+s21] =	stream.strided.scatter [tilespmem:s0], [sflag:$0x7], $0xC80, s23, s21, $0x38;
	[tilespmem:$0x1AC00] =	vst v63  }
0x1af: {  	s24 =	sadd.s32 $0x5080, s31;
	s0 =	simm.s32 $0x13B80  }
0x1b0: {  	[hbm4b:s24+s21] =	stream.strided.scatter [tilespmem:s0], [sflag:$0x7], $0xC80, s23, s21, $0x38;
	[tilespmem:$0x1AC00] =	vst v63  }
0x1b1: {  	_ =	swait.ge [sflag:s30], $0xC80  }
0x1b2: {  	[sflag:s30] =	ssyncset.done $0x0  }
0x1b3: {  	[sflag:s30] =	ssyncadd.s32 $0xFFFFF380  }
0x1b4: {  	_ =	swait.ge [sflag:s30], $0xC80  }
0x1b5: {  	[sflag:s30] =	ssyncset.done $0x0  }
0x1b6: {  	[sflag:s30] =	ssyncadd.s32 $0xFFFFF380  }
0x1b7: {  	_ =	swait.ge [sflag:s30], $0xC80  }
0x1b8: {  	[sflag:s30] =	ssyncset.done $0x0  }
0x1b9: {  	[sflag:s30] =	ssyncadd.s32 $0xFFFFF380  }
0x1ba: {  	_ =	swait.ge [sflag:s30], $0xC80  }
0x1bb: {  	[sflag:s30] =	ssyncset.done $0x0  }
0x1bc: {  	[sflag:s30] =	ssyncadd.s32 $0xFFFFF380  }
0x1bd: {  	_ =	swait.ge [sflag:s30], $0xC80  }
0x1be: {  	[sflag:s30] =	ssyncset.done $0x0  }
0x1bf: {  	[sflag:s30] =	ssyncadd.s32 $0xFFFFF380  }
0x1c0: {  	_ =	swait.ge [sflag:s30], $0xC80  }
0x1c1: {  	[sflag:s30] =	ssyncset.done $0x0  }
0x1c2: {  	[sflag:s30] =	ssyncadd.s32 $0xFFFFF380  }
0x1c3: {  	_ =	swait.ge [sflag:s30], $0xC80  }
0x1c4: {  	[sflag:s30] =	ssyncset.done $0x0  }
0x1c5: {  	[sflag:s30] =	ssyncadd.s32 $0xFFFFF380  }
0x1c6: {  	_ =	swait.ge [sflag:s30], $0xC80  }
0x1c7: {  	[sflag:s30] =	ssyncset.done $0x0  }
0x1c8: {  	s29 =	simm.s32 $0x14800;
	s24 =	sadd.s32 $0x5400, s31;
	[sflag:s30] =	ssyncadd.s32 $0xFFFFF380  }
0x1c9: {  	[hbm4b:s24+s21] =	stream.strided.scatter [tilespmem:s29], [sflag:$0x8], $0xC80, s23, s21, $0x38;
	[tilespmem:$0x1AC00] =	vst v63  }
0x1ca: {  	s0 =	simm.s32 $0x15480;
	s24 =	sadd.s32 $0x5780, s31  }
0x1cb: {  	[hbm4b:s24+s21] =	stream.strided.scatter [tilespmem:s0], [sflag:$0x8], $0xC80, s23, s21, $0x38;
	[tilespmem:$0x1AC00] =	vst v63  }
0x1cc: {  	s1 =	simm.s32 $0x16100;
	s24 =	sadd.s32 $0x5B00, s31  }
0x1cd: {  	[hbm4b:s24+s21] =	stream.strided.scatter [tilespmem:s1], [sflag:$0x8], $0xC80, s23, s21, $0x38;
	[tilespmem:$0x1AC00] =	vst v63  }
0x1ce: {  	s2 =	simm.s32 $0x16D80;
	s24 =	sadd.s32 $0x5E80, s31  }
0x1cf: {  	[hbm4b:s24+s21] =	stream.strided.scatter [tilespmem:s2], [sflag:$0x8], $0xC80, s23, s21, $0x38;
	[tilespmem:$0x1AC00] =	vst v63  }
0x1d0: {  	s20 =	simm.s32 $0x17A00;
	s24 =	sadd.s32 $0x6200, s31  }
0x1d1: {  	[hbm4b:s24+s21] =	stream.strided.scatter [tilespmem:s20], [sflag:$0x8], $0xC80, s23, s21, $0x38;
	[tilespmem:$0x1AC00] =	vst v63  }
0x1d2: {  	s4 =	simm.s32 $0x18680;
	s24 =	sadd.s32 $0x6580, s31  }
0x1d3: {  	[hbm4b:s24+s21] =	stream.strided.scatter [tilespmem:s4], [sflag:$0x8], $0xC80, s23, s21, $0x38;
	[tilespmem:$0x1AC00] =	vst v63  }
0x1d4: {  	s14 =	simm.s32 $0x19300;
	s24 =	sadd.s32 $0x6900, s31  }
0x1d5: {  	[hbm4b:s24+s21] =	stream.strided.scatter [tilespmem:s14], [sflag:$0x8], $0xC80, s23, s21, $0x38;
	[tilespmem:$0x1AC00] =	vst v63  }
0x1d6: {  	s24 =	sadd.s32 $0x6C80, s31  }
0x1d7: {  	[hbm4b:s24+s21] =	stream.strided.scatter [tilespmem:s10], [sflag:$0x8], $0xC80, s23, s21, $0x38;
	[tilespmem:$0x1AC00] =	vst v63  }
0x1d8: {  	s10 =	simm.s32 $0x5  }
0x1d9: {  	_ =	swait.ge [sflag:s10], $0x6400  }
0x1da: {  	s16 =	sshra.s32 s16, $0x2;
	[sflag:s10] =	ssyncset.done $0x0  }
0x1db: {  	s24 =	sadd.s32 $0x700, s16;
	[sflag:s10] =	ssyncadd.s32 $0xFFFF9C00;
	s10 =	simm.s32 $0x1C00  }
0x1dc: {  	[tilespmem:s10], [sflag:$0x1] =	stream.indirect.gather [hbm4b:s3+s12], $0x40, s24, s12, $0xb8;
	[tilespmem:$0x1AC00] =	vst v63  }
0x1dd: {  	s24 =	sadd.s32 $0x738, s16  }
0x1de: {  	[tilespmem:s6], [sflag:$0x1] =	stream.indirect.gather [hbm4b:s3+s12], $0x40, s24, s12, $0xb8;
	[tilespmem:$0x1AC00] =	vst v63  }
0x1df: {  	s24 =	sadd.s32 $0x770, s16;
	s6 =	simm.s32 $0x3500  }
0x1e0: {  	[tilespmem:s6], [sflag:$0x1] =	stream.indirect.gather [hbm4b:s3+s12], $0x40, s24, s12, $0xb8;
	[tilespmem:$0x1AC00] =	vst v63  }
0x1e1: {  	s24 =	sadd.s32 $0x7A8, s16;
	s6 =	simm.s32 $0x4180  }
0x1e2: {  	[tilespmem:s6], [sflag:$0x1] =	stream.indirect.gather [hbm4b:s3+s12], $0x40, s24, s12, $0xb8;
	[tilespmem:$0x1AC00] =	vst v63  }
0x1e3: {  	s24 =	sadd.s32 $0x7E0, s16;
	s6 =	simm.s32 $0x4E00  }
0x1e4: {  	[tilespmem:s9], [sflag:$0x1] =	stream.indirect.gather [hbm4b:s3+s12], $0x40, s24, s12, $0xb8;
	[tilespmem:$0x1AC00] =	vst v63  }
0x1e5: {  	s24 =	sadd.s32 $0x818, s16;
	s9 =	simm.s32 $0x5A80  }
0x1e6: {  	[tilespmem:s11], [sflag:$0x1] =	stream.indirect.gather [hbm4b:s3+s12], $0x40, s24, s12, $0xb8;
	[tilespmem:$0x1AC00] =	vst v63  }
0x1e7: {  	s24 =	sadd.s32 $0x850, s16;
	s11 =	simm.s32 $0x6700  }
0x1e8: {  	[tilespmem:s5], [sflag:$0x1] =	stream.indirect.gather [hbm4b:s3+s12], $0x40, s24, s12, $0xb8;
	[tilespmem:$0x1AC00] =	vst v63  }
0x1e9: {  	s7 =	simm.s32 $0x7380;
	s24 =	sadd.s32 $0x888, s16  }
0x1ea: {  	[tilespmem:s7], [sflag:$0x1] =	stream.indirect.gather [hbm4b:s3+s12], $0x40, s24, s12, $0xb8;
	[tilespmem:$0x1AC00] =	vst v63  }
0x1eb: {  	s5 =	simm.s32 $0x7380;
	s24 =	simm.s32 $0x6  }
0x1ec: {  	_ =	swait.ge [sflag:s24], $0x6400  }
0x1ed: {  	[sflag:s24] =	ssyncset.done $0x0  }
0x1ee: {  	s7 =	simm.s32 $0x8000;
	[sflag:s24] =	ssyncadd.s32 $0xFFFF9C00;
	s24 =	sadd.s32 $0x8C0, s16  }
0x1ef: {  	[tilespmem:s7], [sflag:$0x2] =	stream.indirect.gather [hbm4b:s3+s12], $0x40, s24, s12, $0xb8;
	[tilespmem:$0x1AC00] =	vst v63  }
0x1f0: {  	s24 =	sadd.s32 $0x8F8, s16  }
0x1f1: {  	[tilespmem:s8], [sflag:$0x2] =	stream.indirect.gather [hbm4b:s3+s12], $0x40, s24, s12, $0xb8;
	[tilespmem:$0x1AC00] =	vst v63  }
0x1f2: {  	s7 =	simm.s32 $0x9900;
	s24 =	sadd.s32 $0x930, s16  }
0x1f3: {  	[tilespmem:s7], [sflag:$0x2] =	stream.indirect.gather [hbm4b:s3+s12], $0x40, s24, s12, $0xb8;
	[tilespmem:$0x1AC00] =	vst v63  }
0x1f4: {  	s24 =	sadd.s32 $0x968, s16  }
0x1f5: {  	[tilespmem:s13], [sflag:$0x2] =	stream.indirect.gather [hbm4b:s3+s12], $0x40, s24, s12, $0xb8;
	[tilespmem:$0x1AC00] =	vst v63  }
0x1f6: {  	s24 =	sadd.s32 $0x9A0, s16;
	s13 =	simm.s32 $0xB200  }
0x1f7: {  	[tilespmem:s15], [sflag:$0x2] =	stream.indirect.gather [hbm4b:s3+s12], $0x40, s24, s12, $0xb8;
	[tilespmem:$0x1AC00] =	vst v63  }
0x1f8: {  	s24 =	sadd.s32 $0x9D8, s16;
	s15 =	simm.s32 $0xBE80  }
0x1f9: {  	[tilespmem:s17], [sflag:$0x2] =	stream.indirect.gather [hbm4b:s3+s12], $0x40, s24, s12, $0xb8;
	[tilespmem:$0x1AC00] =	vst v63  }
0x1fa: {  	s7 =	simm.s32 $0xCB00;
	s24 =	sadd.s32 $0xA10, s16;
	s17 =	simm.s32 $0xCB00  }
0x1fb: {  	[tilespmem:s7], [sflag:$0x2] =	stream.indirect.gather [hbm4b:s3+s12], $0x40, s24, s12, $0xb8;
	[tilespmem:$0x1AC00] =	vst v63  }
0x1fc: {  	s24 =	sadd.s32 $0xA48, s16;
	s7 =	simm.s32 $0xD780  }
0x1fd: {  	[tilespmem:s7], [sflag:$0x2] =	stream.indirect.gather [hbm4b:s3+s12], $0x40, s24, s12, $0xb8;
	[tilespmem:$0x1AC00] =	vst v63  }
0x1fe: {  	s8 =	simm.s32 $0xD780;
	s7 =	simm.s32 $0x7  }
0x1ff: {  	_ =	swait.ge [sflag:s7], $0x6400  }
0x200: {  	[sflag:s7] =	ssyncset.done $0x0  }
0x201: {  	s24 =	sadd.s32 $0xA80, s16;
	[sflag:s7] =	ssyncadd.s32 $0xFFFF9C00  }
0x202: {  	[tilespmem:s18], [sflag:$0x3] =	stream.indirect.gather [hbm4b:s3+s12], $0x40, s24, s12, $0xb8;
	[tilespmem:$0x1AC00] =	vst v63  }
0x203: {  	s24 =	sadd.s32 $0xAB8, s16  }
0x204: {  	[tilespmem:s22], [sflag:$0x3] =	stream.indirect.gather [hbm4b:s3+s12], $0x40, s24, s12, $0xb8;
	[tilespmem:$0x1AC00] =	vst v63  }
0x205: {  	s7 =	simm.s32 $0xFD00;
	s24 =	sadd.s32 $0xAF0, s16  }
0x206: {  	[tilespmem:s7], [sflag:$0x3] =	stream.indirect.gather [hbm4b:s3+s12], $0x40, s24, s12, $0xb8;
	[tilespmem:$0x1AC00] =	vst v63  }
0x207: {  	s24 =	sadd.s32 $0xB28, s16;
	s7 =	simm.s32 $0x10980  }
0x208: {  	[tilespmem:s7], [sflag:$0x3] =	stream.indirect.gather [hbm4b:s3+s12], $0x40, s24, s12, $0xb8;
	[tilespmem:$0x1AC00] =	vst v63  }
0x209: {  	s24 =	sadd.s32 $0xB60, s16;
	s7 =	simm.s32 $0x11600  }
0x20a: {  	[tilespmem:s7], [sflag:$0x3] =	stream.indirect.gather [hbm4b:s3+s12], $0x40, s24, s12, $0xb8;
	[tilespmem:$0x1AC00] =	vst v63  }
0x20b: {  	s18 =	simm.s32 $0x12280;
	s24 =	sadd.s32 $0xB98, s16;
	s7 =	simm.s32 $0x12280  }
0x20c: {  	[tilespmem:s7], [sflag:$0x3] =	stream.indirect.gather [hbm4b:s3+s12], $0x40, s24, s12, $0xb8;
	[tilespmem:$0x1AC00] =	vst v63  }
0x20d: {  	s22 =	simm.s32 $0x12F00;
	s24 =	sadd.s32 $0xBD0, s16;
	s7 =	simm.s32 $0x12F00  }
0x20e: {  	[tilespmem:s22], [sflag:$0x3] =	stream.indirect.gather [hbm4b:s3+s12], $0x40, s24, s12, $0xb8;
	[tilespmem:$0x1AC00] =	vst v63  }
0x20f: {  	s10 =	simm.s32 $0x13B80;
	s24 =	sadd.s32 $0xC08, s16  }
0x210: {  	[tilespmem:s10], [sflag:$0x3] =	stream.indirect.gather [hbm4b:s3+s12], $0x40, s24, s12, $0xb8;
	[tilespmem:$0x1AC00] =	vst v63  }
0x211: {  	s22 =	simm.s32 $0x13B80;
	s24 =	simm.s32 $0x8  }
0x212: {  	_ =	swait.ge [sflag:s24], $0x6400  }
0x213: {  	[sflag:s24] =	ssyncset.done $0x0  }
0x214: {  	[sflag:s24] =	ssyncadd.s32 $0xFFFF9C00;
	s24 =	sadd.s32 $0xC40, s16  }
0x215: {  	[tilespmem:s29], [sflag:$0x4] =	stream.indirect.gather [hbm4b:s3+s12], $0x40, s24, s12, $0xb8;
	[tilespmem:$0x1AC00] =	vst v63  }
0x216: {  	s24 =	sadd.s32 $0xC78, s16  }
0x217: {  	[tilespmem:s0], [sflag:$0x4] =	stream.indirect.gather [hbm4b:s3+s12], $0x40, s24, s12, $0xb8;
	[tilespmem:$0x1AC00] =	vst v63  }
0x218: {  	s29 =	simm.s32 $0x16100;
	s24 =	sadd.s32 $0xCB0, s16  }
0x219: {  	[tilespmem:s1], [sflag:$0x4] =	stream.indirect.gather [hbm4b:s3+s12], $0x40, s24, s12, $0xb8;
	[tilespmem:$0x1AC00] =	vst v63  }
0x21a: {  	s24 =	sadd.s32 $0xCE8, s16;
	s1 =	simm.s32 $0x16D80  }
0x21b: {  	[tilespmem:s2], [sflag:$0x4] =	stream.indirect.gather [hbm4b:s3+s12], $0x40, s24, s12, $0xb8;
	[tilespmem:$0x1AC00] =	vst v63  }
0x21c: {  	s24 =	sadd.s32 $0xD20, s16;
	s2 =	simm.s32 $0x17A00  }
0x21d: {  	[tilespmem:s20], [sflag:$0x4] =	stream.indirect.gather [hbm4b:s3+s12], $0x40, s24, s12, $0xb8;
	[tilespmem:$0x1AC00] =	vst v63  }
.Ltmp0:
0x21e: {  	s24 =	sadd.s32 $0xD58, s16;
	s20 =	simm.s32 $0x18680;
	(pc) =	sbr.rel @p0 .LBB2_2-.Ltmp0, $4  }
0x21f: {  	[tilespmem:s4], [sflag:$0x4] =	stream.indirect.gather [hbm4b:s3+s12], $0x40, s24, s12, $0xb8;
	[tilespmem:$0x1AC00] =	vst v63  }
0x220: {  	s24 =	sadd.s32 $0xD90, s16;
	s4 =	simm.s32 $0x19300  }
0x221: {  	[tilespmem:s14], [sflag:$0x4] =	stream.indirect.gather [hbm4b:s3+s12], $0x40, s24, s12, $0xb8;
	[tilespmem:$0x1AC00] =	vst v63  }
0x222: {  	s31 =	sadd.s32 $0x7000, s31;
	s16 =	sadd.s32 $0xDC8, s16  }
0x223: {  	s14 =	simm.s32 $0x19F80  }
0x224: {  	[tilespmem:s14], [sflag:$0x4] =	stream.indirect.gather [hbm4b:s3+s12], $0x40, s16, s12, $0xb8;
	[tilespmem:$0x1AC00] =	vst v63  }
0x225: {  	_ =	swait.ge [sflag:s19], $0xC80  }
0x226: {  	[sflag:s19] =	ssyncset.done $0x0  }
0x227: {  	[sflag:s19] =	ssyncadd.s32 $0xFFFFF380  }
0x228: {  	_ =	swait.ge [sflag:s19], $0xC80  }
0x229: {  	[sflag:s19] =	ssyncset.done $0x0  }
0x22a: {  	[sflag:s19] =	ssyncadd.s32 $0xFFFFF380  }
0x22b: {  	_ =	swait.ge [sflag:s19], $0xC80  }
0x22c: {  	[sflag:s19] =	ssyncset.done $0x0  }
0x22d: {  	[sflag:s19] =	ssyncadd.s32 $0xFFFFF380  }
0x22e: {  	_ =	swait.ge [sflag:s19], $0xC80  }
0x22f: {  	[sflag:s19] =	ssyncset.done $0x0  }
0x230: {  	[sflag:s19] =	ssyncadd.s32 $0xFFFFF380  }
0x231: {  	_ =	swait.ge [sflag:s19], $0xC80  }
0x232: {  	[sflag:s19] =	ssyncset.done $0x0  }
0x233: {  	[sflag:s19] =	ssyncadd.s32 $0xFFFFF380  }
0x234: {  	_ =	swait.ge [sflag:s19], $0xC80  }
0x235: {  	[sflag:s19] =	ssyncset.done $0x0  }
0x236: {  	[sflag:s19] =	ssyncadd.s32 $0xFFFFF380  }
0x237: {  	_ =	swait.ge [sflag:s19], $0xC80  }
0x238: {  	[sflag:s19] =	ssyncset.done $0x0  }
0x239: {  	[sflag:s19] =	ssyncadd.s32 $0xFFFFF380  }
0x23a: {  	_ =	swait.ge [sflag:s19], $0xC80  }
0x23b: {  	[sflag:s19] =	ssyncset.done $0x0  }
0x23c: {  	s26 =	simm.s32 $0x1C00;
	s24 =	rddreg [dreg:$0x3];
	[sflag:s19] =	ssyncadd.s32 $0xFFFFF380  }
0x23d: {  	[hbm4b:s24+s21] =	stream.strided.scatter [tilespmem:s26], [sflag:$0x5], $0xC80, s23, s21, $0x38;
	[tilespmem:$0x1AC00] =	vst v63  }
0x23e: {  	s0 =	simm.s32 $0x2880;
	s31 =	sadd.s32 $0x380, s24  }
0x23f: {  	[hbm4b:s31+s21] =	stream.strided.scatter [tilespmem:s0], [sflag:$0x5], $0xC80, s23, s21, $0x38;
	[tilespmem:$0x1AC00] =	vst v63  }
0x240: {  	s10 =	simm.s32 $0x3500;
	s0 =	sadd.s32 $0x700, s24  }
0x241: {  	[hbm4b:s0+s21] =	stream.strided.scatter [tilespmem:s10], [sflag:$0x5], $0xC80, s23, s21, $0x38;
	[tilespmem:$0x1AC00] =	vst v63  }
0x242: {  	s26 =	sadd.s32 $0xA80, s24;
	s31 =	simm.s32 $0x4180  }
0x243: {  	[hbm4b:s26+s21] =	stream.strided.scatter [tilespmem:s31], [sflag:$0x5], $0xC80, s23, s21, $0x38;
	[tilespmem:$0x1AC00] =	vst v63  }
0x244: {  	s0 =	sadd.s32 $0xE00, s24  }
0x245: {  	[hbm4b:s0+s21] =	stream.strided.scatter [tilespmem:s6], [sflag:$0x5], $0xC80, s23, s21, $0x38;
	[tilespmem:$0x1AC00] =	vst v63  }
0x246: {  	s6 =	sadd.s32 $0x1180, s24  }
0x247: {  	[hbm4b:s6+s21] =	stream.strided.scatter [tilespmem:s9], [sflag:$0x5], $0xC80, s23, s21, $0x38;
	[tilespmem:$0x1AC00] =	vst v63  }
0x248: {  	s10 =	sadd.s32 $0x1500, s24  }
0x249: {  	[hbm4b:s10+s21] =	stream.strided.scatter [tilespmem:s11], [sflag:$0x5], $0xC80, s23, s21, $0x38;
	[tilespmem:$0x1AC00] =	vst v63  }
0x24a: {  	s11 =	sadd.s32 $0x1880, s24  }
0x24b: {  	[hbm4b:s11+s21] =	stream.strided.scatter [tilespmem:s5], [sflag:$0x5], $0xC80, s23, s21, $0x38;
	[tilespmem:$0x1AC00] =	vst v63  }
0x24c: {  	_ =	swait.ge [sflag:s25], $0xC80  }
0x24d: {  	[sflag:s25] =	ssyncset.done $0x0  }
0x24e: {  	[sflag:s25] =	ssyncadd.s32 $0xFFFFF380  }
0x24f: {  	_ =	swait.ge [sflag:s25], $0xC80  }
0x250: {  	[sflag:s25] =	ssyncset.done $0x0  }
0x251: {  	[sflag:s25] =	ssyncadd.s32 $0xFFFFF380  }
0x252: {  	_ =	swait.ge [sflag:s25], $0xC80  }
0x253: {  	[sflag:s25] =	ssyncset.done $0x0  }
0x254: {  	[sflag:s25] =	ssyncadd.s32 $0xFFFFF380  }
0x255: {  	_ =	swait.ge [sflag:s25], $0xC80  }
0x256: {  	[sflag:s25] =	ssyncset.done $0x0  }
0x257: {  	[sflag:s25] =	ssyncadd.s32 $0xFFFFF380  }
0x258: {  	_ =	swait.ge [sflag:s25], $0xC80  }
0x259: {  	[sflag:s25] =	ssyncset.done $0x0  }
0x25a: {  	[sflag:s25] =	ssyncadd.s32 $0xFFFFF380  }
0x25b: {  	_ =	swait.ge [sflag:s25], $0xC80  }
0x25c: {  	[sflag:s25] =	ssyncset.done $0x0  }
0x25d: {  	[sflag:s25] =	ssyncadd.s32 $0xFFFFF380  }
0x25e: {  	_ =	swait.ge [sflag:s25], $0xC80  }
0x25f: {  	[sflag:s25] =	ssyncset.done $0x0  }
0x260: {  	[sflag:s25] =	ssyncadd.s32 $0xFFFFF380  }
0x261: {  	_ =	swait.ge [sflag:s25], $0xC80  }
0x262: {  	[sflag:s25] =	ssyncset.done $0x0  }
0x263: {  	s16 =	simm.s32 $0x8000;
	s24 =	rddreg [dreg:$0x4];
	[sflag:s25] =	ssyncadd.s32 $0xFFFFF380  }
0x264: {  	[hbm4b:s24+s21] =	stream.strided.scatter [tilespmem:s16], [sflag:$0x6], $0xC80, s23, s21, $0x38;
	[tilespmem:$0x1AC00] =	vst v63  }
0x265: {  	s31 =	simm.s32 $0x8C80;
	s26 =	sadd.s32 $0x380, s24  }
0x266: {  	[hbm4b:s26+s21] =	stream.strided.scatter [tilespmem:s31], [sflag:$0x6], $0xC80, s23, s21, $0x38;
	[tilespmem:$0x1AC00] =	vst v63  }
0x267: {  	s6 =	simm.s32 $0x9900;
	s5 =	sadd.s32 $0x700, s24  }
0x268: {  	[hbm4b:s5+s21] =	stream.strided.scatter [tilespmem:s6], [sflag:$0x6], $0xC80, s23, s21, $0x38;
	[tilespmem:$0x1AC00] =	vst v63  }
0x269: {  	s10 =	simm.s32 $0xA580;
	s9 =	sadd.s32 $0xA80, s24  }
0x26a: {  	[hbm4b:s9+s21] =	stream.strided.scatter [tilespmem:s10], [sflag:$0x6], $0xC80, s23, s21, $0x38;
	[tilespmem:$0x1AC00] =	vst v63  }
0x26b: {  	s11 =	sadd.s32 $0xE00, s24  }
0x26c: {  	[hbm4b:s11+s21] =	stream.strided.scatter [tilespmem:s13], [sflag:$0x6], $0xC80, s23, s21, $0x38;
	[tilespmem:$0x1AC00] =	vst v63  }
0x26d: {  	s26 =	sadd.s32 $0x1180, s24  }
0x26e: {  	[hbm4b:s26+s21] =	stream.strided.scatter [tilespmem:s15], [sflag:$0x6], $0xC80, s23, s21, $0x38;
	[tilespmem:$0x1AC00] =	vst v63  }
0x26f: {  	s31 =	sadd.s32 $0x1500, s24  }
0x270: {  	[hbm4b:s31+s21] =	stream.strided.scatter [tilespmem:s17], [sflag:$0x6], $0xC80, s23, s21, $0x38;
	[tilespmem:$0x1AC00] =	vst v63  }
0x271: {  	s0 =	sadd.s32 $0x1880, s24  }
0x272: {  	[hbm4b:s0+s21] =	stream.strided.scatter [tilespmem:s8], [sflag:$0x6], $0xC80, s23, s21, $0x38;
	[tilespmem:$0x1AC00] =	vst v63  }
0x273: {  	_ =	swait.ge [sflag:s28], $0xC80  }
0x274: {  	[sflag:s28] =	ssyncset.done $0x0  }
0x275: {  	[sflag:s28] =	ssyncadd.s32 $0xFFFFF380  }
0x276: {  	_ =	swait.ge [sflag:s28], $0xC80  }
0x277: {  	[sflag:s28] =	ssyncset.done $0x0  }
0x278: {  	[sflag:s28] =	ssyncadd.s32 $0xFFFFF380  }
0x279: {  	_ =	swait.ge [sflag:s28], $0xC80  }
0x27a: {  	[sflag:s28] =	ssyncset.done $0x0  }
0x27b: {  	[sflag:s28] =	ssyncadd.s32 $0xFFFFF380  }
0x27c: {  	_ =	swait.ge [sflag:s28], $0xC80  }
0x27d: {  	[sflag:s28] =	ssyncset.done $0x0  }
0x27e: {  	[sflag:s28] =	ssyncadd.s32 $0xFFFFF380  }
0x27f: {  	_ =	swait.ge [sflag:s28], $0xC80  }
0x280: {  	[sflag:s28] =	ssyncset.done $0x0  }
0x281: {  	[sflag:s28] =	ssyncadd.s32 $0xFFFFF380  }
0x282: {  	_ =	swait.ge [sflag:s28], $0xC80  }
0x283: {  	[sflag:s28] =	ssyncset.done $0x0  }
0x284: {  	[sflag:s28] =	ssyncadd.s32 $0xFFFFF380  }
0x285: {  	_ =	swait.ge [sflag:s28], $0xC80  }
0x286: {  	[sflag:s28] =	ssyncset.done $0x0  }
0x287: {  	[sflag:s28] =	ssyncadd.s32 $0xFFFFF380  }
0x288: {  	_ =	swait.ge [sflag:s28], $0xC80  }
0x289: {  	[sflag:s28] =	ssyncset.done $0x0  }
0x28a: {  	s6 =	simm.s32 $0xE400;
	s5 =	rddreg [dreg:$0x5];
	[sflag:s28] =	ssyncadd.s32 $0xFFFFF380  }
0x28b: {  	[hbm4b:s5+s21] =	stream.strided.scatter [tilespmem:s6], [sflag:$0x7], $0xC80, s23, s21, $0x38;
	[tilespmem:$0x1AC00] =	vst v63  }
0x28c: {  	s9 =	simm.s32 $0xF080;
	s8 =	sadd.s32 $0x380, s5  }
0x28d: {  	[hbm4b:s8+s21] =	stream.strided.scatter [tilespmem:s9], [sflag:$0x7], $0xC80, s23, s21, $0x38;
	[tilespmem:$0x1AC00] =	vst v63  }
0x28e: {  	s11 =	simm.s32 $0xFD00;
	s10 =	sadd.s32 $0x700, s5  }
0x28f: {  	[hbm4b:s10+s21] =	stream.strided.scatter [tilespmem:s11], [sflag:$0x7], $0xC80, s23, s21, $0x38;
	[tilespmem:$0x1AC00] =	vst v63  }
0x290: {  	s15 =	simm.s32 $0x10980;
	s13 =	sadd.s32 $0xA80, s5  }
0x291: {  	[hbm4b:s13+s21] =	stream.strided.scatter [tilespmem:s15], [sflag:$0x7], $0xC80, s23, s21, $0x38;
	[tilespmem:$0x1AC00] =	vst v63  }
0x292: {  	s26 =	simm.s32 $0x11600;
	s17 =	sadd.s32 $0xE00, s5  }
0x293: {  	[hbm4b:s17+s21] =	stream.strided.scatter [tilespmem:s26], [sflag:$0x7], $0xC80, s23, s21, $0x38;
	[tilespmem:$0x1AC00] =	vst v63  }
0x294: {  	s31 =	sadd.s32 $0x1180, s5  }
0x295: {  	[hbm4b:s31+s21] =	stream.strided.scatter [tilespmem:s18], [sflag:$0x7], $0xC80, s23, s21, $0x38;
	[tilespmem:$0x1AC00] =	vst v63  }
0x296: {  	s0 =	sadd.s32 $0x1500, s5  }
0x297: {  	[hbm4b:s0+s21] =	stream.strided.scatter [tilespmem:s7], [sflag:$0x7], $0xC80, s23, s21, $0x38;
	[tilespmem:$0x1AC00] =	vst v63  }
0x298: {  	s5 =	sadd.s32 $0x1880, s5  }
0x299: {  	[hbm4b:s5+s21] =	stream.strided.scatter [tilespmem:s22], [sflag:$0x7], $0xC80, s23, s21, $0x38;
	[tilespmem:$0x1AC00] =	vst v63  }
0x29a: {  	_ =	swait.ge [sflag:s30], $0xC80  }
0x29b: {  	[sflag:s30] =	ssyncset.done $0x0  }
0x29c: {  	[sflag:s30] =	ssyncadd.s32 $0xFFFFF380  }
0x29d: {  	_ =	swait.ge [sflag:s30], $0xC80  }
0x29e: {  	[sflag:s30] =	ssyncset.done $0x0  }
0x29f: {  	[sflag:s30] =	ssyncadd.s32 $0xFFFFF380  }
0x2a0: {  	_ =	swait.ge [sflag:s30], $0xC80  }
0x2a1: {  	[sflag:s30] =	ssyncset.done $0x0  }
0x2a2: {  	[sflag:s30] =	ssyncadd.s32 $0xFFFFF380  }
0x2a3: {  	_ =	swait.ge [sflag:s30], $0xC80  }
0x2a4: {  	[sflag:s30] =	ssyncset.done $0x0  }
0x2a5: {  	[sflag:s30] =	ssyncadd.s32 $0xFFFFF380  }
0x2a6: {  	_ =	swait.ge [sflag:s30], $0xC80  }
0x2a7: {  	[sflag:s30] =	ssyncset.done $0x0  }
0x2a8: {  	[sflag:s30] =	ssyncadd.s32 $0xFFFFF380  }
0x2a9: {  	_ =	swait.ge [sflag:s30], $0xC80  }
0x2aa: {  	[sflag:s30] =	ssyncset.done $0x0  }
0x2ab: {  	[sflag:s30] =	ssyncadd.s32 $0xFFFFF380  }
0x2ac: {  	_ =	swait.ge [sflag:s30], $0xC80  }
0x2ad: {  	[sflag:s30] =	ssyncset.done $0x0  }
0x2ae: {  	[sflag:s30] =	ssyncadd.s32 $0xFFFFF380  }
0x2af: {  	_ =	swait.ge [sflag:s30], $0xC80  }
0x2b0: {  	[sflag:s30] =	ssyncset.done $0x0  }
0x2b1: {  	s7 =	simm.s32 $0x14800;
	s6 =	rddreg [dreg:$0x6];
	[sflag:s30] =	ssyncadd.s32 $0xFFFFF380  }
0x2b2: {  	[hbm4b:s6+s21] =	stream.strided.scatter [tilespmem:s7], [sflag:$0x8], $0xC80, s23, s21, $0x38;
	[tilespmem:$0x1AC00] =	vst v63  }
0x2b3: {  	s9 =	simm.s32 $0x15480;
	s8 =	sadd.s32 $0x380, s6  }
0x2b4: {  	[hbm4b:s8+s21] =	stream.strided.scatter [tilespmem:s9], [sflag:$0x8], $0xC80, s23, s21, $0x38;
	[tilespmem:$0x1AC00] =	vst v63  }
0x2b5: {  	s10 =	sadd.s32 $0x700, s6  }
0x2b6: {  	[hbm4b:s10+s21] =	stream.strided.scatter [tilespmem:s29], [sflag:$0x8], $0xC80, s23, s21, $0x38;
	[tilespmem:$0x1AC00] =	vst v63  }
0x2b7: {  	s11 =	sadd.s32 $0xA80, s6  }
0x2b8: {  	[hbm4b:s11+s21] =	stream.strided.scatter [tilespmem:s1], [sflag:$0x8], $0xC80, s23, s21, $0x38;
	[tilespmem:$0x1AC00] =	vst v63  }
0x2b9: {  	s13 =	sadd.s32 $0xE00, s6  }
0x2ba: {  	[hbm4b:s13+s21] =	stream.strided.scatter [tilespmem:s2], [sflag:$0x8], $0xC80, s23, s21, $0x38;
	[tilespmem:$0x1AC00] =	vst v63  }
0x2bb: {  	s15 =	sadd.s32 $0x1180, s6  }
0x2bc: {  	[hbm4b:s15+s21] =	stream.strided.scatter [tilespmem:s20], [sflag:$0x8], $0xC80, s23, s21, $0x38;
	[tilespmem:$0x1AC00] =	vst v63  }
0x2bd: {  	s17 =	sadd.s32 $0x1500, s6  }
0x2be: {  	[hbm4b:s17+s21] =	stream.strided.scatter [tilespmem:s4], [sflag:$0x8], $0xC80, s23, s21, $0x38;
	[tilespmem:$0x1AC00] =	vst v63  }
0x2bf: {  	s18 =	sadd.s32 $0x1880, s6;
	s20 =	simm.s32 $0x5  }
0x2c0: {  	[hbm4b:s18+s21] =	stream.strided.scatter [tilespmem:s14], [sflag:$0x8], $0xC80, s23, s21, $0x38;
	[tilespmem:$0x1AC00] =	vst v63  }
0x2c1: {  	_ =	swait.ge [sflag:s20], $0x6400  }
0x2c2: {  	[sflag:s20] =	ssyncset.done $0x0  }
0x2c3: {  	s22 =	simm.s32 $0x6;
	[sflag:s20] =	ssyncadd.s32 $0xFFFF9C00  }
0x2c4: {  	_ =	swait.ge [sflag:s22], $0x6400  }
0x2c5: {  	[sflag:s22] =	ssyncset.done $0x0  }
0x2c6: {  	s24 =	simm.s32 $0x7;
	[sflag:s22] =	ssyncadd.s32 $0xFFFF9C00  }
0x2c7: {  	_ =	swait.ge [sflag:s24], $0x6400  }
0x2c8: {  	[sflag:s24] =	ssyncset.done $0x0  }
0x2c9: {  	s26 =	simm.s32 $0x8;
	[sflag:s24] =	ssyncadd.s32 $0xFFFF9C00  }
0x2ca: {  	_ =	swait.ge [sflag:s26], $0x6400  }
0x2cb: {  	s29 =	rddreg [dreg:$0x9]  }
0x2cc: {  	s31 =	rddreg [dreg:$0x7];
	s1 =	sadd.s32 $0x1, s29  }
0x2cd: {  	p0 =	sne.s32 s1, s31  }
.Ltmp1:
0x2ce: {  	_ = 	snop;
	(pc) =	sbr.rel @p0 .LBB2_1-.Ltmp1, $3  }
0x2cf: {  	_ =	sdelay $0x1  }
0x2d0: {  	[sflag:s26] =	ssyncset.done $0x0  }
0x2d1: {  	[sflag:s26] =	ssyncadd.s32 $0xFFFF9C00  }
0x2d2: {  	_ =	sfence.sel $0x180000  }
0x2d3: {  	[bflag:$0x0] =	sbarrier.arrive $0xFFFF  }
0x2d4: {  	_ =	strace $0x90000047  }
0x2d5: {  	s0 =	stileid.u32;
	[bflag:$0x2] =	sbarrier.arrive $0xFFFF  }
0x2d6: {  	p0 =	sne.s32 s0, $0x0;
	s0 =	rddreg [dreg:$0x1]  }
0x2d7: {  	s0 =	sadd.s32 @!p0 $0x100000, s0  }
0x2d8: {  	[sflag:s0] =	ssyncadd.tile.s32 @!p0 $0x1;
	_ =	shalt  }
.Lfunc_end2:
_tile_overlayer_lowered:
.L_overlay_start_2:
0x2d9: {  	(tag) =	ssettag $0x2  }
0x2da: {  	s0 =	rddreg [dreg:$0x0];
	s2 =	stileid.u32  }
0x2db: {  	s1 =	rddreg [dreg:$0x1];
	p0 =	sne.s32 s2, $0x0  }
0x2dc: {  	s3 =	rddreg [dreg:$0x2];
	[bflag:$0x3] =	sbarrier.arrive $0xFFFF;
	s2 =	simm.s32 @!p0 $0x1C09  }
0x2dd: {  	[timem:s3], [sflag:s2] =	dma.local @!p0 [hbm:s0], s1  }
0x2de: {  	s0 =	simm.s32 @!p0 $0x9  }
0x2df: {  	_ =	swait.ge @!p0 [sflag:s0], s1  }
0x2e0: {  	s1 =	ssub.s32 @!p0 $0x0, s1;
	[sflag:s0] =	ssyncset.done @!p0 $0x0  }
0x2e1: {  	[sflag:s0] =	ssyncadd.s32 @!p0 s1  }
0x2e2: {  	[bflag:$0x3] =	sbarrier.arrive $0xFFFF  }
0x2e3: {  	_ =	shalt  }

// kernel: sparse-core-data-format-call.cloned.1.call-start
scs
called_computation_lowered:
.L_overlay_start_0:
0x0: {  	s2 =	sld [smem:$0x3FD9]  }
0x1: {  	s3 =	sld [smem:$0x3FFE];
	_ =	sdelay $0x1  }
0x2: {  	s1 =	srdreg.scid  }
0x3: {  	s0 =	sand.u32 $0x1, s1  }
0x4: {  	s18 =	sshll.u32 s0, $0xA;
	s2 =	sadd.s32 s3, s2  }
0x5: {  	s2 =	sadd.s32 s2, s18  }
0x6: {  	[smem:$0x3FC6] =	sst s2  }
0x7: {  	_ = 	snop  }
0x8: {  	s2 =	sld [smem:$0x3FD0];
	(tm) =	ssettm $0x1  }
0x9: {  	s19 =	sld [smem:$0x3FFB];
	_ =	sdelay $0x3  }
0xa: {  	_ =	strace s19  }
0xb: {  	s3 =	sld [smem:$0x3FFC];
	_ =	sdelay $0x3  }
0xc: {  	_ =	strace s3  }
0xd: {  	s3 =	sld [smem:$0x3FFD];
	_ =	sdelay $0x3  }
0xe: {  	_ =	strace s3  }
0xf: {  	_ =	strace $0x8FFFFFFF  }
0x10: {  	s20 =	sld [smem:$0x3FDB];
	_ =	sdelay $0x1  }
0x11: {  	s4 =	simm.s32 $_scs_section_size  }
0x12: {  	s5 =	simm.s32 $_size__tile_overlayer_lowered;
	s6 =	simm.s32 $_tile_overlayer_lowered  }
0x13: {  	s23 =	simm.s32 $0x1BFF;
	s22 =	sshll.u32 s6, $0x1;
	s3 =	sadd.s32 s4, s20  }
0x14: {  	s7 =	simm.s32 $0x0;
	s21 =	sshll.u32 s5, $0x1;
	s5 =	sadd.s32 s22, s3  }
0x15: {  	[timem:s7], [sflag:s23] =	dma.local [hbm:s5], s21  }
0x16: {  	_ =	swait.ge [sflag:s23], s21  }
0x17: {  	s4 =	ssub.s32 $0x0, s21;
	[sflag:s23] =	ssyncset.done $0x0  }
0x18: {  	[sflag:s23] =	ssyncadd.s32 s4;
	_ =	sdelay $0x1  }
0x19: {  	s24 =	simm.s32 $0x1B8B  }
0x1a: {  	_ =	swait.ge [sflag:s24], $0x1  }
0x1b: {  	[sflag:s24] =	ssyncset.done $0x0  }
0x1c: {  	s26 =	simm.s32 $0x1B8E;
	s25 =	sld [smem:$0x3FFE];
	[sflag:s24] =	ssyncadd.s32 $0xFFFFFFFF  }
0x1d: {  	s27 =	simm.s32 $execute0_lowered;
	[smem:$0x3FD2] =	sst s26  }
0x1e: {  	s5 =	sshll.u32 s27, $0x1;
	_ =	strace $0x80000049;
	[dreg:$0x1] =	wrdreg $0xFFFFFFFF  }
0x1f: {  	s28 =	simm.s32 $_size_execute0_lowered;
	s3 =	sadd.s32 s3, s5;
	[dreg:$0x0] =	wrdreg $0x0  }
0x20: {  	s5 =	sshll.u32 s28, $0x1;
	[dreg:$0x2] =	wrdreg s3  }
0x21: {  	[dreg:$0x3] =	wrdreg s5  }
0x22: {  	[dreg:$0x4] =	wrdreg $0xC0  }
0x23: {  	_ =	task [dreg:s7], $0x5FFFF  }
0x24: {  	[dreg:$0x1] =	wrdreg $0xFFFFFFFF  }
0x25: {  	[dreg:$0x0] =	wrdreg $0x60  }
0x26: {  	[dreg:$0x2] =	wrdreg s25  }
0x27: {  	[dreg:$0x3] =	wrdreg s2  }
0x28: {  	[dreg:$0x4] =	wrdreg $0x9  }
0x29: {  	_ =	task.clear_ibuf [dreg:s7], $0x5FFFF;
	_ =	strace $0x90000049  }
0x2a: {  	s29 =	simm.s32 $0x9;
	_ =	strace $0x8000004B  }
0x2b: {  	_ =	swait.ge [sflag:s29], $0x1  }
0x2c: {  	[sflag:s29] =	ssyncadd.s32 $0xFFFFFFFF  }
0x2d: {  	_ =	strace $0x9000004B  }
0x2e: {  	_ =	sfence  }
0x2f: {  	s30 =	sld [smem:$0x0];
	_ =	sdelay $0x2  }
0x30: {  	s31 =	sshll.u32 s1, $0xD;
	s1 =	sshrl.u32 s1, $0x2  }
0x31: {  	s3 =	sand.u32 $0x4000, s31;
	s1 =	sadd.s32 s1, s30  }
0x32: {  	s0 =	sor.u32 s3, s0;
	s1 =	sshll.u32 s1, $0x11  }
0x33: {  	s0 =	sor.u32 s1, s0  }
0x34: {  	s0 =	sadd.s32 $0x8F2B, s0  }
0x35: {  	[sflag:s0] =	ssyncadd.remote.s32 $0x1  }
0x36: {  	_ =	sfence.sel $0xFFFF  }
0x37: {  	[dreg:$0x0] =	wrdreg $0xFFFFFFFF;
	(pc) =	sbr.abs _section_cstart, $3  }
0x38: {  	[dreg:$0x1] =	wrdreg $0xFFFFFFFF  }
0x39: {  	_ =	task.clear_ibuf [dreg:s7], $0x2FFFF;
	_ =	strace $0x9FFFFFFF  }
0x3a: {  	(tm) =	ssettm $0x7FFFFFFF  }
0x3b: {  	_ =	shalt  }
tec
execute0_lowered:
.L_overlay_start_1:
0x0: {  	(tag) =	ssettag $0x1  }
0x1: {  	s0 =	srdreg.scid  }
0x2: {  	s1 =	sshll.u32 s0, $0x4  }
0x3: {  	s0 =	stileid.u32;
	s1 =	sand.u32 $0x10, s1  }
0x4: {  	s1 =	sor.u32 s0, s1  }
0x5: {  	s6 =	rddreg [dreg:$0x0];
	s4 =	simm.s32 $0x1;
	s2 =	sshll.u32 s1, $0x7  }
0x6: {  	s7 =	simm.s32 $0x2;
	s12 =	simm.s32 $0x0;
	s1 =	ssub.s32 $0x1000, s2  }
0x7: {  	s8 =	simm.s32 $0x8000;
	s13 =	simm.s32 $0x0;
	s3 =	sand.u32 $0xF80, s1  }
0x8: {  	s9 =	simm.s32 $0x0;
	s5 =	sshrl.u32 s1, $0xC;
	p0 =	sne.s32 s3, $0x0  }
.Ltmp0:
0x9: {  	s1 =	rddreg [dreg:$0x2];
	s4 =	simm.s32 @!p0 $0x0;
	(pc) =	sbr.rel .LBB1_1-.Ltmp0, $4  }
0xa: {  	s11 =	simm.s32 $0x0;
	s3 =	rddreg [dreg:$0x1];
	s5 =	sadd.s32 s4, s5  }
0xb: {  	_ =	strace $0x8000004A;
	s4 =	simm.s32 $0x1;
	s5 =	smul.u32 $0x32, s5  }
0xc: {  	s6 =	sadd.s32 $0xCAE00, s6;
	s10 =	smov.u32 s2;
	[sflag:s4] =	ssyncpa.u1 $0x0  }
0xd: {  	p0 =	por $0x0, $0x0;
	[sflag:s7] =	ssyncpa.u1 $0x0;
	s7 =	sor.u32 $0x1, s5  }
.LBB1_4:
0xe: {  	s16 =	sshll.u32 s13, $0x3;
	s17 =	sand.u32 $0x78, s13  }
0xf: {  	s30 =	sand.u32 $0x7E00, s13;
	s12 =	sshll.u32 s12, $0xF;
	s16 =	sand.u32 $0xC00, s16  }
0x10: {  	[tilespmem:s15+$0x810 ss:$0x81] =	vst.msk $0xffff, v2;
	s31 =	sand.u32 $0x7, s13;
	s16 =	sor.u32 s17, s16;
	s17 =	sadd.s32 s3, s30  }
0x11: {  	[tilespmem:s15+$0x1020 ss:$0x81] =	vst.msk $0xffff, v0;
	s13 =	sshll.u32 s31, $0x12;
	s12 =	sadd.s32 s12, s17;
	s16 =	sshrl.u32 s16, $0x3  }
0x12: {  	[tilespmem:s15+$0x0 ss:$0x81] =	vst.msk $0xffff, v1;
	s13 =	sor.u32 $0x400, s13;
	s12 =	sadd.s32 s16, s12  }
0x13: {  	[hbm4b:s12+s13] =	stream.strided.scatter [tilespmem:s14], [sflag:$0x2], $0x2000, s8, s13, $0x20;
	[tilespmem:$0x8080] =	vst v63  }
.LBB1_5:
0x14: {  	s14 =	sadd.s32 $0x1, s9  }
0x15: {  	s12 =	sadd.s32 $0x1000, s10;
	s16 =	smov.u32 s10;
	p2 =	sgt.s32 s14, $0x31  }
0x16: {  	s16 =	smov.u32 @p2 s12  }
0x17: {  	s14 =	simm.s32 @p2 $0x0;
	p2 =	sgt.s32 s16, $0xFFF  }
0x18: {  	s16 =	smov.u32 @p2 s2;
	p2 =	sne.s32 s11, s7  }
.Ltmp1:
0x19: {  	p1 =	slt.u32 s11, $0x2;
	(pc) =	sbr.rel @!p2 .LBB1_6-.Ltmp1, $4  }
0x1a: {  	s15 =	simm.s32 @!p1 $0x2  }
0x1b: {  	s13 =	smov.u32 s10;
	p0 =	por !p0, !p0;
	_ =	swait.ge @!p1 [sflag:s15], $0x2000  }
0x1c: {  	s12 =	smov.u32 s9;
	[sflag:s15] =	ssyncset.done @!p1 $0x0;
	s9 =	smov.u32 s14  }
0x1d: {  	s11 =	sadd.s32 $0x1, s11;
	[sflag:s15] =	ssyncadd.s32 @!p1 $0xFFFFE000;
	s10 =	smov.u32 s16  }
.LBB1_1:
0x1e: {  	p1 =	sge.u32 s11, s5  }
0x1f: {  	s14 =	sand.u32 @!p1 $0x1FFFFFF, s9  }
0x20: {  	s15 =	smulhi.u32 @!p1 $0x4924925, s14;
	_ =	sdelay $0x1  }
0x21: {  	s15 =	smul.u32 @!p1 $0x38, s15  }
0x22: {  	s16 =	sxor.u32 @!p1 $0xFFFFFFFF, s11;
	s17 =	smul.u32 @!p1 $0x380, s10  }
0x23: {  	s31 =	sadd.s32 $0xFFFFFFFF, s11;
	s16 =	sshll.u32 @!p1 s16, $0xD;
	s14 =	ssub.s32 @!p1 s14, s15  }
0x24: {  	s15 =	sand.u32 @!p1 $0x2000, s16;
	s16 =	sadd.s32 @!p1 s6, s17;
	s14 =	sshll.u32 @!p1 s14, $0x4  }
0x25: {  	s17 =	simm.s32 @!p1 $0x1C00;
	s14 =	sadd.s32 @!p1 s14, s16;
	s16 =	simm.s32 @!p1 $0x40  }
0x26: {  	[tilespmem:s15], [sflag:$0x1] =	stream.strided.gather @!p1 [hbm4b:s14+s16], $0x2000, s17, s16, $0x38;
	[tilespmem:$0x8080] =	vst v63  }
0x27: {  	p1 =	sge.u32 s31, s5  }
.Ltmp2:
0x28: {  	_ = 	snop;
	(pc) =	sbr.rel @p1 .LBB1_5-.Ltmp2, $1  }
0x29: {  	_ =	sdelay $0x3  }
0x2a: {  	s14 =	simm.s32 $0x1  }
0x2b: {  	_ =	swait.ge [sflag:s4], $0x2000;
	s14 =	simm.s32 @!p0 $0x0  }
0x2c: {  	[sflag:s4] =	ssyncset.done $0x0;
	s15 =	sshll.u32 s14, $0xD  }
0x2d: {  	[sflag:s4] =	ssyncadd.s32 $0xFFFFE000;
	s18 =	sor.u32 $0x20, s15  }
0x2e: {  	s14 =	smul.u32 $0x8100, s14;
	v3 =	vld [tilespmem:s18+$0x10]  }
0x2f: {  	s30 =	sand.u32 $0x1, s11;
	v2 =	vld [tilespmem:s18+$0xFFFFFFF0]  }
0x30: {  	s15 =	smul.u32 $0x8100, s30;
	s14 =	sshrl.u32 s14, $0x2;
	v0 =	vld [tilespmem:s18+$0x0]  }
0x31: {  	v1 =	vld [tilespmem:s18+$0xFFFFFFE0];
	s16 =	sor.u32 $0x4000, s14  }
0x32: {  	s31 =	sshrl.u32 s15, $0x2;
	s15 =	sadd.s32 $0x0, s16  }
0x33: {  	s17 =	simm.s32 $0x4;
	s18 =	sadd.s32 $0x40, s18;
	s14 =	sor.u32 $0x4000, s31;
	[tilespmem:s15+$0x1830 ss:$0x81] =	vst.msk $0xffff, v3  }
.LBB1_3:
0x34: {  	v3 =	vld [tilespmem:s18+$0x10];
	p1 =	sne.s32 s17, $0x1FC;
	[tilespmem:s15+$0x810 ss:$0x81] =	vst.msk $0xffff, v2;
	s19 =	smov.u32 s17;
	s17 =	sadd.s32 $0x4, s17  }
.Ltmp3:
0x35: {  	v2 =	vld [tilespmem:s18+$0xFFFFFFF0];
	[tilespmem:s15+$0x1020 ss:$0x81] =	vst.msk $0xffff, v0;
	(pc) =	sbr.rel @p1 .LBB1_3-.Ltmp3, $4  }
0x36: {  	v0 =	vld [tilespmem:s18+$0x0];
	[tilespmem:s15+$0x0 ss:$0x81] =	vst.msk $0xffff, v1  }
0x37: {  	s15 =	sshra.s32 s19, $0x2;
	v1 =	vld [tilespmem:s18+$0xFFFFFFE0]  }
0x38: {  	s15 =	sadd.s32 s15, s16  }
0x39: {  	s18 =	sadd.s32 $0x40, s18;
	[tilespmem:s15+$0x1830 ss:$0x81] =	vst.msk $0xffff, v3  }
.Ltmp4:
0x3a: {  	_ = 	snop;
	(pc) =	sbr.rel .LBB1_4-.Ltmp4, $1  }
0x3b: {  	_ =	sdelay $0x3  }
.LBB1_6:
0x3c: {  	_ =	sfence.sel $0x180000  }
0x3d: {  	s2 =	simm.s32 $0x1;
	[bflag:$0x0] =	sbarrier.arrive $0xFFFF  }
0x3e: {  	s31 =	simm.s32 $0x2;
	[sflag:s2] =	ssyncpa.u1 $0x1  }
0x3f: {  	[sflag:s31] =	ssyncpa.u1 $0x1  }
0x40: {  	p0 =	sne.s32 s0, $0x0;
	_ =	strace $0x9000004A  }
0x41: {  	s0 =	sadd.s32 @!p0 $0x100000, s1;
	[bflag:$0x2] =	sbarrier.arrive $0xFFFF  }
0x42: {  	[sflag:s0] =	ssyncadd.tile.s32 @!p0 $0x1;
	_ =	shalt  }
.Lfunc_end1:
_tile_overlayer_lowered:
.L_overlay_start_2:
0x43: {  	(tag) =	ssettag $0x2  }
0x44: {  	s0 =	rddreg [dreg:$0x0];
	s2 =	stileid.u32  }
0x45: {  	s1 =	rddreg [dreg:$0x1];
	p0 =	sne.s32 s2, $0x0  }
0x46: {  	s3 =	rddreg [dreg:$0x2];
	[bflag:$0x3] =	sbarrier.arrive $0xFFFF;
	s2 =	simm.s32 @!p0 $0x1C01  }
0x47: {  	[timem:s3], [sflag:s2] =	dma.local @!p0 [hbm:s0], s1  }
0x48: {  	s0 =	simm.s32 @!p0 $0x1  }
0x49: {  	_ =	swait.ge @!p0 [sflag:s0], s1  }
0x4a: {  	s1 =	ssub.s32 @!p0 $0x0, s1;
	[sflag:s0] =	ssyncset.done @!p0 $0x0  }
0x4b: {  	[sflag:s0] =	ssyncadd.s32 @!p0 s1  }
0x4c: {  	[bflag:$0x3] =	sbarrier.arrive $0xFFFF  }
0x4d: {  	_ =	shalt  }

</sc_bundles>
